<compile_context>
chip_gen: v7x
topology: tpu7x:2x2x1
jax: 0.10.2.dev20260603
libtpu: 0.0.44.dev20260713+nightly
codegen_flags: <defaults>
</compile_context>

<pallas_src>
import functools

import jax
import jax.numpy as jnp
from jax import lax
from jax.experimental import pallas as pl
from jax.experimental.pallas import tpu as pltpu
from jax.experimental.pallas import tpu_sc as plsc

_H = 1024
_F = 2048
_E = 8
_T = 32
_BF = 1024
_NF = _F // _BF

_NC = 2
_NS = 16
_NW = _NC * _NS
_L = 16

_mesh = plsc.VectorSubcoreMesh(core_axis_name="c", subcore_axis_name="s")


@functools.partial(
    pl.kernel,
    out_type=jax.ShapeDtypeStruct((_T, _L), jnp.float32),
    mesh=_mesh,
    compiler_params=pltpu.CompilerParams(needs_layout_passes=False),
    scratch_types=[
        pltpu.VMEM((1, _H), jnp.float32),
        pltpu.VMEM((_E, _H), jnp.float32),
        pltpu.VMEM((1, _L), jnp.float32),
    ],
)
def _sc_router(x_hbm, gw_hbm, rw_hbm, xrow_v, gw_v, rw_v):
    wid = lax.axis_index("s") * _NC + lax.axis_index("c")
    pltpu.sync_copy(x_hbm.at[pl.ds(wid, 1)], xrow_v)
    pltpu.sync_copy(gw_hbm, gw_v)
    iota = lax.iota(jnp.int32, _L)
    logits = jnp.full((_L,), -jnp.inf, jnp.float32)
    for e in range(_E):
        def body(j, acc, e=e):
            return acc + xrow_v[0, pl.ds(j * _L, _L)] * gw_v[e, pl.ds(j * _L, _L)]
        acc = lax.fori_loop(0, _H // _L, body, jnp.zeros((_L,), jnp.float32))
        logits = jnp.where(iota == e, jnp.sum(acc), logits)
    m0 = jnp.max(logits)
    i0 = jnp.min(jnp.where(logits == m0, iota, _L))
    hot0 = iota == i0
    masked = jnp.where(hot0, -jnp.inf, logits)
    m1 = jnp.max(masked)
    i1 = jnp.min(jnp.where(masked == m1, iota, _L))
    hot1 = iota == i1
    r = jnp.max(jnp.exp(jnp.maximum(masked - m0, -80.0)))
    denom = 1.0 + r
    rw_v[0, :] = (jnp.where(hot0, 1.0, 0.0) + jnp.where(hot1, r, 0.0)) / denom
    pltpu.sync_copy(rw_v, rw_hbm.at[pl.ds(wid, 1)])


@functools.partial(
    pl.kernel,
    out_type=jax.ShapeDtypeStruct((_T, _H), jnp.float32),
    mesh=_mesh,
    compiler_params=pltpu.CompilerParams(needs_layout_passes=False),
    scratch_types=[
        pltpu.VMEM((1, _L), jnp.float32),
        pltpu.VMEM((_E, _H), jnp.float32),
        pltpu.VMEM((1, _H), jnp.float32),
        pltpu.SemaphoreType.DMA,
    ],
)
def _sc_combine(oute_hbm, rw_hbm, out_hbm, rw_v, rows_v, orow_v, sem):
    wid = lax.axis_index("s") * _NC + lax.axis_index("c")
    pltpu.sync_copy(rw_hbm.at[pl.ds(wid, 1)], rw_v)
    copies = [
        pltpu.async_copy(oute_hbm.at[e, pl.ds(wid, 1)],
                         rows_v.at[pl.ds(e, 1)], sem)
        for e in range(_E)
    ]
    for c in copies:
        c.wait()
    rwvec = rw_v[0, :]
    ws = [rwvec[e] for e in range(_E)]
    for j in range(_H // _L):
        acc = jnp.zeros((_L,), jnp.float32)
        for e in range(_E):
            acc = acc + ws[e] * rows_v[e, pl.ds(j * _L, _L)]
        orow_v[0, pl.ds(j * _L, _L)] = acc
    pltpu.sync_copy(orow_v, out_hbm.at[pl.ds(wid, 1)])


def _moe_body(x_ref, w13_ref, w2_ref, out_ref):
    f = pl.program_id(1)
    x = x_ref[...]

    def mm(a, b):
        return jax.lax.dot_general(a, b, (((1,), (1,)), ((), ())),
                                   preferred_element_type=jnp.float32)

    h1 = mm(x, w13_ref[0, 0])
    h3 = mm(x, w13_ref[0, 1])
    act = h1 * jax.nn.sigmoid(h1) * h3
    contrib = mm(act, w2_ref[0])

    @pl.when(f == 0)
    def _init():
        out_ref[0] = contrib

    @pl.when(f != 0)
    def _acc():
        out_ref[0] += contrib


def _tc_experts(x, w13r, w2):
    return pl.pallas_call(
        _moe_body,
        grid=(_E, _NF),
        in_specs=[
            pl.BlockSpec((_T, _H), lambda e, f: (0, 0)),
            pl.BlockSpec((1, 2, _BF, _H), lambda e, f: (e, 0, f, 0)),
            pl.BlockSpec((1, _H, _BF), lambda e, f: (e, 0, f)),
        ],
        out_specs=pl.BlockSpec((1, _T, _H), lambda e, f: (e, 0, 0)),
        out_shape=jax.ShapeDtypeStruct((_E, _T, _H), jnp.float32),
        compiler_params=pltpu.CompilerParams(
            dimension_semantics=("arbitrary", "arbitrary"),
        ),
    )(x, w13r, w2)


@jax.jit
def kernel(x, gate_w, w13, w2):
    w13r = w13.reshape(_E, 2, _F, _H)
    rw = _sc_router(x, gate_w)
    out_e = _tc_experts(x, w13r, w2)
    return _sc_combine(out_e, rw)

# --- scband reference (transcript-rebuilt; emitter-appended) ---
"""Pipeline reference for scband-block-sparse-mo-e-40072044871689 (READ-ONLY COPY).

The authoritative reference and input builder live on the scoring server;
editing this copy changes nothing except your own understanding.
"""

import jax, jax.numpy as jnp
import numpy as np

HIDDEN = 1024
FFN = 2048
E = 8
TOPK = 2
T = 32


def setup_inputs(seed: int = 0) -> dict:
    key = jax.random.key(seed)
    k1, k2, k3, k4 = jax.random.split(key, 4)
    x = jax.random.normal(k1, (T, HIDDEN), dtype=jnp.float32)
    gate_w = jax.random.normal(k2, (E, HIDDEN), dtype=jnp.float32) * 0.02
    # w13 = concat([w1, w3], dim=1): [E, 2*FFN, HIDDEN]
    w13 = jax.random.normal(k3, (E, 2 * FFN, HIDDEN), dtype=jnp.float32) * 0.02
    # w2 stored transposed as in the torch module: [E, HIDDEN, FFN]
    w2 = jax.random.normal(k4, (E, HIDDEN, FFN), dtype=jnp.float32) * 0.02
    return {"x": x, "gate_w": gate_w, "w13": w13, "w2": w2}


def reference(x, gate_w, w13, w2):
    # gate: router logits [T, E]
    router_logits = x @ gate_w.T
    # fused_moe with renormalize=True: top-k of softmax, renormalized == softmax over top-k logits
    top_vals, top_idx = jax.lax.top_k(router_logits, TOPK)
    routing_weights = jax.nn.softmax(top_vals, axis=-1)  # [T, K]
    w1 = w13[:, :FFN, :]  # [E, FFN, HIDDEN]
    w3 = w13[:, FFN:, :]  # [E, FFN, HIDDEN]
    # SwiGLU expert FFN computed for all experts, then gather top-k per token
    h1 = jnp.einsum('td,efd->tef', x, w1)  # [T, E, FFN]
    h3 = jnp.einsum('td,efd->tef', x, w3)  # [T, E, FFN]
    act = jax.nn.silu(h1) * h3             # [T, E, FFN]
    out_e = jnp.einsum('tef,ehf->teh', act, w2)  # [T, E, HIDDEN]
    out_sel = jnp.take_along_axis(out_e, top_idx[:, :, None], axis=1)  # [T, K, HIDDEN]
    out = jnp.sum(routing_weights[:, :, None] * out_sel, axis=1)  # [T, HIDDEN]
    return out

if __name__ == "__main__":
    import jax
    _d = setup_inputs()
    print(jax.jit(kernel)(*tuple(_d.values())))

</pallas_src>

<mosaic_0001>
#map = affine_map<(d0, d1) -> (0, 0, 0)>
#map1 = affine_map<(d0, d1) -> (0, 0)>
module attributes {stable_mosaic.version = 14 : i64} {
  func.func @_sc_combine(%arg0: i32, %arg1: i32, %arg2: memref<8x32x1024xf32, #tpu.memory_space<hbm>>, %arg3: memref<32x16xf32, #tpu.memory_space<hbm>>, %arg4: memref<32x1024xf32, #tpu.memory_space<hbm>>, %arg5: memref<1x16xf32, #tpu.memory_space<vmem>>, %arg6: memref<8x1024xf32, #tpu.memory_space<vmem>>, %arg7: memref<1x1024xf32, #tpu.memory_space<vmem>>, %arg8: memref<!tpu.dma_semaphore, #tpu.memory_space<semaphore_mem>>) attributes {dimension_semantics = [#tpu.dimension_semantics<core_parallel>, #tpu.dimension_semantics<subcore_parallel>], iteration_bounds = array<i64: 2, 16>, scalar_prefetch = 0 : i64, scratch_operands = 4 : i64, tpu.core_type = #tpu.core_type<sc_vector_subcore>, window_params = [{transform_indices = #map}, {transform_indices = #map1}, {transform_indices = #map1}]} {
    %mul3A = arith.constant 2 : i32
    %mul3A_0 = arith.muli %arg1, %mul3A : i32
    %add3A = arith.addi %mul3A_0, %arg0 : i32
    "tpu.region"() ({
      %run_scoped3A = tpu.sem_alloc : memref<!tpu.dma_semaphore, #tpu.memory_space<semaphore_mem>>
      %dma_start3A_4190 = arith.constant 0 : i32
      %dma_start3A_4191 = tpu.memref_slice %arg3[%add3A, %dma_start3A_4190] : memref<32x16xf32, #tpu.memory_space<hbm>> -> memref<1x16xf32, #tpu.memory_space<hbm>>
      %dma_start3A_4192 = arith.constant 0 : i32
      %dma_start3A_4193 = tpu.memref_slice %arg3[%add3A, %dma_start3A_4192] : memref<32x16xf32, #tpu.memory_space<hbm>> -> memref<1x16xf32, #tpu.memory_space<hbm>>
      tpu.enqueue_dma source(%dma_start3A_4193 : memref<1x16xf32, #tpu.memory_space<hbm>>) target(%arg5 : memref<1x16xf32, #tpu.memory_space<vmem>>) target_semaphore(%run_scoped3A : memref<!tpu.dma_semaphore, #tpu.memory_space<semaphore_mem>>)
      %dma_wait3A_4194 = arith.constant 0 : i32
      %dma_wait3A_4195 = tpu.memref_slice %arg3[%add3A, %dma_wait3A_4194] : memref<32x16xf32, #tpu.memory_space<hbm>> -> memref<1x16xf32, #tpu.memory_space<hbm>>
      %dma_wait3A_4196 = arith.constant 0 : i32
      %dma_wait3A_4197 = tpu.memref_slice %arg3[%add3A, %dma_wait3A_4196] : memref<32x16xf32, #tpu.memory_space<hbm>> -> memref<1x16xf32, #tpu.memory_space<hbm>>
      tpu.wait_dma2 semaphore(%run_scoped3A : memref<!tpu.dma_semaphore, #tpu.memory_space<semaphore_mem>>) src(%dma_wait3A_4197 : memref<1x16xf32, #tpu.memory_space<hbm>>) dst(%arg5 : memref<1x16xf32, #tpu.memory_space<vmem>>)
      tpu.yield
    }) : () -> ()
    %dma_start3A = arith.constant 0 : i32
    %dma_start3A_1 = arith.constant 0 : i32
    %dma_start3A_2 = arith.constant 0 : i32
    %dma_start3A_3 = tpu.memref_slice %arg6[%dma_start3A_1, %dma_start3A_2] : memref<8x1024xf32, #tpu.memory_space<vmem>> -> memref<1x1024xf32, #tpu.memory_space<vmem>>
    %dma_start3A_4 = arith.constant 0 : i32
    %dma_start3A_5 = tpu.memref_slice %arg2[%dma_start3A, %add3A, %dma_start3A_4] : memref<8x32x1024xf32, #tpu.memory_space<hbm>> -> memref<1x1x1024xf32, #tpu.memory_space<hbm>>
    %dma_start3A_6 = tpu.memref_squeeze %dma_start3A_5 : memref<1x1x1024xf32, #tpu.memory_space<hbm>> -> memref<1x1024xf32, #tpu.memory_space<hbm>>
    %dma_start3A_7 = arith.constant 0 : i32
    %dma_start3A_8 = arith.constant 0 : i32
    %dma_start3A_9 = tpu.memref_slice %arg6[%dma_start3A_7, %dma_start3A_8] : memref<8x1024xf32, #tpu.memory_space<vmem>> -> memref<1x1024xf32, #tpu.memory_space<vmem>>
    %dma_start3A_10 = arith.constant 0 : i32
    %dma_start3A_11 = tpu.memref_slice %arg2[%dma_start3A, %add3A, %dma_start3A_10] : memref<8x32x1024xf32, #tpu.memory_space<hbm>> -> memref<1x1x1024xf32, #tpu.memory_space<hbm>>
    %dma_start3A_12 = tpu.memref_squeeze %dma_start3A_11 : memref<1x1x1024xf32, #tpu.memory_space<hbm>> -> memref<1x1024xf32, #tpu.memory_space<hbm>>
    tpu.enqueue_dma source(%dma_start3A_12 : memref<1x1024xf32, #tpu.memory_space<hbm>>) target(%dma_start3A_9 : memref<1x1024xf32, #tpu.memory_space<vmem>>) target_semaphore(%arg8 : memref<!tpu.dma_semaphore, #tpu.memory_space<semaphore_mem>>)
    %dma_start3A_13 = arith.constant 1 : i32
    %dma_start3A_14 = arith.constant 1 : i32
    %dma_start3A_15 = arith.constant 0 : i32
    %dma_start3A_16 = tpu.memref_slice %arg6[%dma_start3A_14, %dma_start3A_15] : memref<8x1024xf32, #tpu.memory_space<vmem>> -> memref<1x1024xf32, #tpu.memory_space<vmem>>
    %dma_start3A_17 = arith.constant 0 : i32
    %dma_start3A_18 = tpu.memref_slice %arg2[%dma_start3A_13, %add3A, %dma_start3A_17] : memref<8x32x1024xf32, #tpu.memory_space<hbm>> -> memref<1x1x1024xf32, #tpu.memory_space<hbm>>
    %dma_start3A_19 = tpu.memref_squeeze %dma_start3A_18 : memref<1x1x1024xf32, #tpu.memory_space<hbm>> -> memref<1x1024xf32, #tpu.memory_space<hbm>>
    %dma_start3A_20 = arith.constant 1 : i32
    %dma_start3A_21 = arith.constant 0 : i32
    %dma_start3A_22 = tpu.memref_slice %arg6[%dma_start3A_20, %dma_start3A_21] : memref<8x1024xf32, #tpu.memory_space<vmem>> -> memref<1x1024xf32, #tpu.memory_space<vmem>>
    %dma_start3A_23 = arith.constant 0 : i32
    %dma_start3A_24 = tpu.memref_slice %arg2[%dma_start3A_13, %add3A, %dma_start3A_23] : memref<8x32x1024xf32, #tpu.memory_space<hbm>> -> memref<1x1x1024xf32, #tpu.memory_space<hbm>>
    %dma_start3A_25 = tpu.memref_squeeze %dma_start3A_24 : memref<1x1x1024xf32, #tpu.memory_space<hbm>> -> memref<1x1024xf32, #tpu.memory_space<hbm>>
    tpu.enqueue_dma source(%dma_start3A_25 : memref<1x1024xf32, #tpu.memory_space<hbm>>) target(%dma_start3A_22 : memref<1x1024xf32, #tpu.memory_space<vmem>>) target_semaphore(%arg8 : memref<!tpu.dma_semaphore, #tpu.memory_space<semaphore_mem>>)
    %dma_start3A_26 = arith.constant 2 : i32
    %dma_start3A_27 = arith.constant 2 : i32
    %dma_start3A_28 = arith.constant 0 : i32
    %dma_start3A_29 = tpu.memref_slice %arg6[%dma_start3A_27, %dma_start3A_28] : memref<8x1024xf32, #tpu.memory_space<vmem>> -> memref<1x1024xf32, #tpu.memory_space<vmem>>
    %dma_start3A_30 = arith.constant 0 : i32
    %dma_start3A_31 = tpu.memref_slice %arg2[%dma_start3A_26, %add3A, %dma_start3A_30] : memref<8x32x1024xf32, #tpu.memory_space<hbm>> -> memref<1x1x1024xf32, #tpu.memory_space<hbm>>
    %dma_start3A_32 = tpu.memref_squeeze %dma_start3A_31 : memref<1x1x1024xf32, #tpu.memory_space<hbm>> -> memref<1x1024xf32, #tpu.memory_space<hbm>>
    %dma_start3A_33 = arith.constant 2 : i32
    %dma_start3A_34 = arith.constant 0 : i32
    %dma_start3A_35 = tpu.memref_slice %arg6[%dma_start3A_33, %dma_start3A_34] : memref<8x1024xf32, #tpu.memory_space<vmem>> -> memref<1x1024xf32, #tpu.memory_space<vmem>>
    %dma_start3A_36 = arith.constant 0 : i32
    %dma_start3A_37 = tpu.memref_slice %arg2[%dma_start3A_26, %add3A, %dma_start3A_36] : memref<8x32x1024xf32, #tpu.memory_space<hbm>> -> memref<1x1x1024xf32, #tpu.memory_space<hbm>>
    %dma_start3A_38 = tpu.memref_squeeze %dma_start3A_37 : memref<1x1x1024xf32, #tpu.memory_space<hbm>> -> memref<1x1024xf32, #tpu.memory_space<hbm>>
    tpu.enqueue_dma source(%dma_start3A_38 : memref<1x1024xf32, #tpu.memory_space<hbm>>) target(%dma_start3A_35 : memref<1x1024xf32, #tpu.memory_space<vmem>>) target_semaphore(%arg8 : memref<!tpu.dma_semaphore, #tpu.memory_space<semaphore_mem>>)
    %dma_start3A_39 = arith.constant 3 : i32
    %dma_start3A_40 = arith.constant 3 : i32
    %dma_start3A_41 = arith.constant 0 : i32
    %dma_start3A_42 = tpu.memref_slice %arg6[%dma_start3A_40, %dma_start3A_41] : memref<8x1024xf32, #tpu.memory_space<vmem>> -> memref<1x1024xf32, #tpu.memory_space<vmem>>
    %dma_start3A_43 = arith.constant 0 : i32
    %dma_start3A_44 = tpu.memref_slice %arg2[%dma_start3A_39, %add3A, %dma_start3A_43] : memref<8x32x1024xf32, #tpu.memory_space<hbm>> -> memref<1x1x1024xf32, #tpu.memory_space<hbm>>
    %dma_start3A_45 = tpu.memref_squeeze %dma_start3A_44 : memref<1x1x1024xf32, #tpu.memory_space<hbm>> -> memref<1x1024xf32, #tpu.memory_space<hbm>>
    %dma_start3A_46 = arith.constant 3 : i32
    %dma_start3A_47 = arith.constant 0 : i32
    %dma_start3A_48 = tpu.memref_slice %arg6[%dma_start3A_46, %dma_start3A_47] : memref<8x1024xf32, #tpu.memory_space<vmem>> -> memref<1x1024xf32, #tpu.memory_space<vmem>>
    %dma_start3A_49 = arith.constant 0 : i32
    %dma_start3A_50 = tpu.memref_slice %arg2[%dma_start3A_39, %add3A, %dma_start3A_49] : memref<8x32x1024xf32, #tpu.memory_space<hbm>> -> memref<1x1x1024xf32, #tpu.memory_space<hbm>>
    %dma_start3A_51 = tpu.memref_squeeze %dma_start3A_50 : memref<1x1x1024xf32, #tpu.memory_space<hbm>> -> memref<1x1024xf32, #tpu.memory_space<hbm>>
    tpu.enqueue_dma source(%dma_start3A_51 : memref<1x1024xf32, #tpu.memory_space<hbm>>) target(%dma_start3A_48 : memref<1x1024xf32, #tpu.memory_space<vmem>>) target_semaphore(%arg8 : memref<!tpu.dma_semaphore, #tpu.memory_space<semaphore_mem>>)
    %dma_start3A_52 = arith.constant 4 : i32
    %dma_start3A_53 = arith.constant 4 : i32
    %dma_start3A_54 = arith.constant 0 : i32
    %dma_start3A_55 = tpu.memref_slice %arg6[%dma_start3A_53, %dma_start3A_54] : memref<8x1024xf32, #tpu.memory_space<vmem>> -> memref<1x1024xf32, #tpu.memory_space<vmem>>
    %dma_start3A_56 = arith.constant 0 : i32
    %dma_start3A_57 = tpu.memref_slice %arg2[%dma_start3A_52, %add3A, %dma_start3A_56] : memref<8x32x1024xf32, #tpu.memory_space<hbm>> -> memref<1x1x1024xf32, #tpu.memory_space<hbm>>
    %dma_start3A_58 = tpu.memref_squeeze %dma_start3A_57 : memref<1x1x1024xf32, #tpu.memory_space<hbm>> -> memref<1x1024xf32, #tpu.memory_space<hbm>>
    %dma_start3A_59 = arith.constant 4 : i32
    %dma_start3A_60 = arith.constant 0 : i32
    %dma_start3A_61 = tpu.memref_slice %arg6[%dma_start3A_59, %dma_start3A_60] : memref<8x1024xf32, #tpu.memory_space<vmem>> -> memref<1x1024xf32, #tpu.memory_space<vmem>>
    %dma_start3A_62 = arith.constant 0 : i32
    %dma_start3A_63 = tpu.memref_slice %arg2[%dma_start3A_52, %add3A, %dma_start3A_62] : memref<8x32x1024xf32, #tpu.memory_space<hbm>> -> memref<1x1x1024xf32, #tpu.memory_space<hbm>>
    %dma_start3A_64 = tpu.memref_squeeze %dma_start3A_63 : memref<1x1x1024xf32, #tpu.memory_space<hbm>> -> memref<1x1024xf32, #tpu.memory_space<hbm>>
    tpu.enqueue_dma source(%dma_start3A_64 : memref<1x1024xf32, #tpu.memory_space<hbm>>) target(%dma_start3A_61 : memref<1x1024xf32, #tpu.memory_space<vmem>>) target_semaphore(%arg8 : memref<!tpu.dma_semaphore, #tpu.memory_space<semaphore_mem>>)
    %dma_start3A_65 = arith.constant 5 : i32
    %dma_start3A_66 = arith.constant 5 : i32
    %dma_start3A_67 = arith.constant 0 : i32
    %dma_start3A_68 = tpu.memref_slice %arg6[%dma_start3A_66, %dma_start3A_67] : memref<8x1024xf32, #tpu.memory_space<vmem>> -> memref<1x1024xf32, #tpu.memory_space<vmem>>
    %dma_start3A_69 = arith.constant 0 : i32
    %dma_start3A_70 = tpu.memref_slice %arg2[%dma_start3A_65, %add3A, %dma_start3A_69] : memref<8x32x1024xf32, #tpu.memory_space<hbm>> -> memref<1x1x1024xf32, #tpu.memory_space<hbm>>
    %dma_start3A_71 = tpu.memref_squeeze %dma_start3A_70 : memref<1x1x1024xf32, #tpu.memory_space<hbm>> -> memref<1x1024xf32, #tpu.memory_space<hbm>>
    %dma_start3A_72 = arith.constant 5 : i32
    %dma_start3A_73 = arith.constant 0 : i32
    %dma_start3A_74 = tpu.memref_slice %arg6[%dma_start3A_72, %dma_start3A_73] : memref<8x1024xf32, #tpu.memory_space<vmem>> -> memref<1x1024xf32, #tpu.memory_space<vmem>>
    %dma_start3A_75 = arith.constant 0 : i32
    %dma_start3A_76 = tpu.memref_slice %arg2[%dma_start3A_65, %add3A, %dma_start3A_75] : memref<8x32x1024xf32, #tpu.memory_space<hbm>> -> memref<1x1x1024xf32, #tpu.memory_space<hbm>>
    %dma_start3A_77 = tpu.memref_squeeze %dma_start3A_76 : memref<1x1x1024xf32, #tpu.memory_space<hbm>> -> memref<1x1024xf32, #tpu.memory_space<hbm>>
    tpu.enqueue_dma source(%dma_start3A_77 : memref<1x1024xf32, #tpu.memory_space<hbm>>) target(%dma_start3A_74 : memref<1x1024xf32, #tpu.memory_space<vmem>>) target_semaphore(%arg8 : memref<!tpu.dma_semaphore, #tpu.memory_space<semaphore_mem>>)
    %dma_start3A_78 = arith.constant 6 : i32
    %dma_start3A_79 = arith.constant 6 : i32
    %dma_start3A_80 = arith.constant 0 : i32
    %dma_start3A_81 = tpu.memref_slice %arg6[%dma_start3A_79, %dma_start3A_80] : memref<8x1024xf32, #tpu.memory_space<vmem>> -> memref<1x1024xf32, #tpu.memory_space<vmem>>
    %dma_start3A_82 = arith.constant 0 : i32
    %dma_start3A_83 = tpu.memref_slice %arg2[%dma_start3A_78, %add3A, %dma_start3A_82] : memref<8x32x1024xf32, #tpu.memory_space<hbm>> -> memref<1x1x1024xf32, #tpu.memory_space<hbm>>
    %dma_start3A_84 = tpu.memref_squeeze %dma_start3A_83 : memref<1x1x1024xf32, #tpu.memory_space<hbm>> -> memref<1x1024xf32, #tpu.memory_space<hbm>>
    %dma_start3A_85 = arith.constant 6 : i32
    %dma_start3A_86 = arith.constant 0 : i32
    %dma_start3A_87 = tpu.memref_slice %arg6[%dma_start3A_85, %dma_start3A_86] : memref<8x1024xf32, #tpu.memory_space<vmem>> -> memref<1x1024xf32, #tpu.memory_space<vmem>>
    %dma_start3A_88 = arith.constant 0 : i32
    %dma_start3A_89 = tpu.memref_slice %arg2[%dma_start3A_78, %add3A, %dma_start3A_88] : memref<8x32x1024xf32, #tpu.memory_space<hbm>> -> memref<1x1x1024xf32, #tpu.memory_space<hbm>>
    %dma_start3A_90 = tpu.memref_squeeze %dma_start3A_89 : memref<1x1x1024xf32, #tpu.memory_space<hbm>> -> memref<1x1024xf32, #tpu.memory_space<hbm>>
    tpu.enqueue_dma source(%dma_start3A_90 : memref<1x1024xf32, #tpu.memory_space<hbm>>) target(%dma_start3A_87 : memref<1x1024xf32, #tpu.memory_space<vmem>>) target_semaphore(%arg8 : memref<!tpu.dma_semaphore, #tpu.memory_space<semaphore_mem>>)
    %dma_start3A_91 = arith.constant 7 : i32
    %dma_start3A_92 = arith.constant 7 : i32
    %dma_start3A_93 = arith.constant 0 : i32
    %dma_start3A_94 = tpu.memref_slice %arg6[%dma_start3A_92, %dma_start3A_93] : memref<8x1024xf32, #tpu.memory_space<vmem>> -> memref<1x1024xf32, #tpu.memory_space<vmem>>
    %dma_start3A_95 = arith.constant 0 : i32
    %dma_start3A_96 = tpu.memref_slice %arg2[%dma_start3A_91, %add3A, %dma_start3A_95] : memref<8x32x1024xf32, #tpu.memory_space<hbm>> -> memref<1x1x1024xf32, #tpu.memory_space<hbm>>
    %dma_start3A_97 = tpu.memref_squeeze %dma_start3A_96 : memref<1x1x1024xf32, #tpu.memory_space<hbm>> -> memref<1x1024xf32, #tpu.memory_space<hbm>>
    %dma_start3A_98 = arith.constant 7 : i32
    %dma_start3A_99 = arith.constant 0 : i32
    %dma_start3A_100 = tpu.memref_slice %arg6[%dma_start3A_98, %dma_start3A_99] : memref<8x1024xf32, #tpu.memory_space<vmem>> -> memref<1x1024xf32, #tpu.memory_space<vmem>>
    %dma_start3A_101 = arith.constant 0 : i32
    %dma_start3A_102 = tpu.memref_slice %arg2[%dma_start3A_91, %add3A, %dma_start3A_101] : memref<8x32x1024xf32, #tpu.memory_space<hbm>> -> memref<1x1x1024xf32, #tpu.memory_space<hbm>>
    %dma_start3A_103 = tpu.memref_squeeze %dma_start3A_102 : memref<1x1x1024xf32, #tpu.memory_space<hbm>> -> memref<1x1024xf32, #tpu.memory_space<hbm>>
    tpu.enqueue_dma source(%dma_start3A_103 : memref<1x1024xf32, #tpu.memory_space<hbm>>) target(%dma_start3A_100 : memref<1x1024xf32, #tpu.memory_space<vmem>>) target_semaphore(%arg8 : memref<!tpu.dma_semaphore, #tpu.memory_space<semaphore_mem>>)
    %dma_wait3A = arith.constant 0 : i32
    %dma_wait3A_104 = arith.constant 0 : i32
    %dma_wait3A_105 = arith.constant 0 : i32
    %dma_wait3A_106 = tpu.memref_slice %arg6[%dma_wait3A_104, %dma_wait3A_105] : memref<8x1024xf32, #tpu.memory_space<vmem>> -> memref<1x1024xf32, #tpu.memory_space<vmem>>
    %dma_wait3A_107 = arith.constant 0 : i32
    %dma_wait3A_108 = tpu.memref_slice %arg2[%dma_wait3A, %add3A, %dma_wait3A_107] : memref<8x32x1024xf32, #tpu.memory_space<hbm>> -> memref<1x1x1024xf32, #tpu.memory_space<hbm>>
    %dma_wait3A_109 = tpu.memref_squeeze %dma_wait3A_108 : memref<1x1x1024xf32, #tpu.memory_space<hbm>> -> memref<1x1024xf32, #tpu.memory_space<hbm>>
    %dma_wait3A_110 = arith.constant 0 : i32
    %dma_wait3A_111 = arith.constant 0 : i32
    %dma_wait3A_112 = tpu.memref_slice %arg6[%dma_wait3A_110, %dma_wait3A_111] : memref<8x1024xf32, #tpu.memory_space<vmem>> -> memref<1x1024xf32, #tpu.memory_space<vmem>>
    %dma_wait3A_113 = arith.constant 0 : i32
    %dma_wait3A_114 = tpu.memref_slice %arg2[%dma_wait3A, %add3A, %dma_wait3A_113] : memref<8x32x1024xf32, #tpu.memory_space<hbm>> -> memref<1x1x1024xf32, #tpu.memory_space<hbm>>
    %dma_wait3A_115 = tpu.memref_squeeze %dma_wait3A_114 : memref<1x1x1024xf32, #tpu.memory_space<hbm>> -> memref<1x1024xf32, #tpu.memory_space<hbm>>
    tpu.wait_dma2 semaphore(%arg8 : memref<!tpu.dma_semaphore, #tpu.memory_space<semaphore_mem>>) src(%dma_wait3A_115 : memref<1x1024xf32, #tpu.memory_space<hbm>>) dst(%dma_wait3A_112 : memref<1x1024xf32, #tpu.memory_space<vmem>>)
    %dma_wait3A_116 = arith.constant 1 : i32
    %dma_wait3A_117 = arith.constant 1 : i32
    %dma_wait3A_118 = arith.constant 0 : i32
    %dma_wait3A_119 = tpu.memref_slice %arg6[%dma_wait3A_117, %dma_wait3A_118] : memref<8x1024xf32, #tpu.memory_space<vmem>> -> memref<1x1024xf32, #tpu.memory_space<vmem>>
    %dma_wait3A_120 = arith.constant 0 : i32
    %dma_wait3A_121 = tpu.memref_slice %arg2[%dma_wait3A_116, %add3A, %dma_wait3A_120] : memref<8x32x1024xf32, #tpu.memory_space<hbm>> -> memref<1x1x1024xf32, #tpu.memory_space<hbm>>
    %dma_wait3A_122 = tpu.memref_squeeze %dma_wait3A_121 : memref<1x1x1024xf32, #tpu.memory_space<hbm>> -> memref<1x1024xf32, #tpu.memory_space<hbm>>
    %dma_wait3A_123 = arith.constant 1 : i32
    %dma_wait3A_124 = arith.constant 0 : i32
    %dma_wait3A_125 = tpu.memref_slice %arg6[%dma_wait3A_123, %dma_wait3A_124] : memref<8x1024xf32, #tpu.memory_space<vmem>> -> memref<1x1024xf32, #tpu.memory_space<vmem>>
    %dma_wait3A_126 = arith.constant 0 : i32
    %dma_wait3A_127 = tpu.memref_slice %arg2[%dma_wait3A_116, %add3A, %dma_wait3A_126] : memref<8x32x1024xf32, #tpu.memory_space<hbm>> -> memref<1x1x1024xf32, #tpu.memory_space<hbm>>
    %dma_wait3A_128 = tpu.memref_squeeze %dma_wait3A_127 : memref<1x1x1024xf32, #tpu.memory_space<hbm>> -> memref<1x1024xf32, #tpu.memory_space<hbm>>
    tpu.wait_dma2 semaphore(%arg8 : memref<!tpu.dma_semaphore, #tpu.memory_space<semaphore_mem>>) src(%dma_wait3A_128 : memref<1x1024xf32, #tpu.memory_space<hbm>>) dst(%dma_wait3A_125 : memref<1x1024xf32, #tpu.memory_space<vmem>>)
    %dma_wait3A_129 = arith.constant 2 : i32
    %dma_wait3A_130 = arith.constant 2 : i32
    %dma_wait3A_131 = arith.constant 0 : i32
    %dma_wait3A_132 = tpu.memref_slice %arg6[%dma_wait3A_130, %dma_wait3A_131] : memref<8x1024xf32, #tpu.memory_space<vmem>> -> memref<1x1024xf32, #tpu.memory_space<vmem>>
    %dma_wait3A_133 = arith.constant 0 : i32
    %dma_wait3A_134 = tpu.memref_slice %arg2[%dma_wait3A_129, %add3A, %dma_wait3A_133] : memref<8x32x1024xf32, #tpu.memory_space<hbm>> -> memref<1x1x1024xf32, #tpu.memory_space<hbm>>
    %dma_wait3A_135 = tpu.memref_squeeze %dma_wait3A_134 : memref<1x1x1024xf32, #tpu.memory_space<hbm>> -> memref<1x1024xf32, #tpu.memory_space<hbm>>
    %dma_wait3A_136 = arith.constant 2 : i32
    %dma_wait3A_137 = arith.constant 0 : i32
    %dma_wait3A_138 = tpu.memref_slice %arg6[%dma_wait3A_136, %dma_wait3A_137] : memref<8x1024xf32, #tpu.memory_space<vmem>> -> memref<1x1024xf32, #tpu.memory_space<vmem>>
    %dma_wait3A_139 = arith.constant 0 : i32
    %dma_wait3A_140 = tpu.memref_slice %arg2[%dma_wait3A_129, %add3A, %dma_wait3A_139] : memref<8x32x1024xf32, #tpu.memory_space<hbm>> -> memref<1x1x1024xf32, #tpu.memory_space<hbm>>
    %dma_wait3A_141 = tpu.memref_squeeze %dma_wait3A_140 : memref<1x1x1024xf32, #tpu.memory_space<hbm>> -> memref<1x1024xf32, #tpu.memory_space<hbm>>
    tpu.wait_dma2 semaphore(%arg8 : memref<!tpu.dma_semaphore, #tpu.memory_space<semaphore_mem>>) src(%dma_wait3A_141 : memref<1x1024xf32, #tpu.memory_space<hbm>>) dst(%dma_wait3A_138 : memref<1x1024xf32, #tpu.memory_space<vmem>>)
    %dma_wait3A_142 = arith.constant 3 : i32
    %dma_wait3A_143 = arith.constant 3 : i32
    %dma_wait3A_144 = arith.constant 0 : i32
    %dma_wait3A_145 = tpu.memref_slice %arg6[%dma_wait3A_143, %dma_wait3A_144] : memref<8x1024xf32, #tpu.memory_space<vmem>> -> memref<1x1024xf32, #tpu.memory_space<vmem>>
    %dma_wait3A_146 = arith.constant 0 : i32
    %dma_wait3A_147 = tpu.memref_slice %arg2[%dma_wait3A_142, %add3A, %dma_wait3A_146] : memref<8x32x1024xf32, #tpu.memory_space<hbm>> -> memref<1x1x1024xf32, #tpu.memory_space<hbm>>
    %dma_wait3A_148 = tpu.memref_squeeze %dma_wait3A_147 : memref<1x1x1024xf32, #tpu.memory_space<hbm>> -> memref<1x1024xf32, #tpu.memory_space<hbm>>
    %dma_wait3A_149 = arith.constant 3 : i32
    %dma_wait3A_150 = arith.constant 0 : i32
    %dma_wait3A_151 = tpu.memref_slice %arg6[%dma_wait3A_149, %dma_wait3A_150] : memref<8x1024xf32, #tpu.memory_space<vmem>> -> memref<1x1024xf32, #tpu.memory_space<vmem>>
    %dma_wait3A_152 = arith.constant 0 : i32
    %dma_wait3A_153 = tpu.memref_slice %arg2[%dma_wait3A_142, %add3A, %dma_wait3A_152] : memref<8x32x1024xf32, #tpu.memory_space<hbm>> -> memref<1x1x1024xf32, #tpu.memory_space<hbm>>
    %dma_wait3A_154 = tpu.memref_squeeze %dma_wait3A_153 : memref<1x1x1024xf32, #tpu.memory_space<hbm>> -> memref<1x1024xf32, #tpu.memory_space<hbm>>
    tpu.wait_dma2 semaphore(%arg8 : memref<!tpu.dma_semaphore, #tpu.memory_space<semaphore_mem>>) src(%dma_wait3A_154 : memref<1x1024xf32, #tpu.memory_space<hbm>>) dst(%dma_wait3A_151 : memref<1x1024xf32, #tpu.memory_space<vmem>>)
    %dma_wait3A_155 = arith.constant 4 : i32
    %dma_wait3A_156 = arith.constant 4 : i32
    %dma_wait3A_157 = arith.constant 0 : i32
    %dma_wait3A_158 = tpu.memref_slice %arg6[%dma_wait3A_156, %dma_wait3A_157] : memref<8x1024xf32, #tpu.memory_space<vmem>> -> memref<1x1024xf32, #tpu.memory_space<vmem>>
    %dma_wait3A_159 = arith.constant 0 : i32
    %dma_wait3A_160 = tpu.memref_slice %arg2[%dma_wait3A_155, %add3A, %dma_wait3A_159] : memref<8x32x1024xf32, #tpu.memory_space<hbm>> -> memref<1x1x1024xf32, #tpu.memory_space<hbm>>
    %dma_wait3A_161 = tpu.memref_squeeze %dma_wait3A_160 : memref<1x1x1024xf32, #tpu.memory_space<hbm>> -> memref<1x1024xf32, #tpu.memory_space<hbm>>
    %dma_wait3A_162 = arith.constant 4 : i32
    %dma_wait3A_163 = arith.constant 0 : i32
    %dma_wait3A_164 = tpu.memref_slice %arg6[%dma_wait3A_162, %dma_wait3A_163] : memref<8x1024xf32, #tpu.memory_space<vmem>> -> memref<1x1024xf32, #tpu.memory_space<vmem>>
    %dma_wait3A_165 = arith.constant 0 : i32
    %dma_wait3A_166 = tpu.memref_slice %arg2[%dma_wait3A_155, %add3A, %dma_wait3A_165] : memref<8x32x1024xf32, #tpu.memory_space<hbm>> -> memref<1x1x1024xf32, #tpu.memory_space<hbm>>
    %dma_wait3A_167 = tpu.memref_squeeze %dma_wait3A_166 : memref<1x1x1024xf32, #tpu.memory_space<hbm>> -> memref<1x1024xf32, #tpu.memory_space<hbm>>
    tpu.wait_dma2 semaphore(%arg8 : memref<!tpu.dma_semaphore, #tpu.memory_space<semaphore_mem>>) src(%dma_wait3A_167 : memref<1x1024xf32, #tpu.memory_space<hbm>>) dst(%dma_wait3A_164 : memref<1x1024xf32, #tpu.memory_space<vmem>>)
    %dma_wait3A_168 = arith.constant 5 : i32
    %dma_wait3A_169 = arith.constant 5 : i32
    %dma_wait3A_170 = arith.constant 0 : i32
    %dma_wait3A_171 = tpu.memref_slice %arg6[%dma_wait3A_169, %dma_wait3A_170] : memref<8x1024xf32, #tpu.memory_space<vmem>> -> memref<1x1024xf32, #tpu.memory_space<vmem>>
    %dma_wait3A_172 = arith.constant 0 : i32
    %dma_wait3A_173 = tpu.memref_slice %arg2[%dma_wait3A_168, %add3A, %dma_wait3A_172] : memref<8x32x1024xf32, #tpu.memory_space<hbm>> -> memref<1x1x1024xf32, #tpu.memory_space<hbm>>
    %dma_wait3A_174 = tpu.memref_squeeze %dma_wait3A_173 : memref<1x1x1024xf32, #tpu.memory_space<hbm>> -> memref<1x1024xf32, #tpu.memory_space<hbm>>
    %dma_wait3A_175 = arith.constant 5 : i32
    %dma_wait3A_176 = arith.constant 0 : i32
    %dma_wait3A_177 = tpu.memref_slice %arg6[%dma_wait3A_175, %dma_wait3A_176] : memref<8x1024xf32, #tpu.memory_space<vmem>> -> memref<1x1024xf32, #tpu.memory_space<vmem>>
    %dma_wait3A_178 = arith.constant 0 : i32
    %dma_wait3A_179 = tpu.memref_slice %arg2[%dma_wait3A_168, %add3A, %dma_wait3A_178] : memref<8x32x1024xf32, #tpu.memory_space<hbm>> -> memref<1x1x1024xf32, #tpu.memory_space<hbm>>
    %dma_wait3A_180 = tpu.memref_squeeze %dma_wait3A_179 : memref<1x1x1024xf32, #tpu.memory_space<hbm>> -> memref<1x1024xf32, #tpu.memory_space<hbm>>
    tpu.wait_dma2 semaphore(%arg8 : memref<!tpu.dma_semaphore, #tpu.memory_space<semaphore_mem>>) src(%dma_wait3A_180 : memref<1x1024xf32, #tpu.memory_space<hbm>>) dst(%dma_wait3A_177 : memref<1x1024xf32, #tpu.memory_space<vmem>>)
    %dma_wait3A_181 = arith.constant 6 : i32
    %dma_wait3A_182 = arith.constant 6 : i32
    %dma_wait3A_183 = arith.constant 0 : i32
    %dma_wait3A_184 = tpu.memref_slice %arg6[%dma_wait3A_182, %dma_wait3A_183] : memref<8x1024xf32, #tpu.memory_space<vmem>> -> memref<1x1024xf32, #tpu.memory_space<vmem>>
    %dma_wait3A_185 = arith.constant 0 : i32
    %dma_wait3A_186 = tpu.memref_slice %arg2[%dma_wait3A_181, %add3A, %dma_wait3A_185] : memref<8x32x1024xf32, #tpu.memory_space<hbm>> -> memref<1x1x1024xf32, #tpu.memory_space<hbm>>
    %dma_wait3A_187 = tpu.memref_squeeze %dma_wait3A_186 : memref<1x1x1024xf32, #tpu.memory_space<hbm>> -> memref<1x1024xf32, #tpu.memory_space<hbm>>
    %dma_wait3A_188 = arith.constant 6 : i32
    %dma_wait3A_189 = arith.constant 0 : i32
    %dma_wait3A_190 = tpu.memref_slice %arg6[%dma_wait3A_188, %dma_wait3A_189] : memref<8x1024xf32, #tpu.memory_space<vmem>> -> memref<1x1024xf32, #tpu.memory_space<vmem>>
    %dma_wait3A_191 = arith.constant 0 : i32
    %dma_wait3A_192 = tpu.memref_slice %arg2[%dma_wait3A_181, %add3A, %dma_wait3A_191] : memref<8x32x1024xf32, #tpu.memory_space<hbm>> -> memref<1x1x1024xf32, #tpu.memory_space<hbm>>
    %dma_wait3A_193 = tpu.memref_squeeze %dma_wait3A_192 : memref<1x1x1024xf32, #tpu.memory_space<hbm>> -> memref<1x1024xf32, #tpu.memory_space<hbm>>
    tpu.wait_dma2 semaphore(%arg8 : memref<!tpu.dma_semaphore, #tpu.memory_space<semaphore_mem>>) src(%dma_wait3A_193 : memref<1x1024xf32, #tpu.memory_space<hbm>>) dst(%dma_wait3A_190 : memref<1x1024xf32, #tpu.memory_space<vmem>>)
    %dma_wait3A_194 = arith.constant 7 : i32
    %dma_wait3A_195 = arith.constant 7 : i32
    %dma_wait3A_196 = arith.constant 0 : i32
    %dma_wait3A_197 = tpu.memref_slice %arg6[%dma_wait3A_195, %dma_wait3A_196] : memref<8x1024xf32, #tpu.memory_space<vmem>> -> memref<1x1024xf32, #tpu.memory_space<vmem>>
    %dma_wait3A_198 = arith.constant 0 : i32
    %dma_wait3A_199 = tpu.memref_slice %arg2[%dma_wait3A_194, %add3A, %dma_wait3A_198] : memref<8x32x1024xf32, #tpu.memory_space<hbm>> -> memref<1x1x1024xf32, #tpu.memory_space<hbm>>
    %dma_wait3A_200 = tpu.memref_squeeze %dma_wait3A_199 : memref<1x1x1024xf32, #tpu.memory_space<hbm>> -> memref<1x1024xf32, #tpu.memory_space<hbm>>
    %dma_wait3A_201 = arith.constant 7 : i32
    %dma_wait3A_202 = arith.constant 0 : i32
    %dma_wait3A_203 = tpu.memref_slice %arg6[%dma_wait3A_201, %dma_wait3A_202] : memref<8x1024xf32, #tpu.memory_space<vmem>> -> memref<1x1024xf32, #tpu.memory_space<vmem>>
    %dma_wait3A_204 = arith.constant 0 : i32
    %dma_wait3A_205 = tpu.memref_slice %arg2[%dma_wait3A_194, %add3A, %dma_wait3A_204] : memref<8x32x1024xf32, #tpu.memory_space<hbm>> -> memref<1x1x1024xf32, #tpu.memory_space<hbm>>
    %dma_wait3A_206 = tpu.memref_squeeze %dma_wait3A_205 : memref<1x1x1024xf32, #tpu.memory_space<hbm>> -> memref<1x1024xf32, #tpu.memory_space<hbm>>
    tpu.wait_dma2 semaphore(%arg8 : memref<!tpu.dma_semaphore, #tpu.memory_space<semaphore_mem>>) src(%dma_wait3A_206 : memref<1x1024xf32, #tpu.memory_space<hbm>>) dst(%dma_wait3A_203 : memref<1x1024xf32, #tpu.memory_space<vmem>>)
    %get3A = arith.constant 0 : i32
    %get3A_207 = arith.index_cast %get3A : i32 to index
    %get3A_208 = arith.constant 0 : index
    %get3A_209 = tpu.vector_load %arg5[%get3A_207, %get3A_208] {strides = array<i32>} : memref<1x16xf32, #tpu.memory_space<vmem>>, vector<16xf32>,
    %slice3A = vector.extract_strided_slice %get3A_209 {offsets = [0], sizes = [1], strides = [1]} : vector<16xf32> to vector<1xf32>
    %squeeze3A = vector.extract %slice3A[0] : f32 from vector<1xf32>
    %slice3A_210 = vector.extract_strided_slice %get3A_209 {offsets = [1], sizes = [1], strides = [1]} : vector<16xf32> to vector<1xf32>
    %squeeze3A_211 = vector.extract %slice3A_210[0] : f32 from vector<1xf32>
    %slice3A_212 = vector.extract_strided_slice %get3A_209 {offsets = [2], sizes = [1], strides = [1]} : vector<16xf32> to vector<1xf32>
    %squeeze3A_213 = vector.extract %slice3A_212[0] : f32 from vector<1xf32>
    %slice3A_214 = vector.extract_strided_slice %get3A_209 {offsets = [3], sizes = [1], strides = [1]} : vector<16xf32> to vector<1xf32>
    %squeeze3A_215 = vector.extract %slice3A_214[0] : f32 from vector<1xf32>
    %slice3A_216 = vector.extract_strided_slice %get3A_209 {offsets = [4], sizes = [1], strides = [1]} : vector<16xf32> to vector<1xf32>
    %squeeze3A_217 = vector.extract %slice3A_216[0] : f32 from vector<1xf32>
    %slice3A_218 = vector.extract_strided_slice %get3A_209 {offsets = [5], sizes = [1], strides = [1]} : vector<16xf32> to vector<1xf32>
    %squeeze3A_219 = vector.extract %slice3A_218[0] : f32 from vector<1xf32>
    %slice3A_220 = vector.extract_strided_slice %get3A_209 {offsets = [6], sizes = [1], strides = [1]} : vector<16xf32> to vector<1xf32>
    %squeeze3A_221 = vector.extract %slice3A_220[0] : f32 from vector<1xf32>
    %slice3A_222 = vector.extract_strided_slice %get3A_209 {offsets = [7], sizes = [1], strides = [1]} : vector<16xf32> to vector<1xf32>
    %squeeze3A_223 = vector.extract %slice3A_222[0] : f32 from vector<1xf32>
    %broadcast_in_dim3A = arith.constant 0.000000e+00 : f32
    %broadcast_in_dim3A_224 = vector.broadcast %broadcast_in_dim3A : f32 to vector<16xf32>
    %get3A_225 = arith.constant 0 : i32
    %get3A_226 = arith.index_cast %get3A_225 : i32 to index
    %get3A_227 = arith.constant 0 : index
    %get3A_228 = tpu.vector_load %arg6[%get3A_226, %get3A_227] {strides = array<i32>} : memref<8x1024xf32, #tpu.memory_space<vmem>>, vector<16xf32>,
    %mul3A_229 = vector.broadcast %squeeze3A : f32 to vector<16xf32>
    %mul3A_230 = arith.mulf %mul3A_229, %get3A_228 : vector<16xf32>
    %add3A_231 = arith.addf %broadcast_in_dim3A_224, %mul3A_230 : vector<16xf32>
    %get3A_232 = arith.constant 1 : i32
    %get3A_233 = arith.index_cast %get3A_232 : i32 to index
    %get3A_234 = arith.constant 0 : index
    %get3A_235 = tpu.vector_load %arg6[%get3A_233, %get3A_234] {strides = array<i32>} : memref<8x1024xf32, #tpu.memory_space<vmem>>, vector<16xf32>,
    %mul3A_236 = vector.broadcast %squeeze3A_211 : f32 to vector<16xf32>
    %mul3A_237 = arith.mulf %mul3A_236, %get3A_235 : vector<16xf32>
    %add3A_238 = arith.addf %add3A_231, %mul3A_237 : vector<16xf32>
    %get3A_239 = arith.constant 2 : i32
    %get3A_240 = arith.index_cast %get3A_239 : i32 to index
    %get3A_241 = arith.constant 0 : index
    %get3A_242 = tpu.vector_load %arg6[%get3A_240, %get3A_241] {strides = array<i32>} : memref<8x1024xf32, #tpu.memory_space<vmem>>, vector<16xf32>,
    %mul3A_243 = vector.broadcast %squeeze3A_213 : f32 to vector<16xf32>
    %mul3A_244 = arith.mulf %mul3A_243, %get3A_242 : vector<16xf32>
    %add3A_245 = arith.addf %add3A_238, %mul3A_244 : vector<16xf32>
    %get3A_246 = arith.constant 3 : i32
    %get3A_247 = arith.index_cast %get3A_246 : i32 to index
    %get3A_248 = arith.constant 0 : index
    %get3A_249 = tpu.vector_load %arg6[%get3A_247, %get3A_248] {strides = array<i32>} : memref<8x1024xf32, #tpu.memory_space<vmem>>, vector<16xf32>,
    %mul3A_250 = vector.broadcast %squeeze3A_215 : f32 to vector<16xf32>
    %mul3A_251 = arith.mulf %mul3A_250, %get3A_249 : vector<16xf32>
    %add3A_252 = arith.addf %add3A_245, %mul3A_251 : vector<16xf32>
    %get3A_253 = arith.constant 4 : i32
    %get3A_254 = arith.index_cast %get3A_253 : i32 to index
    %get3A_255 = arith.constant 0 : index
    %get3A_256 = tpu.vector_load %arg6[%get3A_254, %get3A_255] {strides = array<i32>} : memref<8x1024xf32, #tpu.memory_space<vmem>>, vector<16xf32>,
    %mul3A_257 = vector.broadcast %squeeze3A_217 : f32 to vector<16xf32>
    %mul3A_258 = arith.mulf %mul3A_257, %get3A_256 : vector<16xf32>
    %add3A_259 = arith.addf %add3A_252, %mul3A_258 : vector<16xf32>
    %get3A_260 = arith.constant 5 : i32
    %get3A_261 = arith.index_cast %get3A_260 : i32 to index
    %get3A_262 = arith.constant 0 : index
    %get3A_263 = tpu.vector_load %arg6[%get3A_261, %get3A_262] {strides = array<i32>} : memref<8x1024xf32, #tpu.memory_space<vmem>>, vector<16xf32>,
    %mul3A_264 = vector.broadcast %squeeze3A_219 : f32 to vector<16xf32>
    %mul3A_265 = arith.mulf %mul3A_264, %get3A_263 : vector<16xf32>
    %add3A_266 = arith.addf %add3A_259, %mul3A_265 : vector<16xf32>
    %get3A_267 = arith.constant 6 : i32
    %get3A_268 = arith.index_cast %get3A_267 : i32 to index
    %get3A_269 = arith.constant 0 : index
    %get3A_270 = tpu.vector_load %arg6[%get3A_268, %get3A_269] {strides = array<i32>} : memref<8x1024xf32, #tpu.memory_space<vmem>>, vector<16xf32>,
    %mul3A_271 = vector.broadcast %squeeze3A_221 : f32 to vector<16xf32>
    %mul3A_272 = arith.mulf %mul3A_271, %get3A_270 : vector<16xf32>
    %add3A_273 = arith.addf %add3A_266, %mul3A_272 : vector<16xf32>
    %get3A_274 = arith.constant 7 : i32
    %get3A_275 = arith.index_cast %get3A_274 : i32 to index
    %get3A_276 = arith.constant 0 : index
    %get3A_277 = tpu.vector_load %arg6[%get3A_275, %get3A_276] {strides = array<i32>} : memref<8x1024xf32, #tpu.memory_space<vmem>>, vector<16xf32>,
    %mul3A_278 = vector.broadcast %squeeze3A_223 : f32 to vector<16xf32>
    %mul3A_279 = arith.mulf %mul3A_278, %get3A_277 : vector<16xf32>
    %add3A_280 = arith.addf %add3A_273, %mul3A_279 : vector<16xf32>
    %swap3A = arith.constant 0 : i32
    %swap3A_281 = arith.index_cast %swap3A : i32 to index
    %swap3A_282 = arith.constant 0 : index
    %swap3A_283 = tpu.vector_load %arg7[%swap3A_281, %swap3A_282] {strides = array<i32>} : memref<1x1024xf32, #tpu.memory_space<vmem>>, vector<16xf32>,
    tpu.vector_store %arg7[%swap3A_281, %swap3A_282], %add3A_280 {strides = array<i32>} : memref<1x1024xf32, #tpu.memory_space<vmem>>, vector<16xf32>,
    %broadcast_in_dim3A_284 = arith.constant 0.000000e+00 : f32
    %broadcast_in_dim3A_285 = vector.broadcast %broadcast_in_dim3A_284 : f32 to vector<16xf32>
    %get3A_286 = arith.constant 0 : i32
    %get3A_287 = arith.index_cast %get3A_286 : i32 to index
    %get3A_288 = arith.constant 16 : index
    %get3A_289 = tpu.vector_load %arg6[%get3A_287, %get3A_288] {strides = array<i32>} : memref<8x1024xf32, #tpu.memory_space<vmem>>, vector<16xf32>,
    %mul3A_290 = vector.broadcast %squeeze3A : f32 to vector<16xf32>
    %mul3A_291 = arith.mulf %mul3A_290, %get3A_289 : vector<16xf32>
    %add3A_292 = arith.addf %broadcast_in_dim3A_285, %mul3A_291 : vector<16xf32>
    %get3A_293 = arith.constant 1 : i32
    %get3A_294 = arith.index_cast %get3A_293 : i32 to index
    %get3A_295 = arith.constant 16 : index
    %get3A_296 = tpu.vector_load %arg6[%get3A_294, %get3A_295] {strides = array<i32>} : memref<8x1024xf32, #tpu.memory_space<vmem>>, vector<16xf32>,
    %mul3A_297 = vector.broadcast %squeeze3A_211 : f32 to vector<16xf32>
    %mul3A_298 = arith.mulf %mul3A_297, %get3A_296 : vector<16xf32>
    %add3A_299 = arith.addf %add3A_292, %mul3A_298 : vector<16xf32>
    %get3A_300 = arith.constant 2 : i32
    %get3A_301 = arith.index_cast %get3A_300 : i32 to index
    %get3A_302 = arith.constant 16 : index
    %get3A_303 = tpu.vector_load %arg6[%get3A_301, %get3A_302] {strides = array<i32>} : memref<8x1024xf32, #tpu.memory_space<vmem>>, vector<16xf32>,
    %mul3A_304 = vector.broadcast %squeeze3A_213 : f32 to vector<16xf32>
    %mul3A_305 = arith.mulf %mul3A_304, %get3A_303 : vector<16xf32>
    %add3A_306 = arith.addf %add3A_299, %mul3A_305 : vector<16xf32>
    %get3A_307 = arith.constant 3 : i32
    %get3A_308 = arith.index_cast %get3A_307 : i32 to index
    %get3A_309 = arith.constant 16 : index
    %get3A_310 = tpu.vector_load %arg6[%get3A_308, %get3A_309] {strides = array<i32>} : memref<8x1024xf32, #tpu.memory_space<vmem>>, vector<16xf32>,
    %mul3A_311 = vector.broadcast %squeeze3A_215 : f32 to vector<16xf32>
    %mul3A_312 = arith.mulf %mul3A_311, %get3A_310 : vector<16xf32>
    %add3A_313 = arith.addf %add3A_306, %mul3A_312 : vector<16xf32>
    %get3A_314 = arith.constant 4 : i32
    %get3A_315 = arith.index_cast %get3A_314 : i32 to index
    %get3A_316 = arith.constant 16 : index
    %get3A_317 = tpu.vector_load %arg6[%get3A_315, %get3A_316] {strides = array<i32>} : memref<8x1024xf32, #tpu.memory_space<vmem>>, vector<16xf32>,
    %mul3A_318 = vector.broadcast %squeeze3A_217 : f32 to vector<16xf32>
    %mul3A_319 = arith.mulf %mul3A_318, %get3A_317 : vector<16xf32>
    %add3A_320 = arith.addf %add3A_313, %mul3A_319 : vector<16xf32>
    %get3A_321 = arith.constant 5 : i32
    %get3A_322 = arith.index_cast %get3A_321 : i32 to index
    %get3A_323 = arith.constant 16 : index
    %get3A_324 = tpu.vector_load %arg6[%get3A_322, %get3A_323] {strides = array<i32>} : memref<8x1024xf32, #tpu.memory_space<vmem>>, vector<16xf32>,
    %mul3A_325 = vector.broadcast %squeeze3A_219 : f32 to vector<16xf32>
    %mul3A_326 = arith.mulf %mul3A_325, %get3A_324 : vector<16xf32>
    %add3A_327 = arith.addf %add3A_320, %mul3A_326 : vector<16xf32>
    %get3A_328 = arith.constant 6 : i32
    %get3A_329 = arith.index_cast %get3A_328 : i32 to index
    %get3A_330 = arith.constant 16 : index
    %get3A_331 = tpu.vector_load %arg6[%get3A_329, %get3A_330] {strides = array<i32>} : memref<8x1024xf32, #tpu.memory_space<vmem>>, vector<16xf32>,
    %mul3A_332 = vector.broadcast %squeeze3A_221 : f32 to vector<16xf32>
    %mul3A_333 = arith.mulf %mul3A_332, %get3A_331 : vector<16xf32>
    %add3A_334 = arith.addf %add3A_327, %mul3A_333 : vector<16xf32>
    %get3A_335 = arith.constant 7 : i32
    %get3A_336 = arith.index_cast %get3A_335 : i32 to index
    %get3A_337 = arith.constant 16 : index
    %get3A_338 = tpu.vector_load %arg6[%get3A_336, %get3A_337] {strides = array<i32>} : memref<8x1024xf32, #tpu.memory_space<vmem>>, vector<16xf32>,
    %mul3A_339 = vector.broadcast %squeeze3A_223 : f32 to vector<16xf32>
    %mul3A_340 = arith.mulf %mul3A_339, %get3A_338 : vector<16xf32>
    %add3A_341 = arith.addf %add3A_334, %mul3A_340 : vector<16xf32>
    %swap3A_342 = arith.constant 0 : i32
    %swap3A_343 = arith.index_cast %swap3A_342 : i32 to index
    %swap3A_344 = arith.constant 16 : index
    %swap3A_345 = tpu.vector_load %arg7[%swap3A_343, %swap3A_344] {strides = array<i32>} : memref<1x1024xf32, #tpu.memory_space<vmem>>, vector<16xf32>,
    tpu.vector_store %arg7[%swap3A_343, %swap3A_344], %add3A_341 {strides = array<i32>} : memref<1x1024xf32, #tpu.memory_space<vmem>>, vector<16xf32>,
    %broadcast_in_dim3A_346 = arith.constant 0.000000e+00 : f32
    %broadcast_in_dim3A_347 = vector.broadcast %broadcast_in_dim3A_346 : f32 to vector<16xf32>
    %get3A_348 = arith.constant 0 : i32
    %get3A_349 = arith.index_cast %get3A_348 : i32 to index
    %get3A_350 = arith.constant 32 : index
    %get3A_351 = tpu.vector_load %arg6[%get3A_349, %get3A_350] {strides = array<i32>} : memref<8x1024xf32, #tpu.memory_space<vmem>>, vector<16xf32>,
    %mul3A_352 = vector.broadcast %squeeze3A : f32 to vector<16xf32>
    %mul3A_353 = arith.mulf %mul3A_352, %get3A_351 : vector<16xf32>
    %add3A_354 = arith.addf %broadcast_in_dim3A_347, %mul3A_353 : vector<16xf32>
    %get3A_355 = arith.constant 1 : i32
    %get3A_356 = arith.index_cast %get3A_355 : i32 to index
    %get3A_357 = arith.constant 32 : index
    %get3A_358 = tpu.vector_load %arg6[%get3A_356, %get3A_357] {strides = array<i32>} : memref<8x1024xf32, #tpu.memory_space<vmem>>, vector<16xf32>,
    %mul3A_359 = vector.broadcast %squeeze3A_211 : f32 to vector<16xf32>
    %mul3A_360 = arith.mulf %mul3A_359, %get3A_358 : vector<16xf32>
    %add3A_361 = arith.addf %add3A_354, %mul3A_360 : vector<16xf32>
    %get3A_362 = arith.constant 2 : i32
    %get3A_363 = arith.index_cast %get3A_362 : i32 to index
    %get3A_364 = arith.constant 32 : index
    %get3A_365 = tpu.vector_load %arg6[%get3A_363, %get3A_364] {strides = array<i32>} : memref<8x1024xf32, #tpu.memory_space<vmem>>, vector<16xf32>,
    %mul3A_366 = vector.broadcast %squeeze3A_213 : f32 to vector<16xf32>
    %mul3A_367 = arith.mulf %mul3A_366, %get3A_365 : vector<16xf32>
    %add3A_368 = arith.addf %add3A_361, %mul3A_367 : vector<16xf32>
    %get3A_369 = arith.constant 3 : i32
    %get3A_370 = arith.index_cast %get3A_369 : i32 to index
    %get3A_371 = arith.constant 32 : index
    %get3A_372 = tpu.vector_load %arg6[%get3A_370, %get3A_371] {strides = array<i32>} : memref<8x1024xf32, #tpu.memory_space<vmem>>, vector<16xf32>,
    %mul3A_373 = vector.broadcast %squeeze3A_215 : f32 to vector<16xf32>
    %mul3A_374 = arith.mulf %mul3A_373, %get3A_372 : vector<16xf32>
    %add3A_375 = arith.addf %add3A_368, %mul3A_374 : vector<16xf32>
    %get3A_376 = arith.constant 4 : i32
    %get3A_377 = arith.index_cast %get3A_376 : i32 to index
    %get3A_378 = arith.constant 32 : index
    %get3A_379 = tpu.vector_load %arg6[%get3A_377, %get3A_378] {strides = array<i32>} : memref<8x1024xf32, #tpu.memory_space<vmem>>, vector<16xf32>,
    %mul3A_380 = vector.broadcast %squeeze3A_217 : f32 to vector<16xf32>
    %mul3A_381 = arith.mulf %mul3A_380, %get3A_379 : vector<16xf32>
    %add3A_382 = arith.addf %add3A_375, %mul3A_381 : vector<16xf32>
    %get3A_383 = arith.constant 5 : i32
    %get3A_384 = arith.index_cast %get3A_383 : i32 to index
    %get3A_385 = arith.constant 32 : index
    %get3A_386 = tpu.vector_load %arg6[%get3A_384, %get3A_385] {strides = array<i32>} : memref<8x1024xf32, #tpu.memory_space<vmem>>, vector<16xf32>,
    %mul3A_387 = vector.broadcast %squeeze3A_219 : f32 to vector<16xf32>
    %mul3A_388 = arith.mulf %mul3A_387, %get3A_386 : vector<16xf32>
    %add3A_389 = arith.addf %add3A_382, %mul3A_388 : vector<16xf32>
    %get3A_390 = arith.constant 6 : i32
    %get3A_391 = arith.index_cast %get3A_390 : i32 to index
    %get3A_392 = arith.constant 32 : index
    %get3A_393 = tpu.vector_load %arg6[%get3A_391, %get3A_392] {strides = array<i32>} : memref<8x1024xf32, #tpu.memory_space<vmem>>, vector<16xf32>,
    %mul3A_394 = vector.broadcast %squeeze3A_221 : f32 to vector<16xf32>
    %mul3A_395 = arith.mulf %mul3A_394, %get3A_393 : vector<16xf32>
    %add3A_396 = arith.addf %add3A_389, %mul3A_395 : vector<16xf32>
    %get3A_397 = arith.constant 7 : i32
    %get3A_398 = arith.index_cast %get3A_397 : i32 to index
    %get3A_399 = arith.constant 32 : index
    %get3A_400 = tpu.vector_load %arg6[%get3A_398, %get3A_399] {strides = array<i32>} : memref<8x1024xf32, #tpu.memory_space<vmem>>, vector<16xf32>,
    %mul3A_401 = vector.broadcast %squeeze3A_223 : f32 to vector<16xf32>
    %mul3A_402 = arith.mulf %mul3A_401, %get3A_400 : vector<16xf32>
    %add3A_403 = arith.addf %add3A_396, %mul3A_402 : vector<16xf32>
    %swap3A_404 = arith.constant 0 : i32
    %swap3A_405 = arith.index_cast %swap3A_404 : i32 to index
    %swap3A_406 = arith.constant 32 : index
    %swap3A_407 = tpu.vector_load %arg7[%swap3A_405, %swap3A_406] {strides = array<i32>} : memref<1x1024xf32, #tpu.memory_space<vmem>>, vector<16xf32>,
    tpu.vector_store %arg7[%swap3A_405, %swap3A_406], %add3A_403 {strides = array<i32>} : memref<1x1024xf32, #tpu.memory_space<vmem>>, vector<16xf32>,
    %broadcast_in_dim3A_408 = arith.constant 0.000000e+00 : f32
    %broadcast_in_dim3A_409 = vector.broadcast %broadcast_in_dim3A_408 : f32 to vector<16xf32>
    %get3A_410 = arith.constant 0 : i32
    %get3A_411 = arith.index_cast %get3A_410 : i32 to index
    %get3A_412 = arith.constant 48 : index
    %get3A_413 = tpu.vector_load %arg6[%get3A_411, %get3A_412] {strides = array<i32>} : memref<8x1024xf32, #tpu.memory_space<vmem>>, vector<16xf32>,
    %mul3A_414 = vector.broadcast %squeeze3A : f32 to vector<16xf32>
    %mul3A_415 = arith.mulf %mul3A_414, %get3A_413 : vector<16xf32>
    %add3A_416 = arith.addf %broadcast_in_dim3A_409, %mul3A_415 : vector<16xf32>
    %get3A_417 = arith.constant 1 : i32
    %get3A_418 = arith.index_cast %get3A_417 : i32 to index
    %get3A_419 = arith.constant 48 : index
    %get3A_420 = tpu.vector_load %arg6[%get3A_418, %get3A_419] {strides = array<i32>} : memref<8x1024xf32, #tpu.memory_space<vmem>>, vector<16xf32>,
    %mul3A_421 = vector.broadcast %squeeze3A_211 : f32 to vector<16xf32>
    %mul3A_422 = arith.mulf %mul3A_421, %get3A_420 : vector<16xf32>
    %add3A_423 = arith.addf %add3A_416, %mul3A_422 : vector<16xf32>
    %get3A_424 = arith.constant 2 : i32
    %get3A_425 = arith.index_cast %get3A_424 : i32 to index
    %get3A_426 = arith.constant 48 : index
    %get3A_427 = tpu.vector_load %arg6[%get3A_425, %get3A_426] {strides = array<i32>} : memref<8x1024xf32, #tpu.memory_space<vmem>>, vector<16xf32>,
    %mul3A_428 = vector.broadcast %squeeze3A_213 : f32 to vector<16xf32>
    %mul3A_429 = arith.mulf %mul3A_428, %get3A_427 : vector<16xf32>
    %add3A_430 = arith.addf %add3A_423, %mul3A_429 : vector<16xf32>
    %get3A_431 = arith.constant 3 : i32
    %get3A_432 = arith.index_cast %get3A_431 : i32 to index
    %get3A_433 = arith.constant 48 : index
    %get3A_434 = tpu.vector_load %arg6[%get3A_432, %get3A_433] {strides = array<i32>} : memref<8x1024xf32, #tpu.memory_space<vmem>>, vector<16xf32>,
    %mul3A_435 = vector.broadcast %squeeze3A_215 : f32 to vector<16xf32>
    %mul3A_436 = arith.mulf %mul3A_435, %get3A_434 : vector<16xf32>
    %add3A_437 = arith.addf %add3A_430, %mul3A_436 : vector<16xf32>
    %get3A_438 = arith.constant 4 : i32
    %get3A_439 = arith.index_cast %get3A_438 : i32 to index
    %get3A_440 = arith.constant 48 : index
    %get3A_441 = tpu.vector_load %arg6[%get3A_439, %get3A_440] {strides = array<i32>} : memref<8x1024xf32, #tpu.memory_space<vmem>>, vector<16xf32>,
    %mul3A_442 = vector.broadcast %squeeze3A_217 : f32 to vector<16xf32>
    %mul3A_443 = arith.mulf %mul3A_442, %get3A_441 : vector<16xf32>
    %add3A_444 = arith.addf %add3A_437, %mul3A_443 : vector<16xf32>
    %get3A_445 = arith.constant 5 : i32
    %get3A_446 = arith.index_cast %get3A_445 : i32 to index
    %get3A_447 = arith.constant 48 : index
    %get3A_448 = tpu.vector_load %arg6[%get3A_446, %get3A_447] {strides = array<i32>} : memref<8x1024xf32, #tpu.memory_space<vmem>>, vector<16xf32>,
    %mul3A_449 = vector.broadcast %squeeze3A_219 : f32 to vector<16xf32>
    %mul3A_450 = arith.mulf %mul3A_449, %get3A_448 : vector<16xf32>
    %add3A_451 = arith.addf %add3A_444, %mul3A_450 : vector<16xf32>
    %get3A_452 = arith.constant 6 : i32
    %get3A_453 = arith.index_cast %get3A_452 : i32 to index
    %get3A_454 = arith.constant 48 : index
    %get3A_455 = tpu.vector_load %arg6[%get3A_453, %get3A_454] {strides = array<i32>} : memref<8x1024xf32, #tpu.memory_space<vmem>>, vector<16xf32>,
    %mul3A_456 = vector.broadcast %squeeze3A_221 : f32 to vector<16xf32>
    %mul3A_457 = arith.mulf %mul3A_456, %get3A_455 : vector<16xf32>
    %add3A_458 = arith.addf %add3A_451, %mul3A_457 : vector<16xf32>
    %get3A_459 = arith.constant 7 : i32
    %get3A_460 = arith.index_cast %get3A_459 : i32 to index
    %get3A_461 = arith.constant 48 : index
    %get3A_462 = tpu.vector_load %arg6[%get3A_460, %get3A_461] {strides = array<i32>} : memref<8x1024xf32, #tpu.memory_space<vmem>>, vector<16xf32>,
    %mul3A_463 = vector.broadcast %squeeze3A_223 : f32 to vector<16xf32>
    %mul3A_464 = arith.mulf %mul3A_463, %get3A_462 : vector<16xf32>
    %add3A_465 = arith.addf %add3A_458, %mul3A_464 : vector<16xf32>
    %swap3A_466 = arith.constant 0 : i32
    %swap3A_467 = arith.index_cast %swap3A_466 : i32 to index
    %swap3A_468 = arith.constant 48 : index
    %swap3A_469 = tpu.vector_load %arg7[%swap3A_467, %swap3A_468] {strides = array<i32>} : memref<1x1024xf32, #tpu.memory_space<vmem>>, vector<16xf32>,
    tpu.vector_store %arg7[%swap3A_467, %swap3A_468], %add3A_465 {strides = array<i32>} : memref<1x1024xf32, #tpu.memory_space<vmem>>, vector<16xf32>,
    %broadcast_in_dim3A_470 = arith.constant 0.000000e+00 : f32
    %broadcast_in_dim3A_471 = vector.broadcast %broadcast_in_dim3A_470 : f32 to vector<16xf32>
    %get3A_472 = arith.constant 0 : i32
    %get3A_473 = arith.index_cast %get3A_472 : i32 to index
    %get3A_474 = arith.constant 64 : index
    %get3A_475 = tpu.vector_load %arg6[%get3A_473, %get3A_474] {strides = array<i32>} : memref<8x1024xf32, #tpu.memory_space<vmem>>, vector<16xf32>,
    %mul3A_476 = vector.broadcast %squeeze3A : f32 to vector<16xf32>
    %mul3A_477 = arith.mulf %mul3A_476, %get3A_475 : vector<16xf32>
    %add3A_478 = arith.addf %broadcast_in_dim3A_471, %mul3A_477 : vector<16xf32>
    %get3A_479 = arith.constant 1 : i32
    %get3A_480 = arith.index_cast %get3A_479 : i32 to index
    %get3A_481 = arith.constant 64 : index
    %get3A_482 = tpu.vector_load %arg6[%get3A_480, %get3A_481] {strides = array<i32>} : memref<8x1024xf32, #tpu.memory_space<vmem>>, vector<16xf32>,
    %mul3A_483 = vector.broadcast %squeeze3A_211 : f32 to vector<16xf32>
    %mul3A_484 = arith.mulf %mul3A_483, %get3A_482 : vector<16xf32>
    %add3A_485 = arith.addf %add3A_478, %mul3A_484 : vector<16xf32>
    %get3A_486 = arith.constant 2 : i32
    %get3A_487 = arith.index_cast %get3A_486 : i32 to index
    %get3A_488 = arith.constant 64 : index
    %get3A_489 = tpu.vector_load %arg6[%get3A_487, %get3A_488] {strides = array<i32>} : memref<8x1024xf32, #tpu.memory_space<vmem>>, vector<16xf32>,
    %mul3A_490 = vector.broadcast %squeeze3A_213 : f32 to vector<16xf32>
    %mul3A_491 = arith.mulf %mul3A_490, %get3A_489 : vector<16xf32>
    %add3A_492 = arith.addf %add3A_485, %mul3A_491 : vector<16xf32>
    %get3A_493 = arith.constant 3 : i32
    %get3A_494 = arith.index_cast %get3A_493 : i32 to index
    %get3A_495 = arith.constant 64 : index
    %get3A_496 = tpu.vector_load %arg6[%get3A_494, %get3A_495] {strides = array<i32>} : memref<8x1024xf32, #tpu.memory_space<vmem>>, vector<16xf32>,
    %mul3A_497 = vector.broadcast %squeeze3A_215 : f32 to vector<16xf32>
    %mul3A_498 = arith.mulf %mul3A_497, %get3A_496 : vector<16xf32>
    %add3A_499 = arith.addf %add3A_492, %mul3A_498 : vector<16xf32>
    %get3A_500 = arith.constant 4 : i32
    %get3A_501 = arith.index_cast %get3A_500 : i32 to index
    %get3A_502 = arith.constant 64 : index
    %get3A_503 = tpu.vector_load %arg6[%get3A_501, %get3A_502] {strides = array<i32>} : memref<8x1024xf32, #tpu.memory_space<vmem>>, vector<16xf32>,
    %mul3A_504 = vector.broadcast %squeeze3A_217 : f32 to vector<16xf32>
    %mul3A_505 = arith.mulf %mul3A_504, %get3A_503 : vector<16xf32>
    %add3A_506 = arith.addf %add3A_499, %mul3A_505 : vector<16xf32>
    %get3A_507 = arith.constant 5 : i32
    %get3A_508 = arith.index_cast %get3A_507 : i32 to index
    %get3A_509 = arith.constant 64 : index
    %get3A_510 = tpu.vector_load %arg6[%get3A_508, %get3A_509] {strides = array<i32>} : memref<8x1024xf32, #tpu.memory_space<vmem>>, vector<16xf32>,
    %mul3A_511 = vector.broadcast %squeeze3A_219 : f32 to vector<16xf32>
    %mul3A_512 = arith.mulf %mul3A_511, %get3A_510 : vector<16xf32>
    %add3A_513 = arith.addf %add3A_506, %mul3A_512 : vector<16xf32>
    %get3A_514 = arith.constant 6 : i32
    %get3A_515 = arith.index_cast %get3A_514 : i32 to index
    %get3A_516 = arith.constant 64 : index
    %get3A_517 = tpu.vector_load %arg6[%get3A_515, %get3A_516] {strides = array<i32>} : memref<8x1024xf32, #tpu.memory_space<vmem>>, vector<16xf32>,
    %mul3A_518 = vector.broadcast %squeeze3A_221 : f32 to vector<16xf32>
    %mul3A_519 = arith.mulf %mul3A_518, %get3A_517 : vector<16xf32>
    %add3A_520 = arith.addf %add3A_513, %mul3A_519 : vector<16xf32>
    %get3A_521 = arith.constant 7 : i32
    %get3A_522 = arith.index_cast %get3A_521 : i32 to index
    %get3A_523 = arith.constant 64 : index
    %get3A_524 = tpu.vector_load %arg6[%get3A_522, %get3A_523] {strides = array<i32>} : memref<8x1024xf32, #tpu.memory_space<vmem>>, vector<16xf32>,
    %mul3A_525 = vector.broadcast %squeeze3A_223 : f32 to vector<16xf32>
    %mul3A_526 = arith.mulf %mul3A_525, %get3A_524 : vector<16xf32>
    %add3A_527 = arith.addf %add3A_520, %mul3A_526 : vector<16xf32>
    %swap3A_528 = arith.constant 0 : i32
    %swap3A_529 = arith.index_cast %swap3A_528 : i32 to index
    %swap3A_530 = arith.constant 64 : index
    %swap3A_531 = tpu.vector_load %arg7[%swap3A_529, %swap3A_530] {strides = array<i32>} : memref<1x1024xf32, #tpu.memory_space<vmem>>, vector<16xf32>,
    tpu.vector_store %arg7[%swap3A_529, %swap3A_530], %add3A_527 {strides = array<i32>} : memref<1x1024xf32, #tpu.memory_space<vmem>>, vector<16xf32>,
    %broadcast_in_dim3A_532 = arith.constant 0.000000e+00 : f32
    %broadcast_in_dim3A_533 = vector.broadcast %broadcast_in_dim3A_532 : f32 to vector<16xf32>
    %get3A_534 = arith.constant 0 : i32
    %get3A_535 = arith.index_cast %get3A_534 : i32 to index
    %get3A_536 = arith.constant 80 : index
    %get3A_537 = tpu.vector_load %arg6[%get3A_535, %get3A_536] {strides = array<i32>} : memref<8x1024xf32, #tpu.memory_space<vmem>>, vector<16xf32>,
    %mul3A_538 = vector.broadcast %squeeze3A : f32 to vector<16xf32>
    %mul3A_539 = arith.mulf %mul3A_538, %get3A_537 : vector<16xf32>
    %add3A_540 = arith.addf %broadcast_in_dim3A_533, %mul3A_539 : vector<16xf32>
    %get3A_541 = arith.constant 1 : i32
    %get3A_542 = arith.index_cast %get3A_541 : i32 to index
    %get3A_543 = arith.constant 80 : index
    %get3A_544 = tpu.vector_load %arg6[%get3A_542, %get3A_543] {strides = array<i32>} : memref<8x1024xf32, #tpu.memory_space<vmem>>, vector<16xf32>,
    %mul3A_545 = vector.broadcast %squeeze3A_211 : f32 to vector<16xf32>
    %mul3A_546 = arith.mulf %mul3A_545, %get3A_544 : vector<16xf32>
    %add3A_547 = arith.addf %add3A_540, %mul3A_546 : vector<16xf32>
    %get3A_548 = arith.constant 2 : i32
    %get3A_549 = arith.index_cast %get3A_548 : i32 to index
    %get3A_550 = arith.constant 80 : index
    %get3A_551 = tpu.vector_load %arg6[%get3A_549, %get3A_550] {strides = array<i32>} : memref<8x1024xf32, #tpu.memory_space<vmem>>, vector<16xf32>,
    %mul3A_552 = vector.broadcast %squeeze3A_213 : f32 to vector<16xf32>
    %mul3A_553 = arith.mulf %mul3A_552, %get3A_551 : vector<16xf32>
    %add3A_554 = arith.addf %add3A_547, %mul3A_553 : vector<16xf32>
    %get3A_555 = arith.constant 3 : i32
    %get3A_556 = arith.index_cast %get3A_555 : i32 to index
    %get3A_557 = arith.constant 80 : index
    %get3A_558 = tpu.vector_load %arg6[%get3A_556, %get3A_557] {strides = array<i32>} : memref<8x1024xf32, #tpu.memory_space<vmem>>, vector<16xf32>,
    %mul3A_559 = vector.broadcast %squeeze3A_215 : f32 to vector<16xf32>
    %mul3A_560 = arith.mulf %mul3A_559, %get3A_558 : vector<16xf32>
    %add3A_561 = arith.addf %add3A_554, %mul3A_560 : vector<16xf32>
    %get3A_562 = arith.constant 4 : i32
    %get3A_563 = arith.index_cast %get3A_562 : i32 to index
    %get3A_564 = arith.constant 80 : index
    %get3A_565 = tpu.vector_load %arg6[%get3A_563, %get3A_564] {strides = array<i32>} : memref<8x1024xf32, #tpu.memory_space<vmem>>, vector<16xf32>,
    %mul3A_566 = vector.broadcast %squeeze3A_217 : f32 to vector<16xf32>
    %mul3A_567 = arith.mulf %mul3A_566, %get3A_565 : vector<16xf32>
    %add3A_568 = arith.addf %add3A_561, %mul3A_567 : vector<16xf32>
    %get3A_569 = arith.constant 5 : i32
    %get3A_570 = arith.index_cast %get3A_569 : i32 to index
    %get3A_571 = arith.constant 80 : index
    %get3A_572 = tpu.vector_load %arg6[%get3A_570, %get3A_571] {strides = array<i32>} : memref<8x1024xf32, #tpu.memory_space<vmem>>, vector<16xf32>,
    %mul3A_573 = vector.broadcast %squeeze3A_219 : f32 to vector<16xf32>
    %mul3A_574 = arith.mulf %mul3A_573, %get3A_572 : vector<16xf32>
    %add3A_575 = arith.addf %add3A_568, %mul3A_574 : vector<16xf32>
    %get3A_576 = arith.constant 6 : i32
    %get3A_577 = arith.index_cast %get3A_576 : i32 to index
    %get3A_578 = arith.constant 80 : index
    %get3A_579 = tpu.vector_load %arg6[%get3A_577, %get3A_578] {strides = array<i32>} : memref<8x1024xf32, #tpu.memory_space<vmem>>, vector<16xf32>,
    %mul3A_580 = vector.broadcast %squeeze3A_221 : f32 to vector<16xf32>
    %mul3A_581 = arith.mulf %mul3A_580, %get3A_579 : vector<16xf32>
    %add3A_582 = arith.addf %add3A_575, %mul3A_581 : vector<16xf32>
    %get3A_583 = arith.constant 7 : i32
    %get3A_584 = arith.index_cast %get3A_583 : i32 to index
    %get3A_585 = arith.constant 80 : index
    %get3A_586 = tpu.vector_load %arg6[%get3A_584, %get3A_585] {strides = array<i32>} : memref<8x1024xf32, #tpu.memory_space<vmem>>, vector<16xf32>,
    %mul3A_587 = vector.broadcast %squeeze3A_223 : f32 to vector<16xf32>
    %mul3A_588 = arith.mulf %mul3A_587, %get3A_586 : vector<16xf32>
    %add3A_589 = arith.addf %add3A_582, %mul3A_588 : vector<16xf32>
    %swap3A_590 = arith.constant 0 : i32
    %swap3A_591 = arith.index_cast %swap3A_590 : i32 to index
    %swap3A_592 = arith.constant 80 : index
    %swap3A_593 = tpu.vector_load %arg7[%swap3A_591, %swap3A_592] {strides = array<i32>} : memref<1x1024xf32, #tpu.memory_space<vmem>>, vector<16xf32>,
    tpu.vector_store %arg7[%swap3A_591, %swap3A_592], %add3A_589 {strides = array<i32>} : memref<1x1024xf32, #tpu.memory_space<vmem>>, vector<16xf32>,
    %broadcast_in_dim3A_594 = arith.constant 0.000000e+00 : f32
    %broadcast_in_dim3A_595 = vector.broadcast %broadcast_in_dim3A_594 : f32 to vector<16xf32>
    %get3A_596 = arith.constant 0 : i32
    %get3A_597 = arith.index_cast %get3A_596 : i32 to index
    %get3A_598 = arith.constant 96 : index
    %get3A_599 = tpu.vector_load %arg6[%get3A_597, %get3A_598] {strides = array<i32>} : memref<8x1024xf32, #tpu.memory_space<vmem>>, vector<16xf32>,
    %mul3A_600 = vector.broadcast %squeeze3A : f32 to vector<16xf32>
    %mul3A_601 = arith.mulf %mul3A_600, %get3A_599 : vector<16xf32>
    %add3A_602 = arith.addf %broadcast_in_dim3A_595, %mul3A_601 : vector<16xf32>
    %get3A_603 = arith.constant 1 : i32
    %get3A_604 = arith.index_cast %get3A_603 : i32 to index
    %get3A_605 = arith.constant 96 : index
    %get3A_606 = tpu.vector_load %arg6[%get3A_604, %get3A_605] {strides = array<i32>} : memref<8x1024xf32, #tpu.memory_space<vmem>>, vector<16xf32>,
    %mul3A_607 = vector.broadcast %squeeze3A_211 : f32 to vector<16xf32>
    %mul3A_608 = arith.mulf %mul3A_607, %get3A_606 : vector<16xf32>
    %add3A_609 = arith.addf %add3A_602, %mul3A_608 : vector<16xf32>
    %get3A_610 = arith.constant 2 : i32
    %get3A_611 = arith.index_cast %get3A_610 : i32 to index
    %get3A_612 = arith.constant 96 : index
    %get3A_613 = tpu.vector_load %arg6[%get3A_611, %get3A_612] {strides = array<i32>} : memref<8x1024xf32, #tpu.memory_space<vmem>>, vector<16xf32>,
    %mul3A_614 = vector.broadcast %squeeze3A_213 : f32 to vector<16xf32>
    %mul3A_615 = arith.mulf %mul3A_614, %get3A_613 : vector<16xf32>
    %add3A_616 = arith.addf %add3A_609, %mul3A_615 : vector<16xf32>
    %get3A_617 = arith.constant 3 : i32
    %get3A_618 = arith.index_cast %get3A_617 : i32 to index
    %get3A_619 = arith.constant 96 : index
    %get3A_620 = tpu.vector_load %arg6[%get3A_618, %get3A_619] {strides = array<i32>} : memref<8x1024xf32, #tpu.memory_space<vmem>>, vector<16xf32>,
    %mul3A_621 = vector.broadcast %squeeze3A_215 : f32 to vector<16xf32>
    %mul3A_622 = arith.mulf %mul3A_621, %get3A_620 : vector<16xf32>
    %add3A_623 = arith.addf %add3A_616, %mul3A_622 : vector<16xf32>
    %get3A_624 = arith.constant 4 : i32
    %get3A_625 = arith.index_cast %get3A_624 : i32 to index
    %get3A_626 = arith.constant 96 : index
    %get3A_627 = tpu.vector_load %arg6[%get3A_625, %get3A_626] {strides = array<i32>} : memref<8x1024xf32, #tpu.memory_space<vmem>>, vector<16xf32>,
    %mul3A_628 = vector.broadcast %squeeze3A_217 : f32 to vector<16xf32>
    %mul3A_629 = arith.mulf %mul3A_628, %get3A_627 : vector<16xf32>
    %add3A_630 = arith.addf %add3A_623, %mul3A_629 : vector<16xf32>
    %get3A_631 = arith.constant 5 : i32
    %get3A_632 = arith.index_cast %get3A_631 : i32 to index
    %get3A_633 = arith.constant 96 : index
    %get3A_634 = tpu.vector_load %arg6[%get3A_632, %get3A_633] {strides = array<i32>} : memref<8x1024xf32, #tpu.memory_space<vmem>>, vector<16xf32>,
    %mul3A_635 = vector.broadcast %squeeze3A_219 : f32 to vector<16xf32>
    %mul3A_636 = arith.mulf %mul3A_635, %get3A_634 : vector<16xf32>
    %add3A_637 = arith.addf %add3A_630, %mul3A_636 : vector<16xf32>
    %get3A_638 = arith.constant 6 : i32
    %get3A_639 = arith.index_cast %get3A_638 : i32 to index
    %get3A_640 = arith.constant 96 : index
    %get3A_641 = tpu.vector_load %arg6[%get3A_639, %get3A_640] {strides = array<i32>} : memref<8x1024xf32, #tpu.memory_space<vmem>>, vector<16xf32>,
    %mul3A_642 = vector.broadcast %squeeze3A_221 : f32 to vector<16xf32>
    %mul3A_643 = arith.mulf %mul3A_642, %get3A_641 : vector<16xf32>
    %add3A_644 = arith.addf %add3A_637, %mul3A_643 : vector<16xf32>
    %get3A_645 = arith.constant 7 : i32
    %get3A_646 = arith.index_cast %get3A_645 : i32 to index
    %get3A_647 = arith.constant 96 : index
    %get3A_648 = tpu.vector_load %arg6[%get3A_646, %get3A_647] {strides = array<i32>} : memref<8x1024xf32, #tpu.memory_space<vmem>>, vector<16xf32>,
    %mul3A_649 = vector.broadcast %squeeze3A_223 : f32 to vector<16xf32>
    %mul3A_650 = arith.mulf %mul3A_649, %get3A_648 : vector<16xf32>
    %add3A_651 = arith.addf %add3A_644, %mul3A_650 : vector<16xf32>
    %swap3A_652 = arith.constant 0 : i32
    %swap3A_653 = arith.index_cast %swap3A_652 : i32 to index
    %swap3A_654 = arith.constant 96 : index
    %swap3A_655 = tpu.vector_load %arg7[%swap3A_653, %swap3A_654] {strides = array<i32>} : memref<1x1024xf32, #tpu.memory_space<vmem>>, vector<16xf32>,
    tpu.vector_store %arg7[%swap3A_653, %swap3A_654], %add3A_651 {strides = array<i32>} : memref<1x1024xf32, #tpu.memory_space<vmem>>, vector<16xf32>,
    %broadcast_in_dim3A_656 = arith.constant 0.000000e+00 : f32
    %broadcast_in_dim3A_657 = vector.broadcast %broadcast_in_dim3A_656 : f32 to vector<16xf32>
    %get3A_658 = arith.constant 0 : i32
    %get3A_659 = arith.index_cast %get3A_658 : i32 to index
    %get3A_660 = arith.constant 112 : index
    %get3A_661 = tpu.vector_load %arg6[%get3A_659, %get3A_660] {strides = array<i32>} : memref<8x1024xf32, #tpu.memory_space<vmem>>, vector<16xf32>,
    %mul3A_662 = vector.broadcast %squeeze3A : f32 to vector<16xf32>
    %mul3A_663 = arith.mulf %mul3A_662, %get3A_661 : vector<16xf32>
    %add3A_664 = arith.addf %broadcast_in_dim3A_657, %mul3A_663 : vector<16xf32>
    %get3A_665 = arith.constant 1 : i32
    %get3A_666 = arith.index_cast %get3A_665 : i32 to index
    %get3A_667 = arith.constant 112 : index
    %get3A_668 = tpu.vector_load %arg6[%get3A_666, %get3A_667] {strides = array<i32>} : memref<8x1024xf32, #tpu.memory_space<vmem>>, vector<16xf32>,
    %mul3A_669 = vector.broadcast %squeeze3A_211 : f32 to vector<16xf32>
    %mul3A_670 = arith.mulf %mul3A_669, %get3A_668 : vector<16xf32>
    %add3A_671 = arith.addf %add3A_664, %mul3A_670 : vector<16xf32>
    %get3A_672 = arith.constant 2 : i32
    %get3A_673 = arith.index_cast %get3A_672 : i32 to index
    %get3A_674 = arith.constant 112 : index
    %get3A_675 = tpu.vector_load %arg6[%get3A_673, %get3A_674] {strides = array<i32>} : memref<8x1024xf32, #tpu.memory_space<vmem>>, vector<16xf32>,
    %mul3A_676 = vector.broadcast %squeeze3A_213 : f32 to vector<16xf32>
    %mul3A_677 = arith.mulf %mul3A_676, %get3A_675 : vector<16xf32>
    %add3A_678 = arith.addf %add3A_671, %mul3A_677 : vector<16xf32>
    %get3A_679 = arith.constant 3 : i32
    %get3A_680 = arith.index_cast %get3A_679 : i32 to index
    %get3A_681 = arith.constant 112 : index
    %get3A_682 = tpu.vector_load %arg6[%get3A_680, %get3A_681] {strides = array<i32>} : memref<8x1024xf32, #tpu.memory_space<vmem>>, vector<16xf32>,
    %mul3A_683 = vector.broadcast %squeeze3A_215 : f32 to vector<16xf32>
    %mul3A_684 = arith.mulf %mul3A_683, %get3A_682 : vector<16xf32>
    %add3A_685 = arith.addf %add3A_678, %mul3A_684 : vector<16xf32>
    %get3A_686 = arith.constant 4 : i32
    %get3A_687 = arith.index_cast %get3A_686 : i32 to index
    %get3A_688 = arith.constant 112 : index
    %get3A_689 = tpu.vector_load %arg6[%get3A_687, %get3A_688] {strides = array<i32>} : memref<8x1024xf32, #tpu.memory_space<vmem>>, vector<16xf32>,
    %mul3A_690 = vector.broadcast %squeeze3A_217 : f32 to vector<16xf32>
    %mul3A_691 = arith.mulf %mul3A_690, %get3A_689 : vector<16xf32>
    %add3A_692 = arith.addf %add3A_685, %mul3A_691 : vector<16xf32>
    %get3A_693 = arith.constant 5 : i32
    %get3A_694 = arith.index_cast %get3A_693 : i32 to index
    %get3A_695 = arith.constant 112 : index
    %get3A_696 = tpu.vector_load %arg6[%get3A_694, %get3A_695] {strides = array<i32>} : memref<8x1024xf32, #tpu.memory_space<vmem>>, vector<16xf32>,
    %mul3A_697 = vector.broadcast %squeeze3A_219 : f32 to vector<16xf32>
    %mul3A_698 = arith.mulf %mul3A_697, %get3A_696 : vector<16xf32>
    %add3A_699 = arith.addf %add3A_692, %mul3A_698 : vector<16xf32>
    %get3A_700 = arith.constant 6 : i32
    %get3A_701 = arith.index_cast %get3A_700 : i32 to index
    %get3A_702 = arith.constant 112 : index
    %get3A_703 = tpu.vector_load %arg6[%get3A_701, %get3A_702] {strides = array<i32>} : memref<8x1024xf32, #tpu.memory_space<vmem>>, vector<16xf32>,
    %mul3A_704 = vector.broadcast %squeeze3A_221 : f32 to vector<16xf32>
    %mul3A_705 = arith.mulf %mul3A_704, %get3A_703 : vector<16xf32>
    %add3A_706 = arith.addf %add3A_699, %mul3A_705 : vector<16xf32>
    %get3A_707 = arith.constant 7 : i32
    %get3A_708 = arith.index_cast %get3A_707 : i32 to index
    %get3A_709 = arith.constant 112 : index
    %get3A_710 = tpu.vector_load %arg6[%get3A_708, %get3A_709] {strides = array<i32>} : memref<8x1024xf32, #tpu.memory_space<vmem>>, vector<16xf32>,
    %mul3A_711 = vector.broadcast %squeeze3A_223 : f32 to vector<16xf32>
    %mul3A_712 = arith.mulf %mul3A_711, %get3A_710 : vector<16xf32>
    %add3A_713 = arith.addf %add3A_706, %mul3A_712 : vector<16xf32>
    %swap3A_714 = arith.constant 0 : i32
    %swap3A_715 = arith.index_cast %swap3A_714 : i32 to index
    %swap3A_716 = arith.constant 112 : index
    %swap3A_717 = tpu.vector_load %arg7[%swap3A_715, %swap3A_716] {strides = array<i32>} : memref<1x1024xf32, #tpu.memory_space<vmem>>, vector<16xf32>,
    tpu.vector_store %arg7[%swap3A_715, %swap3A_716], %add3A_713 {strides = array<i32>} : memref<1x1024xf32, #tpu.memory_space<vmem>>, vector<16xf32>,
    %broadcast_in_dim3A_718 = arith.constant 0.000000e+00 : f32
    %broadcast_in_dim3A_719 = vector.broadcast %broadcast_in_dim3A_718 : f32 to vector<16xf32>
    %get3A_720 = arith.constant 0 : i32
    %get3A_721 = arith.index_cast %get3A_720 : i32 to index
    %get3A_722 = arith.constant 128 : index
    %get3A_723 = tpu.vector_load %arg6[%get3A_721, %get3A_722] {strides = array<i32>} : memref<8x1024xf32, #tpu.memory_space<vmem>>, vector<16xf32>,
    %mul3A_724 = vector.broadcast %squeeze3A : f32 to vector<16xf32>
    %mul3A_725 = arith.mulf %mul3A_724, %get3A_723 : vector<16xf32>
    %add3A_726 = arith.addf %broadcast_in_dim3A_719, %mul3A_725 : vector<16xf32>
    %get3A_727 = arith.constant 1 : i32
    %get3A_728 = arith.index_cast %get3A_727 : i32 to index
    %get3A_729 = arith.constant 128 : index
    %get3A_730 = tpu.vector_load %arg6[%get3A_728, %get3A_729] {strides = array<i32>} : memref<8x1024xf32, #tpu.memory_space<vmem>>, vector<16xf32>,
    %mul3A_731 = vector.broadcast %squeeze3A_211 : f32 to vector<16xf32>
    %mul3A_732 = arith.mulf %mul3A_731, %get3A_730 : vector<16xf32>
    %add3A_733 = arith.addf %add3A_726, %mul3A_732 : vector<16xf32>
    %get3A_734 = arith.constant 2 : i32
    %get3A_735 = arith.index_cast %get3A_734 : i32 to index
    %get3A_736 = arith.constant 128 : index
    %get3A_737 = tpu.vector_load %arg6[%get3A_735, %get3A_736] {strides = array<i32>} : memref<8x1024xf32, #tpu.memory_space<vmem>>, vector<16xf32>,
    %mul3A_738 = vector.broadcast %squeeze3A_213 : f32 to vector<16xf32>
    %mul3A_739 = arith.mulf %mul3A_738, %get3A_737 : vector<16xf32>
    %add3A_740 = arith.addf %add3A_733, %mul3A_739 : vector<16xf32>
    %get3A_741 = arith.constant 3 : i32
    %get3A_742 = arith.index_cast %get3A_741 : i32 to index
    %get3A_743 = arith.constant 128 : index
    %get3A_744 = tpu.vector_load %arg6[%get3A_742, %get3A_743] {strides = array<i32>} : memref<8x1024xf32, #tpu.memory_space<vmem>>, vector<16xf32>,
    %mul3A_745 = vector.broadcast %squeeze3A_215 : f32 to vector<16xf32>
    %mul3A_746 = arith.mulf %mul3A_745, %get3A_744 : vector<16xf32>
    %add3A_747 = arith.addf %add3A_740, %mul3A_746 : vector<16xf32>
    %get3A_748 = arith.constant 4 : i32
    %get3A_749 = arith.index_cast %get3A_748 : i32 to index
    %get3A_750 = arith.constant 128 : index
    %get3A_751 = tpu.vector_load %arg6[%get3A_749, %get3A_750] {strides = array<i32>} : memref<8x1024xf32, #tpu.memory_space<vmem>>, vector<16xf32>,
    %mul3A_752 = vector.broadcast %squeeze3A_217 : f32 to vector<16xf32>
    %mul3A_753 = arith.mulf %mul3A_752, %get3A_751 : vector<16xf32>
    %add3A_754 = arith.addf %add3A_747, %mul3A_753 : vector<16xf32>
    %get3A_755 = arith.constant 5 : i32
    %get3A_756 = arith.index_cast %get3A_755 : i32 to index
    %get3A_757 = arith.constant 128 : index
    %get3A_758 = tpu.vector_load %arg6[%get3A_756, %get3A_757] {strides = array<i32>} : memref<8x1024xf32, #tpu.memory_space<vmem>>, vector<16xf32>,
    %mul3A_759 = vector.broadcast %squeeze3A_219 : f32 to vector<16xf32>
    %mul3A_760 = arith.mulf %mul3A_759, %get3A_758 : vector<16xf32>
    %add3A_761 = arith.addf %add3A_754, %mul3A_760 : vector<16xf32>
    %get3A_762 = arith.constant 6 : i32
    %get3A_763 = arith.index_cast %get3A_762 : i32 to index
    %get3A_764 = arith.constant 128 : index
    %get3A_765 = tpu.vector_load %arg6[%get3A_763, %get3A_764] {strides = array<i32>} : memref<8x1024xf32, #tpu.memory_space<vmem>>, vector<16xf32>,
    %mul3A_766 = vector.broadcast %squeeze3A_221 : f32 to vector<16xf32>
    %mul3A_767 = arith.mulf %mul3A_766, %get3A_765 : vector<16xf32>
    %add3A_768 = arith.addf %add3A_761, %mul3A_767 : vector<16xf32>
    %get3A_769 = arith.constant 7 : i32
    %get3A_770 = arith.index_cast %get3A_769 : i32 to index
    %get3A_771 = arith.constant 128 : index
    %get3A_772 = tpu.vector_load %arg6[%get3A_770, %get3A_771] {strides = array<i32>} : memref<8x1024xf32, #tpu.memory_space<vmem>>, vector<16xf32>,
    %mul3A_773 = vector.broadcast %squeeze3A_223 : f32 to vector<16xf32>
    %mul3A_774 = arith.mulf %mul3A_773, %get3A_772 : vector<16xf32>
    %add3A_775 = arith.addf %add3A_768, %mul3A_774 : vector<16xf32>
    %swap3A_776 = arith.constant 0 : i32
    %swap3A_777 = arith.index_cast %swap3A_776 : i32 to index
    %swap3A_778 = arith.constant 128 : index
    %swap3A_779 = tpu.vector_load %arg7[%swap3A_777, %swap3A_778] {strides = array<i32>} : memref<1x1024xf32, #tpu.memory_space<vmem>>, vector<16xf32>,
    tpu.vector_store %arg7[%swap3A_777, %swap3A_778], %add3A_775 {strides = array<i32>} : memref<1x1024xf32, #tpu.memory_space<vmem>>, vector<16xf32>,
    %broadcast_in_dim3A_780 = arith.constant 0.000000e+00 : f32
    %broadcast_in_dim3A_781 = vector.broadcast %broadcast_in_dim3A_780 : f32 to vector<16xf32>
    %get3A_782 = arith.constant 0 : i32
    %get3A_783 = arith.index_cast %get3A_782 : i32 to index
    %get3A_784 = arith.constant 144 : index
    %get3A_785 = tpu.vector_load %arg6[%get3A_783, %get3A_784] {strides = array<i32>} : memref<8x1024xf32, #tpu.memory_space<vmem>>, vector<16xf32>,
    %mul3A_786 = vector.broadcast %squeeze3A : f32 to vector<16xf32>
    %mul3A_787 = arith.mulf %mul3A_786, %get3A_785 : vector<16xf32>
    %add3A_788 = arith.addf %broadcast_in_dim3A_781, %mul3A_787 : vector<16xf32>
    %get3A_789 = arith.constant 1 : i32
    %get3A_790 = arith.index_cast %get3A_789 : i32 to index
    %get3A_791 = arith.constant 144 : index
    %get3A_792 = tpu.vector_load %arg6[%get3A_790, %get3A_791] {strides = array<i32>} : memref<8x1024xf32, #tpu.memory_space<vmem>>, vector<16xf32>,
    %mul3A_793 = vector.broadcast %squeeze3A_211 : f32 to vector<16xf32>
    %mul3A_794 = arith.mulf %mul3A_793, %get3A_792 : vector<16xf32>
    %add3A_795 = arith.addf %add3A_788, %mul3A_794 : vector<16xf32>
    %get3A_796 = arith.constant 2 : i32
    %get3A_797 = arith.index_cast %get3A_796 : i32 to index
    %get3A_798 = arith.constant 144 : index
    %get3A_799 = tpu.vector_load %arg6[%get3A_797, %get3A_798] {strides = array<i32>} : memref<8x1024xf32, #tpu.memory_space<vmem>>, vector<16xf32>,
    %mul3A_800 = vector.broadcast %squeeze3A_213 : f32 to vector<16xf32>
    %mul3A_801 = arith.mulf %mul3A_800, %get3A_799 : vector<16xf32>
    %add3A_802 = arith.addf %add3A_795, %mul3A_801 : vector<16xf32>
    %get3A_803 = arith.constant 3 : i32
    %get3A_804 = arith.index_cast %get3A_803 : i32 to index
    %get3A_805 = arith.constant 144 : index
    %get3A_806 = tpu.vector_load %arg6[%get3A_804, %get3A_805] {strides = array<i32>} : memref<8x1024xf32, #tpu.memory_space<vmem>>, vector<16xf32>,
    %mul3A_807 = vector.broadcast %squeeze3A_215 : f32 to vector<16xf32>
    %mul3A_808 = arith.mulf %mul3A_807, %get3A_806 : vector<16xf32>
    %add3A_809 = arith.addf %add3A_802, %mul3A_808 : vector<16xf32>
    %get3A_810 = arith.constant 4 : i32
    %get3A_811 = arith.index_cast %get3A_810 : i32 to index
    %get3A_812 = arith.constant 144 : index
    %get3A_813 = tpu.vector_load %arg6[%get3A_811, %get3A_812] {strides = array<i32>} : memref<8x1024xf32, #tpu.memory_space<vmem>>, vector<16xf32>,
    %mul3A_814 = vector.broadcast %squeeze3A_217 : f32 to vector<16xf32>
    %mul3A_815 = arith.mulf %mul3A_814, %get3A_813 : vector<16xf32>
    %add3A_816 = arith.addf %add3A_809, %mul3A_815 : vector<16xf32>
    %get3A_817 = arith.constant 5 : i32
    %get3A_818 = arith.index_cast %get3A_817 : i32 to index
    %get3A_819 = arith.constant 144 : index
    %get3A_820 = tpu.vector_load %arg6[%get3A_818, %get3A_819] {strides = array<i32>} : memref<8x1024xf32, #tpu.memory_space<vmem>>, vector<16xf32>,
    %mul3A_821 = vector.broadcast %squeeze3A_219 : f32 to vector<16xf32>
    %mul3A_822 = arith.mulf %mul3A_821, %get3A_820 : vector<16xf32>
    %add3A_823 = arith.addf %add3A_816, %mul3A_822 : vector<16xf32>
    %get3A_824 = arith.constant 6 : i32
    %get3A_825 = arith.index_cast %get3A_824 : i32 to index
    %get3A_826 = arith.constant 144 : index
    %get3A_827 = tpu.vector_load %arg6[%get3A_825, %get3A_826] {strides = array<i32>} : memref<8x1024xf32, #tpu.memory_space<vmem>>, vector<16xf32>,
    %mul3A_828 = vector.broadcast %squeeze3A_221 : f32 to vector<16xf32>
    %mul3A_829 = arith.mulf %mul3A_828, %get3A_827 : vector<16xf32>
    %add3A_830 = arith.addf %add3A_823, %mul3A_829 : vector<16xf32>
    %get3A_831 = arith.constant 7 : i32
    %get3A_832 = arith.index_cast %get3A_831 : i32 to index
    %get3A_833 = arith.constant 144 : index
    %get3A_834 = tpu.vector_load %arg6[%get3A_832, %get3A_833] {strides = array<i32>} : memref<8x1024xf32, #tpu.memory_space<vmem>>, vector<16xf32>,
    %mul3A_835 = vector.broadcast %squeeze3A_223 : f32 to vector<16xf32>
    %mul3A_836 = arith.mulf %mul3A_835, %get3A_834 : vector<16xf32>
    %add3A_837 = arith.addf %add3A_830, %mul3A_836 : vector<16xf32>
    %swap3A_838 = arith.constant 0 : i32
    %swap3A_839 = arith.index_cast %swap3A_838 : i32 to index
    %swap3A_840 = arith.constant 144 : index
    %swap3A_841 = tpu.vector_load %arg7[%swap3A_839, %swap3A_840] {strides = array<i32>} : memref<1x1024xf32, #tpu.memory_space<vmem>>, vector<16xf32>,
    tpu.vector_store %arg7[%swap3A_839, %swap3A_840], %add3A_837 {strides = array<i32>} : memref<1x1024xf32, #tpu.memory_space<vmem>>, vector<16xf32>,
    %broadcast_in_dim3A_842 = arith.constant 0.000000e+00 : f32
    %broadcast_in_dim3A_843 = vector.broadcast %broadcast_in_dim3A_842 : f32 to vector<16xf32>
    %get3A_844 = arith.constant 0 : i32
    %get3A_845 = arith.index_cast %get3A_844 : i32 to index
    %get3A_846 = arith.constant 160 : index
    %get3A_847 = tpu.vector_load %arg6[%get3A_845, %get3A_846] {strides = array<i32>} : memref<8x1024xf32, #tpu.memory_space<vmem>>, vector<16xf32>,
    %mul3A_848 = vector.broadcast %squeeze3A : f32 to vector<16xf32>
    %mul3A_849 = arith.mulf %mul3A_848, %get3A_847 : vector<16xf32>
    %add3A_850 = arith.addf %broadcast_in_dim3A_843, %mul3A_849 : vector<16xf32>
    %get3A_851 = arith.constant 1 : i32
    %get3A_852 = arith.index_cast %get3A_851 : i32 to index
    %get3A_853 = arith.constant 160 : index
    %get3A_854 = tpu.vector_load %arg6[%get3A_852, %get3A_853] {strides = array<i32>} : memref<8x1024xf32, #tpu.memory_space<vmem>>, vector<16xf32>,
    %mul3A_855 = vector.broadcast %squeeze3A_211 : f32 to vector<16xf32>
    %mul3A_856 = arith.mulf %mul3A_855, %get3A_854 : vector<16xf32>
    %add3A_857 = arith.addf %add3A_850, %mul3A_856 : vector<16xf32>
    %get3A_858 = arith.constant 2 : i32
    %get3A_859 = arith.index_cast %get3A_858 : i32 to index
    %get3A_860 = arith.constant 160 : index
    %get3A_861 = tpu.vector_load %arg6[%get3A_859, %get3A_860] {strides = array<i32>} : memref<8x1024xf32, #tpu.memory_space<vmem>>, vector<16xf32>,
    %mul3A_862 = vector.broadcast %squeeze3A_213 : f32 to vector<16xf32>
    %mul3A_863 = arith.mulf %mul3A_862, %get3A_861 : vector<16xf32>
    %add3A_864 = arith.addf %add3A_857, %mul3A_863 : vector<16xf32>
    %get3A_865 = arith.constant 3 : i32
    %get3A_866 = arith.index_cast %get3A_865 : i32 to index
    %get3A_867 = arith.constant 160 : index
    %get3A_868 = tpu.vector_load %arg6[%get3A_866, %get3A_867] {strides = array<i32>} : memref<8x1024xf32, #tpu.memory_space<vmem>>, vector<16xf32>,
    %mul3A_869 = vector.broadcast %squeeze3A_215 : f32 to vector<16xf32>
    %mul3A_870 = arith.mulf %mul3A_869, %get3A_868 : vector<16xf32>
    %add3A_871 = arith.addf %add3A_864, %mul3A_870 : vector<16xf32>
    %get3A_872 = arith.constant 4 : i32
    %get3A_873 = arith.index_cast %get3A_872 : i32 to index
    %get3A_874 = arith.constant 160 : index
    %get3A_875 = tpu.vector_load %arg6[%get3A_873, %get3A_874] {strides = array<i32>} : memref<8x1024xf32, #tpu.memory_space<vmem>>, vector<16xf32>,
    %mul3A_876 = vector.broadcast %squeeze3A_217 : f32 to vector<16xf32>
    %mul3A_877 = arith.mulf %mul3A_876, %get3A_875 : vector<16xf32>
    %add3A_878 = arith.addf %add3A_871, %mul3A_877 : vector<16xf32>
    %get3A_879 = arith.constant 5 : i32
    %get3A_880 = arith.index_cast %get3A_879 : i32 to index
    %get3A_881 = arith.constant 160 : index
    %get3A_882 = tpu.vector_load %arg6[%get3A_880, %get3A_881] {strides = array<i32>} : memref<8x1024xf32, #tpu.memory_space<vmem>>, vector<16xf32>,
    %mul3A_883 = vector.broadcast %squeeze3A_219 : f32 to vector<16xf32>
    %mul3A_884 = arith.mulf %mul3A_883, %get3A_882 : vector<16xf32>
    %add3A_885 = arith.addf %add3A_878, %mul3A_884 : vector<16xf32>
    %get3A_886 = arith.constant 6 : i32
    %get3A_887 = arith.index_cast %get3A_886 : i32 to index
    %get3A_888 = arith.constant 160 : index
    %get3A_889 = tpu.vector_load %arg6[%get3A_887, %get3A_888] {strides = array<i32>} : memref<8x1024xf32, #tpu.memory_space<vmem>>, vector<16xf32>,
    %mul3A_890 = vector.broadcast %squeeze3A_221 : f32 to vector<16xf32>
    %mul3A_891 = arith.mulf %mul3A_890, %get3A_889 : vector<16xf32>
    %add3A_892 = arith.addf %add3A_885, %mul3A_891 : vector<16xf32>
    %get3A_893 = arith.constant 7 : i32
    %get3A_894 = arith.index_cast %get3A_893 : i32 to index
    %get3A_895 = arith.constant 160 : index
    %get3A_896 = tpu.vector_load %arg6[%get3A_894, %get3A_895] {strides = array<i32>} : memref<8x1024xf32, #tpu.memory_space<vmem>>, vector<16xf32>,
    %mul3A_897 = vector.broadcast %squeeze3A_223 : f32 to vector<16xf32>
    %mul3A_898 = arith.mulf %mul3A_897, %get3A_896 : vector<16xf32>
    %add3A_899 = arith.addf %add3A_892, %mul3A_898 : vector<16xf32>
    %swap3A_900 = arith.constant 0 : i32
    %swap3A_901 = arith.index_cast %swap3A_900 : i32 to index
    %swap3A_902 = arith.constant 160 : index
    %swap3A_903 = tpu.vector_load %arg7[%swap3A_901, %swap3A_902] {strides = array<i32>} : memref<1x1024xf32, #tpu.memory_space<vmem>>, vector<16xf32>,
    tpu.vector_store %arg7[%swap3A_901, %swap3A_902], %add3A_899 {strides = array<i32>} : memref<1x1024xf32, #tpu.memory_space<vmem>>, vector<16xf32>,
    %broadcast_in_dim3A_904 = arith.constant 0.000000e+00 : f32
    %broadcast_in_dim3A_905 = vector.broadcast %broadcast_in_dim3A_904 : f32 to vector<16xf32>
    %get3A_906 = arith.constant 0 : i32
    %get3A_907 = arith.index_cast %get3A_906 : i32 to index
    %get3A_908 = arith.constant 176 : index
    %get3A_909 = tpu.vector_load %arg6[%get3A_907, %get3A_908] {strides = array<i32>} : memref<8x1024xf32, #tpu.memory_space<vmem>>, vector<16xf32>,
    %mul3A_910 = vector.broadcast %squeeze3A : f32 to vector<16xf32>
    %mul3A_911 = arith.mulf %mul3A_910, %get3A_909 : vector<16xf32>
    %add3A_912 = arith.addf %broadcast_in_dim3A_905, %mul3A_911 : vector<16xf32>
    %get3A_913 = arith.constant 1 : i32
    %get3A_914 = arith.index_cast %get3A_913 : i32 to index
    %get3A_915 = arith.constant 176 : index
    %get3A_916 = tpu.vector_load %arg6[%get3A_914, %get3A_915] {strides = array<i32>} : memref<8x1024xf32, #tpu.memory_space<vmem>>, vector<16xf32>,
    %mul3A_917 = vector.broadcast %squeeze3A_211 : f32 to vector<16xf32>
    %mul3A_918 = arith.mulf %mul3A_917, %get3A_916 : vector<16xf32>
    %add3A_919 = arith.addf %add3A_912, %mul3A_918 : vector<16xf32>
    %get3A_920 = arith.constant 2 : i32
    %get3A_921 = arith.index_cast %get3A_920 : i32 to index
    %get3A_922 = arith.constant 176 : index
    %get3A_923 = tpu.vector_load %arg6[%get3A_921, %get3A_922] {strides = array<i32>} : memref<8x1024xf32, #tpu.memory_space<vmem>>, vector<16xf32>,
    %mul3A_924 = vector.broadcast %squeeze3A_213 : f32 to vector<16xf32>
    %mul3A_925 = arith.mulf %mul3A_924, %get3A_923 : vector<16xf32>
    %add3A_926 = arith.addf %add3A_919, %mul3A_925 : vector<16xf32>
    %get3A_927 = arith.constant 3 : i32
    %get3A_928 = arith.index_cast %get3A_927 : i32 to index
    %get3A_929 = arith.constant 176 : index
    %get3A_930 = tpu.vector_load %arg6[%get3A_928, %get3A_929] {strides = array<i32>} : memref<8x1024xf32, #tpu.memory_space<vmem>>, vector<16xf32>,
    %mul3A_931 = vector.broadcast %squeeze3A_215 : f32 to vector<16xf32>
    %mul3A_932 = arith.mulf %mul3A_931, %get3A_930 : vector<16xf32>
    %add3A_933 = arith.addf %add3A_926, %mul3A_932 : vector<16xf32>
    %get3A_934 = arith.constant 4 : i32
    %get3A_935 = arith.index_cast %get3A_934 : i32 to index
    %get3A_936 = arith.constant 176 : index
    %get3A_937 = tpu.vector_load %arg6[%get3A_935, %get3A_936] {strides = array<i32>} : memref<8x1024xf32, #tpu.memory_space<vmem>>, vector<16xf32>,
    %mul3A_938 = vector.broadcast %squeeze3A_217 : f32 to vector<16xf32>
    %mul3A_939 = arith.mulf %mul3A_938, %get3A_937 : vector<16xf32>
    %add3A_940 = arith.addf %add3A_933, %mul3A_939 : vector<16xf32>
    %get3A_941 = arith.constant 5 : i32
    %get3A_942 = arith.index_cast %get3A_941 : i32 to index
    %get3A_943 = arith.constant 176 : index
    %get3A_944 = tpu.vector_load %arg6[%get3A_942, %get3A_943] {strides = array<i32>} : memref<8x1024xf32, #tpu.memory_space<vmem>>, vector<16xf32>,
    %mul3A_945 = vector.broadcast %squeeze3A_219 : f32 to vector<16xf32>
    %mul3A_946 = arith.mulf %mul3A_945, %get3A_944 : vector<16xf32>
    %add3A_947 = arith.addf %add3A_940, %mul3A_946 : vector<16xf32>
    %get3A_948 = arith.constant 6 : i32
    %get3A_949 = arith.index_cast %get3A_948 : i32 to index
    %get3A_950 = arith.constant 176 : index
    %get3A_951 = tpu.vector_load %arg6[%get3A_949, %get3A_950] {strides = array<i32>} : memref<8x1024xf32, #tpu.memory_space<vmem>>, vector<16xf32>,
    %mul3A_952 = vector.broadcast %squeeze3A_221 : f32 to vector<16xf32>
    %mul3A_953 = arith.mulf %mul3A_952, %get3A_951 : vector<16xf32>
    %add3A_954 = arith.addf %add3A_947, %mul3A_953 : vector<16xf32>
    %get3A_955 = arith.constant 7 : i32
    %get3A_956 = arith.index_cast %get3A_955 : i32 to index
    %get3A_957 = arith.constant 176 : index
    %get3A_958 = tpu.vector_load %arg6[%get3A_956, %get3A_957] {strides = array<i32>} : memref<8x1024xf32, #tpu.memory_space<vmem>>, vector<16xf32>,
    %mul3A_959 = vector.broadcast %squeeze3A_223 : f32 to vector<16xf32>
    %mul3A_960 = arith.mulf %mul3A_959, %get3A_958 : vector<16xf32>
    %add3A_961 = arith.addf %add3A_954, %mul3A_960 : vector<16xf32>
    %swap3A_962 = arith.constant 0 : i32
    %swap3A_963 = arith.index_cast %swap3A_962 : i32 to index
    %swap3A_964 = arith.constant 176 : index
    %swap3A_965 = tpu.vector_load %arg7[%swap3A_963, %swap3A_964] {strides = array<i32>} : memref<1x1024xf32, #tpu.memory_space<vmem>>, vector<16xf32>,
    tpu.vector_store %arg7[%swap3A_963, %swap3A_964], %add3A_961 {strides = array<i32>} : memref<1x1024xf32, #tpu.memory_space<vmem>>, vector<16xf32>,
    %broadcast_in_dim3A_966 = arith.constant 0.000000e+00 : f32
    %broadcast_in_dim3A_967 = vector.broadcast %broadcast_in_dim3A_966 : f32 to vector<16xf32>
    %get3A_968 = arith.constant 0 : i32
    %get3A_969 = arith.index_cast %get3A_968 : i32 to index
    %get3A_970 = arith.constant 192 : index
    %get3A_971 = tpu.vector_load %arg6[%get3A_969, %get3A_970] {strides = array<i32>} : memref<8x1024xf32, #tpu.memory_space<vmem>>, vector<16xf32>,
    %mul3A_972 = vector.broadcast %squeeze3A : f32 to vector<16xf32>
    %mul3A_973 = arith.mulf %mul3A_972, %get3A_971 : vector<16xf32>
    %add3A_974 = arith.addf %broadcast_in_dim3A_967, %mul3A_973 : vector<16xf32>
    %get3A_975 = arith.constant 1 : i32
    %get3A_976 = arith.index_cast %get3A_975 : i32 to index
    %get3A_977 = arith.constant 192 : index
    %get3A_978 = tpu.vector_load %arg6[%get3A_976, %get3A_977] {strides = array<i32>} : memref<8x1024xf32, #tpu.memory_space<vmem>>, vector<16xf32>,
    %mul3A_979 = vector.broadcast %squeeze3A_211 : f32 to vector<16xf32>
    %mul3A_980 = arith.mulf %mul3A_979, %get3A_978 : vector<16xf32>
    %add3A_981 = arith.addf %add3A_974, %mul3A_980 : vector<16xf32>
    %get3A_982 = arith.constant 2 : i32
    %get3A_983 = arith.index_cast %get3A_982 : i32 to index
    %get3A_984 = arith.constant 192 : index
    %get3A_985 = tpu.vector_load %arg6[%get3A_983, %get3A_984] {strides = array<i32>} : memref<8x1024xf32, #tpu.memory_space<vmem>>, vector<16xf32>,
    %mul3A_986 = vector.broadcast %squeeze3A_213 : f32 to vector<16xf32>
    %mul3A_987 = arith.mulf %mul3A_986, %get3A_985 : vector<16xf32>
    %add3A_988 = arith.addf %add3A_981, %mul3A_987 : vector<16xf32>
    %get3A_989 = arith.constant 3 : i32
    %get3A_990 = arith.index_cast %get3A_989 : i32 to index
    %get3A_991 = arith.constant 192 : index
    %get3A_992 = tpu.vector_load %arg6[%get3A_990, %get3A_991] {strides = array<i32>} : memref<8x1024xf32, #tpu.memory_space<vmem>>, vector<16xf32>,
    %mul3A_993 = vector.broadcast %squeeze3A_215 : f32 to vector<16xf32>
    %mul3A_994 = arith.mulf %mul3A_993, %get3A_992 : vector<16xf32>
    %add3A_995 = arith.addf %add3A_988, %mul3A_994 : vector<16xf32>
    %get3A_996 = arith.constant 4 : i32
    %get3A_997 = arith.index_cast %get3A_996 : i32 to index
    %get3A_998 = arith.constant 192 : index
    %get3A_999 = tpu.vector_load %arg6[%get3A_997, %get3A_998] {strides = array<i32>} : memref<8x1024xf32, #tpu.memory_space<vmem>>, vector<16xf32>,
    %mul3A_1000 = vector.broadcast %squeeze3A_217 : f32 to vector<16xf32>
    %mul3A_1001 = arith.mulf %mul3A_1000, %get3A_999 : vector<16xf32>
    %add3A_1002 = arith.addf %add3A_995, %mul3A_1001 : vector<16xf32>
    %get3A_1003 = arith.constant 5 : i32
    %get3A_1004 = arith.index_cast %get3A_1003 : i32 to index
    %get3A_1005 = arith.constant 192 : index
    %get3A_1006 = tpu.vector_load %arg6[%get3A_1004, %get3A_1005] {strides = array<i32>} : memref<8x1024xf32, #tpu.memory_space<vmem>>, vector<16xf32>,
    %mul3A_1007 = vector.broadcast %squeeze3A_219 : f32 to vector<16xf32>
    %mul3A_1008 = arith.mulf %mul3A_1007, %get3A_1006 : vector<16xf32>
    %add3A_1009 = arith.addf %add3A_1002, %mul3A_1008 : vector<16xf32>
    %get3A_1010 = arith.constant 6 : i32
    %get3A_1011 = arith.index_cast %get3A_1010 : i32 to index
    %get3A_1012 = arith.constant 192 : index
    %get3A_1013 = tpu.vector_load %arg6[%get3A_1011, %get3A_1012] {strides = array<i32>} : memref<8x1024xf32, #tpu.memory_space<vmem>>, vector<16xf32>,
    %mul3A_1014 = vector.broadcast %squeeze3A_221 : f32 to vector<16xf32>
    %mul3A_1015 = arith.mulf %mul3A_1014, %get3A_1013 : vector<16xf32>
    %add3A_1016 = arith.addf %add3A_1009, %mul3A_1015 : vector<16xf32>
    %get3A_1017 = arith.constant 7 : i32
    %get3A_1018 = arith.index_cast %get3A_1017 : i32 to index
    %get3A_1019 = arith.constant 192 : index
    %get3A_1020 = tpu.vector_load %arg6[%get3A_1018, %get3A_1019] {strides = array<i32>} : memref<8x1024xf32, #tpu.memory_space<vmem>>, vector<16xf32>,
    %mul3A_1021 = vector.broadcast %squeeze3A_223 : f32 to vector<16xf32>
    %mul3A_1022 = arith.mulf %mul3A_1021, %get3A_1020 : vector<16xf32>
    %add3A_1023 = arith.addf %add3A_1016, %mul3A_1022 : vector<16xf32>
    %swap3A_1024 = arith.constant 0 : i32
    %swap3A_1025 = arith.index_cast %swap3A_1024 : i32 to index
    %swap3A_1026 = arith.constant 192 : index
    %swap3A_1027 = tpu.vector_load %arg7[%swap3A_1025, %swap3A_1026] {strides = array<i32>} : memref<1x1024xf32, #tpu.memory_space<vmem>>, vector<16xf32>,
    tpu.vector_store %arg7[%swap3A_1025, %swap3A_1026], %add3A_1023 {strides = array<i32>} : memref<1x1024xf32, #tpu.memory_space<vmem>>, vector<16xf32>,
    %broadcast_in_dim3A_1028 = arith.constant 0.000000e+00 : f32
    %broadcast_in_dim3A_1029 = vector.broadcast %broadcast_in_dim3A_1028 : f32 to vector<16xf32>
    %get3A_1030 = arith.constant 0 : i32
    %get3A_1031 = arith.index_cast %get3A_1030 : i32 to index
    %get3A_1032 = arith.constant 208 : index
    %get3A_1033 = tpu.vector_load %arg6[%get3A_1031, %get3A_1032] {strides = array<i32>} : memref<8x1024xf32, #tpu.memory_space<vmem>>, vector<16xf32>,
    %mul3A_1034 = vector.broadcast %squeeze3A : f32 to vector<16xf32>
    %mul3A_1035 = arith.mulf %mul3A_1034, %get3A_1033 : vector<16xf32>
    %add3A_1036 = arith.addf %broadcast_in_dim3A_1029, %mul3A_1035 : vector<16xf32>
    %get3A_1037 = arith.constant 1 : i32
    %get3A_1038 = arith.index_cast %get3A_1037 : i32 to index
    %get3A_1039 = arith.constant 208 : index
    %get3A_1040 = tpu.vector_load %arg6[%get3A_1038, %get3A_1039] {strides = array<i32>} : memref<8x1024xf32, #tpu.memory_space<vmem>>, vector<16xf32>,
    %mul3A_1041 = vector.broadcast %squeeze3A_211 : f32 to vector<16xf32>
    %mul3A_1042 = arith.mulf %mul3A_1041, %get3A_1040 : vector<16xf32>
    %add3A_1043 = arith.addf %add3A_1036, %mul3A_1042 : vector<16xf32>
    %get3A_1044 = arith.constant 2 : i32
    %get3A_1045 = arith.index_cast %get3A_1044 : i32 to index
    %get3A_1046 = arith.constant 208 : index
    %get3A_1047 = tpu.vector_load %arg6[%get3A_1045, %get3A_1046] {strides = array<i32>} : memref<8x1024xf32, #tpu.memory_space<vmem>>, vector<16xf32>,
    %mul3A_1048 = vector.broadcast %squeeze3A_213 : f32 to vector<16xf32>
    %mul3A_1049 = arith.mulf %mul3A_1048, %get3A_1047 : vector<16xf32>
    %add3A_1050 = arith.addf %add3A_1043, %mul3A_1049 : vector<16xf32>
    %get3A_1051 = arith.constant 3 : i32
    %get3A_1052 = arith.index_cast %get3A_1051 : i32 to index
    %get3A_1053 = arith.constant 208 : index
    %get3A_1054 = tpu.vector_load %arg6[%get3A_1052, %get3A_1053] {strides = array<i32>} : memref<8x1024xf32, #tpu.memory_space<vmem>>, vector<16xf32>,
    %mul3A_1055 = vector.broadcast %squeeze3A_215 : f32 to vector<16xf32>
    %mul3A_1056 = arith.mulf %mul3A_1055, %get3A_1054 : vector<16xf32>
    %add3A_1057 = arith.addf %add3A_1050, %mul3A_1056 : vector<16xf32>
    %get3A_1058 = arith.constant 4 : i32
    %get3A_1059 = arith.index_cast %get3A_1058 : i32 to index
    %get3A_1060 = arith.constant 208 : index
    %get3A_1061 = tpu.vector_load %arg6[%get3A_1059, %get3A_1060] {strides = array<i32>} : memref<8x1024xf32, #tpu.memory_space<vmem>>, vector<16xf32>,
    %mul3A_1062 = vector.broadcast %squeeze3A_217 : f32 to vector<16xf32>
    %mul3A_1063 = arith.mulf %mul3A_1062, %get3A_1061 : vector<16xf32>
    %add3A_1064 = arith.addf %add3A_1057, %mul3A_1063 : vector<16xf32>
    %get3A_1065 = arith.constant 5 : i32
    %get3A_1066 = arith.index_cast %get3A_1065 : i32 to index
    %get3A_1067 = arith.constant 208 : index
    %get3A_1068 = tpu.vector_load %arg6[%get3A_1066, %get3A_1067] {strides = array<i32>} : memref<8x1024xf32, #tpu.memory_space<vmem>>, vector<16xf32>,
    %mul3A_1069 = vector.broadcast %squeeze3A_219 : f32 to vector<16xf32>
    %mul3A_1070 = arith.mulf %mul3A_1069, %get3A_1068 : vector<16xf32>
    %add3A_1071 = arith.addf %add3A_1064, %mul3A_1070 : vector<16xf32>
    %get3A_1072 = arith.constant 6 : i32
    %get3A_1073 = arith.index_cast %get3A_1072 : i32 to index
    %get3A_1074 = arith.constant 208 : index
    %get3A_1075 = tpu.vector_load %arg6[%get3A_1073, %get3A_1074] {strides = array<i32>} : memref<8x1024xf32, #tpu.memory_space<vmem>>, vector<16xf32>,
    %mul3A_1076 = vector.broadcast %squeeze3A_221 : f32 to vector<16xf32>
    %mul3A_1077 = arith.mulf %mul3A_1076, %get3A_1075 : vector<16xf32>
    %add3A_1078 = arith.addf %add3A_1071, %mul3A_1077 : vector<16xf32>
    %get3A_1079 = arith.constant 7 : i32
    %get3A_1080 = arith.index_cast %get3A_1079 : i32 to index
    %get3A_1081 = arith.constant 208 : index
    %get3A_1082 = tpu.vector_load %arg6[%get3A_1080, %get3A_1081] {strides = array<i32>} : memref<8x1024xf32, #tpu.memory_space<vmem>>, vector<16xf32>,
    %mul3A_1083 = vector.broadcast %squeeze3A_223 : f32 to vector<16xf32>
    %mul3A_1084 = arith.mulf %mul3A_1083, %get3A_1082 : vector<16xf32>
    %add3A_1085 = arith.addf %add3A_1078, %mul3A_1084 : vector<16xf32>
    %swap3A_1086 = arith.constant 0 : i32
    %swap3A_1087 = arith.index_cast %swap3A_1086 : i32 to index
    %swap3A_1088 = arith.constant 208 : index
    %swap3A_1089 = tpu.vector_load %arg7[%swap3A_1087, %swap3A_1088] {strides = array<i32>} : memref<1x1024xf32, #tpu.memory_space<vmem>>, vector<16xf32>,
    tpu.vector_store %arg7[%swap3A_1087, %swap3A_1088], %add3A_1085 {strides = array<i32>} : memref<1x1024xf32, #tpu.memory_space<vmem>>, vector<16xf32>,
    %broadcast_in_dim3A_1090 = arith.constant 0.000000e+00 : f32
    %broadcast_in_dim3A_1091 = vector.broadcast %broadcast_in_dim3A_1090 : f32 to vector<16xf32>
    %get3A_1092 = arith.constant 0 : i32
    %get3A_1093 = arith.index_cast %get3A_1092 : i32 to index
    %get3A_1094 = arith.constant 224 : index
    %get3A_1095 = tpu.vector_load %arg6[%get3A_1093, %get3A_1094] {strides = array<i32>} : memref<8x1024xf32, #tpu.memory_space<vmem>>, vector<16xf32>,
    %mul3A_1096 = vector.broadcast %squeeze3A : f32 to vector<16xf32>
    %mul3A_1097 = arith.mulf %mul3A_1096, %get3A_1095 : vector<16xf32>
    %add3A_1098 = arith.addf %broadcast_in_dim3A_1091, %mul3A_1097 : vector<16xf32>
    %get3A_1099 = arith.constant 1 : i32
    %get3A_1100 = arith.index_cast %get3A_1099 : i32 to index
    %get3A_1101 = arith.constant 224 : index
    %get3A_1102 = tpu.vector_load %arg6[%get3A_1100, %get3A_1101] {strides = array<i32>} : memref<8x1024xf32, #tpu.memory_space<vmem>>, vector<16xf32>,
    %mul3A_1103 = vector.broadcast %squeeze3A_211 : f32 to vector<16xf32>
    %mul3A_1104 = arith.mulf %mul3A_1103, %get3A_1102 : vector<16xf32>
    %add3A_1105 = arith.addf %add3A_1098, %mul3A_1104 : vector<16xf32>
    %get3A_1106 = arith.constant 2 : i32
    %get3A_1107 = arith.index_cast %get3A_1106 : i32 to index
    %get3A_1108 = arith.constant 224 : index
    %get3A_1109 = tpu.vector_load %arg6[%get3A_1107, %get3A_1108] {strides = array<i32>} : memref<8x1024xf32, #tpu.memory_space<vmem>>, vector<16xf32>,
    %mul3A_1110 = vector.broadcast %squeeze3A_213 : f32 to vector<16xf32>
    %mul3A_1111 = arith.mulf %mul3A_1110, %get3A_1109 : vector<16xf32>
    %add3A_1112 = arith.addf %add3A_1105, %mul3A_1111 : vector<16xf32>
    %get3A_1113 = arith.constant 3 : i32
    %get3A_1114 = arith.index_cast %get3A_1113 : i32 to index
    %get3A_1115 = arith.constant 224 : index
    %get3A_1116 = tpu.vector_load %arg6[%get3A_1114, %get3A_1115] {strides = array<i32>} : memref<8x1024xf32, #tpu.memory_space<vmem>>, vector<16xf32>,
    %mul3A_1117 = vector.broadcast %squeeze3A_215 : f32 to vector<16xf32>
    %mul3A_1118 = arith.mulf %mul3A_1117, %get3A_1116 : vector<16xf32>
    %add3A_1119 = arith.addf %add3A_1112, %mul3A_1118 : vector<16xf32>
    %get3A_1120 = arith.constant 4 : i32
    %get3A_1121 = arith.index_cast %get3A_1120 : i32 to index
    %get3A_1122 = arith.constant 224 : index
    %get3A_1123 = tpu.vector_load %arg6[%get3A_1121, %get3A_1122] {strides = array<i32>} : memref<8x1024xf32, #tpu.memory_space<vmem>>, vector<16xf32>,
    %mul3A_1124 = vector.broadcast %squeeze3A_217 : f32 to vector<16xf32>
    %mul3A_1125 = arith.mulf %mul3A_1124, %get3A_1123 : vector<16xf32>
    %add3A_1126 = arith.addf %add3A_1119, %mul3A_1125 : vector<16xf32>
    %get3A_1127 = arith.constant 5 : i32
    %get3A_1128 = arith.index_cast %get3A_1127 : i32 to index
    %get3A_1129 = arith.constant 224 : index
    %get3A_1130 = tpu.vector_load %arg6[%get3A_1128, %get3A_1129] {strides = array<i32>} : memref<8x1024xf32, #tpu.memory_space<vmem>>, vector<16xf32>,
    %mul3A_1131 = vector.broadcast %squeeze3A_219 : f32 to vector<16xf32>
    %mul3A_1132 = arith.mulf %mul3A_1131, %get3A_1130 : vector<16xf32>
    %add3A_1133 = arith.addf %add3A_1126, %mul3A_1132 : vector<16xf32>
    %get3A_1134 = arith.constant 6 : i32
    %get3A_1135 = arith.index_cast %get3A_1134 : i32 to index
    %get3A_1136 = arith.constant 224 : index
    %get3A_1137 = tpu.vector_load %arg6[%get3A_1135, %get3A_1136] {strides = array<i32>} : memref<8x1024xf32, #tpu.memory_space<vmem>>, vector<16xf32>,
    %mul3A_1138 = vector.broadcast %squeeze3A_221 : f32 to vector<16xf32>
    %mul3A_1139 = arith.mulf %mul3A_1138, %get3A_1137 : vector<16xf32>
    %add3A_1140 = arith.addf %add3A_1133, %mul3A_1139 : vector<16xf32>
    %get3A_1141 = arith.constant 7 : i32
    %get3A_1142 = arith.index_cast %get3A_1141 : i32 to index
    %get3A_1143 = arith.constant 224 : index
    %get3A_1144 = tpu.vector_load %arg6[%get3A_1142, %get3A_1143] {strides = array<i32>} : memref<8x1024xf32, #tpu.memory_space<vmem>>, vector<16xf32>,
    %mul3A_1145 = vector.broadcast %squeeze3A_223 : f32 to vector<16xf32>
    %mul3A_1146 = arith.mulf %mul3A_1145, %get3A_1144 : vector<16xf32>
    %add3A_1147 = arith.addf %add3A_1140, %mul3A_1146 : vector<16xf32>
    %swap3A_1148 = arith.constant 0 : i32
    %swap3A_1149 = arith.index_cast %swap3A_1148 : i32 to index
    %swap3A_1150 = arith.constant 224 : index
    %swap3A_1151 = tpu.vector_load %arg7[%swap3A_1149, %swap3A_1150] {strides = array<i32>} : memref<1x1024xf32, #tpu.memory_space<vmem>>, vector<16xf32>,
    tpu.vector_store %arg7[%swap3A_1149, %swap3A_1150], %add3A_1147 {strides = array<i32>} : memref<1x1024xf32, #tpu.memory_space<vmem>>, vector<16xf32>,
    %broadcast_in_dim3A_1152 = arith.constant 0.000000e+00 : f32
    %broadcast_in_dim3A_1153 = vector.broadcast %broadcast_in_dim3A_1152 : f32 to vector<16xf32>
    %get3A_1154 = arith.constant 0 : i32
    %get3A_1155 = arith.index_cast %get3A_1154 : i32 to index
    %get3A_1156 = arith.constant 240 : index
    %get3A_1157 = tpu.vector_load %arg6[%get3A_1155, %get3A_1156] {strides = array<i32>} : memref<8x1024xf32, #tpu.memory_space<vmem>>, vector<16xf32>,
    %mul3A_1158 = vector.broadcast %squeeze3A : f32 to vector<16xf32>
    %mul3A_1159 = arith.mulf %mul3A_1158, %get3A_1157 : vector<16xf32>
    %add3A_1160 = arith.addf %broadcast_in_dim3A_1153, %mul3A_1159 : vector<16xf32>
    %get3A_1161 = arith.constant 1 : i32
    %get3A_1162 = arith.index_cast %get3A_1161 : i32 to index
    %get3A_1163 = arith.constant 240 : index
    %get3A_1164 = tpu.vector_load %arg6[%get3A_1162, %get3A_1163] {strides = array<i32>} : memref<8x1024xf32, #tpu.memory_space<vmem>>, vector<16xf32>,
    %mul3A_1165 = vector.broadcast %squeeze3A_211 : f32 to vector<16xf32>
    %mul3A_1166 = arith.mulf %mul3A_1165, %get3A_1164 : vector<16xf32>
    %add3A_1167 = arith.addf %add3A_1160, %mul3A_1166 : vector<16xf32>
    %get3A_1168 = arith.constant 2 : i32
    %get3A_1169 = arith.index_cast %get3A_1168 : i32 to index
    %get3A_1170 = arith.constant 240 : index
    %get3A_1171 = tpu.vector_load %arg6[%get3A_1169, %get3A_1170] {strides = array<i32>} : memref<8x1024xf32, #tpu.memory_space<vmem>>, vector<16xf32>,
    %mul3A_1172 = vector.broadcast %squeeze3A_213 : f32 to vector<16xf32>
    %mul3A_1173 = arith.mulf %mul3A_1172, %get3A_1171 : vector<16xf32>
    %add3A_1174 = arith.addf %add3A_1167, %mul3A_1173 : vector<16xf32>
    %get3A_1175 = arith.constant 3 : i32
    %get3A_1176 = arith.index_cast %get3A_1175 : i32 to index
    %get3A_1177 = arith.constant 240 : index
    %get3A_1178 = tpu.vector_load %arg6[%get3A_1176, %get3A_1177] {strides = array<i32>} : memref<8x1024xf32, #tpu.memory_space<vmem>>, vector<16xf32>,
    %mul3A_1179 = vector.broadcast %squeeze3A_215 : f32 to vector<16xf32>
    %mul3A_1180 = arith.mulf %mul3A_1179, %get3A_1178 : vector<16xf32>
    %add3A_1181 = arith.addf %add3A_1174, %mul3A_1180 : vector<16xf32>
    %get3A_1182 = arith.constant 4 : i32
    %get3A_1183 = arith.index_cast %get3A_1182 : i32 to index
    %get3A_1184 = arith.constant 240 : index
    %get3A_1185 = tpu.vector_load %arg6[%get3A_1183, %get3A_1184] {strides = array<i32>} : memref<8x1024xf32, #tpu.memory_space<vmem>>, vector<16xf32>,
    %mul3A_1186 = vector.broadcast %squeeze3A_217 : f32 to vector<16xf32>
    %mul3A_1187 = arith.mulf %mul3A_1186, %get3A_1185 : vector<16xf32>
    %add3A_1188 = arith.addf %add3A_1181, %mul3A_1187 : vector<16xf32>
    %get3A_1189 = arith.constant 5 : i32
    %get3A_1190 = arith.index_cast %get3A_1189 : i32 to index
    %get3A_1191 = arith.constant 240 : index
    %get3A_1192 = tpu.vector_load %arg6[%get3A_1190, %get3A_1191] {strides = array<i32>} : memref<8x1024xf32, #tpu.memory_space<vmem>>, vector<16xf32>,
    %mul3A_1193 = vector.broadcast %squeeze3A_219 : f32 to vector<16xf32>
    %mul3A_1194 = arith.mulf %mul3A_1193, %get3A_1192 : vector<16xf32>
    %add3A_1195 = arith.addf %add3A_1188, %mul3A_1194 : vector<16xf32>
    %get3A_1196 = arith.constant 6 : i32
    %get3A_1197 = arith.index_cast %get3A_1196 : i32 to index
    %get3A_1198 = arith.constant 240 : index
    %get3A_1199 = tpu.vector_load %arg6[%get3A_1197, %get3A_1198] {strides = array<i32>} : memref<8x1024xf32, #tpu.memory_space<vmem>>, vector<16xf32>,
    %mul3A_1200 = vector.broadcast %squeeze3A_221 : f32 to vector<16xf32>
    %mul3A_1201 = arith.mulf %mul3A_1200, %get3A_1199 : vector<16xf32>
    %add3A_1202 = arith.addf %add3A_1195, %mul3A_1201 : vector<16xf32>
    %get3A_1203 = arith.constant 7 : i32
    %get3A_1204 = arith.index_cast %get3A_1203 : i32 to index
    %get3A_1205 = arith.constant 240 : index
    %get3A_1206 = tpu.vector_load %arg6[%get3A_1204, %get3A_1205] {strides = array<i32>} : memref<8x1024xf32, #tpu.memory_space<vmem>>, vector<16xf32>,
    %mul3A_1207 = vector.broadcast %squeeze3A_223 : f32 to vector<16xf32>
    %mul3A_1208 = arith.mulf %mul3A_1207, %get3A_1206 : vector<16xf32>
    %add3A_1209 = arith.addf %add3A_1202, %mul3A_1208 : vector<16xf32>
    %swap3A_1210 = arith.constant 0 : i32
    %swap3A_1211 = arith.index_cast %swap3A_1210 : i32 to index
    %swap3A_1212 = arith.constant 240 : index
    %swap3A_1213 = tpu.vector_load %arg7[%swap3A_1211, %swap3A_1212] {strides = array<i32>} : memref<1x1024xf32, #tpu.memory_space<vmem>>, vector<16xf32>,
    tpu.vector_store %arg7[%swap3A_1211, %swap3A_1212], %add3A_1209 {strides = array<i32>} : memref<1x1024xf32, #tpu.memory_space<vmem>>, vector<16xf32>,
    %broadcast_in_dim3A_1214 = arith.constant 0.000000e+00 : f32
    %broadcast_in_dim3A_1215 = vector.broadcast %broadcast_in_dim3A_1214 : f32 to vector<16xf32>
    %get3A_1216 = arith.constant 0 : i32
    %get3A_1217 = arith.index_cast %get3A_1216 : i32 to index
    %get3A_1218 = arith.constant 256 : index
    %get3A_1219 = tpu.vector_load %arg6[%get3A_1217, %get3A_1218] {strides = array<i32>} : memref<8x1024xf32, #tpu.memory_space<vmem>>, vector<16xf32>,
    %mul3A_1220 = vector.broadcast %squeeze3A : f32 to vector<16xf32>
    %mul3A_1221 = arith.mulf %mul3A_1220, %get3A_1219 : vector<16xf32>
    %add3A_1222 = arith.addf %broadcast_in_dim3A_1215, %mul3A_1221 : vector<16xf32>
    %get3A_1223 = arith.constant 1 : i32
    %get3A_1224 = arith.index_cast %get3A_1223 : i32 to index
    %get3A_1225 = arith.constant 256 : index
    %get3A_1226 = tpu.vector_load %arg6[%get3A_1224, %get3A_1225] {strides = array<i32>} : memref<8x1024xf32, #tpu.memory_space<vmem>>, vector<16xf32>,
    %mul3A_1227 = vector.broadcast %squeeze3A_211 : f32 to vector<16xf32>
    %mul3A_1228 = arith.mulf %mul3A_1227, %get3A_1226 : vector<16xf32>
    %add3A_1229 = arith.addf %add3A_1222, %mul3A_1228 : vector<16xf32>
    %get3A_1230 = arith.constant 2 : i32
    %get3A_1231 = arith.index_cast %get3A_1230 : i32 to index
    %get3A_1232 = arith.constant 256 : index
    %get3A_1233 = tpu.vector_load %arg6[%get3A_1231, %get3A_1232] {strides = array<i32>} : memref<8x1024xf32, #tpu.memory_space<vmem>>, vector<16xf32>,
    %mul3A_1234 = vector.broadcast %squeeze3A_213 : f32 to vector<16xf32>
    %mul3A_1235 = arith.mulf %mul3A_1234, %get3A_1233 : vector<16xf32>
    %add3A_1236 = arith.addf %add3A_1229, %mul3A_1235 : vector<16xf32>
    %get3A_1237 = arith.constant 3 : i32
    %get3A_1238 = arith.index_cast %get3A_1237 : i32 to index
    %get3A_1239 = arith.constant 256 : index
    %get3A_1240 = tpu.vector_load %arg6[%get3A_1238, %get3A_1239] {strides = array<i32>} : memref<8x1024xf32, #tpu.memory_space<vmem>>, vector<16xf32>,
    %mul3A_1241 = vector.broadcast %squeeze3A_215 : f32 to vector<16xf32>
    %mul3A_1242 = arith.mulf %mul3A_1241, %get3A_1240 : vector<16xf32>
    %add3A_1243 = arith.addf %add3A_1236, %mul3A_1242 : vector<16xf32>
    %get3A_1244 = arith.constant 4 : i32
    %get3A_1245 = arith.index_cast %get3A_1244 : i32 to index
    %get3A_1246 = arith.constant 256 : index
    %get3A_1247 = tpu.vector_load %arg6[%get3A_1245, %get3A_1246] {strides = array<i32>} : memref<8x1024xf32, #tpu.memory_space<vmem>>, vector<16xf32>,
    %mul3A_1248 = vector.broadcast %squeeze3A_217 : f32 to vector<16xf32>
    %mul3A_1249 = arith.mulf %mul3A_1248, %get3A_1247 : vector<16xf32>
    %add3A_1250 = arith.addf %add3A_1243, %mul3A_1249 : vector<16xf32>
    %get3A_1251 = arith.constant 5 : i32
    %get3A_1252 = arith.index_cast %get3A_1251 : i32 to index
    %get3A_1253 = arith.constant 256 : index
    %get3A_1254 = tpu.vector_load %arg6[%get3A_1252, %get3A_1253] {strides = array<i32>} : memref<8x1024xf32, #tpu.memory_space<vmem>>, vector<16xf32>,
    %mul3A_1255 = vector.broadcast %squeeze3A_219 : f32 to vector<16xf32>
    %mul3A_1256 = arith.mulf %mul3A_1255, %get3A_1254 : vector<16xf32>
    %add3A_1257 = arith.addf %add3A_1250, %mul3A_1256 : vector<16xf32>
    %get3A_1258 = arith.constant 6 : i32
    %get3A_1259 = arith.index_cast %get3A_1258 : i32 to index
    %get3A_1260 = arith.constant 256 : index
    %get3A_1261 = tpu.vector_load %arg6[%get3A_1259, %get3A_1260] {strides = array<i32>} : memref<8x1024xf32, #tpu.memory_space<vmem>>, vector<16xf32>,
    %mul3A_1262 = vector.broadcast %squeeze3A_221 : f32 to vector<16xf32>
    %mul3A_1263 = arith.mulf %mul3A_1262, %get3A_1261 : vector<16xf32>
    %add3A_1264 = arith.addf %add3A_1257, %mul3A_1263 : vector<16xf32>
    %get3A_1265 = arith.constant 7 : i32
    %get3A_1266 = arith.index_cast %get3A_1265 : i32 to index
    %get3A_1267 = arith.constant 256 : index
    %get3A_1268 = tpu.vector_load %arg6[%get3A_1266, %get3A_1267] {strides = array<i32>} : memref<8x1024xf32, #tpu.memory_space<vmem>>, vector<16xf32>,
    %mul3A_1269 = vector.broadcast %squeeze3A_223 : f32 to vector<16xf32>
    %mul3A_1270 = arith.mulf %mul3A_1269, %get3A_1268 : vector<16xf32>
    %add3A_1271 = arith.addf %add3A_1264, %mul3A_1270 : vector<16xf32>
    %swap3A_1272 = arith.constant 0 : i32
    %swap3A_1273 = arith.index_cast %swap3A_1272 : i32 to index
    %swap3A_1274 = arith.constant 256 : index
    %swap3A_1275 = tpu.vector_load %arg7[%swap3A_1273, %swap3A_1274] {strides = array<i32>} : memref<1x1024xf32, #tpu.memory_space<vmem>>, vector<16xf32>,
    tpu.vector_store %arg7[%swap3A_1273, %swap3A_1274], %add3A_1271 {strides = array<i32>} : memref<1x1024xf32, #tpu.memory_space<vmem>>, vector<16xf32>,
    %broadcast_in_dim3A_1276 = arith.constant 0.000000e+00 : f32
    %broadcast_in_dim3A_1277 = vector.broadcast %broadcast_in_dim3A_1276 : f32 to vector<16xf32>
    %get3A_1278 = arith.constant 0 : i32
    %get3A_1279 = arith.index_cast %get3A_1278 : i32 to index
    %get3A_1280 = arith.constant 272 : index
    %get3A_1281 = tpu.vector_load %arg6[%get3A_1279, %get3A_1280] {strides = array<i32>} : memref<8x1024xf32, #tpu.memory_space<vmem>>, vector<16xf32>,
    %mul3A_1282 = vector.broadcast %squeeze3A : f32 to vector<16xf32>
    %mul3A_1283 = arith.mulf %mul3A_1282, %get3A_1281 : vector<16xf32>
    %add3A_1284 = arith.addf %broadcast_in_dim3A_1277, %mul3A_1283 : vector<16xf32>
    %get3A_1285 = arith.constant 1 : i32
    %get3A_1286 = arith.index_cast %get3A_1285 : i32 to index
    %get3A_1287 = arith.constant 272 : index
    %get3A_1288 = tpu.vector_load %arg6[%get3A_1286, %get3A_1287] {strides = array<i32>} : memref<8x1024xf32, #tpu.memory_space<vmem>>, vector<16xf32>,
    %mul3A_1289 = vector.broadcast %squeeze3A_211 : f32 to vector<16xf32>
    %mul3A_1290 = arith.mulf %mul3A_1289, %get3A_1288 : vector<16xf32>
    %add3A_1291 = arith.addf %add3A_1284, %mul3A_1290 : vector<16xf32>
    %get3A_1292 = arith.constant 2 : i32
    %get3A_1293 = arith.index_cast %get3A_1292 : i32 to index
    %get3A_1294 = arith.constant 272 : index
    %get3A_1295 = tpu.vector_load %arg6[%get3A_1293, %get3A_1294] {strides = array<i32>} : memref<8x1024xf32, #tpu.memory_space<vmem>>, vector<16xf32>,
    %mul3A_1296 = vector.broadcast %squeeze3A_213 : f32 to vector<16xf32>
    %mul3A_1297 = arith.mulf %mul3A_1296, %get3A_1295 : vector<16xf32>
    %add3A_1298 = arith.addf %add3A_1291, %mul3A_1297 : vector<16xf32>
    %get3A_1299 = arith.constant 3 : i32
    %get3A_1300 = arith.index_cast %get3A_1299 : i32 to index
    %get3A_1301 = arith.constant 272 : index
    %get3A_1302 = tpu.vector_load %arg6[%get3A_1300, %get3A_1301] {strides = array<i32>} : memref<8x1024xf32, #tpu.memory_space<vmem>>, vector<16xf32>,
    %mul3A_1303 = vector.broadcast %squeeze3A_215 : f32 to vector<16xf32>
    %mul3A_1304 = arith.mulf %mul3A_1303, %get3A_1302 : vector<16xf32>
    %add3A_1305 = arith.addf %add3A_1298, %mul3A_1304 : vector<16xf32>
    %get3A_1306 = arith.constant 4 : i32
    %get3A_1307 = arith.index_cast %get3A_1306 : i32 to index
    %get3A_1308 = arith.constant 272 : index
    %get3A_1309 = tpu.vector_load %arg6[%get3A_1307, %get3A_1308] {strides = array<i32>} : memref<8x1024xf32, #tpu.memory_space<vmem>>, vector<16xf32>,
    %mul3A_1310 = vector.broadcast %squeeze3A_217 : f32 to vector<16xf32>
    %mul3A_1311 = arith.mulf %mul3A_1310, %get3A_1309 : vector<16xf32>
    %add3A_1312 = arith.addf %add3A_1305, %mul3A_1311 : vector<16xf32>
    %get3A_1313 = arith.constant 5 : i32
    %get3A_1314 = arith.index_cast %get3A_1313 : i32 to index
    %get3A_1315 = arith.constant 272 : index
    %get3A_1316 = tpu.vector_load %arg6[%get3A_1314, %get3A_1315] {strides = array<i32>} : memref<8x1024xf32, #tpu.memory_space<vmem>>, vector<16xf32>,
    %mul3A_1317 = vector.broadcast %squeeze3A_219 : f32 to vector<16xf32>
    %mul3A_1318 = arith.mulf %mul3A_1317, %get3A_1316 : vector<16xf32>
    %add3A_1319 = arith.addf %add3A_1312, %mul3A_1318 : vector<16xf32>
    %get3A_1320 = arith.constant 6 : i32
    %get3A_1321 = arith.index_cast %get3A_1320 : i32 to index
    %get3A_1322 = arith.constant 272 : index
    %get3A_1323 = tpu.vector_load %arg6[%get3A_1321, %get3A_1322] {strides = array<i32>} : memref<8x1024xf32, #tpu.memory_space<vmem>>, vector<16xf32>,
    %mul3A_1324 = vector.broadcast %squeeze3A_221 : f32 to vector<16xf32>
    %mul3A_1325 = arith.mulf %mul3A_1324, %get3A_1323 : vector<16xf32>
    %add3A_1326 = arith.addf %add3A_1319, %mul3A_1325 : vector<16xf32>
    %get3A_1327 = arith.constant 7 : i32
    %get3A_1328 = arith.index_cast %get3A_1327 : i32 to index
    %get3A_1329 = arith.constant 272 : index
    %get3A_1330 = tpu.vector_load %arg6[%get3A_1328, %get3A_1329] {strides = array<i32>} : memref<8x1024xf32, #tpu.memory_space<vmem>>, vector<16xf32>,
    %mul3A_1331 = vector.broadcast %squeeze3A_223 : f32 to vector<16xf32>
    %mul3A_1332 = arith.mulf %mul3A_1331, %get3A_1330 : vector<16xf32>
    %add3A_1333 = arith.addf %add3A_1326, %mul3A_1332 : vector<16xf32>
    %swap3A_1334 = arith.constant 0 : i32
    %swap3A_1335 = arith.index_cast %swap3A_1334 : i32 to index
    %swap3A_1336 = arith.constant 272 : index
    %swap3A_1337 = tpu.vector_load %arg7[%swap3A_1335, %swap3A_1336] {strides = array<i32>} : memref<1x1024xf32, #tpu.memory_space<vmem>>, vector<16xf32>,
    tpu.vector_store %arg7[%swap3A_1335, %swap3A_1336], %add3A_1333 {strides = array<i32>} : memref<1x1024xf32, #tpu.memory_space<vmem>>, vector<16xf32>,
    %broadcast_in_dim3A_1338 = arith.constant 0.000000e+00 : f32
    %broadcast_in_dim3A_1339 = vector.broadcast %broadcast_in_dim3A_1338 : f32 to vector<16xf32>
    %get3A_1340 = arith.constant 0 : i32
    %get3A_1341 = arith.index_cast %get3A_1340 : i32 to index
    %get3A_1342 = arith.constant 288 : index
    %get3A_1343 = tpu.vector_load %arg6[%get3A_1341, %get3A_1342] {strides = array<i32>} : memref<8x1024xf32, #tpu.memory_space<vmem>>, vector<16xf32>,
    %mul3A_1344 = vector.broadcast %squeeze3A : f32 to vector<16xf32>
    %mul3A_1345 = arith.mulf %mul3A_1344, %get3A_1343 : vector<16xf32>
    %add3A_1346 = arith.addf %broadcast_in_dim3A_1339, %mul3A_1345 : vector<16xf32>
    %get3A_1347 = arith.constant 1 : i32
    %get3A_1348 = arith.index_cast %get3A_1347 : i32 to index
    %get3A_1349 = arith.constant 288 : index
    %get3A_1350 = tpu.vector_load %arg6[%get3A_1348, %get3A_1349] {strides = array<i32>} : memref<8x1024xf32, #tpu.memory_space<vmem>>, vector<16xf32>,
    %mul3A_1351 = vector.broadcast %squeeze3A_211 : f32 to vector<16xf32>
    %mul3A_1352 = arith.mulf %mul3A_1351, %get3A_1350 : vector<16xf32>
    %add3A_1353 = arith.addf %add3A_1346, %mul3A_1352 : vector<16xf32>
    %get3A_1354 = arith.constant 2 : i32
    %get3A_1355 = arith.index_cast %get3A_1354 : i32 to index
    %get3A_1356 = arith.constant 288 : index
    %get3A_1357 = tpu.vector_load %arg6[%get3A_1355, %get3A_1356] {strides = array<i32>} : memref<8x1024xf32, #tpu.memory_space<vmem>>, vector<16xf32>,
    %mul3A_1358 = vector.broadcast %squeeze3A_213 : f32 to vector<16xf32>
    %mul3A_1359 = arith.mulf %mul3A_1358, %get3A_1357 : vector<16xf32>
    %add3A_1360 = arith.addf %add3A_1353, %mul3A_1359 : vector<16xf32>
    %get3A_1361 = arith.constant 3 : i32
    %get3A_1362 = arith.index_cast %get3A_1361 : i32 to index
    %get3A_1363 = arith.constant 288 : index
    %get3A_1364 = tpu.vector_load %arg6[%get3A_1362, %get3A_1363] {strides = array<i32>} : memref<8x1024xf32, #tpu.memory_space<vmem>>, vector<16xf32>,
    %mul3A_1365 = vector.broadcast %squeeze3A_215 : f32 to vector<16xf32>
    %mul3A_1366 = arith.mulf %mul3A_1365, %get3A_1364 : vector<16xf32>
    %add3A_1367 = arith.addf %add3A_1360, %mul3A_1366 : vector<16xf32>
    %get3A_1368 = arith.constant 4 : i32
    %get3A_1369 = arith.index_cast %get3A_1368 : i32 to index
    %get3A_1370 = arith.constant 288 : index
    %get3A_1371 = tpu.vector_load %arg6[%get3A_1369, %get3A_1370] {strides = array<i32>} : memref<8x1024xf32, #tpu.memory_space<vmem>>, vector<16xf32>,
    %mul3A_1372 = vector.broadcast %squeeze3A_217 : f32 to vector<16xf32>
    %mul3A_1373 = arith.mulf %mul3A_1372, %get3A_1371 : vector<16xf32>
    %add3A_1374 = arith.addf %add3A_1367, %mul3A_1373 : vector<16xf32>
    %get3A_1375 = arith.constant 5 : i32
    %get3A_1376 = arith.index_cast %get3A_1375 : i32 to index
    %get3A_1377 = arith.constant 288 : index
    %get3A_1378 = tpu.vector_load %arg6[%get3A_1376, %get3A_1377] {strides = array<i32>} : memref<8x1024xf32, #tpu.memory_space<vmem>>, vector<16xf32>,
    %mul3A_1379 = vector.broadcast %squeeze3A_219 : f32 to vector<16xf32>
    %mul3A_1380 = arith.mulf %mul3A_1379, %get3A_1378 : vector<16xf32>
    %add3A_1381 = arith.addf %add3A_1374, %mul3A_1380 : vector<16xf32>
    %get3A_1382 = arith.constant 6 : i32
    %get3A_1383 = arith.index_cast %get3A_1382 : i32 to index
    %get3A_1384 = arith.constant 288 : index
    %get3A_1385 = tpu.vector_load %arg6[%get3A_1383, %get3A_1384] {strides = array<i32>} : memref<8x1024xf32, #tpu.memory_space<vmem>>, vector<16xf32>,
    %mul3A_1386 = vector.broadcast %squeeze3A_221 : f32 to vector<16xf32>
    %mul3A_1387 = arith.mulf %mul3A_1386, %get3A_1385 : vector<16xf32>
    %add3A_1388 = arith.addf %add3A_1381, %mul3A_1387 : vector<16xf32>
    %get3A_1389 = arith.constant 7 : i32
    %get3A_1390 = arith.index_cast %get3A_1389 : i32 to index
    %get3A_1391 = arith.constant 288 : index
    %get3A_1392 = tpu.vector_load %arg6[%get3A_1390, %get3A_1391] {strides = array<i32>} : memref<8x1024xf32, #tpu.memory_space<vmem>>, vector<16xf32>,
    %mul3A_1393 = vector.broadcast %squeeze3A_223 : f32 to vector<16xf32>
    %mul3A_1394 = arith.mulf %mul3A_1393, %get3A_1392 : vector<16xf32>
    %add3A_1395 = arith.addf %add3A_1388, %mul3A_1394 : vector<16xf32>
    %swap3A_1396 = arith.constant 0 : i32
    %swap3A_1397 = arith.index_cast %swap3A_1396 : i32 to index
    %swap3A_1398 = arith.constant 288 : index
    %swap3A_1399 = tpu.vector_load %arg7[%swap3A_1397, %swap3A_1398] {strides = array<i32>} : memref<1x1024xf32, #tpu.memory_space<vmem>>, vector<16xf32>,
    tpu.vector_store %arg7[%swap3A_1397, %swap3A_1398], %add3A_1395 {strides = array<i32>} : memref<1x1024xf32, #tpu.memory_space<vmem>>, vector<16xf32>,
    %broadcast_in_dim3A_1400 = arith.constant 0.000000e+00 : f32
    %broadcast_in_dim3A_1401 = vector.broadcast %broadcast_in_dim3A_1400 : f32 to vector<16xf32>
    %get3A_1402 = arith.constant 0 : i32
    %get3A_1403 = arith.index_cast %get3A_1402 : i32 to index
    %get3A_1404 = arith.constant 304 : index
    %get3A_1405 = tpu.vector_load %arg6[%get3A_1403, %get3A_1404] {strides = array<i32>} : memref<8x1024xf32, #tpu.memory_space<vmem>>, vector<16xf32>,
    %mul3A_1406 = vector.broadcast %squeeze3A : f32 to vector<16xf32>
    %mul3A_1407 = arith.mulf %mul3A_1406, %get3A_1405 : vector<16xf32>
    %add3A_1408 = arith.addf %broadcast_in_dim3A_1401, %mul3A_1407 : vector<16xf32>
    %get3A_1409 = arith.constant 1 : i32
    %get3A_1410 = arith.index_cast %get3A_1409 : i32 to index
    %get3A_1411 = arith.constant 304 : index
    %get3A_1412 = tpu.vector_load %arg6[%get3A_1410, %get3A_1411] {strides = array<i32>} : memref<8x1024xf32, #tpu.memory_space<vmem>>, vector<16xf32>,
    %mul3A_1413 = vector.broadcast %squeeze3A_211 : f32 to vector<16xf32>
    %mul3A_1414 = arith.mulf %mul3A_1413, %get3A_1412 : vector<16xf32>
    %add3A_1415 = arith.addf %add3A_1408, %mul3A_1414 : vector<16xf32>
    %get3A_1416 = arith.constant 2 : i32
    %get3A_1417 = arith.index_cast %get3A_1416 : i32 to index
    %get3A_1418 = arith.constant 304 : index
    %get3A_1419 = tpu.vector_load %arg6[%get3A_1417, %get3A_1418] {strides = array<i32>} : memref<8x1024xf32, #tpu.memory_space<vmem>>, vector<16xf32>,
    %mul3A_1420 = vector.broadcast %squeeze3A_213 : f32 to vector<16xf32>
    %mul3A_1421 = arith.mulf %mul3A_1420, %get3A_1419 : vector<16xf32>
    %add3A_1422 = arith.addf %add3A_1415, %mul3A_1421 : vector<16xf32>
    %get3A_1423 = arith.constant 3 : i32
    %get3A_1424 = arith.index_cast %get3A_1423 : i32 to index
    %get3A_1425 = arith.constant 304 : index
    %get3A_1426 = tpu.vector_load %arg6[%get3A_1424, %get3A_1425] {strides = array<i32>} : memref<8x1024xf32, #tpu.memory_space<vmem>>, vector<16xf32>,
    %mul3A_1427 = vector.broadcast %squeeze3A_215 : f32 to vector<16xf32>
    %mul3A_1428 = arith.mulf %mul3A_1427, %get3A_1426 : vector<16xf32>
    %add3A_1429 = arith.addf %add3A_1422, %mul3A_1428 : vector<16xf32>
    %get3A_1430 = arith.constant 4 : i32
    %get3A_1431 = arith.index_cast %get3A_1430 : i32 to index
    %get3A_1432 = arith.constant 304 : index
    %get3A_1433 = tpu.vector_load %arg6[%get3A_1431, %get3A_1432] {strides = array<i32>} : memref<8x1024xf32, #tpu.memory_space<vmem>>, vector<16xf32>,
    %mul3A_1434 = vector.broadcast %squeeze3A_217 : f32 to vector<16xf32>
    %mul3A_1435 = arith.mulf %mul3A_1434, %get3A_1433 : vector<16xf32>
    %add3A_1436 = arith.addf %add3A_1429, %mul3A_1435 : vector<16xf32>
    %get3A_1437 = arith.constant 5 : i32
    %get3A_1438 = arith.index_cast %get3A_1437 : i32 to index
    %get3A_1439 = arith.constant 304 : index
    %get3A_1440 = tpu.vector_load %arg6[%get3A_1438, %get3A_1439] {strides = array<i32>} : memref<8x1024xf32, #tpu.memory_space<vmem>>, vector<16xf32>,
    %mul3A_1441 = vector.broadcast %squeeze3A_219 : f32 to vector<16xf32>
    %mul3A_1442 = arith.mulf %mul3A_1441, %get3A_1440 : vector<16xf32>
    %add3A_1443 = arith.addf %add3A_1436, %mul3A_1442 : vector<16xf32>
    %get3A_1444 = arith.constant 6 : i32
    %get3A_1445 = arith.index_cast %get3A_1444 : i32 to index
    %get3A_1446 = arith.constant 304 : index
    %get3A_1447 = tpu.vector_load %arg6[%get3A_1445, %get3A_1446] {strides = array<i32>} : memref<8x1024xf32, #tpu.memory_space<vmem>>, vector<16xf32>,
    %mul3A_1448 = vector.broadcast %squeeze3A_221 : f32 to vector<16xf32>
    %mul3A_1449 = arith.mulf %mul3A_1448, %get3A_1447 : vector<16xf32>
    %add3A_1450 = arith.addf %add3A_1443, %mul3A_1449 : vector<16xf32>
    %get3A_1451 = arith.constant 7 : i32
    %get3A_1452 = arith.index_cast %get3A_1451 : i32 to index
    %get3A_1453 = arith.constant 304 : index
    %get3A_1454 = tpu.vector_load %arg6[%get3A_1452, %get3A_1453] {strides = array<i32>} : memref<8x1024xf32, #tpu.memory_space<vmem>>, vector<16xf32>,
    %mul3A_1455 = vector.broadcast %squeeze3A_223 : f32 to vector<16xf32>
    %mul3A_1456 = arith.mulf %mul3A_1455, %get3A_1454 : vector<16xf32>
    %add3A_1457 = arith.addf %add3A_1450, %mul3A_1456 : vector<16xf32>
    %swap3A_1458 = arith.constant 0 : i32
    %swap3A_1459 = arith.index_cast %swap3A_1458 : i32 to index
    %swap3A_1460 = arith.constant 304 : index
    %swap3A_1461 = tpu.vector_load %arg7[%swap3A_1459, %swap3A_1460] {strides = array<i32>} : memref<1x1024xf32, #tpu.memory_space<vmem>>, vector<16xf32>,
    tpu.vector_store %arg7[%swap3A_1459, %swap3A_1460], %add3A_1457 {strides = array<i32>} : memref<1x1024xf32, #tpu.memory_space<vmem>>, vector<16xf32>,
    %broadcast_in_dim3A_1462 = arith.constant 0.000000e+00 : f32
    %broadcast_in_dim3A_1463 = vector.broadcast %broadcast_in_dim3A_1462 : f32 to vector<16xf32>
    %get3A_1464 = arith.constant 0 : i32
    %get3A_1465 = arith.index_cast %get3A_1464 : i32 to index
    %get3A_1466 = arith.constant 320 : index
    %get3A_1467 = tpu.vector_load %arg6[%get3A_1465, %get3A_1466] {strides = array<i32>} : memref<8x1024xf32, #tpu.memory_space<vmem>>, vector<16xf32>,
    %mul3A_1468 = vector.broadcast %squeeze3A : f32 to vector<16xf32>
    %mul3A_1469 = arith.mulf %mul3A_1468, %get3A_1467 : vector<16xf32>
    %add3A_1470 = arith.addf %broadcast_in_dim3A_1463, %mul3A_1469 : vector<16xf32>
    %get3A_1471 = arith.constant 1 : i32
    %get3A_1472 = arith.index_cast %get3A_1471 : i32 to index
    %get3A_1473 = arith.constant 320 : index
    %get3A_1474 = tpu.vector_load %arg6[%get3A_1472, %get3A_1473] {strides = array<i32>} : memref<8x1024xf32, #tpu.memory_space<vmem>>, vector<16xf32>,
    %mul3A_1475 = vector.broadcast %squeeze3A_211 : f32 to vector<16xf32>
    %mul3A_1476 = arith.mulf %mul3A_1475, %get3A_1474 : vector<16xf32>
    %add3A_1477 = arith.addf %add3A_1470, %mul3A_1476 : vector<16xf32>
    %get3A_1478 = arith.constant 2 : i32
    %get3A_1479 = arith.index_cast %get3A_1478 : i32 to index
    %get3A_1480 = arith.constant 320 : index
    %get3A_1481 = tpu.vector_load %arg6[%get3A_1479, %get3A_1480] {strides = array<i32>} : memref<8x1024xf32, #tpu.memory_space<vmem>>, vector<16xf32>,
    %mul3A_1482 = vector.broadcast %squeeze3A_213 : f32 to vector<16xf32>
    %mul3A_1483 = arith.mulf %mul3A_1482, %get3A_1481 : vector<16xf32>
    %add3A_1484 = arith.addf %add3A_1477, %mul3A_1483 : vector<16xf32>
    %get3A_1485 = arith.constant 3 : i32
    %get3A_1486 = arith.index_cast %get3A_1485 : i32 to index
    %get3A_1487 = arith.constant 320 : index
    %get3A_1488 = tpu.vector_load %arg6[%get3A_1486, %get3A_1487] {strides = array<i32>} : memref<8x1024xf32, #tpu.memory_space<vmem>>, vector<16xf32>,
    %mul3A_1489 = vector.broadcast %squeeze3A_215 : f32 to vector<16xf32>
    %mul3A_1490 = arith.mulf %mul3A_1489, %get3A_1488 : vector<16xf32>
    %add3A_1491 = arith.addf %add3A_1484, %mul3A_1490 : vector<16xf32>
    %get3A_1492 = arith.constant 4 : i32
    %get3A_1493 = arith.index_cast %get3A_1492 : i32 to index
    %get3A_1494 = arith.constant 320 : index
    %get3A_1495 = tpu.vector_load %arg6[%get3A_1493, %get3A_1494] {strides = array<i32>} : memref<8x1024xf32, #tpu.memory_space<vmem>>, vector<16xf32>,
    %mul3A_1496 = vector.broadcast %squeeze3A_217 : f32 to vector<16xf32>
    %mul3A_1497 = arith.mulf %mul3A_1496, %get3A_1495 : vector<16xf32>
    %add3A_1498 = arith.addf %add3A_1491, %mul3A_1497 : vector<16xf32>
    %get3A_1499 = arith.constant 5 : i32
    %get3A_1500 = arith.index_cast %get3A_1499 : i32 to index
    %get3A_1501 = arith.constant 320 : index
    %get3A_1502 = tpu.vector_load %arg6[%get3A_1500, %get3A_1501] {strides = array<i32>} : memref<8x1024xf32, #tpu.memory_space<vmem>>, vector<16xf32>,
    %mul3A_1503 = vector.broadcast %squeeze3A_219 : f32 to vector<16xf32>
    %mul3A_1504 = arith.mulf %mul3A_1503, %get3A_1502 : vector<16xf32>
    %add3A_1505 = arith.addf %add3A_1498, %mul3A_1504 : vector<16xf32>
    %get3A_1506 = arith.constant 6 : i32
    %get3A_1507 = arith.index_cast %get3A_1506 : i32 to index
    %get3A_1508 = arith.constant 320 : index
    %get3A_1509 = tpu.vector_load %arg6[%get3A_1507, %get3A_1508] {strides = array<i32>} : memref<8x1024xf32, #tpu.memory_space<vmem>>, vector<16xf32>,
    %mul3A_1510 = vector.broadcast %squeeze3A_221 : f32 to vector<16xf32>
    %mul3A_1511 = arith.mulf %mul3A_1510, %get3A_1509 : vector<16xf32>
    %add3A_1512 = arith.addf %add3A_1505, %mul3A_1511 : vector<16xf32>
    %get3A_1513 = arith.constant 7 : i32
    %get3A_1514 = arith.index_cast %get3A_1513 : i32 to index
    %get3A_1515 = arith.constant 320 : index
    %get3A_1516 = tpu.vector_load %arg6[%get3A_1514, %get3A_1515] {strides = array<i32>} : memref<8x1024xf32, #tpu.memory_space<vmem>>, vector<16xf32>,
    %mul3A_1517 = vector.broadcast %squeeze3A_223 : f32 to vector<16xf32>
    %mul3A_1518 = arith.mulf %mul3A_1517, %get3A_1516 : vector<16xf32>
    %add3A_1519 = arith.addf %add3A_1512, %mul3A_1518 : vector<16xf32>
    %swap3A_1520 = arith.constant 0 : i32
    %swap3A_1521 = arith.index_cast %swap3A_1520 : i32 to index
    %swap3A_1522 = arith.constant 320 : index
    %swap3A_1523 = tpu.vector_load %arg7[%swap3A_1521, %swap3A_1522] {strides = array<i32>} : memref<1x1024xf32, #tpu.memory_space<vmem>>, vector<16xf32>,
    tpu.vector_store %arg7[%swap3A_1521, %swap3A_1522], %add3A_1519 {strides = array<i32>} : memref<1x1024xf32, #tpu.memory_space<vmem>>, vector<16xf32>,
    %broadcast_in_dim3A_1524 = arith.constant 0.000000e+00 : f32
    %broadcast_in_dim3A_1525 = vector.broadcast %broadcast_in_dim3A_1524 : f32 to vector<16xf32>
    %get3A_1526 = arith.constant 0 : i32
    %get3A_1527 = arith.index_cast %get3A_1526 : i32 to index
    %get3A_1528 = arith.constant 336 : index
    %get3A_1529 = tpu.vector_load %arg6[%get3A_1527, %get3A_1528] {strides = array<i32>} : memref<8x1024xf32, #tpu.memory_space<vmem>>, vector<16xf32>,
    %mul3A_1530 = vector.broadcast %squeeze3A : f32 to vector<16xf32>
    %mul3A_1531 = arith.mulf %mul3A_1530, %get3A_1529 : vector<16xf32>
    %add3A_1532 = arith.addf %broadcast_in_dim3A_1525, %mul3A_1531 : vector<16xf32>
    %get3A_1533 = arith.constant 1 : i32
    %get3A_1534 = arith.index_cast %get3A_1533 : i32 to index
    %get3A_1535 = arith.constant 336 : index
    %get3A_1536 = tpu.vector_load %arg6[%get3A_1534, %get3A_1535] {strides = array<i32>} : memref<8x1024xf32, #tpu.memory_space<vmem>>, vector<16xf32>,
    %mul3A_1537 = vector.broadcast %squeeze3A_211 : f32 to vector<16xf32>
    %mul3A_1538 = arith.mulf %mul3A_1537, %get3A_1536 : vector<16xf32>
    %add3A_1539 = arith.addf %add3A_1532, %mul3A_1538 : vector<16xf32>
    %get3A_1540 = arith.constant 2 : i32
    %get3A_1541 = arith.index_cast %get3A_1540 : i32 to index
    %get3A_1542 = arith.constant 336 : index
    %get3A_1543 = tpu.vector_load %arg6[%get3A_1541, %get3A_1542] {strides = array<i32>} : memref<8x1024xf32, #tpu.memory_space<vmem>>, vector<16xf32>,
    %mul3A_1544 = vector.broadcast %squeeze3A_213 : f32 to vector<16xf32>
    %mul3A_1545 = arith.mulf %mul3A_1544, %get3A_1543 : vector<16xf32>
    %add3A_1546 = arith.addf %add3A_1539, %mul3A_1545 : vector<16xf32>
    %get3A_1547 = arith.constant 3 : i32
    %get3A_1548 = arith.index_cast %get3A_1547 : i32 to index
    %get3A_1549 = arith.constant 336 : index
    %get3A_1550 = tpu.vector_load %arg6[%get3A_1548, %get3A_1549] {strides = array<i32>} : memref<8x1024xf32, #tpu.memory_space<vmem>>, vector<16xf32>,
    %mul3A_1551 = vector.broadcast %squeeze3A_215 : f32 to vector<16xf32>
    %mul3A_1552 = arith.mulf %mul3A_1551, %get3A_1550 : vector<16xf32>
    %add3A_1553 = arith.addf %add3A_1546, %mul3A_1552 : vector<16xf32>
    %get3A_1554 = arith.constant 4 : i32
    %get3A_1555 = arith.index_cast %get3A_1554 : i32 to index
    %get3A_1556 = arith.constant 336 : index
    %get3A_1557 = tpu.vector_load %arg6[%get3A_1555, %get3A_1556] {strides = array<i32>} : memref<8x1024xf32, #tpu.memory_space<vmem>>, vector<16xf32>,
    %mul3A_1558 = vector.broadcast %squeeze3A_217 : f32 to vector<16xf32>
    %mul3A_1559 = arith.mulf %mul3A_1558, %get3A_1557 : vector<16xf32>
    %add3A_1560 = arith.addf %add3A_1553, %mul3A_1559 : vector<16xf32>
    %get3A_1561 = arith.constant 5 : i32
    %get3A_1562 = arith.index_cast %get3A_1561 : i32 to index
    %get3A_1563 = arith.constant 336 : index
    %get3A_1564 = tpu.vector_load %arg6[%get3A_1562, %get3A_1563] {strides = array<i32>} : memref<8x1024xf32, #tpu.memory_space<vmem>>, vector<16xf32>,
    %mul3A_1565 = vector.broadcast %squeeze3A_219 : f32 to vector<16xf32>
    %mul3A_1566 = arith.mulf %mul3A_1565, %get3A_1564 : vector<16xf32>
    %add3A_1567 = arith.addf %add3A_1560, %mul3A_1566 : vector<16xf32>
    %get3A_1568 = arith.constant 6 : i32
    %get3A_1569 = arith.index_cast %get3A_1568 : i32 to index
    %get3A_1570 = arith.constant 336 : index
    %get3A_1571 = tpu.vector_load %arg6[%get3A_1569, %get3A_1570] {strides = array<i32>} : memref<8x1024xf32, #tpu.memory_space<vmem>>, vector<16xf32>,
    %mul3A_1572 = vector.broadcast %squeeze3A_221 : f32 to vector<16xf32>
    %mul3A_1573 = arith.mulf %mul3A_1572, %get3A_1571 : vector<16xf32>
    %add3A_1574 = arith.addf %add3A_1567, %mul3A_1573 : vector<16xf32>
    %get3A_1575 = arith.constant 7 : i32
    %get3A_1576 = arith.index_cast %get3A_1575 : i32 to index
    %get3A_1577 = arith.constant 336 : index
    %get3A_1578 = tpu.vector_load %arg6[%get3A_1576, %get3A_1577] {strides = array<i32>} : memref<8x1024xf32, #tpu.memory_space<vmem>>, vector<16xf32>,
    %mul3A_1579 = vector.broadcast %squeeze3A_223 : f32 to vector<16xf32>
    %mul3A_1580 = arith.mulf %mul3A_1579, %get3A_1578 : vector<16xf32>
    %add3A_1581 = arith.addf %add3A_1574, %mul3A_1580 : vector<16xf32>
    %swap3A_1582 = arith.constant 0 : i32
    %swap3A_1583 = arith.index_cast %swap3A_1582 : i32 to index
    %swap3A_1584 = arith.constant 336 : index
    %swap3A_1585 = tpu.vector_load %arg7[%swap3A_1583, %swap3A_1584] {strides = array<i32>} : memref<1x1024xf32, #tpu.memory_space<vmem>>, vector<16xf32>,
    tpu.vector_store %arg7[%swap3A_1583, %swap3A_1584], %add3A_1581 {strides = array<i32>} : memref<1x1024xf32, #tpu.memory_space<vmem>>, vector<16xf32>,
    %broadcast_in_dim3A_1586 = arith.constant 0.000000e+00 : f32
    %broadcast_in_dim3A_1587 = vector.broadcast %broadcast_in_dim3A_1586 : f32 to vector<16xf32>
    %get3A_1588 = arith.constant 0 : i32
    %get3A_1589 = arith.index_cast %get3A_1588 : i32 to index
    %get3A_1590 = arith.constant 352 : index
    %get3A_1591 = tpu.vector_load %arg6[%get3A_1589, %get3A_1590] {strides = array<i32>} : memref<8x1024xf32, #tpu.memory_space<vmem>>, vector<16xf32>,
    %mul3A_1592 = vector.broadcast %squeeze3A : f32 to vector<16xf32>
    %mul3A_1593 = arith.mulf %mul3A_1592, %get3A_1591 : vector<16xf32>
    %add3A_1594 = arith.addf %broadcast_in_dim3A_1587, %mul3A_1593 : vector<16xf32>
    %get3A_1595 = arith.constant 1 : i32
    %get3A_1596 = arith.index_cast %get3A_1595 : i32 to index
    %get3A_1597 = arith.constant 352 : index
    %get3A_1598 = tpu.vector_load %arg6[%get3A_1596, %get3A_1597] {strides = array<i32>} : memref<8x1024xf32, #tpu.memory_space<vmem>>, vector<16xf32>,
    %mul3A_1599 = vector.broadcast %squeeze3A_211 : f32 to vector<16xf32>
    %mul3A_1600 = arith.mulf %mul3A_1599, %get3A_1598 : vector<16xf32>
    %add3A_1601 = arith.addf %add3A_1594, %mul3A_1600 : vector<16xf32>
    %get3A_1602 = arith.constant 2 : i32
    %get3A_1603 = arith.index_cast %get3A_1602 : i32 to index
    %get3A_1604 = arith.constant 352 : index
    %get3A_1605 = tpu.vector_load %arg6[%get3A_1603, %get3A_1604] {strides = array<i32>} : memref<8x1024xf32, #tpu.memory_space<vmem>>, vector<16xf32>,
    %mul3A_1606 = vector.broadcast %squeeze3A_213 : f32 to vector<16xf32>
    %mul3A_1607 = arith.mulf %mul3A_1606, %get3A_1605 : vector<16xf32>
    %add3A_1608 = arith.addf %add3A_1601, %mul3A_1607 : vector<16xf32>
    %get3A_1609 = arith.constant 3 : i32
    %get3A_1610 = arith.index_cast %get3A_1609 : i32 to index
    %get3A_1611 = arith.constant 352 : index
    %get3A_1612 = tpu.vector_load %arg6[%get3A_1610, %get3A_1611] {strides = array<i32>} : memref<8x1024xf32, #tpu.memory_space<vmem>>, vector<16xf32>,
    %mul3A_1613 = vector.broadcast %squeeze3A_215 : f32 to vector<16xf32>
    %mul3A_1614 = arith.mulf %mul3A_1613, %get3A_1612 : vector<16xf32>
    %add3A_1615 = arith.addf %add3A_1608, %mul3A_1614 : vector<16xf32>
    %get3A_1616 = arith.constant 4 : i32
    %get3A_1617 = arith.index_cast %get3A_1616 : i32 to index
    %get3A_1618 = arith.constant 352 : index
    %get3A_1619 = tpu.vector_load %arg6[%get3A_1617, %get3A_1618] {strides = array<i32>} : memref<8x1024xf32, #tpu.memory_space<vmem>>, vector<16xf32>,
    %mul3A_1620 = vector.broadcast %squeeze3A_217 : f32 to vector<16xf32>
    %mul3A_1621 = arith.mulf %mul3A_1620, %get3A_1619 : vector<16xf32>
    %add3A_1622 = arith.addf %add3A_1615, %mul3A_1621 : vector<16xf32>
    %get3A_1623 = arith.constant 5 : i32
    %get3A_1624 = arith.index_cast %get3A_1623 : i32 to index
    %get3A_1625 = arith.constant 352 : index
    %get3A_1626 = tpu.vector_load %arg6[%get3A_1624, %get3A_1625] {strides = array<i32>} : memref<8x1024xf32, #tpu.memory_space<vmem>>, vector<16xf32>,
    %mul3A_1627 = vector.broadcast %squeeze3A_219 : f32 to vector<16xf32>
    %mul3A_1628 = arith.mulf %mul3A_1627, %get3A_1626 : vector<16xf32>
    %add3A_1629 = arith.addf %add3A_1622, %mul3A_1628 : vector<16xf32>
    %get3A_1630 = arith.constant 6 : i32
    %get3A_1631 = arith.index_cast %get3A_1630 : i32 to index
    %get3A_1632 = arith.constant 352 : index
    %get3A_1633 = tpu.vector_load %arg6[%get3A_1631, %get3A_1632] {strides = array<i32>} : memref<8x1024xf32, #tpu.memory_space<vmem>>, vector<16xf32>,
    %mul3A_1634 = vector.broadcast %squeeze3A_221 : f32 to vector<16xf32>
    %mul3A_1635 = arith.mulf %mul3A_1634, %get3A_1633 : vector<16xf32>
    %add3A_1636 = arith.addf %add3A_1629, %mul3A_1635 : vector<16xf32>
    %get3A_1637 = arith.constant 7 : i32
    %get3A_1638 = arith.index_cast %get3A_1637 : i32 to index
    %get3A_1639 = arith.constant 352 : index
    %get3A_1640 = tpu.vector_load %arg6[%get3A_1638, %get3A_1639] {strides = array<i32>} : memref<8x1024xf32, #tpu.memory_space<vmem>>, vector<16xf32>,
    %mul3A_1641 = vector.broadcast %squeeze3A_223 : f32 to vector<16xf32>
    %mul3A_1642 = arith.mulf %mul3A_1641, %get3A_1640 : vector<16xf32>
    %add3A_1643 = arith.addf %add3A_1636, %mul3A_1642 : vector<16xf32>
    %swap3A_1644 = arith.constant 0 : i32
    %swap3A_1645 = arith.index_cast %swap3A_1644 : i32 to index
    %swap3A_1646 = arith.constant 352 : index
    %swap3A_1647 = tpu.vector_load %arg7[%swap3A_1645, %swap3A_1646] {strides = array<i32>} : memref<1x1024xf32, #tpu.memory_space<vmem>>, vector<16xf32>,
    tpu.vector_store %arg7[%swap3A_1645, %swap3A_1646], %add3A_1643 {strides = array<i32>} : memref<1x1024xf32, #tpu.memory_space<vmem>>, vector<16xf32>,
    %broadcast_in_dim3A_1648 = arith.constant 0.000000e+00 : f32
    %broadcast_in_dim3A_1649 = vector.broadcast %broadcast_in_dim3A_1648 : f32 to vector<16xf32>
    %get3A_1650 = arith.constant 0 : i32
    %get3A_1651 = arith.index_cast %get3A_1650 : i32 to index
    %get3A_1652 = arith.constant 368 : index
    %get3A_1653 = tpu.vector_load %arg6[%get3A_1651, %get3A_1652] {strides = array<i32>} : memref<8x1024xf32, #tpu.memory_space<vmem>>, vector<16xf32>,
    %mul3A_1654 = vector.broadcast %squeeze3A : f32 to vector<16xf32>
    %mul3A_1655 = arith.mulf %mul3A_1654, %get3A_1653 : vector<16xf32>
    %add3A_1656 = arith.addf %broadcast_in_dim3A_1649, %mul3A_1655 : vector<16xf32>
    %get3A_1657 = arith.constant 1 : i32
    %get3A_1658 = arith.index_cast %get3A_1657 : i32 to index
    %get3A_1659 = arith.constant 368 : index
    %get3A_1660 = tpu.vector_load %arg6[%get3A_1658, %get3A_1659] {strides = array<i32>} : memref<8x1024xf32, #tpu.memory_space<vmem>>, vector<16xf32>,
    %mul3A_1661 = vector.broadcast %squeeze3A_211 : f32 to vector<16xf32>
    %mul3A_1662 = arith.mulf %mul3A_1661, %get3A_1660 : vector<16xf32>
    %add3A_1663 = arith.addf %add3A_1656, %mul3A_1662 : vector<16xf32>
    %get3A_1664 = arith.constant 2 : i32
    %get3A_1665 = arith.index_cast %get3A_1664 : i32 to index
    %get3A_1666 = arith.constant 368 : index
    %get3A_1667 = tpu.vector_load %arg6[%get3A_1665, %get3A_1666] {strides = array<i32>} : memref<8x1024xf32, #tpu.memory_space<vmem>>, vector<16xf32>,
    %mul3A_1668 = vector.broadcast %squeeze3A_213 : f32 to vector<16xf32>
    %mul3A_1669 = arith.mulf %mul3A_1668, %get3A_1667 : vector<16xf32>
    %add3A_1670 = arith.addf %add3A_1663, %mul3A_1669 : vector<16xf32>
    %get3A_1671 = arith.constant 3 : i32
    %get3A_1672 = arith.index_cast %get3A_1671 : i32 to index
    %get3A_1673 = arith.constant 368 : index
    %get3A_1674 = tpu.vector_load %arg6[%get3A_1672, %get3A_1673] {strides = array<i32>} : memref<8x1024xf32, #tpu.memory_space<vmem>>, vector<16xf32>,
    %mul3A_1675 = vector.broadcast %squeeze3A_215 : f32 to vector<16xf32>
    %mul3A_1676 = arith.mulf %mul3A_1675, %get3A_1674 : vector<16xf32>
    %add3A_1677 = arith.addf %add3A_1670, %mul3A_1676 : vector<16xf32>
    %get3A_1678 = arith.constant 4 : i32
    %get3A_1679 = arith.index_cast %get3A_1678 : i32 to index
    %get3A_1680 = arith.constant 368 : index
    %get3A_1681 = tpu.vector_load %arg6[%get3A_1679, %get3A_1680] {strides = array<i32>} : memref<8x1024xf32, #tpu.memory_space<vmem>>, vector<16xf32>,
    %mul3A_1682 = vector.broadcast %squeeze3A_217 : f32 to vector<16xf32>
    %mul3A_1683 = arith.mulf %mul3A_1682, %get3A_1681 : vector<16xf32>
    %add3A_1684 = arith.addf %add3A_1677, %mul3A_1683 : vector<16xf32>
    %get3A_1685 = arith.constant 5 : i32
    %get3A_1686 = arith.index_cast %get3A_1685 : i32 to index
    %get3A_1687 = arith.constant 368 : index
    %get3A_1688 = tpu.vector_load %arg6[%get3A_1686, %get3A_1687] {strides = array<i32>} : memref<8x1024xf32, #tpu.memory_space<vmem>>, vector<16xf32>,
    %mul3A_1689 = vector.broadcast %squeeze3A_219 : f32 to vector<16xf32>
    %mul3A_1690 = arith.mulf %mul3A_1689, %get3A_1688 : vector<16xf32>
    %add3A_1691 = arith.addf %add3A_1684, %mul3A_1690 : vector<16xf32>
    %get3A_1692 = arith.constant 6 : i32
    %get3A_1693 = arith.index_cast %get3A_1692 : i32 to index
    %get3A_1694 = arith.constant 368 : index
    %get3A_1695 = tpu.vector_load %arg6[%get3A_1693, %get3A_1694] {strides = array<i32>} : memref<8x1024xf32, #tpu.memory_space<vmem>>, vector<16xf32>,
    %mul3A_1696 = vector.broadcast %squeeze3A_221 : f32 to vector<16xf32>
    %mul3A_1697 = arith.mulf %mul3A_1696, %get3A_1695 : vector<16xf32>
    %add3A_1698 = arith.addf %add3A_1691, %mul3A_1697 : vector<16xf32>
    %get3A_1699 = arith.constant 7 : i32
    %get3A_1700 = arith.index_cast %get3A_1699 : i32 to index
    %get3A_1701 = arith.constant 368 : index
    %get3A_1702 = tpu.vector_load %arg6[%get3A_1700, %get3A_1701] {strides = array<i32>} : memref<8x1024xf32, #tpu.memory_space<vmem>>, vector<16xf32>,
    %mul3A_1703 = vector.broadcast %squeeze3A_223 : f32 to vector<16xf32>
    %mul3A_1704 = arith.mulf %mul3A_1703, %get3A_1702 : vector<16xf32>
    %add3A_1705 = arith.addf %add3A_1698, %mul3A_1704 : vector<16xf32>
    %swap3A_1706 = arith.constant 0 : i32
    %swap3A_1707 = arith.index_cast %swap3A_1706 : i32 to index
    %swap3A_1708 = arith.constant 368 : index
    %swap3A_1709 = tpu.vector_load %arg7[%swap3A_1707, %swap3A_1708] {strides = array<i32>} : memref<1x1024xf32, #tpu.memory_space<vmem>>, vector<16xf32>,
    tpu.vector_store %arg7[%swap3A_1707, %swap3A_1708], %add3A_1705 {strides = array<i32>} : memref<1x1024xf32, #tpu.memory_space<vmem>>, vector<16xf32>,
    %broadcast_in_dim3A_1710 = arith.constant 0.000000e+00 : f32
    %broadcast_in_dim3A_1711 = vector.broadcast %broadcast_in_dim3A_1710 : f32 to vector<16xf32>
    %get3A_1712 = arith.constant 0 : i32
    %get3A_1713 = arith.index_cast %get3A_1712 : i32 to index
    %get3A_1714 = arith.constant 384 : index
    %get3A_1715 = tpu.vector_load %arg6[%get3A_1713, %get3A_1714] {strides = array<i32>} : memref<8x1024xf32, #tpu.memory_space<vmem>>, vector<16xf32>,
    %mul3A_1716 = vector.broadcast %squeeze3A : f32 to vector<16xf32>
    %mul3A_1717 = arith.mulf %mul3A_1716, %get3A_1715 : vector<16xf32>
    %add3A_1718 = arith.addf %broadcast_in_dim3A_1711, %mul3A_1717 : vector<16xf32>
    %get3A_1719 = arith.constant 1 : i32
    %get3A_1720 = arith.index_cast %get3A_1719 : i32 to index
    %get3A_1721 = arith.constant 384 : index
    %get3A_1722 = tpu.vector_load %arg6[%get3A_1720, %get3A_1721] {strides = array<i32>} : memref<8x1024xf32, #tpu.memory_space<vmem>>, vector<16xf32>,
    %mul3A_1723 = vector.broadcast %squeeze3A_211 : f32 to vector<16xf32>
    %mul3A_1724 = arith.mulf %mul3A_1723, %get3A_1722 : vector<16xf32>
    %add3A_1725 = arith.addf %add3A_1718, %mul3A_1724 : vector<16xf32>
    %get3A_1726 = arith.constant 2 : i32
    %get3A_1727 = arith.index_cast %get3A_1726 : i32 to index
    %get3A_1728 = arith.constant 384 : index
    %get3A_1729 = tpu.vector_load %arg6[%get3A_1727, %get3A_1728] {strides = array<i32>} : memref<8x1024xf32, #tpu.memory_space<vmem>>, vector<16xf32>,
    %mul3A_1730 = vector.broadcast %squeeze3A_213 : f32 to vector<16xf32>
    %mul3A_1731 = arith.mulf %mul3A_1730, %get3A_1729 : vector<16xf32>
    %add3A_1732 = arith.addf %add3A_1725, %mul3A_1731 : vector<16xf32>
    %get3A_1733 = arith.constant 3 : i32
    %get3A_1734 = arith.index_cast %get3A_1733 : i32 to index
    %get3A_1735 = arith.constant 384 : index
    %get3A_1736 = tpu.vector_load %arg6[%get3A_1734, %get3A_1735] {strides = array<i32>} : memref<8x1024xf32, #tpu.memory_space<vmem>>, vector<16xf32>,
    %mul3A_1737 = vector.broadcast %squeeze3A_215 : f32 to vector<16xf32>
    %mul3A_1738 = arith.mulf %mul3A_1737, %get3A_1736 : vector<16xf32>
    %add3A_1739 = arith.addf %add3A_1732, %mul3A_1738 : vector<16xf32>
    %get3A_1740 = arith.constant 4 : i32
    %get3A_1741 = arith.index_cast %get3A_1740 : i32 to index
    %get3A_1742 = arith.constant 384 : index
    %get3A_1743 = tpu.vector_load %arg6[%get3A_1741, %get3A_1742] {strides = array<i32>} : memref<8x1024xf32, #tpu.memory_space<vmem>>, vector<16xf32>,
    %mul3A_1744 = vector.broadcast %squeeze3A_217 : f32 to vector<16xf32>
    %mul3A_1745 = arith.mulf %mul3A_1744, %get3A_1743 : vector<16xf32>
    %add3A_1746 = arith.addf %add3A_1739, %mul3A_1745 : vector<16xf32>
    %get3A_1747 = arith.constant 5 : i32
    %get3A_1748 = arith.index_cast %get3A_1747 : i32 to index
    %get3A_1749 = arith.constant 384 : index
    %get3A_1750 = tpu.vector_load %arg6[%get3A_1748, %get3A_1749] {strides = array<i32>} : memref<8x1024xf32, #tpu.memory_space<vmem>>, vector<16xf32>,
    %mul3A_1751 = vector.broadcast %squeeze3A_219 : f32 to vector<16xf32>
    %mul3A_1752 = arith.mulf %mul3A_1751, %get3A_1750 : vector<16xf32>
    %add3A_1753 = arith.addf %add3A_1746, %mul3A_1752 : vector<16xf32>
    %get3A_1754 = arith.constant 6 : i32
    %get3A_1755 = arith.index_cast %get3A_1754 : i32 to index
    %get3A_1756 = arith.constant 384 : index
    %get3A_1757 = tpu.vector_load %arg6[%get3A_1755, %get3A_1756] {strides = array<i32>} : memref<8x1024xf32, #tpu.memory_space<vmem>>, vector<16xf32>,
    %mul3A_1758 = vector.broadcast %squeeze3A_221 : f32 to vector<16xf32>
    %mul3A_1759 = arith.mulf %mul3A_1758, %get3A_1757 : vector<16xf32>
    %add3A_1760 = arith.addf %add3A_1753, %mul3A_1759 : vector<16xf32>
    %get3A_1761 = arith.constant 7 : i32
    %get3A_1762 = arith.index_cast %get3A_1761 : i32 to index
    %get3A_1763 = arith.constant 384 : index
    %get3A_1764 = tpu.vector_load %arg6[%get3A_1762, %get3A_1763] {strides = array<i32>} : memref<8x1024xf32, #tpu.memory_space<vmem>>, vector<16xf32>,
    %mul3A_1765 = vector.broadcast %squeeze3A_223 : f32 to vector<16xf32>
    %mul3A_1766 = arith.mulf %mul3A_1765, %get3A_1764 : vector<16xf32>
    %add3A_1767 = arith.addf %add3A_1760, %mul3A_1766 : vector<16xf32>
    %swap3A_1768 = arith.constant 0 : i32
    %swap3A_1769 = arith.index_cast %swap3A_1768 : i32 to index
    %swap3A_1770 = arith.constant 384 : index
    %swap3A_1771 = tpu.vector_load %arg7[%swap3A_1769, %swap3A_1770] {strides = array<i32>} : memref<1x1024xf32, #tpu.memory_space<vmem>>, vector<16xf32>,
    tpu.vector_store %arg7[%swap3A_1769, %swap3A_1770], %add3A_1767 {strides = array<i32>} : memref<1x1024xf32, #tpu.memory_space<vmem>>, vector<16xf32>,
    %broadcast_in_dim3A_1772 = arith.constant 0.000000e+00 : f32
    %broadcast_in_dim3A_1773 = vector.broadcast %broadcast_in_dim3A_1772 : f32 to vector<16xf32>
    %get3A_1774 = arith.constant 0 : i32
    %get3A_1775 = arith.index_cast %get3A_1774 : i32 to index
    %get3A_1776 = arith.constant 400 : index
    %get3A_1777 = tpu.vector_load %arg6[%get3A_1775, %get3A_1776] {strides = array<i32>} : memref<8x1024xf32, #tpu.memory_space<vmem>>, vector<16xf32>,
    %mul3A_1778 = vector.broadcast %squeeze3A : f32 to vector<16xf32>
    %mul3A_1779 = arith.mulf %mul3A_1778, %get3A_1777 : vector<16xf32>
    %add3A_1780 = arith.addf %broadcast_in_dim3A_1773, %mul3A_1779 : vector<16xf32>
    %get3A_1781 = arith.constant 1 : i32
    %get3A_1782 = arith.index_cast %get3A_1781 : i32 to index
    %get3A_1783 = arith.constant 400 : index
    %get3A_1784 = tpu.vector_load %arg6[%get3A_1782, %get3A_1783] {strides = array<i32>} : memref<8x1024xf32, #tpu.memory_space<vmem>>, vector<16xf32>,
    %mul3A_1785 = vector.broadcast %squeeze3A_211 : f32 to vector<16xf32>
    %mul3A_1786 = arith.mulf %mul3A_1785, %get3A_1784 : vector<16xf32>
    %add3A_1787 = arith.addf %add3A_1780, %mul3A_1786 : vector<16xf32>
    %get3A_1788 = arith.constant 2 : i32
    %get3A_1789 = arith.index_cast %get3A_1788 : i32 to index
    %get3A_1790 = arith.constant 400 : index
    %get3A_1791 = tpu.vector_load %arg6[%get3A_1789, %get3A_1790] {strides = array<i32>} : memref<8x1024xf32, #tpu.memory_space<vmem>>, vector<16xf32>,
    %mul3A_1792 = vector.broadcast %squeeze3A_213 : f32 to vector<16xf32>
    %mul3A_1793 = arith.mulf %mul3A_1792, %get3A_1791 : vector<16xf32>
    %add3A_1794 = arith.addf %add3A_1787, %mul3A_1793 : vector<16xf32>
    %get3A_1795 = arith.constant 3 : i32
    %get3A_1796 = arith.index_cast %get3A_1795 : i32 to index
    %get3A_1797 = arith.constant 400 : index
    %get3A_1798 = tpu.vector_load %arg6[%get3A_1796, %get3A_1797] {strides = array<i32>} : memref<8x1024xf32, #tpu.memory_space<vmem>>, vector<16xf32>,
    %mul3A_1799 = vector.broadcast %squeeze3A_215 : f32 to vector<16xf32>
    %mul3A_1800 = arith.mulf %mul3A_1799, %get3A_1798 : vector<16xf32>
    %add3A_1801 = arith.addf %add3A_1794, %mul3A_1800 : vector<16xf32>
    %get3A_1802 = arith.constant 4 : i32
    %get3A_1803 = arith.index_cast %get3A_1802 : i32 to index
    %get3A_1804 = arith.constant 400 : index
    %get3A_1805 = tpu.vector_load %arg6[%get3A_1803, %get3A_1804] {strides = array<i32>} : memref<8x1024xf32, #tpu.memory_space<vmem>>, vector<16xf32>,
    %mul3A_1806 = vector.broadcast %squeeze3A_217 : f32 to vector<16xf32>
    %mul3A_1807 = arith.mulf %mul3A_1806, %get3A_1805 : vector<16xf32>
    %add3A_1808 = arith.addf %add3A_1801, %mul3A_1807 : vector<16xf32>
    %get3A_1809 = arith.constant 5 : i32
    %get3A_1810 = arith.index_cast %get3A_1809 : i32 to index
    %get3A_1811 = arith.constant 400 : index
    %get3A_1812 = tpu.vector_load %arg6[%get3A_1810, %get3A_1811] {strides = array<i32>} : memref<8x1024xf32, #tpu.memory_space<vmem>>, vector<16xf32>,
    %mul3A_1813 = vector.broadcast %squeeze3A_219 : f32 to vector<16xf32>
    %mul3A_1814 = arith.mulf %mul3A_1813, %get3A_1812 : vector<16xf32>
    %add3A_1815 = arith.addf %add3A_1808, %mul3A_1814 : vector<16xf32>
    %get3A_1816 = arith.constant 6 : i32
    %get3A_1817 = arith.index_cast %get3A_1816 : i32 to index
    %get3A_1818 = arith.constant 400 : index
    %get3A_1819 = tpu.vector_load %arg6[%get3A_1817, %get3A_1818] {strides = array<i32>} : memref<8x1024xf32, #tpu.memory_space<vmem>>, vector<16xf32>,
    %mul3A_1820 = vector.broadcast %squeeze3A_221 : f32 to vector<16xf32>
    %mul3A_1821 = arith.mulf %mul3A_1820, %get3A_1819 : vector<16xf32>
    %add3A_1822 = arith.addf %add3A_1815, %mul3A_1821 : vector<16xf32>
    %get3A_1823 = arith.constant 7 : i32
    %get3A_1824 = arith.index_cast %get3A_1823 : i32 to index
    %get3A_1825 = arith.constant 400 : index
    %get3A_1826 = tpu.vector_load %arg6[%get3A_1824, %get3A_1825] {strides = array<i32>} : memref<8x1024xf32, #tpu.memory_space<vmem>>, vector<16xf32>,
    %mul3A_1827 = vector.broadcast %squeeze3A_223 : f32 to vector<16xf32>
    %mul3A_1828 = arith.mulf %mul3A_1827, %get3A_1826 : vector<16xf32>
    %add3A_1829 = arith.addf %add3A_1822, %mul3A_1828 : vector<16xf32>
    %swap3A_1830 = arith.constant 0 : i32
    %swap3A_1831 = arith.index_cast %swap3A_1830 : i32 to index
    %swap3A_1832 = arith.constant 400 : index
    %swap3A_1833 = tpu.vector_load %arg7[%swap3A_1831, %swap3A_1832] {strides = array<i32>} : memref<1x1024xf32, #tpu.memory_space<vmem>>, vector<16xf32>,
    tpu.vector_store %arg7[%swap3A_1831, %swap3A_1832], %add3A_1829 {strides = array<i32>} : memref<1x1024xf32, #tpu.memory_space<vmem>>, vector<16xf32>,
    %broadcast_in_dim3A_1834 = arith.constant 0.000000e+00 : f32
    %broadcast_in_dim3A_1835 = vector.broadcast %broadcast_in_dim3A_1834 : f32 to vector<16xf32>
    %get3A_1836 = arith.constant 0 : i32
    %get3A_1837 = arith.index_cast %get3A_1836 : i32 to index
    %get3A_1838 = arith.constant 416 : index
    %get3A_1839 = tpu.vector_load %arg6[%get3A_1837, %get3A_1838] {strides = array<i32>} : memref<8x1024xf32, #tpu.memory_space<vmem>>, vector<16xf32>,
    %mul3A_1840 = vector.broadcast %squeeze3A : f32 to vector<16xf32>
    %mul3A_1841 = arith.mulf %mul3A_1840, %get3A_1839 : vector<16xf32>
    %add3A_1842 = arith.addf %broadcast_in_dim3A_1835, %mul3A_1841 : vector<16xf32>
    %get3A_1843 = arith.constant 1 : i32
    %get3A_1844 = arith.index_cast %get3A_1843 : i32 to index
    %get3A_1845 = arith.constant 416 : index
    %get3A_1846 = tpu.vector_load %arg6[%get3A_1844, %get3A_1845] {strides = array<i32>} : memref<8x1024xf32, #tpu.memory_space<vmem>>, vector<16xf32>,
    %mul3A_1847 = vector.broadcast %squeeze3A_211 : f32 to vector<16xf32>
    %mul3A_1848 = arith.mulf %mul3A_1847, %get3A_1846 : vector<16xf32>
    %add3A_1849 = arith.addf %add3A_1842, %mul3A_1848 : vector<16xf32>
    %get3A_1850 = arith.constant 2 : i32
    %get3A_1851 = arith.index_cast %get3A_1850 : i32 to index
    %get3A_1852 = arith.constant 416 : index
    %get3A_1853 = tpu.vector_load %arg6[%get3A_1851, %get3A_1852] {strides = array<i32>} : memref<8x1024xf32, #tpu.memory_space<vmem>>, vector<16xf32>,
    %mul3A_1854 = vector.broadcast %squeeze3A_213 : f32 to vector<16xf32>
    %mul3A_1855 = arith.mulf %mul3A_1854, %get3A_1853 : vector<16xf32>
    %add3A_1856 = arith.addf %add3A_1849, %mul3A_1855 : vector<16xf32>
    %get3A_1857 = arith.constant 3 : i32
    %get3A_1858 = arith.index_cast %get3A_1857 : i32 to index
    %get3A_1859 = arith.constant 416 : index
    %get3A_1860 = tpu.vector_load %arg6[%get3A_1858, %get3A_1859] {strides = array<i32>} : memref<8x1024xf32, #tpu.memory_space<vmem>>, vector<16xf32>,
    %mul3A_1861 = vector.broadcast %squeeze3A_215 : f32 to vector<16xf32>
    %mul3A_1862 = arith.mulf %mul3A_1861, %get3A_1860 : vector<16xf32>
    %add3A_1863 = arith.addf %add3A_1856, %mul3A_1862 : vector<16xf32>
    %get3A_1864 = arith.constant 4 : i32
    %get3A_1865 = arith.index_cast %get3A_1864 : i32 to index
    %get3A_1866 = arith.constant 416 : index
    %get3A_1867 = tpu.vector_load %arg6[%get3A_1865, %get3A_1866] {strides = array<i32>} : memref<8x1024xf32, #tpu.memory_space<vmem>>, vector<16xf32>,
    %mul3A_1868 = vector.broadcast %squeeze3A_217 : f32 to vector<16xf32>
    %mul3A_1869 = arith.mulf %mul3A_1868, %get3A_1867 : vector<16xf32>
    %add3A_1870 = arith.addf %add3A_1863, %mul3A_1869 : vector<16xf32>
    %get3A_1871 = arith.constant 5 : i32
    %get3A_1872 = arith.index_cast %get3A_1871 : i32 to index
    %get3A_1873 = arith.constant 416 : index
    %get3A_1874 = tpu.vector_load %arg6[%get3A_1872, %get3A_1873] {strides = array<i32>} : memref<8x1024xf32, #tpu.memory_space<vmem>>, vector<16xf32>,
    %mul3A_1875 = vector.broadcast %squeeze3A_219 : f32 to vector<16xf32>
    %mul3A_1876 = arith.mulf %mul3A_1875, %get3A_1874 : vector<16xf32>
    %add3A_1877 = arith.addf %add3A_1870, %mul3A_1876 : vector<16xf32>
    %get3A_1878 = arith.constant 6 : i32
    %get3A_1879 = arith.index_cast %get3A_1878 : i32 to index
    %get3A_1880 = arith.constant 416 : index
    %get3A_1881 = tpu.vector_load %arg6[%get3A_1879, %get3A_1880] {strides = array<i32>} : memref<8x1024xf32, #tpu.memory_space<vmem>>, vector<16xf32>,
    %mul3A_1882 = vector.broadcast %squeeze3A_221 : f32 to vector<16xf32>
    %mul3A_1883 = arith.mulf %mul3A_1882, %get3A_1881 : vector<16xf32>
    %add3A_1884 = arith.addf %add3A_1877, %mul3A_1883 : vector<16xf32>
    %get3A_1885 = arith.constant 7 : i32
    %get3A_1886 = arith.index_cast %get3A_1885 : i32 to index
    %get3A_1887 = arith.constant 416 : index
    %get3A_1888 = tpu.vector_load %arg6[%get3A_1886, %get3A_1887] {strides = array<i32>} : memref<8x1024xf32, #tpu.memory_space<vmem>>, vector<16xf32>,
    %mul3A_1889 = vector.broadcast %squeeze3A_223 : f32 to vector<16xf32>
    %mul3A_1890 = arith.mulf %mul3A_1889, %get3A_1888 : vector<16xf32>
    %add3A_1891 = arith.addf %add3A_1884, %mul3A_1890 : vector<16xf32>
    %swap3A_1892 = arith.constant 0 : i32
    %swap3A_1893 = arith.index_cast %swap3A_1892 : i32 to index
    %swap3A_1894 = arith.constant 416 : index
    %swap3A_1895 = tpu.vector_load %arg7[%swap3A_1893, %swap3A_1894] {strides = array<i32>} : memref<1x1024xf32, #tpu.memory_space<vmem>>, vector<16xf32>,
    tpu.vector_store %arg7[%swap3A_1893, %swap3A_1894], %add3A_1891 {strides = array<i32>} : memref<1x1024xf32, #tpu.memory_space<vmem>>, vector<16xf32>,
    %broadcast_in_dim3A_1896 = arith.constant 0.000000e+00 : f32
    %broadcast_in_dim3A_1897 = vector.broadcast %broadcast_in_dim3A_1896 : f32 to vector<16xf32>
    %get3A_1898 = arith.constant 0 : i32
    %get3A_1899 = arith.index_cast %get3A_1898 : i32 to index
    %get3A_1900 = arith.constant 432 : index
    %get3A_1901 = tpu.vector_load %arg6[%get3A_1899, %get3A_1900] {strides = array<i32>} : memref<8x1024xf32, #tpu.memory_space<vmem>>, vector<16xf32>,
    %mul3A_1902 = vector.broadcast %squeeze3A : f32 to vector<16xf32>
    %mul3A_1903 = arith.mulf %mul3A_1902, %get3A_1901 : vector<16xf32>
    %add3A_1904 = arith.addf %broadcast_in_dim3A_1897, %mul3A_1903 : vector<16xf32>
    %get3A_1905 = arith.constant 1 : i32
    %get3A_1906 = arith.index_cast %get3A_1905 : i32 to index
    %get3A_1907 = arith.constant 432 : index
    %get3A_1908 = tpu.vector_load %arg6[%get3A_1906, %get3A_1907] {strides = array<i32>} : memref<8x1024xf32, #tpu.memory_space<vmem>>, vector<16xf32>,
    %mul3A_1909 = vector.broadcast %squeeze3A_211 : f32 to vector<16xf32>
    %mul3A_1910 = arith.mulf %mul3A_1909, %get3A_1908 : vector<16xf32>
    %add3A_1911 = arith.addf %add3A_1904, %mul3A_1910 : vector<16xf32>
    %get3A_1912 = arith.constant 2 : i32
    %get3A_1913 = arith.index_cast %get3A_1912 : i32 to index
    %get3A_1914 = arith.constant 432 : index
    %get3A_1915 = tpu.vector_load %arg6[%get3A_1913, %get3A_1914] {strides = array<i32>} : memref<8x1024xf32, #tpu.memory_space<vmem>>, vector<16xf32>,
    %mul3A_1916 = vector.broadcast %squeeze3A_213 : f32 to vector<16xf32>
    %mul3A_1917 = arith.mulf %mul3A_1916, %get3A_1915 : vector<16xf32>
    %add3A_1918 = arith.addf %add3A_1911, %mul3A_1917 : vector<16xf32>
    %get3A_1919 = arith.constant 3 : i32
    %get3A_1920 = arith.index_cast %get3A_1919 : i32 to index
    %get3A_1921 = arith.constant 432 : index
    %get3A_1922 = tpu.vector_load %arg6[%get3A_1920, %get3A_1921] {strides = array<i32>} : memref<8x1024xf32, #tpu.memory_space<vmem>>, vector<16xf32>,
    %mul3A_1923 = vector.broadcast %squeeze3A_215 : f32 to vector<16xf32>
    %mul3A_1924 = arith.mulf %mul3A_1923, %get3A_1922 : vector<16xf32>
    %add3A_1925 = arith.addf %add3A_1918, %mul3A_1924 : vector<16xf32>
    %get3A_1926 = arith.constant 4 : i32
    %get3A_1927 = arith.index_cast %get3A_1926 : i32 to index
    %get3A_1928 = arith.constant 432 : index
    %get3A_1929 = tpu.vector_load %arg6[%get3A_1927, %get3A_1928] {strides = array<i32>} : memref<8x1024xf32, #tpu.memory_space<vmem>>, vector<16xf32>,
    %mul3A_1930 = vector.broadcast %squeeze3A_217 : f32 to vector<16xf32>
    %mul3A_1931 = arith.mulf %mul3A_1930, %get3A_1929 : vector<16xf32>
    %add3A_1932 = arith.addf %add3A_1925, %mul3A_1931 : vector<16xf32>
    %get3A_1933 = arith.constant 5 : i32
    %get3A_1934 = arith.index_cast %get3A_1933 : i32 to index
    %get3A_1935 = arith.constant 432 : index
    %get3A_1936 = tpu.vector_load %arg6[%get3A_1934, %get3A_1935] {strides = array<i32>} : memref<8x1024xf32, #tpu.memory_space<vmem>>, vector<16xf32>,
    %mul3A_1937 = vector.broadcast %squeeze3A_219 : f32 to vector<16xf32>
    %mul3A_1938 = arith.mulf %mul3A_1937, %get3A_1936 : vector<16xf32>
    %add3A_1939 = arith.addf %add3A_1932, %mul3A_1938 : vector<16xf32>
    %get3A_1940 = arith.constant 6 : i32
    %get3A_1941 = arith.index_cast %get3A_1940 : i32 to index
    %get3A_1942 = arith.constant 432 : index
    %get3A_1943 = tpu.vector_load %arg6[%get3A_1941, %get3A_1942] {strides = array<i32>} : memref<8x1024xf32, #tpu.memory_space<vmem>>, vector<16xf32>,
    %mul3A_1944 = vector.broadcast %squeeze3A_221 : f32 to vector<16xf32>
    %mul3A_1945 = arith.mulf %mul3A_1944, %get3A_1943 : vector<16xf32>
    %add3A_1946 = arith.addf %add3A_1939, %mul3A_1945 : vector<16xf32>
    %get3A_1947 = arith.constant 7 : i32
    %get3A_1948 = arith.index_cast %get3A_1947 : i32 to index
    %get3A_1949 = arith.constant 432 : index
    %get3A_1950 = tpu.vector_load %arg6[%get3A_1948, %get3A_1949] {strides = array<i32>} : memref<8x1024xf32, #tpu.memory_space<vmem>>, vector<16xf32>,
    %mul3A_1951 = vector.broadcast %squeeze3A_223 : f32 to vector<16xf32>
    %mul3A_1952 = arith.mulf %mul3A_1951, %get3A_1950 : vector<16xf32>
    %add3A_1953 = arith.addf %add3A_1946, %mul3A_1952 : vector<16xf32>
    %swap3A_1954 = arith.constant 0 : i32
    %swap3A_1955 = arith.index_cast %swap3A_1954 : i32 to index
    %swap3A_1956 = arith.constant 432 : index
    %swap3A_1957 = tpu.vector_load %arg7[%swap3A_1955, %swap3A_1956] {strides = array<i32>} : memref<1x1024xf32, #tpu.memory_space<vmem>>, vector<16xf32>,
    tpu.vector_store %arg7[%swap3A_1955, %swap3A_1956], %add3A_1953 {strides = array<i32>} : memref<1x1024xf32, #tpu.memory_space<vmem>>, vector<16xf32>,
    %broadcast_in_dim3A_1958 = arith.constant 0.000000e+00 : f32
    %broadcast_in_dim3A_1959 = vector.broadcast %broadcast_in_dim3A_1958 : f32 to vector<16xf32>
    %get3A_1960 = arith.constant 0 : i32
    %get3A_1961 = arith.index_cast %get3A_1960 : i32 to index
    %get3A_1962 = arith.constant 448 : index
    %get3A_1963 = tpu.vector_load %arg6[%get3A_1961, %get3A_1962] {strides = array<i32>} : memref<8x1024xf32, #tpu.memory_space<vmem>>, vector<16xf32>,
    %mul3A_1964 = vector.broadcast %squeeze3A : f32 to vector<16xf32>
    %mul3A_1965 = arith.mulf %mul3A_1964, %get3A_1963 : vector<16xf32>
    %add3A_1966 = arith.addf %broadcast_in_dim3A_1959, %mul3A_1965 : vector<16xf32>
    %get3A_1967 = arith.constant 1 : i32
    %get3A_1968 = arith.index_cast %get3A_1967 : i32 to index
    %get3A_1969 = arith.constant 448 : index
    %get3A_1970 = tpu.vector_load %arg6[%get3A_1968, %get3A_1969] {strides = array<i32>} : memref<8x1024xf32, #tpu.memory_space<vmem>>, vector<16xf32>,
    %mul3A_1971 = vector.broadcast %squeeze3A_211 : f32 to vector<16xf32>
    %mul3A_1972 = arith.mulf %mul3A_1971, %get3A_1970 : vector<16xf32>
    %add3A_1973 = arith.addf %add3A_1966, %mul3A_1972 : vector<16xf32>
    %get3A_1974 = arith.constant 2 : i32
    %get3A_1975 = arith.index_cast %get3A_1974 : i32 to index
    %get3A_1976 = arith.constant 448 : index
    %get3A_1977 = tpu.vector_load %arg6[%get3A_1975, %get3A_1976] {strides = array<i32>} : memref<8x1024xf32, #tpu.memory_space<vmem>>, vector<16xf32>,
    %mul3A_1978 = vector.broadcast %squeeze3A_213 : f32 to vector<16xf32>
    %mul3A_1979 = arith.mulf %mul3A_1978, %get3A_1977 : vector<16xf32>
    %add3A_1980 = arith.addf %add3A_1973, %mul3A_1979 : vector<16xf32>
    %get3A_1981 = arith.constant 3 : i32
    %get3A_1982 = arith.index_cast %get3A_1981 : i32 to index
    %get3A_1983 = arith.constant 448 : index
    %get3A_1984 = tpu.vector_load %arg6[%get3A_1982, %get3A_1983] {strides = array<i32>} : memref<8x1024xf32, #tpu.memory_space<vmem>>, vector<16xf32>,
    %mul3A_1985 = vector.broadcast %squeeze3A_215 : f32 to vector<16xf32>
    %mul3A_1986 = arith.mulf %mul3A_1985, %get3A_1984 : vector<16xf32>
    %add3A_1987 = arith.addf %add3A_1980, %mul3A_1986 : vector<16xf32>
    %get3A_1988 = arith.constant 4 : i32
    %get3A_1989 = arith.index_cast %get3A_1988 : i32 to index
    %get3A_1990 = arith.constant 448 : index
    %get3A_1991 = tpu.vector_load %arg6[%get3A_1989, %get3A_1990] {strides = array<i32>} : memref<8x1024xf32, #tpu.memory_space<vmem>>, vector<16xf32>,
    %mul3A_1992 = vector.broadcast %squeeze3A_217 : f32 to vector<16xf32>
    %mul3A_1993 = arith.mulf %mul3A_1992, %get3A_1991 : vector<16xf32>
    %add3A_1994 = arith.addf %add3A_1987, %mul3A_1993 : vector<16xf32>
    %get3A_1995 = arith.constant 5 : i32
    %get3A_1996 = arith.index_cast %get3A_1995 : i32 to index
    %get3A_1997 = arith.constant 448 : index
    %get3A_1998 = tpu.vector_load %arg6[%get3A_1996, %get3A_1997] {strides = array<i32>} : memref<8x1024xf32, #tpu.memory_space<vmem>>, vector<16xf32>,
    %mul3A_1999 = vector.broadcast %squeeze3A_219 : f32 to vector<16xf32>
    %mul3A_2000 = arith.mulf %mul3A_1999, %get3A_1998 : vector<16xf32>
    %add3A_2001 = arith.addf %add3A_1994, %mul3A_2000 : vector<16xf32>
    %get3A_2002 = arith.constant 6 : i32
    %get3A_2003 = arith.index_cast %get3A_2002 : i32 to index
    %get3A_2004 = arith.constant 448 : index
    %get3A_2005 = tpu.vector_load %arg6[%get3A_2003, %get3A_2004] {strides = array<i32>} : memref<8x1024xf32, #tpu.memory_space<vmem>>, vector<16xf32>,
    %mul3A_2006 = vector.broadcast %squeeze3A_221 : f32 to vector<16xf32>
    %mul3A_2007 = arith.mulf %mul3A_2006, %get3A_2005 : vector<16xf32>
    %add3A_2008 = arith.addf %add3A_2001, %mul3A_2007 : vector<16xf32>
    %get3A_2009 = arith.constant 7 : i32
    %get3A_2010 = arith.index_cast %get3A_2009 : i32 to index
    %get3A_2011 = arith.constant 448 : index
    %get3A_2012 = tpu.vector_load %arg6[%get3A_2010, %get3A_2011] {strides = array<i32>} : memref<8x1024xf32, #tpu.memory_space<vmem>>, vector<16xf32>,
    %mul3A_2013 = vector.broadcast %squeeze3A_223 : f32 to vector<16xf32>
    %mul3A_2014 = arith.mulf %mul3A_2013, %get3A_2012 : vector<16xf32>
    %add3A_2015 = arith.addf %add3A_2008, %mul3A_2014 : vector<16xf32>
    %swap3A_2016 = arith.constant 0 : i32
    %swap3A_2017 = arith.index_cast %swap3A_2016 : i32 to index
    %swap3A_2018 = arith.constant 448 : index
    %swap3A_2019 = tpu.vector_load %arg7[%swap3A_2017, %swap3A_2018] {strides = array<i32>} : memref<1x1024xf32, #tpu.memory_space<vmem>>, vector<16xf32>,
    tpu.vector_store %arg7[%swap3A_2017, %swap3A_2018], %add3A_2015 {strides = array<i32>} : memref<1x1024xf32, #tpu.memory_space<vmem>>, vector<16xf32>,
    %broadcast_in_dim3A_2020 = arith.constant 0.000000e+00 : f32
    %broadcast_in_dim3A_2021 = vector.broadcast %broadcast_in_dim3A_2020 : f32 to vector<16xf32>
    %get3A_2022 = arith.constant 0 : i32
    %get3A_2023 = arith.index_cast %get3A_2022 : i32 to index
    %get3A_2024 = arith.constant 464 : index
    %get3A_2025 = tpu.vector_load %arg6[%get3A_2023, %get3A_2024] {strides = array<i32>} : memref<8x1024xf32, #tpu.memory_space<vmem>>, vector<16xf32>,
    %mul3A_2026 = vector.broadcast %squeeze3A : f32 to vector<16xf32>
    %mul3A_2027 = arith.mulf %mul3A_2026, %get3A_2025 : vector<16xf32>
    %add3A_2028 = arith.addf %broadcast_in_dim3A_2021, %mul3A_2027 : vector<16xf32>
    %get3A_2029 = arith.constant 1 : i32
    %get3A_2030 = arith.index_cast %get3A_2029 : i32 to index
    %get3A_2031 = arith.constant 464 : index
    %get3A_2032 = tpu.vector_load %arg6[%get3A_2030, %get3A_2031] {strides = array<i32>} : memref<8x1024xf32, #tpu.memory_space<vmem>>, vector<16xf32>,
    %mul3A_2033 = vector.broadcast %squeeze3A_211 : f32 to vector<16xf32>
    %mul3A_2034 = arith.mulf %mul3A_2033, %get3A_2032 : vector<16xf32>
    %add3A_2035 = arith.addf %add3A_2028, %mul3A_2034 : vector<16xf32>
    %get3A_2036 = arith.constant 2 : i32
    %get3A_2037 = arith.index_cast %get3A_2036 : i32 to index
    %get3A_2038 = arith.constant 464 : index
    %get3A_2039 = tpu.vector_load %arg6[%get3A_2037, %get3A_2038] {strides = array<i32>} : memref<8x1024xf32, #tpu.memory_space<vmem>>, vector<16xf32>,
    %mul3A_2040 = vector.broadcast %squeeze3A_213 : f32 to vector<16xf32>
    %mul3A_2041 = arith.mulf %mul3A_2040, %get3A_2039 : vector<16xf32>
    %add3A_2042 = arith.addf %add3A_2035, %mul3A_2041 : vector<16xf32>
    %get3A_2043 = arith.constant 3 : i32
    %get3A_2044 = arith.index_cast %get3A_2043 : i32 to index
    %get3A_2045 = arith.constant 464 : index
    %get3A_2046 = tpu.vector_load %arg6[%get3A_2044, %get3A_2045] {strides = array<i32>} : memref<8x1024xf32, #tpu.memory_space<vmem>>, vector<16xf32>,
    %mul3A_2047 = vector.broadcast %squeeze3A_215 : f32 to vector<16xf32>
    %mul3A_2048 = arith.mulf %mul3A_2047, %get3A_2046 : vector<16xf32>
    %add3A_2049 = arith.addf %add3A_2042, %mul3A_2048 : vector<16xf32>
    %get3A_2050 = arith.constant 4 : i32
    %get3A_2051 = arith.index_cast %get3A_2050 : i32 to index
    %get3A_2052 = arith.constant 464 : index
    %get3A_2053 = tpu.vector_load %arg6[%get3A_2051, %get3A_2052] {strides = array<i32>} : memref<8x1024xf32, #tpu.memory_space<vmem>>, vector<16xf32>,
    %mul3A_2054 = vector.broadcast %squeeze3A_217 : f32 to vector<16xf32>
    %mul3A_2055 = arith.mulf %mul3A_2054, %get3A_2053 : vector<16xf32>
    %add3A_2056 = arith.addf %add3A_2049, %mul3A_2055 : vector<16xf32>
    %get3A_2057 = arith.constant 5 : i32
    %get3A_2058 = arith.index_cast %get3A_2057 : i32 to index
    %get3A_2059 = arith.constant 464 : index
    %get3A_2060 = tpu.vector_load %arg6[%get3A_2058, %get3A_2059] {strides = array<i32>} : memref<8x1024xf32, #tpu.memory_space<vmem>>, vector<16xf32>,
    %mul3A_2061 = vector.broadcast %squeeze3A_219 : f32 to vector<16xf32>
    %mul3A_2062 = arith.mulf %mul3A_2061, %get3A_2060 : vector<16xf32>
    %add3A_2063 = arith.addf %add3A_2056, %mul3A_2062 : vector<16xf32>
    %get3A_2064 = arith.constant 6 : i32
    %get3A_2065 = arith.index_cast %get3A_2064 : i32 to index
    %get3A_2066 = arith.constant 464 : index
    %get3A_2067 = tpu.vector_load %arg6[%get3A_2065, %get3A_2066] {strides = array<i32>} : memref<8x1024xf32, #tpu.memory_space<vmem>>, vector<16xf32>,
    %mul3A_2068 = vector.broadcast %squeeze3A_221 : f32 to vector<16xf32>
    %mul3A_2069 = arith.mulf %mul3A_2068, %get3A_2067 : vector<16xf32>
    %add3A_2070 = arith.addf %add3A_2063, %mul3A_2069 : vector<16xf32>
    %get3A_2071 = arith.constant 7 : i32
    %get3A_2072 = arith.index_cast %get3A_2071 : i32 to index
    %get3A_2073 = arith.constant 464 : index
    %get3A_2074 = tpu.vector_load %arg6[%get3A_2072, %get3A_2073] {strides = array<i32>} : memref<8x1024xf32, #tpu.memory_space<vmem>>, vector<16xf32>,
    %mul3A_2075 = vector.broadcast %squeeze3A_223 : f32 to vector<16xf32>
    %mul3A_2076 = arith.mulf %mul3A_2075, %get3A_2074 : vector<16xf32>
    %add3A_2077 = arith.addf %add3A_2070, %mul3A_2076 : vector<16xf32>
    %swap3A_2078 = arith.constant 0 : i32
    %swap3A_2079 = arith.index_cast %swap3A_2078 : i32 to index
    %swap3A_2080 = arith.constant 464 : index
    %swap3A_2081 = tpu.vector_load %arg7[%swap3A_2079, %swap3A_2080] {strides = array<i32>} : memref<1x1024xf32, #tpu.memory_space<vmem>>, vector<16xf32>,
    tpu.vector_store %arg7[%swap3A_2079, %swap3A_2080], %add3A_2077 {strides = array<i32>} : memref<1x1024xf32, #tpu.memory_space<vmem>>, vector<16xf32>,
    %broadcast_in_dim3A_2082 = arith.constant 0.000000e+00 : f32
    %broadcast_in_dim3A_2083 = vector.broadcast %broadcast_in_dim3A_2082 : f32 to vector<16xf32>
    %get3A_2084 = arith.constant 0 : i32
    %get3A_2085 = arith.index_cast %get3A_2084 : i32 to index
    %get3A_2086 = arith.constant 480 : index
    %get3A_2087 = tpu.vector_load %arg6[%get3A_2085, %get3A_2086] {strides = array<i32>} : memref<8x1024xf32, #tpu.memory_space<vmem>>, vector<16xf32>,
    %mul3A_2088 = vector.broadcast %squeeze3A : f32 to vector<16xf32>
    %mul3A_2089 = arith.mulf %mul3A_2088, %get3A_2087 : vector<16xf32>
    %add3A_2090 = arith.addf %broadcast_in_dim3A_2083, %mul3A_2089 : vector<16xf32>
    %get3A_2091 = arith.constant 1 : i32
    %get3A_2092 = arith.index_cast %get3A_2091 : i32 to index
    %get3A_2093 = arith.constant 480 : index
    %get3A_2094 = tpu.vector_load %arg6[%get3A_2092, %get3A_2093] {strides = array<i32>} : memref<8x1024xf32, #tpu.memory_space<vmem>>, vector<16xf32>,
    %mul3A_2095 = vector.broadcast %squeeze3A_211 : f32 to vector<16xf32>
    %mul3A_2096 = arith.mulf %mul3A_2095, %get3A_2094 : vector<16xf32>
    %add3A_2097 = arith.addf %add3A_2090, %mul3A_2096 : vector<16xf32>
    %get3A_2098 = arith.constant 2 : i32
    %get3A_2099 = arith.index_cast %get3A_2098 : i32 to index
    %get3A_2100 = arith.constant 480 : index
    %get3A_2101 = tpu.vector_load %arg6[%get3A_2099, %get3A_2100] {strides = array<i32>} : memref<8x1024xf32, #tpu.memory_space<vmem>>, vector<16xf32>,
    %mul3A_2102 = vector.broadcast %squeeze3A_213 : f32 to vector<16xf32>
    %mul3A_2103 = arith.mulf %mul3A_2102, %get3A_2101 : vector<16xf32>
    %add3A_2104 = arith.addf %add3A_2097, %mul3A_2103 : vector<16xf32>
    %get3A_2105 = arith.constant 3 : i32
    %get3A_2106 = arith.index_cast %get3A_2105 : i32 to index
    %get3A_2107 = arith.constant 480 : index
    %get3A_2108 = tpu.vector_load %arg6[%get3A_2106, %get3A_2107] {strides = array<i32>} : memref<8x1024xf32, #tpu.memory_space<vmem>>, vector<16xf32>,
    %mul3A_2109 = vector.broadcast %squeeze3A_215 : f32 to vector<16xf32>
    %mul3A_2110 = arith.mulf %mul3A_2109, %get3A_2108 : vector<16xf32>
    %add3A_2111 = arith.addf %add3A_2104, %mul3A_2110 : vector<16xf32>
    %get3A_2112 = arith.constant 4 : i32
    %get3A_2113 = arith.index_cast %get3A_2112 : i32 to index
    %get3A_2114 = arith.constant 480 : index
    %get3A_2115 = tpu.vector_load %arg6[%get3A_2113, %get3A_2114] {strides = array<i32>} : memref<8x1024xf32, #tpu.memory_space<vmem>>, vector<16xf32>,
    %mul3A_2116 = vector.broadcast %squeeze3A_217 : f32 to vector<16xf32>
    %mul3A_2117 = arith.mulf %mul3A_2116, %get3A_2115 : vector<16xf32>
    %add3A_2118 = arith.addf %add3A_2111, %mul3A_2117 : vector<16xf32>
    %get3A_2119 = arith.constant 5 : i32
    %get3A_2120 = arith.index_cast %get3A_2119 : i32 to index
    %get3A_2121 = arith.constant 480 : index
    %get3A_2122 = tpu.vector_load %arg6[%get3A_2120, %get3A_2121] {strides = array<i32>} : memref<8x1024xf32, #tpu.memory_space<vmem>>, vector<16xf32>,
    %mul3A_2123 = vector.broadcast %squeeze3A_219 : f32 to vector<16xf32>
    %mul3A_2124 = arith.mulf %mul3A_2123, %get3A_2122 : vector<16xf32>
    %add3A_2125 = arith.addf %add3A_2118, %mul3A_2124 : vector<16xf32>
    %get3A_2126 = arith.constant 6 : i32
    %get3A_2127 = arith.index_cast %get3A_2126 : i32 to index
    %get3A_2128 = arith.constant 480 : index
    %get3A_2129 = tpu.vector_load %arg6[%get3A_2127, %get3A_2128] {strides = array<i32>} : memref<8x1024xf32, #tpu.memory_space<vmem>>, vector<16xf32>,
    %mul3A_2130 = vector.broadcast %squeeze3A_221 : f32 to vector<16xf32>
    %mul3A_2131 = arith.mulf %mul3A_2130, %get3A_2129 : vector<16xf32>
    %add3A_2132 = arith.addf %add3A_2125, %mul3A_2131 : vector<16xf32>
    %get3A_2133 = arith.constant 7 : i32
    %get3A_2134 = arith.index_cast %get3A_2133 : i32 to index
    %get3A_2135 = arith.constant 480 : index
    %get3A_2136 = tpu.vector_load %arg6[%get3A_2134, %get3A_2135] {strides = array<i32>} : memref<8x1024xf32, #tpu.memory_space<vmem>>, vector<16xf32>,
    %mul3A_2137 = vector.broadcast %squeeze3A_223 : f32 to vector<16xf32>
    %mul3A_2138 = arith.mulf %mul3A_2137, %get3A_2136 : vector<16xf32>
    %add3A_2139 = arith.addf %add3A_2132, %mul3A_2138 : vector<16xf32>
    %swap3A_2140 = arith.constant 0 : i32
    %swap3A_2141 = arith.index_cast %swap3A_2140 : i32 to index
    %swap3A_2142 = arith.constant 480 : index
    %swap3A_2143 = tpu.vector_load %arg7[%swap3A_2141, %swap3A_2142] {strides = array<i32>} : memref<1x1024xf32, #tpu.memory_space<vmem>>, vector<16xf32>,
    tpu.vector_store %arg7[%swap3A_2141, %swap3A_2142], %add3A_2139 {strides = array<i32>} : memref<1x1024xf32, #tpu.memory_space<vmem>>, vector<16xf32>,
    %broadcast_in_dim3A_2144 = arith.constant 0.000000e+00 : f32
    %broadcast_in_dim3A_2145 = vector.broadcast %broadcast_in_dim3A_2144 : f32 to vector<16xf32>
    %get3A_2146 = arith.constant 0 : i32
    %get3A_2147 = arith.index_cast %get3A_2146 : i32 to index
    %get3A_2148 = arith.constant 496 : index
    %get3A_2149 = tpu.vector_load %arg6[%get3A_2147, %get3A_2148] {strides = array<i32>} : memref<8x1024xf32, #tpu.memory_space<vmem>>, vector<16xf32>,
    %mul3A_2150 = vector.broadcast %squeeze3A : f32 to vector<16xf32>
    %mul3A_2151 = arith.mulf %mul3A_2150, %get3A_2149 : vector<16xf32>
    %add3A_2152 = arith.addf %broadcast_in_dim3A_2145, %mul3A_2151 : vector<16xf32>
    %get3A_2153 = arith.constant 1 : i32
    %get3A_2154 = arith.index_cast %get3A_2153 : i32 to index
    %get3A_2155 = arith.constant 496 : index
    %get3A_2156 = tpu.vector_load %arg6[%get3A_2154, %get3A_2155] {strides = array<i32>} : memref<8x1024xf32, #tpu.memory_space<vmem>>, vector<16xf32>,
    %mul3A_2157 = vector.broadcast %squeeze3A_211 : f32 to vector<16xf32>
    %mul3A_2158 = arith.mulf %mul3A_2157, %get3A_2156 : vector<16xf32>
    %add3A_2159 = arith.addf %add3A_2152, %mul3A_2158 : vector<16xf32>
    %get3A_2160 = arith.constant 2 : i32
    %get3A_2161 = arith.index_cast %get3A_2160 : i32 to index
    %get3A_2162 = arith.constant 496 : index
    %get3A_2163 = tpu.vector_load %arg6[%get3A_2161, %get3A_2162] {strides = array<i32>} : memref<8x1024xf32, #tpu.memory_space<vmem>>, vector<16xf32>,
    %mul3A_2164 = vector.broadcast %squeeze3A_213 : f32 to vector<16xf32>
    %mul3A_2165 = arith.mulf %mul3A_2164, %get3A_2163 : vector<16xf32>
    %add3A_2166 = arith.addf %add3A_2159, %mul3A_2165 : vector<16xf32>
    %get3A_2167 = arith.constant 3 : i32
    %get3A_2168 = arith.index_cast %get3A_2167 : i32 to index
    %get3A_2169 = arith.constant 496 : index
    %get3A_2170 = tpu.vector_load %arg6[%get3A_2168, %get3A_2169] {strides = array<i32>} : memref<8x1024xf32, #tpu.memory_space<vmem>>, vector<16xf32>,
    %mul3A_2171 = vector.broadcast %squeeze3A_215 : f32 to vector<16xf32>
    %mul3A_2172 = arith.mulf %mul3A_2171, %get3A_2170 : vector<16xf32>
    %add3A_2173 = arith.addf %add3A_2166, %mul3A_2172 : vector<16xf32>
    %get3A_2174 = arith.constant 4 : i32
    %get3A_2175 = arith.index_cast %get3A_2174 : i32 to index
    %get3A_2176 = arith.constant 496 : index
    %get3A_2177 = tpu.vector_load %arg6[%get3A_2175, %get3A_2176] {strides = array<i32>} : memref<8x1024xf32, #tpu.memory_space<vmem>>, vector<16xf32>,
    %mul3A_2178 = vector.broadcast %squeeze3A_217 : f32 to vector<16xf32>
    %mul3A_2179 = arith.mulf %mul3A_2178, %get3A_2177 : vector<16xf32>
    %add3A_2180 = arith.addf %add3A_2173, %mul3A_2179 : vector<16xf32>
    %get3A_2181 = arith.constant 5 : i32
    %get3A_2182 = arith.index_cast %get3A_2181 : i32 to index
    %get3A_2183 = arith.constant 496 : index
    %get3A_2184 = tpu.vector_load %arg6[%get3A_2182, %get3A_2183] {strides = array<i32>} : memref<8x1024xf32, #tpu.memory_space<vmem>>, vector<16xf32>,
    %mul3A_2185 = vector.broadcast %squeeze3A_219 : f32 to vector<16xf32>
    %mul3A_2186 = arith.mulf %mul3A_2185, %get3A_2184 : vector<16xf32>
    %add3A_2187 = arith.addf %add3A_2180, %mul3A_2186 : vector<16xf32>
    %get3A_2188 = arith.constant 6 : i32
    %get3A_2189 = arith.index_cast %get3A_2188 : i32 to index
    %get3A_2190 = arith.constant 496 : index
    %get3A_2191 = tpu.vector_load %arg6[%get3A_2189, %get3A_2190] {strides = array<i32>} : memref<8x1024xf32, #tpu.memory_space<vmem>>, vector<16xf32>,
    %mul3A_2192 = vector.broadcast %squeeze3A_221 : f32 to vector<16xf32>
    %mul3A_2193 = arith.mulf %mul3A_2192, %get3A_2191 : vector<16xf32>
    %add3A_2194 = arith.addf %add3A_2187, %mul3A_2193 : vector<16xf32>
    %get3A_2195 = arith.constant 7 : i32
    %get3A_2196 = arith.index_cast %get3A_2195 : i32 to index
    %get3A_2197 = arith.constant 496 : index
    %get3A_2198 = tpu.vector_load %arg6[%get3A_2196, %get3A_2197] {strides = array<i32>} : memref<8x1024xf32, #tpu.memory_space<vmem>>, vector<16xf32>,
    %mul3A_2199 = vector.broadcast %squeeze3A_223 : f32 to vector<16xf32>
    %mul3A_2200 = arith.mulf %mul3A_2199, %get3A_2198 : vector<16xf32>
    %add3A_2201 = arith.addf %add3A_2194, %mul3A_2200 : vector<16xf32>
    %swap3A_2202 = arith.constant 0 : i32
    %swap3A_2203 = arith.index_cast %swap3A_2202 : i32 to index
    %swap3A_2204 = arith.constant 496 : index
    %swap3A_2205 = tpu.vector_load %arg7[%swap3A_2203, %swap3A_2204] {strides = array<i32>} : memref<1x1024xf32, #tpu.memory_space<vmem>>, vector<16xf32>,
    tpu.vector_store %arg7[%swap3A_2203, %swap3A_2204], %add3A_2201 {strides = array<i32>} : memref<1x1024xf32, #tpu.memory_space<vmem>>, vector<16xf32>,
    %broadcast_in_dim3A_2206 = arith.constant 0.000000e+00 : f32
    %broadcast_in_dim3A_2207 = vector.broadcast %broadcast_in_dim3A_2206 : f32 to vector<16xf32>
    %get3A_2208 = arith.constant 0 : i32
    %get3A_2209 = arith.index_cast %get3A_2208 : i32 to index
    %get3A_2210 = arith.constant 512 : index
    %get3A_2211 = tpu.vector_load %arg6[%get3A_2209, %get3A_2210] {strides = array<i32>} : memref<8x1024xf32, #tpu.memory_space<vmem>>, vector<16xf32>,
    %mul3A_2212 = vector.broadcast %squeeze3A : f32 to vector<16xf32>
    %mul3A_2213 = arith.mulf %mul3A_2212, %get3A_2211 : vector<16xf32>
    %add3A_2214 = arith.addf %broadcast_in_dim3A_2207, %mul3A_2213 : vector<16xf32>
    %get3A_2215 = arith.constant 1 : i32
    %get3A_2216 = arith.index_cast %get3A_2215 : i32 to index
    %get3A_2217 = arith.constant 512 : index
    %get3A_2218 = tpu.vector_load %arg6[%get3A_2216, %get3A_2217] {strides = array<i32>} : memref<8x1024xf32, #tpu.memory_space<vmem>>, vector<16xf32>,
    %mul3A_2219 = vector.broadcast %squeeze3A_211 : f32 to vector<16xf32>
    %mul3A_2220 = arith.mulf %mul3A_2219, %get3A_2218 : vector<16xf32>
    %add3A_2221 = arith.addf %add3A_2214, %mul3A_2220 : vector<16xf32>
    %get3A_2222 = arith.constant 2 : i32
    %get3A_2223 = arith.index_cast %get3A_2222 : i32 to index
    %get3A_2224 = arith.constant 512 : index
    %get3A_2225 = tpu.vector_load %arg6[%get3A_2223, %get3A_2224] {strides = array<i32>} : memref<8x1024xf32, #tpu.memory_space<vmem>>, vector<16xf32>,
    %mul3A_2226 = vector.broadcast %squeeze3A_213 : f32 to vector<16xf32>
    %mul3A_2227 = arith.mulf %mul3A_2226, %get3A_2225 : vector<16xf32>
    %add3A_2228 = arith.addf %add3A_2221, %mul3A_2227 : vector<16xf32>
    %get3A_2229 = arith.constant 3 : i32
    %get3A_2230 = arith.index_cast %get3A_2229 : i32 to index
    %get3A_2231 = arith.constant 512 : index
    %get3A_2232 = tpu.vector_load %arg6[%get3A_2230, %get3A_2231] {strides = array<i32>} : memref<8x1024xf32, #tpu.memory_space<vmem>>, vector<16xf32>,
    %mul3A_2233 = vector.broadcast %squeeze3A_215 : f32 to vector<16xf32>
    %mul3A_2234 = arith.mulf %mul3A_2233, %get3A_2232 : vector<16xf32>
    %add3A_2235 = arith.addf %add3A_2228, %mul3A_2234 : vector<16xf32>
    %get3A_2236 = arith.constant 4 : i32
    %get3A_2237 = arith.index_cast %get3A_2236 : i32 to index
    %get3A_2238 = arith.constant 512 : index
    %get3A_2239 = tpu.vector_load %arg6[%get3A_2237, %get3A_2238] {strides = array<i32>} : memref<8x1024xf32, #tpu.memory_space<vmem>>, vector<16xf32>,
    %mul3A_2240 = vector.broadcast %squeeze3A_217 : f32 to vector<16xf32>
    %mul3A_2241 = arith.mulf %mul3A_2240, %get3A_2239 : vector<16xf32>
    %add3A_2242 = arith.addf %add3A_2235, %mul3A_2241 : vector<16xf32>
    %get3A_2243 = arith.constant 5 : i32
    %get3A_2244 = arith.index_cast %get3A_2243 : i32 to index
    %get3A_2245 = arith.constant 512 : index
    %get3A_2246 = tpu.vector_load %arg6[%get3A_2244, %get3A_2245] {strides = array<i32>} : memref<8x1024xf32, #tpu.memory_space<vmem>>, vector<16xf32>,
    %mul3A_2247 = vector.broadcast %squeeze3A_219 : f32 to vector<16xf32>
    %mul3A_2248 = arith.mulf %mul3A_2247, %get3A_2246 : vector<16xf32>
    %add3A_2249 = arith.addf %add3A_2242, %mul3A_2248 : vector<16xf32>
    %get3A_2250 = arith.constant 6 : i32
    %get3A_2251 = arith.index_cast %get3A_2250 : i32 to index
    %get3A_2252 = arith.constant 512 : index
    %get3A_2253 = tpu.vector_load %arg6[%get3A_2251, %get3A_2252] {strides = array<i32>} : memref<8x1024xf32, #tpu.memory_space<vmem>>, vector<16xf32>,
    %mul3A_2254 = vector.broadcast %squeeze3A_221 : f32 to vector<16xf32>
    %mul3A_2255 = arith.mulf %mul3A_2254, %get3A_2253 : vector<16xf32>
    %add3A_2256 = arith.addf %add3A_2249, %mul3A_2255 : vector<16xf32>
    %get3A_2257 = arith.constant 7 : i32
    %get3A_2258 = arith.index_cast %get3A_2257 : i32 to index
    %get3A_2259 = arith.constant 512 : index
    %get3A_2260 = tpu.vector_load %arg6[%get3A_2258, %get3A_2259] {strides = array<i32>} : memref<8x1024xf32, #tpu.memory_space<vmem>>, vector<16xf32>,
    %mul3A_2261 = vector.broadcast %squeeze3A_223 : f32 to vector<16xf32>
    %mul3A_2262 = arith.mulf %mul3A_2261, %get3A_2260 : vector<16xf32>
    %add3A_2263 = arith.addf %add3A_2256, %mul3A_2262 : vector<16xf32>
    %swap3A_2264 = arith.constant 0 : i32
    %swap3A_2265 = arith.index_cast %swap3A_2264 : i32 to index
    %swap3A_2266 = arith.constant 512 : index
    %swap3A_2267 = tpu.vector_load %arg7[%swap3A_2265, %swap3A_2266] {strides = array<i32>} : memref<1x1024xf32, #tpu.memory_space<vmem>>, vector<16xf32>,
    tpu.vector_store %arg7[%swap3A_2265, %swap3A_2266], %add3A_2263 {strides = array<i32>} : memref<1x1024xf32, #tpu.memory_space<vmem>>, vector<16xf32>,
    %broadcast_in_dim3A_2268 = arith.constant 0.000000e+00 : f32
    %broadcast_in_dim3A_2269 = vector.broadcast %broadcast_in_dim3A_2268 : f32 to vector<16xf32>
    %get3A_2270 = arith.constant 0 : i32
    %get3A_2271 = arith.index_cast %get3A_2270 : i32 to index
    %get3A_2272 = arith.constant 528 : index
    %get3A_2273 = tpu.vector_load %arg6[%get3A_2271, %get3A_2272] {strides = array<i32>} : memref<8x1024xf32, #tpu.memory_space<vmem>>, vector<16xf32>,
    %mul3A_2274 = vector.broadcast %squeeze3A : f32 to vector<16xf32>
    %mul3A_2275 = arith.mulf %mul3A_2274, %get3A_2273 : vector<16xf32>
    %add3A_2276 = arith.addf %broadcast_in_dim3A_2269, %mul3A_2275 : vector<16xf32>
    %get3A_2277 = arith.constant 1 : i32
    %get3A_2278 = arith.index_cast %get3A_2277 : i32 to index
    %get3A_2279 = arith.constant 528 : index
    %get3A_2280 = tpu.vector_load %arg6[%get3A_2278, %get3A_2279] {strides = array<i32>} : memref<8x1024xf32, #tpu.memory_space<vmem>>, vector<16xf32>,
    %mul3A_2281 = vector.broadcast %squeeze3A_211 : f32 to vector<16xf32>
    %mul3A_2282 = arith.mulf %mul3A_2281, %get3A_2280 : vector<16xf32>
    %add3A_2283 = arith.addf %add3A_2276, %mul3A_2282 : vector<16xf32>
    %get3A_2284 = arith.constant 2 : i32
    %get3A_2285 = arith.index_cast %get3A_2284 : i32 to index
    %get3A_2286 = arith.constant 528 : index
    %get3A_2287 = tpu.vector_load %arg6[%get3A_2285, %get3A_2286] {strides = array<i32>} : memref<8x1024xf32, #tpu.memory_space<vmem>>, vector<16xf32>,
    %mul3A_2288 = vector.broadcast %squeeze3A_213 : f32 to vector<16xf32>
    %mul3A_2289 = arith.mulf %mul3A_2288, %get3A_2287 : vector<16xf32>
    %add3A_2290 = arith.addf %add3A_2283, %mul3A_2289 : vector<16xf32>
    %get3A_2291 = arith.constant 3 : i32
    %get3A_2292 = arith.index_cast %get3A_2291 : i32 to index
    %get3A_2293 = arith.constant 528 : index
    %get3A_2294 = tpu.vector_load %arg6[%get3A_2292, %get3A_2293] {strides = array<i32>} : memref<8x1024xf32, #tpu.memory_space<vmem>>, vector<16xf32>,
    %mul3A_2295 = vector.broadcast %squeeze3A_215 : f32 to vector<16xf32>
    %mul3A_2296 = arith.mulf %mul3A_2295, %get3A_2294 : vector<16xf32>
    %add3A_2297 = arith.addf %add3A_2290, %mul3A_2296 : vector<16xf32>
    %get3A_2298 = arith.constant 4 : i32
    %get3A_2299 = arith.index_cast %get3A_2298 : i32 to index
    %get3A_2300 = arith.constant 528 : index
    %get3A_2301 = tpu.vector_load %arg6[%get3A_2299, %get3A_2300] {strides = array<i32>} : memref<8x1024xf32, #tpu.memory_space<vmem>>, vector<16xf32>,
    %mul3A_2302 = vector.broadcast %squeeze3A_217 : f32 to vector<16xf32>
    %mul3A_2303 = arith.mulf %mul3A_2302, %get3A_2301 : vector<16xf32>
    %add3A_2304 = arith.addf %add3A_2297, %mul3A_2303 : vector<16xf32>
    %get3A_2305 = arith.constant 5 : i32
    %get3A_2306 = arith.index_cast %get3A_2305 : i32 to index
    %get3A_2307 = arith.constant 528 : index
    %get3A_2308 = tpu.vector_load %arg6[%get3A_2306, %get3A_2307] {strides = array<i32>} : memref<8x1024xf32, #tpu.memory_space<vmem>>, vector<16xf32>,
    %mul3A_2309 = vector.broadcast %squeeze3A_219 : f32 to vector<16xf32>
    %mul3A_2310 = arith.mulf %mul3A_2309, %get3A_2308 : vector<16xf32>
    %add3A_2311 = arith.addf %add3A_2304, %mul3A_2310 : vector<16xf32>
    %get3A_2312 = arith.constant 6 : i32
    %get3A_2313 = arith.index_cast %get3A_2312 : i32 to index
    %get3A_2314 = arith.constant 528 : index
    %get3A_2315 = tpu.vector_load %arg6[%get3A_2313, %get3A_2314] {strides = array<i32>} : memref<8x1024xf32, #tpu.memory_space<vmem>>, vector<16xf32>,
    %mul3A_2316 = vector.broadcast %squeeze3A_221 : f32 to vector<16xf32>
    %mul3A_2317 = arith.mulf %mul3A_2316, %get3A_2315 : vector<16xf32>
    %add3A_2318 = arith.addf %add3A_2311, %mul3A_2317 : vector<16xf32>
    %get3A_2319 = arith.constant 7 : i32
    %get3A_2320 = arith.index_cast %get3A_2319 : i32 to index
    %get3A_2321 = arith.constant 528 : index
    %get3A_2322 = tpu.vector_load %arg6[%get3A_2320, %get3A_2321] {strides = array<i32>} : memref<8x1024xf32, #tpu.memory_space<vmem>>, vector<16xf32>,
    %mul3A_2323 = vector.broadcast %squeeze3A_223 : f32 to vector<16xf32>
    %mul3A_2324 = arith.mulf %mul3A_2323, %get3A_2322 : vector<16xf32>
    %add3A_2325 = arith.addf %add3A_2318, %mul3A_2324 : vector<16xf32>
    %swap3A_2326 = arith.constant 0 : i32
    %swap3A_2327 = arith.index_cast %swap3A_2326 : i32 to index
    %swap3A_2328 = arith.constant 528 : index
    %swap3A_2329 = tpu.vector_load %arg7[%swap3A_2327, %swap3A_2328] {strides = array<i32>} : memref<1x1024xf32, #tpu.memory_space<vmem>>, vector<16xf32>,
    tpu.vector_store %arg7[%swap3A_2327, %swap3A_2328], %add3A_2325 {strides = array<i32>} : memref<1x1024xf32, #tpu.memory_space<vmem>>, vector<16xf32>,
    %broadcast_in_dim3A_2330 = arith.constant 0.000000e+00 : f32
    %broadcast_in_dim3A_2331 = vector.broadcast %broadcast_in_dim3A_2330 : f32 to vector<16xf32>
    %get3A_2332 = arith.constant 0 : i32
    %get3A_2333 = arith.index_cast %get3A_2332 : i32 to index
    %get3A_2334 = arith.constant 544 : index
    %get3A_2335 = tpu.vector_load %arg6[%get3A_2333, %get3A_2334] {strides = array<i32>} : memref<8x1024xf32, #tpu.memory_space<vmem>>, vector<16xf32>,
    %mul3A_2336 = vector.broadcast %squeeze3A : f32 to vector<16xf32>
    %mul3A_2337 = arith.mulf %mul3A_2336, %get3A_2335 : vector<16xf32>
    %add3A_2338 = arith.addf %broadcast_in_dim3A_2331, %mul3A_2337 : vector<16xf32>
    %get3A_2339 = arith.constant 1 : i32
    %get3A_2340 = arith.index_cast %get3A_2339 : i32 to index
    %get3A_2341 = arith.constant 544 : index
    %get3A_2342 = tpu.vector_load %arg6[%get3A_2340, %get3A_2341] {strides = array<i32>} : memref<8x1024xf32, #tpu.memory_space<vmem>>, vector<16xf32>,
    %mul3A_2343 = vector.broadcast %squeeze3A_211 : f32 to vector<16xf32>
    %mul3A_2344 = arith.mulf %mul3A_2343, %get3A_2342 : vector<16xf32>
    %add3A_2345 = arith.addf %add3A_2338, %mul3A_2344 : vector<16xf32>
    %get3A_2346 = arith.constant 2 : i32
    %get3A_2347 = arith.index_cast %get3A_2346 : i32 to index
    %get3A_2348 = arith.constant 544 : index
    %get3A_2349 = tpu.vector_load %arg6[%get3A_2347, %get3A_2348] {strides = array<i32>} : memref<8x1024xf32, #tpu.memory_space<vmem>>, vector<16xf32>,
    %mul3A_2350 = vector.broadcast %squeeze3A_213 : f32 to vector<16xf32>
    %mul3A_2351 = arith.mulf %mul3A_2350, %get3A_2349 : vector<16xf32>
    %add3A_2352 = arith.addf %add3A_2345, %mul3A_2351 : vector<16xf32>
    %get3A_2353 = arith.constant 3 : i32
    %get3A_2354 = arith.index_cast %get3A_2353 : i32 to index
    %get3A_2355 = arith.constant 544 : index
    %get3A_2356 = tpu.vector_load %arg6[%get3A_2354, %get3A_2355] {strides = array<i32>} : memref<8x1024xf32, #tpu.memory_space<vmem>>, vector<16xf32>,
    %mul3A_2357 = vector.broadcast %squeeze3A_215 : f32 to vector<16xf32>
    %mul3A_2358 = arith.mulf %mul3A_2357, %get3A_2356 : vector<16xf32>
    %add3A_2359 = arith.addf %add3A_2352, %mul3A_2358 : vector<16xf32>
    %get3A_2360 = arith.constant 4 : i32
    %get3A_2361 = arith.index_cast %get3A_2360 : i32 to index
    %get3A_2362 = arith.constant 544 : index
    %get3A_2363 = tpu.vector_load %arg6[%get3A_2361, %get3A_2362] {strides = array<i32>} : memref<8x1024xf32, #tpu.memory_space<vmem>>, vector<16xf32>,
    %mul3A_2364 = vector.broadcast %squeeze3A_217 : f32 to vector<16xf32>
    %mul3A_2365 = arith.mulf %mul3A_2364, %get3A_2363 : vector<16xf32>
    %add3A_2366 = arith.addf %add3A_2359, %mul3A_2365 : vector<16xf32>
    %get3A_2367 = arith.constant 5 : i32
    %get3A_2368 = arith.index_cast %get3A_2367 : i32 to index
    %get3A_2369 = arith.constant 544 : index
    %get3A_2370 = tpu.vector_load %arg6[%get3A_2368, %get3A_2369] {strides = array<i32>} : memref<8x1024xf32, #tpu.memory_space<vmem>>, vector<16xf32>,
    %mul3A_2371 = vector.broadcast %squeeze3A_219 : f32 to vector<16xf32>
    %mul3A_2372 = arith.mulf %mul3A_2371, %get3A_2370 : vector<16xf32>
    %add3A_2373 = arith.addf %add3A_2366, %mul3A_2372 : vector<16xf32>
    %get3A_2374 = arith.constant 6 : i32
    %get3A_2375 = arith.index_cast %get3A_2374 : i32 to index
    %get3A_2376 = arith.constant 544 : index
    %get3A_2377 = tpu.vector_load %arg6[%get3A_2375, %get3A_2376] {strides = array<i32>} : memref<8x1024xf32, #tpu.memory_space<vmem>>, vector<16xf32>,
    %mul3A_2378 = vector.broadcast %squeeze3A_221 : f32 to vector<16xf32>
    %mul3A_2379 = arith.mulf %mul3A_2378, %get3A_2377 : vector<16xf32>
    %add3A_2380 = arith.addf %add3A_2373, %mul3A_2379 : vector<16xf32>
    %get3A_2381 = arith.constant 7 : i32
    %get3A_2382 = arith.index_cast %get3A_2381 : i32 to index
    %get3A_2383 = arith.constant 544 : index
    %get3A_2384 = tpu.vector_load %arg6[%get3A_2382, %get3A_2383] {strides = array<i32>} : memref<8x1024xf32, #tpu.memory_space<vmem>>, vector<16xf32>,
    %mul3A_2385 = vector.broadcast %squeeze3A_223 : f32 to vector<16xf32>
    %mul3A_2386 = arith.mulf %mul3A_2385, %get3A_2384 : vector<16xf32>
    %add3A_2387 = arith.addf %add3A_2380, %mul3A_2386 : vector<16xf32>
    %swap3A_2388 = arith.constant 0 : i32
    %swap3A_2389 = arith.index_cast %swap3A_2388 : i32 to index
    %swap3A_2390 = arith.constant 544 : index
    %swap3A_2391 = tpu.vector_load %arg7[%swap3A_2389, %swap3A_2390] {strides = array<i32>} : memref<1x1024xf32, #tpu.memory_space<vmem>>, vector<16xf32>,
    tpu.vector_store %arg7[%swap3A_2389, %swap3A_2390], %add3A_2387 {strides = array<i32>} : memref<1x1024xf32, #tpu.memory_space<vmem>>, vector<16xf32>,
    %broadcast_in_dim3A_2392 = arith.constant 0.000000e+00 : f32
    %broadcast_in_dim3A_2393 = vector.broadcast %broadcast_in_dim3A_2392 : f32 to vector<16xf32>
    %get3A_2394 = arith.constant 0 : i32
    %get3A_2395 = arith.index_cast %get3A_2394 : i32 to index
    %get3A_2396 = arith.constant 560 : index
    %get3A_2397 = tpu.vector_load %arg6[%get3A_2395, %get3A_2396] {strides = array<i32>} : memref<8x1024xf32, #tpu.memory_space<vmem>>, vector<16xf32>,
    %mul3A_2398 = vector.broadcast %squeeze3A : f32 to vector<16xf32>
    %mul3A_2399 = arith.mulf %mul3A_2398, %get3A_2397 : vector<16xf32>
    %add3A_2400 = arith.addf %broadcast_in_dim3A_2393, %mul3A_2399 : vector<16xf32>
    %get3A_2401 = arith.constant 1 : i32
    %get3A_2402 = arith.index_cast %get3A_2401 : i32 to index
    %get3A_2403 = arith.constant 560 : index
    %get3A_2404 = tpu.vector_load %arg6[%get3A_2402, %get3A_2403] {strides = array<i32>} : memref<8x1024xf32, #tpu.memory_space<vmem>>, vector<16xf32>,
    %mul3A_2405 = vector.broadcast %squeeze3A_211 : f32 to vector<16xf32>
    %mul3A_2406 = arith.mulf %mul3A_2405, %get3A_2404 : vector<16xf32>
    %add3A_2407 = arith.addf %add3A_2400, %mul3A_2406 : vector<16xf32>
    %get3A_2408 = arith.constant 2 : i32
    %get3A_2409 = arith.index_cast %get3A_2408 : i32 to index
    %get3A_2410 = arith.constant 560 : index
    %get3A_2411 = tpu.vector_load %arg6[%get3A_2409, %get3A_2410] {strides = array<i32>} : memref<8x1024xf32, #tpu.memory_space<vmem>>, vector<16xf32>,
    %mul3A_2412 = vector.broadcast %squeeze3A_213 : f32 to vector<16xf32>
    %mul3A_2413 = arith.mulf %mul3A_2412, %get3A_2411 : vector<16xf32>
    %add3A_2414 = arith.addf %add3A_2407, %mul3A_2413 : vector<16xf32>
    %get3A_2415 = arith.constant 3 : i32
    %get3A_2416 = arith.index_cast %get3A_2415 : i32 to index
    %get3A_2417 = arith.constant 560 : index
    %get3A_2418 = tpu.vector_load %arg6[%get3A_2416, %get3A_2417] {strides = array<i32>} : memref<8x1024xf32, #tpu.memory_space<vmem>>, vector<16xf32>,
    %mul3A_2419 = vector.broadcast %squeeze3A_215 : f32 to vector<16xf32>
    %mul3A_2420 = arith.mulf %mul3A_2419, %get3A_2418 : vector<16xf32>
    %add3A_2421 = arith.addf %add3A_2414, %mul3A_2420 : vector<16xf32>
    %get3A_2422 = arith.constant 4 : i32
    %get3A_2423 = arith.index_cast %get3A_2422 : i32 to index
    %get3A_2424 = arith.constant 560 : index
    %get3A_2425 = tpu.vector_load %arg6[%get3A_2423, %get3A_2424] {strides = array<i32>} : memref<8x1024xf32, #tpu.memory_space<vmem>>, vector<16xf32>,
    %mul3A_2426 = vector.broadcast %squeeze3A_217 : f32 to vector<16xf32>
    %mul3A_2427 = arith.mulf %mul3A_2426, %get3A_2425 : vector<16xf32>
    %add3A_2428 = arith.addf %add3A_2421, %mul3A_2427 : vector<16xf32>
    %get3A_2429 = arith.constant 5 : i32
    %get3A_2430 = arith.index_cast %get3A_2429 : i32 to index
    %get3A_2431 = arith.constant 560 : index
    %get3A_2432 = tpu.vector_load %arg6[%get3A_2430, %get3A_2431] {strides = array<i32>} : memref<8x1024xf32, #tpu.memory_space<vmem>>, vector<16xf32>,
    %mul3A_2433 = vector.broadcast %squeeze3A_219 : f32 to vector<16xf32>
    %mul3A_2434 = arith.mulf %mul3A_2433, %get3A_2432 : vector<16xf32>
    %add3A_2435 = arith.addf %add3A_2428, %mul3A_2434 : vector<16xf32>
    %get3A_2436 = arith.constant 6 : i32
    %get3A_2437 = arith.index_cast %get3A_2436 : i32 to index
    %get3A_2438 = arith.constant 560 : index
    %get3A_2439 = tpu.vector_load %arg6[%get3A_2437, %get3A_2438] {strides = array<i32>} : memref<8x1024xf32, #tpu.memory_space<vmem>>, vector<16xf32>,
    %mul3A_2440 = vector.broadcast %squeeze3A_221 : f32 to vector<16xf32>
    %mul3A_2441 = arith.mulf %mul3A_2440, %get3A_2439 : vector<16xf32>
    %add3A_2442 = arith.addf %add3A_2435, %mul3A_2441 : vector<16xf32>
    %get3A_2443 = arith.constant 7 : i32
    %get3A_2444 = arith.index_cast %get3A_2443 : i32 to index
    %get3A_2445 = arith.constant 560 : index
    %get3A_2446 = tpu.vector_load %arg6[%get3A_2444, %get3A_2445] {strides = array<i32>} : memref<8x1024xf32, #tpu.memory_space<vmem>>, vector<16xf32>,
    %mul3A_2447 = vector.broadcast %squeeze3A_223 : f32 to vector<16xf32>
    %mul3A_2448 = arith.mulf %mul3A_2447, %get3A_2446 : vector<16xf32>
    %add3A_2449 = arith.addf %add3A_2442, %mul3A_2448 : vector<16xf32>
    %swap3A_2450 = arith.constant 0 : i32
    %swap3A_2451 = arith.index_cast %swap3A_2450 : i32 to index
    %swap3A_2452 = arith.constant 560 : index
    %swap3A_2453 = tpu.vector_load %arg7[%swap3A_2451, %swap3A_2452] {strides = array<i32>} : memref<1x1024xf32, #tpu.memory_space<vmem>>, vector<16xf32>,
    tpu.vector_store %arg7[%swap3A_2451, %swap3A_2452], %add3A_2449 {strides = array<i32>} : memref<1x1024xf32, #tpu.memory_space<vmem>>, vector<16xf32>,
    %broadcast_in_dim3A_2454 = arith.constant 0.000000e+00 : f32
    %broadcast_in_dim3A_2455 = vector.broadcast %broadcast_in_dim3A_2454 : f32 to vector<16xf32>
    %get3A_2456 = arith.constant 0 : i32
    %get3A_2457 = arith.index_cast %get3A_2456 : i32 to index
    %get3A_2458 = arith.constant 576 : index
    %get3A_2459 = tpu.vector_load %arg6[%get3A_2457, %get3A_2458] {strides = array<i32>} : memref<8x1024xf32, #tpu.memory_space<vmem>>, vector<16xf32>,
    %mul3A_2460 = vector.broadcast %squeeze3A : f32 to vector<16xf32>
    %mul3A_2461 = arith.mulf %mul3A_2460, %get3A_2459 : vector<16xf32>
    %add3A_2462 = arith.addf %broadcast_in_dim3A_2455, %mul3A_2461 : vector<16xf32>
    %get3A_2463 = arith.constant 1 : i32
    %get3A_2464 = arith.index_cast %get3A_2463 : i32 to index
    %get3A_2465 = arith.constant 576 : index
    %get3A_2466 = tpu.vector_load %arg6[%get3A_2464, %get3A_2465] {strides = array<i32>} : memref<8x1024xf32, #tpu.memory_space<vmem>>, vector<16xf32>,
    %mul3A_2467 = vector.broadcast %squeeze3A_211 : f32 to vector<16xf32>
    %mul3A_2468 = arith.mulf %mul3A_2467, %get3A_2466 : vector<16xf32>
    %add3A_2469 = arith.addf %add3A_2462, %mul3A_2468 : vector<16xf32>
    %get3A_2470 = arith.constant 2 : i32
    %get3A_2471 = arith.index_cast %get3A_2470 : i32 to index
    %get3A_2472 = arith.constant 576 : index
    %get3A_2473 = tpu.vector_load %arg6[%get3A_2471, %get3A_2472] {strides = array<i32>} : memref<8x1024xf32, #tpu.memory_space<vmem>>, vector<16xf32>,
    %mul3A_2474 = vector.broadcast %squeeze3A_213 : f32 to vector<16xf32>
    %mul3A_2475 = arith.mulf %mul3A_2474, %get3A_2473 : vector<16xf32>
    %add3A_2476 = arith.addf %add3A_2469, %mul3A_2475 : vector<16xf32>
    %get3A_2477 = arith.constant 3 : i32
    %get3A_2478 = arith.index_cast %get3A_2477 : i32 to index
    %get3A_2479 = arith.constant 576 : index
    %get3A_2480 = tpu.vector_load %arg6[%get3A_2478, %get3A_2479] {strides = array<i32>} : memref<8x1024xf32, #tpu.memory_space<vmem>>, vector<16xf32>,
    %mul3A_2481 = vector.broadcast %squeeze3A_215 : f32 to vector<16xf32>
    %mul3A_2482 = arith.mulf %mul3A_2481, %get3A_2480 : vector<16xf32>
    %add3A_2483 = arith.addf %add3A_2476, %mul3A_2482 : vector<16xf32>
    %get3A_2484 = arith.constant 4 : i32
    %get3A_2485 = arith.index_cast %get3A_2484 : i32 to index
    %get3A_2486 = arith.constant 576 : index
    %get3A_2487 = tpu.vector_load %arg6[%get3A_2485, %get3A_2486] {strides = array<i32>} : memref<8x1024xf32, #tpu.memory_space<vmem>>, vector<16xf32>,
    %mul3A_2488 = vector.broadcast %squeeze3A_217 : f32 to vector<16xf32>
    %mul3A_2489 = arith.mulf %mul3A_2488, %get3A_2487 : vector<16xf32>
    %add3A_2490 = arith.addf %add3A_2483, %mul3A_2489 : vector<16xf32>
    %get3A_2491 = arith.constant 5 : i32
    %get3A_2492 = arith.index_cast %get3A_2491 : i32 to index
    %get3A_2493 = arith.constant 576 : index
    %get3A_2494 = tpu.vector_load %arg6[%get3A_2492, %get3A_2493] {strides = array<i32>} : memref<8x1024xf32, #tpu.memory_space<vmem>>, vector<16xf32>,
    %mul3A_2495 = vector.broadcast %squeeze3A_219 : f32 to vector<16xf32>
    %mul3A_2496 = arith.mulf %mul3A_2495, %get3A_2494 : vector<16xf32>
    %add3A_2497 = arith.addf %add3A_2490, %mul3A_2496 : vector<16xf32>
    %get3A_2498 = arith.constant 6 : i32
    %get3A_2499 = arith.index_cast %get3A_2498 : i32 to index
    %get3A_2500 = arith.constant 576 : index
    %get3A_2501 = tpu.vector_load %arg6[%get3A_2499, %get3A_2500] {strides = array<i32>} : memref<8x1024xf32, #tpu.memory_space<vmem>>, vector<16xf32>,
    %mul3A_2502 = vector.broadcast %squeeze3A_221 : f32 to vector<16xf32>
    %mul3A_2503 = arith.mulf %mul3A_2502, %get3A_2501 : vector<16xf32>
    %add3A_2504 = arith.addf %add3A_2497, %mul3A_2503 : vector<16xf32>
    %get3A_2505 = arith.constant 7 : i32
    %get3A_2506 = arith.index_cast %get3A_2505 : i32 to index
    %get3A_2507 = arith.constant 576 : index
    %get3A_2508 = tpu.vector_load %arg6[%get3A_2506, %get3A_2507] {strides = array<i32>} : memref<8x1024xf32, #tpu.memory_space<vmem>>, vector<16xf32>,
    %mul3A_2509 = vector.broadcast %squeeze3A_223 : f32 to vector<16xf32>
    %mul3A_2510 = arith.mulf %mul3A_2509, %get3A_2508 : vector<16xf32>
    %add3A_2511 = arith.addf %add3A_2504, %mul3A_2510 : vector<16xf32>
    %swap3A_2512 = arith.constant 0 : i32
    %swap3A_2513 = arith.index_cast %swap3A_2512 : i32 to index
    %swap3A_2514 = arith.constant 576 : index
    %swap3A_2515 = tpu.vector_load %arg7[%swap3A_2513, %swap3A_2514] {strides = array<i32>} : memref<1x1024xf32, #tpu.memory_space<vmem>>, vector<16xf32>,
    tpu.vector_store %arg7[%swap3A_2513, %swap3A_2514], %add3A_2511 {strides = array<i32>} : memref<1x1024xf32, #tpu.memory_space<vmem>>, vector<16xf32>,
    %broadcast_in_dim3A_2516 = arith.constant 0.000000e+00 : f32
    %broadcast_in_dim3A_2517 = vector.broadcast %broadcast_in_dim3A_2516 : f32 to vector<16xf32>
    %get3A_2518 = arith.constant 0 : i32
    %get3A_2519 = arith.index_cast %get3A_2518 : i32 to index
    %get3A_2520 = arith.constant 592 : index
    %get3A_2521 = tpu.vector_load %arg6[%get3A_2519, %get3A_2520] {strides = array<i32>} : memref<8x1024xf32, #tpu.memory_space<vmem>>, vector<16xf32>,
    %mul3A_2522 = vector.broadcast %squeeze3A : f32 to vector<16xf32>
    %mul3A_2523 = arith.mulf %mul3A_2522, %get3A_2521 : vector<16xf32>
    %add3A_2524 = arith.addf %broadcast_in_dim3A_2517, %mul3A_2523 : vector<16xf32>
    %get3A_2525 = arith.constant 1 : i32
    %get3A_2526 = arith.index_cast %get3A_2525 : i32 to index
    %get3A_2527 = arith.constant 592 : index
    %get3A_2528 = tpu.vector_load %arg6[%get3A_2526, %get3A_2527] {strides = array<i32>} : memref<8x1024xf32, #tpu.memory_space<vmem>>, vector<16xf32>,
    %mul3A_2529 = vector.broadcast %squeeze3A_211 : f32 to vector<16xf32>
    %mul3A_2530 = arith.mulf %mul3A_2529, %get3A_2528 : vector<16xf32>
    %add3A_2531 = arith.addf %add3A_2524, %mul3A_2530 : vector<16xf32>
    %get3A_2532 = arith.constant 2 : i32
    %get3A_2533 = arith.index_cast %get3A_2532 : i32 to index
    %get3A_2534 = arith.constant 592 : index
    %get3A_2535 = tpu.vector_load %arg6[%get3A_2533, %get3A_2534] {strides = array<i32>} : memref<8x1024xf32, #tpu.memory_space<vmem>>, vector<16xf32>,
    %mul3A_2536 = vector.broadcast %squeeze3A_213 : f32 to vector<16xf32>
    %mul3A_2537 = arith.mulf %mul3A_2536, %get3A_2535 : vector<16xf32>
    %add3A_2538 = arith.addf %add3A_2531, %mul3A_2537 : vector<16xf32>
    %get3A_2539 = arith.constant 3 : i32
    %get3A_2540 = arith.index_cast %get3A_2539 : i32 to index
    %get3A_2541 = arith.constant 592 : index
    %get3A_2542 = tpu.vector_load %arg6[%get3A_2540, %get3A_2541] {strides = array<i32>} : memref<8x1024xf32, #tpu.memory_space<vmem>>, vector<16xf32>,
    %mul3A_2543 = vector.broadcast %squeeze3A_215 : f32 to vector<16xf32>
    %mul3A_2544 = arith.mulf %mul3A_2543, %get3A_2542 : vector<16xf32>
    %add3A_2545 = arith.addf %add3A_2538, %mul3A_2544 : vector<16xf32>
    %get3A_2546 = arith.constant 4 : i32
    %get3A_2547 = arith.index_cast %get3A_2546 : i32 to index
    %get3A_2548 = arith.constant 592 : index
    %get3A_2549 = tpu.vector_load %arg6[%get3A_2547, %get3A_2548] {strides = array<i32>} : memref<8x1024xf32, #tpu.memory_space<vmem>>, vector<16xf32>,
    %mul3A_2550 = vector.broadcast %squeeze3A_217 : f32 to vector<16xf32>
    %mul3A_2551 = arith.mulf %mul3A_2550, %get3A_2549 : vector<16xf32>
    %add3A_2552 = arith.addf %add3A_2545, %mul3A_2551 : vector<16xf32>
    %get3A_2553 = arith.constant 5 : i32
    %get3A_2554 = arith.index_cast %get3A_2553 : i32 to index
    %get3A_2555 = arith.constant 592 : index
    %get3A_2556 = tpu.vector_load %arg6[%get3A_2554, %get3A_2555] {strides = array<i32>} : memref<8x1024xf32, #tpu.memory_space<vmem>>, vector<16xf32>,
    %mul3A_2557 = vector.broadcast %squeeze3A_219 : f32 to vector<16xf32>
    %mul3A_2558 = arith.mulf %mul3A_2557, %get3A_2556 : vector<16xf32>
    %add3A_2559 = arith.addf %add3A_2552, %mul3A_2558 : vector<16xf32>
    %get3A_2560 = arith.constant 6 : i32
    %get3A_2561 = arith.index_cast %get3A_2560 : i32 to index
    %get3A_2562 = arith.constant 592 : index
    %get3A_2563 = tpu.vector_load %arg6[%get3A_2561, %get3A_2562] {strides = array<i32>} : memref<8x1024xf32, #tpu.memory_space<vmem>>, vector<16xf32>,
    %mul3A_2564 = vector.broadcast %squeeze3A_221 : f32 to vector<16xf32>
    %mul3A_2565 = arith.mulf %mul3A_2564, %get3A_2563 : vector<16xf32>
    %add3A_2566 = arith.addf %add3A_2559, %mul3A_2565 : vector<16xf32>
    %get3A_2567 = arith.constant 7 : i32
    %get3A_2568 = arith.index_cast %get3A_2567 : i32 to index
    %get3A_2569 = arith.constant 592 : index
    %get3A_2570 = tpu.vector_load %arg6[%get3A_2568, %get3A_2569] {strides = array<i32>} : memref<8x1024xf32, #tpu.memory_space<vmem>>, vector<16xf32>,
    %mul3A_2571 = vector.broadcast %squeeze3A_223 : f32 to vector<16xf32>
    %mul3A_2572 = arith.mulf %mul3A_2571, %get3A_2570 : vector<16xf32>
    %add3A_2573 = arith.addf %add3A_2566, %mul3A_2572 : vector<16xf32>
    %swap3A_2574 = arith.constant 0 : i32
    %swap3A_2575 = arith.index_cast %swap3A_2574 : i32 to index
    %swap3A_2576 = arith.constant 592 : index
    %swap3A_2577 = tpu.vector_load %arg7[%swap3A_2575, %swap3A_2576] {strides = array<i32>} : memref<1x1024xf32, #tpu.memory_space<vmem>>, vector<16xf32>,
    tpu.vector_store %arg7[%swap3A_2575, %swap3A_2576], %add3A_2573 {strides = array<i32>} : memref<1x1024xf32, #tpu.memory_space<vmem>>, vector<16xf32>,
    %broadcast_in_dim3A_2578 = arith.constant 0.000000e+00 : f32
    %broadcast_in_dim3A_2579 = vector.broadcast %broadcast_in_dim3A_2578 : f32 to vector<16xf32>
    %get3A_2580 = arith.constant 0 : i32
    %get3A_2581 = arith.index_cast %get3A_2580 : i32 to index
    %get3A_2582 = arith.constant 608 : index
    %get3A_2583 = tpu.vector_load %arg6[%get3A_2581, %get3A_2582] {strides = array<i32>} : memref<8x1024xf32, #tpu.memory_space<vmem>>, vector<16xf32>,
    %mul3A_2584 = vector.broadcast %squeeze3A : f32 to vector<16xf32>
    %mul3A_2585 = arith.mulf %mul3A_2584, %get3A_2583 : vector<16xf32>
    %add3A_2586 = arith.addf %broadcast_in_dim3A_2579, %mul3A_2585 : vector<16xf32>
    %get3A_2587 = arith.constant 1 : i32
    %get3A_2588 = arith.index_cast %get3A_2587 : i32 to index
    %get3A_2589 = arith.constant 608 : index
    %get3A_2590 = tpu.vector_load %arg6[%get3A_2588, %get3A_2589] {strides = array<i32>} : memref<8x1024xf32, #tpu.memory_space<vmem>>, vector<16xf32>,
    %mul3A_2591 = vector.broadcast %squeeze3A_211 : f32 to vector<16xf32>
    %mul3A_2592 = arith.mulf %mul3A_2591, %get3A_2590 : vector<16xf32>
    %add3A_2593 = arith.addf %add3A_2586, %mul3A_2592 : vector<16xf32>
    %get3A_2594 = arith.constant 2 : i32
    %get3A_2595 = arith.index_cast %get3A_2594 : i32 to index
    %get3A_2596 = arith.constant 608 : index
    %get3A_2597 = tpu.vector_load %arg6[%get3A_2595, %get3A_2596] {strides = array<i32>} : memref<8x1024xf32, #tpu.memory_space<vmem>>, vector<16xf32>,
    %mul3A_2598 = vector.broadcast %squeeze3A_213 : f32 to vector<16xf32>
    %mul3A_2599 = arith.mulf %mul3A_2598, %get3A_2597 : vector<16xf32>
    %add3A_2600 = arith.addf %add3A_2593, %mul3A_2599 : vector<16xf32>
    %get3A_2601 = arith.constant 3 : i32
    %get3A_2602 = arith.index_cast %get3A_2601 : i32 to index
    %get3A_2603 = arith.constant 608 : index
    %get3A_2604 = tpu.vector_load %arg6[%get3A_2602, %get3A_2603] {strides = array<i32>} : memref<8x1024xf32, #tpu.memory_space<vmem>>, vector<16xf32>,
    %mul3A_2605 = vector.broadcast %squeeze3A_215 : f32 to vector<16xf32>
    %mul3A_2606 = arith.mulf %mul3A_2605, %get3A_2604 : vector<16xf32>
    %add3A_2607 = arith.addf %add3A_2600, %mul3A_2606 : vector<16xf32>
    %get3A_2608 = arith.constant 4 : i32
    %get3A_2609 = arith.index_cast %get3A_2608 : i32 to index
    %get3A_2610 = arith.constant 608 : index
    %get3A_2611 = tpu.vector_load %arg6[%get3A_2609, %get3A_2610] {strides = array<i32>} : memref<8x1024xf32, #tpu.memory_space<vmem>>, vector<16xf32>,
    %mul3A_2612 = vector.broadcast %squeeze3A_217 : f32 to vector<16xf32>
    %mul3A_2613 = arith.mulf %mul3A_2612, %get3A_2611 : vector<16xf32>
    %add3A_2614 = arith.addf %add3A_2607, %mul3A_2613 : vector<16xf32>
    %get3A_2615 = arith.constant 5 : i32
    %get3A_2616 = arith.index_cast %get3A_2615 : i32 to index
    %get3A_2617 = arith.constant 608 : index
    %get3A_2618 = tpu.vector_load %arg6[%get3A_2616, %get3A_2617] {strides = array<i32>} : memref<8x1024xf32, #tpu.memory_space<vmem>>, vector<16xf32>,
    %mul3A_2619 = vector.broadcast %squeeze3A_219 : f32 to vector<16xf32>
    %mul3A_2620 = arith.mulf %mul3A_2619, %get3A_2618 : vector<16xf32>
    %add3A_2621 = arith.addf %add3A_2614, %mul3A_2620 : vector<16xf32>
    %get3A_2622 = arith.constant 6 : i32
    %get3A_2623 = arith.index_cast %get3A_2622 : i32 to index
    %get3A_2624 = arith.constant 608 : index
    %get3A_2625 = tpu.vector_load %arg6[%get3A_2623, %get3A_2624] {strides = array<i32>} : memref<8x1024xf32, #tpu.memory_space<vmem>>, vector<16xf32>,
    %mul3A_2626 = vector.broadcast %squeeze3A_221 : f32 to vector<16xf32>
    %mul3A_2627 = arith.mulf %mul3A_2626, %get3A_2625 : vector<16xf32>
    %add3A_2628 = arith.addf %add3A_2621, %mul3A_2627 : vector<16xf32>
    %get3A_2629 = arith.constant 7 : i32
    %get3A_2630 = arith.index_cast %get3A_2629 : i32 to index
    %get3A_2631 = arith.constant 608 : index
    %get3A_2632 = tpu.vector_load %arg6[%get3A_2630, %get3A_2631] {strides = array<i32>} : memref<8x1024xf32, #tpu.memory_space<vmem>>, vector<16xf32>,
    %mul3A_2633 = vector.broadcast %squeeze3A_223 : f32 to vector<16xf32>
    %mul3A_2634 = arith.mulf %mul3A_2633, %get3A_2632 : vector<16xf32>
    %add3A_2635 = arith.addf %add3A_2628, %mul3A_2634 : vector<16xf32>
    %swap3A_2636 = arith.constant 0 : i32
    %swap3A_2637 = arith.index_cast %swap3A_2636 : i32 to index
    %swap3A_2638 = arith.constant 608 : index
    %swap3A_2639 = tpu.vector_load %arg7[%swap3A_2637, %swap3A_2638] {strides = array<i32>} : memref<1x1024xf32, #tpu.memory_space<vmem>>, vector<16xf32>,
    tpu.vector_store %arg7[%swap3A_2637, %swap3A_2638], %add3A_2635 {strides = array<i32>} : memref<1x1024xf32, #tpu.memory_space<vmem>>, vector<16xf32>,
    %broadcast_in_dim3A_2640 = arith.constant 0.000000e+00 : f32
    %broadcast_in_dim3A_2641 = vector.broadcast %broadcast_in_dim3A_2640 : f32 to vector<16xf32>
    %get3A_2642 = arith.constant 0 : i32
    %get3A_2643 = arith.index_cast %get3A_2642 : i32 to index
    %get3A_2644 = arith.constant 624 : index
    %get3A_2645 = tpu.vector_load %arg6[%get3A_2643, %get3A_2644] {strides = array<i32>} : memref<8x1024xf32, #tpu.memory_space<vmem>>, vector<16xf32>,
    %mul3A_2646 = vector.broadcast %squeeze3A : f32 to vector<16xf32>
    %mul3A_2647 = arith.mulf %mul3A_2646, %get3A_2645 : vector<16xf32>
    %add3A_2648 = arith.addf %broadcast_in_dim3A_2641, %mul3A_2647 : vector<16xf32>
    %get3A_2649 = arith.constant 1 : i32
    %get3A_2650 = arith.index_cast %get3A_2649 : i32 to index
    %get3A_2651 = arith.constant 624 : index
    %get3A_2652 = tpu.vector_load %arg6[%get3A_2650, %get3A_2651] {strides = array<i32>} : memref<8x1024xf32, #tpu.memory_space<vmem>>, vector<16xf32>,
    %mul3A_2653 = vector.broadcast %squeeze3A_211 : f32 to vector<16xf32>
    %mul3A_2654 = arith.mulf %mul3A_2653, %get3A_2652 : vector<16xf32>
    %add3A_2655 = arith.addf %add3A_2648, %mul3A_2654 : vector<16xf32>
    %get3A_2656 = arith.constant 2 : i32
    %get3A_2657 = arith.index_cast %get3A_2656 : i32 to index
    %get3A_2658 = arith.constant 624 : index
    %get3A_2659 = tpu.vector_load %arg6[%get3A_2657, %get3A_2658] {strides = array<i32>} : memref<8x1024xf32, #tpu.memory_space<vmem>>, vector<16xf32>,
    %mul3A_2660 = vector.broadcast %squeeze3A_213 : f32 to vector<16xf32>
    %mul3A_2661 = arith.mulf %mul3A_2660, %get3A_2659 : vector<16xf32>
    %add3A_2662 = arith.addf %add3A_2655, %mul3A_2661 : vector<16xf32>
    %get3A_2663 = arith.constant 3 : i32
    %get3A_2664 = arith.index_cast %get3A_2663 : i32 to index
    %get3A_2665 = arith.constant 624 : index
    %get3A_2666 = tpu.vector_load %arg6[%get3A_2664, %get3A_2665] {strides = array<i32>} : memref<8x1024xf32, #tpu.memory_space<vmem>>, vector<16xf32>,
    %mul3A_2667 = vector.broadcast %squeeze3A_215 : f32 to vector<16xf32>
    %mul3A_2668 = arith.mulf %mul3A_2667, %get3A_2666 : vector<16xf32>
    %add3A_2669 = arith.addf %add3A_2662, %mul3A_2668 : vector<16xf32>
    %get3A_2670 = arith.constant 4 : i32
    %get3A_2671 = arith.index_cast %get3A_2670 : i32 to index
    %get3A_2672 = arith.constant 624 : index
    %get3A_2673 = tpu.vector_load %arg6[%get3A_2671, %get3A_2672] {strides = array<i32>} : memref<8x1024xf32, #tpu.memory_space<vmem>>, vector<16xf32>,
    %mul3A_2674 = vector.broadcast %squeeze3A_217 : f32 to vector<16xf32>
    %mul3A_2675 = arith.mulf %mul3A_2674, %get3A_2673 : vector<16xf32>
    %add3A_2676 = arith.addf %add3A_2669, %mul3A_2675 : vector<16xf32>
    %get3A_2677 = arith.constant 5 : i32
    %get3A_2678 = arith.index_cast %get3A_2677 : i32 to index
    %get3A_2679 = arith.constant 624 : index
    %get3A_2680 = tpu.vector_load %arg6[%get3A_2678, %get3A_2679] {strides = array<i32>} : memref<8x1024xf32, #tpu.memory_space<vmem>>, vector<16xf32>,
    %mul3A_2681 = vector.broadcast %squeeze3A_219 : f32 to vector<16xf32>
    %mul3A_2682 = arith.mulf %mul3A_2681, %get3A_2680 : vector<16xf32>
    %add3A_2683 = arith.addf %add3A_2676, %mul3A_2682 : vector<16xf32>
    %get3A_2684 = arith.constant 6 : i32
    %get3A_2685 = arith.index_cast %get3A_2684 : i32 to index
    %get3A_2686 = arith.constant 624 : index
    %get3A_2687 = tpu.vector_load %arg6[%get3A_2685, %get3A_2686] {strides = array<i32>} : memref<8x1024xf32, #tpu.memory_space<vmem>>, vector<16xf32>,
    %mul3A_2688 = vector.broadcast %squeeze3A_221 : f32 to vector<16xf32>
    %mul3A_2689 = arith.mulf %mul3A_2688, %get3A_2687 : vector<16xf32>
    %add3A_2690 = arith.addf %add3A_2683, %mul3A_2689 : vector<16xf32>
    %get3A_2691 = arith.constant 7 : i32
    %get3A_2692 = arith.index_cast %get3A_2691 : i32 to index
    %get3A_2693 = arith.constant 624 : index
    %get3A_2694 = tpu.vector_load %arg6[%get3A_2692, %get3A_2693] {strides = array<i32>} : memref<8x1024xf32, #tpu.memory_space<vmem>>, vector<16xf32>,
    %mul3A_2695 = vector.broadcast %squeeze3A_223 : f32 to vector<16xf32>
    %mul3A_2696 = arith.mulf %mul3A_2695, %get3A_2694 : vector<16xf32>
    %add3A_2697 = arith.addf %add3A_2690, %mul3A_2696 : vector<16xf32>
    %swap3A_2698 = arith.constant 0 : i32
    %swap3A_2699 = arith.index_cast %swap3A_2698 : i32 to index
    %swap3A_2700 = arith.constant 624 : index
    %swap3A_2701 = tpu.vector_load %arg7[%swap3A_2699, %swap3A_2700] {strides = array<i32>} : memref<1x1024xf32, #tpu.memory_space<vmem>>, vector<16xf32>,
    tpu.vector_store %arg7[%swap3A_2699, %swap3A_2700], %add3A_2697 {strides = array<i32>} : memref<1x1024xf32, #tpu.memory_space<vmem>>, vector<16xf32>,
    %broadcast_in_dim3A_2702 = arith.constant 0.000000e+00 : f32
    %broadcast_in_dim3A_2703 = vector.broadcast %broadcast_in_dim3A_2702 : f32 to vector<16xf32>
    %get3A_2704 = arith.constant 0 : i32
    %get3A_2705 = arith.index_cast %get3A_2704 : i32 to index
    %get3A_2706 = arith.constant 640 : index
    %get3A_2707 = tpu.vector_load %arg6[%get3A_2705, %get3A_2706] {strides = array<i32>} : memref<8x1024xf32, #tpu.memory_space<vmem>>, vector<16xf32>,
    %mul3A_2708 = vector.broadcast %squeeze3A : f32 to vector<16xf32>
    %mul3A_2709 = arith.mulf %mul3A_2708, %get3A_2707 : vector<16xf32>
    %add3A_2710 = arith.addf %broadcast_in_dim3A_2703, %mul3A_2709 : vector<16xf32>
    %get3A_2711 = arith.constant 1 : i32
    %get3A_2712 = arith.index_cast %get3A_2711 : i32 to index
    %get3A_2713 = arith.constant 640 : index
    %get3A_2714 = tpu.vector_load %arg6[%get3A_2712, %get3A_2713] {strides = array<i32>} : memref<8x1024xf32, #tpu.memory_space<vmem>>, vector<16xf32>,
    %mul3A_2715 = vector.broadcast %squeeze3A_211 : f32 to vector<16xf32>
    %mul3A_2716 = arith.mulf %mul3A_2715, %get3A_2714 : vector<16xf32>
    %add3A_2717 = arith.addf %add3A_2710, %mul3A_2716 : vector<16xf32>
    %get3A_2718 = arith.constant 2 : i32
    %get3A_2719 = arith.index_cast %get3A_2718 : i32 to index
    %get3A_2720 = arith.constant 640 : index
    %get3A_2721 = tpu.vector_load %arg6[%get3A_2719, %get3A_2720] {strides = array<i32>} : memref<8x1024xf32, #tpu.memory_space<vmem>>, vector<16xf32>,
    %mul3A_2722 = vector.broadcast %squeeze3A_213 : f32 to vector<16xf32>
    %mul3A_2723 = arith.mulf %mul3A_2722, %get3A_2721 : vector<16xf32>
    %add3A_2724 = arith.addf %add3A_2717, %mul3A_2723 : vector<16xf32>
    %get3A_2725 = arith.constant 3 : i32
    %get3A_2726 = arith.index_cast %get3A_2725 : i32 to index
    %get3A_2727 = arith.constant 640 : index
    %get3A_2728 = tpu.vector_load %arg6[%get3A_2726, %get3A_2727] {strides = array<i32>} : memref<8x1024xf32, #tpu.memory_space<vmem>>, vector<16xf32>,
    %mul3A_2729 = vector.broadcast %squeeze3A_215 : f32 to vector<16xf32>
    %mul3A_2730 = arith.mulf %mul3A_2729, %get3A_2728 : vector<16xf32>
    %add3A_2731 = arith.addf %add3A_2724, %mul3A_2730 : vector<16xf32>
    %get3A_2732 = arith.constant 4 : i32
    %get3A_2733 = arith.index_cast %get3A_2732 : i32 to index
    %get3A_2734 = arith.constant 640 : index
    %get3A_2735 = tpu.vector_load %arg6[%get3A_2733, %get3A_2734] {strides = array<i32>} : memref<8x1024xf32, #tpu.memory_space<vmem>>, vector<16xf32>,
    %mul3A_2736 = vector.broadcast %squeeze3A_217 : f32 to vector<16xf32>
    %mul3A_2737 = arith.mulf %mul3A_2736, %get3A_2735 : vector<16xf32>
    %add3A_2738 = arith.addf %add3A_2731, %mul3A_2737 : vector<16xf32>
    %get3A_2739 = arith.constant 5 : i32
    %get3A_2740 = arith.index_cast %get3A_2739 : i32 to index
    %get3A_2741 = arith.constant 640 : index
    %get3A_2742 = tpu.vector_load %arg6[%get3A_2740, %get3A_2741] {strides = array<i32>} : memref<8x1024xf32, #tpu.memory_space<vmem>>, vector<16xf32>,
    %mul3A_2743 = vector.broadcast %squeeze3A_219 : f32 to vector<16xf32>
    %mul3A_2744 = arith.mulf %mul3A_2743, %get3A_2742 : vector<16xf32>
    %add3A_2745 = arith.addf %add3A_2738, %mul3A_2744 : vector<16xf32>
    %get3A_2746 = arith.constant 6 : i32
    %get3A_2747 = arith.index_cast %get3A_2746 : i32 to index
    %get3A_2748 = arith.constant 640 : index
    %get3A_2749 = tpu.vector_load %arg6[%get3A_2747, %get3A_2748] {strides = array<i32>} : memref<8x1024xf32, #tpu.memory_space<vmem>>, vector<16xf32>,
    %mul3A_2750 = vector.broadcast %squeeze3A_221 : f32 to vector<16xf32>
    %mul3A_2751 = arith.mulf %mul3A_2750, %get3A_2749 : vector<16xf32>
    %add3A_2752 = arith.addf %add3A_2745, %mul3A_2751 : vector<16xf32>
    %get3A_2753 = arith.constant 7 : i32
    %get3A_2754 = arith.index_cast %get3A_2753 : i32 to index
    %get3A_2755 = arith.constant 640 : index
    %get3A_2756 = tpu.vector_load %arg6[%get3A_2754, %get3A_2755] {strides = array<i32>} : memref<8x1024xf32, #tpu.memory_space<vmem>>, vector<16xf32>,
    %mul3A_2757 = vector.broadcast %squeeze3A_223 : f32 to vector<16xf32>
    %mul3A_2758 = arith.mulf %mul3A_2757, %get3A_2756 : vector<16xf32>
    %add3A_2759 = arith.addf %add3A_2752, %mul3A_2758 : vector<16xf32>
    %swap3A_2760 = arith.constant 0 : i32
    %swap3A_2761 = arith.index_cast %swap3A_2760 : i32 to index
    %swap3A_2762 = arith.constant 640 : index
    %swap3A_2763 = tpu.vector_load %arg7[%swap3A_2761, %swap3A_2762] {strides = array<i32>} : memref<1x1024xf32, #tpu.memory_space<vmem>>, vector<16xf32>,
    tpu.vector_store %arg7[%swap3A_2761, %swap3A_2762], %add3A_2759 {strides = array<i32>} : memref<1x1024xf32, #tpu.memory_space<vmem>>, vector<16xf32>,
    %broadcast_in_dim3A_2764 = arith.constant 0.000000e+00 : f32
    %broadcast_in_dim3A_2765 = vector.broadcast %broadcast_in_dim3A_2764 : f32 to vector<16xf32>
    %get3A_2766 = arith.constant 0 : i32
    %get3A_2767 = arith.index_cast %get3A_2766 : i32 to index
    %get3A_2768 = arith.constant 656 : index
    %get3A_2769 = tpu.vector_load %arg6[%get3A_2767, %get3A_2768] {strides = array<i32>} : memref<8x1024xf32, #tpu.memory_space<vmem>>, vector<16xf32>,
    %mul3A_2770 = vector.broadcast %squeeze3A : f32 to vector<16xf32>
    %mul3A_2771 = arith.mulf %mul3A_2770, %get3A_2769 : vector<16xf32>
    %add3A_2772 = arith.addf %broadcast_in_dim3A_2765, %mul3A_2771 : vector<16xf32>
    %get3A_2773 = arith.constant 1 : i32
    %get3A_2774 = arith.index_cast %get3A_2773 : i32 to index
    %get3A_2775 = arith.constant 656 : index
    %get3A_2776 = tpu.vector_load %arg6[%get3A_2774, %get3A_2775] {strides = array<i32>} : memref<8x1024xf32, #tpu.memory_space<vmem>>, vector<16xf32>,
    %mul3A_2777 = vector.broadcast %squeeze3A_211 : f32 to vector<16xf32>
    %mul3A_2778 = arith.mulf %mul3A_2777, %get3A_2776 : vector<16xf32>
    %add3A_2779 = arith.addf %add3A_2772, %mul3A_2778 : vector<16xf32>
    %get3A_2780 = arith.constant 2 : i32
    %get3A_2781 = arith.index_cast %get3A_2780 : i32 to index
    %get3A_2782 = arith.constant 656 : index
    %get3A_2783 = tpu.vector_load %arg6[%get3A_2781, %get3A_2782] {strides = array<i32>} : memref<8x1024xf32, #tpu.memory_space<vmem>>, vector<16xf32>,
    %mul3A_2784 = vector.broadcast %squeeze3A_213 : f32 to vector<16xf32>
    %mul3A_2785 = arith.mulf %mul3A_2784, %get3A_2783 : vector<16xf32>
    %add3A_2786 = arith.addf %add3A_2779, %mul3A_2785 : vector<16xf32>
    %get3A_2787 = arith.constant 3 : i32
    %get3A_2788 = arith.index_cast %get3A_2787 : i32 to index
    %get3A_2789 = arith.constant 656 : index
    %get3A_2790 = tpu.vector_load %arg6[%get3A_2788, %get3A_2789] {strides = array<i32>} : memref<8x1024xf32, #tpu.memory_space<vmem>>, vector<16xf32>,
    %mul3A_2791 = vector.broadcast %squeeze3A_215 : f32 to vector<16xf32>
    %mul3A_2792 = arith.mulf %mul3A_2791, %get3A_2790 : vector<16xf32>
    %add3A_2793 = arith.addf %add3A_2786, %mul3A_2792 : vector<16xf32>
    %get3A_2794 = arith.constant 4 : i32
    %get3A_2795 = arith.index_cast %get3A_2794 : i32 to index
    %get3A_2796 = arith.constant 656 : index
    %get3A_2797 = tpu.vector_load %arg6[%get3A_2795, %get3A_2796] {strides = array<i32>} : memref<8x1024xf32, #tpu.memory_space<vmem>>, vector<16xf32>,
    %mul3A_2798 = vector.broadcast %squeeze3A_217 : f32 to vector<16xf32>
    %mul3A_2799 = arith.mulf %mul3A_2798, %get3A_2797 : vector<16xf32>
    %add3A_2800 = arith.addf %add3A_2793, %mul3A_2799 : vector<16xf32>
    %get3A_2801 = arith.constant 5 : i32
    %get3A_2802 = arith.index_cast %get3A_2801 : i32 to index
    %get3A_2803 = arith.constant 656 : index
    %get3A_2804 = tpu.vector_load %arg6[%get3A_2802, %get3A_2803] {strides = array<i32>} : memref<8x1024xf32, #tpu.memory_space<vmem>>, vector<16xf32>,
    %mul3A_2805 = vector.broadcast %squeeze3A_219 : f32 to vector<16xf32>
    %mul3A_2806 = arith.mulf %mul3A_2805, %get3A_2804 : vector<16xf32>
    %add3A_2807 = arith.addf %add3A_2800, %mul3A_2806 : vector<16xf32>
    %get3A_2808 = arith.constant 6 : i32
    %get3A_2809 = arith.index_cast %get3A_2808 : i32 to index
    %get3A_2810 = arith.constant 656 : index
    %get3A_2811 = tpu.vector_load %arg6[%get3A_2809, %get3A_2810] {strides = array<i32>} : memref<8x1024xf32, #tpu.memory_space<vmem>>, vector<16xf32>,
    %mul3A_2812 = vector.broadcast %squeeze3A_221 : f32 to vector<16xf32>
    %mul3A_2813 = arith.mulf %mul3A_2812, %get3A_2811 : vector<16xf32>
    %add3A_2814 = arith.addf %add3A_2807, %mul3A_2813 : vector<16xf32>
    %get3A_2815 = arith.constant 7 : i32
    %get3A_2816 = arith.index_cast %get3A_2815 : i32 to index
    %get3A_2817 = arith.constant 656 : index
    %get3A_2818 = tpu.vector_load %arg6[%get3A_2816, %get3A_2817] {strides = array<i32>} : memref<8x1024xf32, #tpu.memory_space<vmem>>, vector<16xf32>,
    %mul3A_2819 = vector.broadcast %squeeze3A_223 : f32 to vector<16xf32>
    %mul3A_2820 = arith.mulf %mul3A_2819, %get3A_2818 : vector<16xf32>
    %add3A_2821 = arith.addf %add3A_2814, %mul3A_2820 : vector<16xf32>
    %swap3A_2822 = arith.constant 0 : i32
    %swap3A_2823 = arith.index_cast %swap3A_2822 : i32 to index
    %swap3A_2824 = arith.constant 656 : index
    %swap3A_2825 = tpu.vector_load %arg7[%swap3A_2823, %swap3A_2824] {strides = array<i32>} : memref<1x1024xf32, #tpu.memory_space<vmem>>, vector<16xf32>,
    tpu.vector_store %arg7[%swap3A_2823, %swap3A_2824], %add3A_2821 {strides = array<i32>} : memref<1x1024xf32, #tpu.memory_space<vmem>>, vector<16xf32>,
    %broadcast_in_dim3A_2826 = arith.constant 0.000000e+00 : f32
    %broadcast_in_dim3A_2827 = vector.broadcast %broadcast_in_dim3A_2826 : f32 to vector<16xf32>
    %get3A_2828 = arith.constant 0 : i32
    %get3A_2829 = arith.index_cast %get3A_2828 : i32 to index
    %get3A_2830 = arith.constant 672 : index
    %get3A_2831 = tpu.vector_load %arg6[%get3A_2829, %get3A_2830] {strides = array<i32>} : memref<8x1024xf32, #tpu.memory_space<vmem>>, vector<16xf32>,
    %mul3A_2832 = vector.broadcast %squeeze3A : f32 to vector<16xf32>
    %mul3A_2833 = arith.mulf %mul3A_2832, %get3A_2831 : vector<16xf32>
    %add3A_2834 = arith.addf %broadcast_in_dim3A_2827, %mul3A_2833 : vector<16xf32>
    %get3A_2835 = arith.constant 1 : i32
    %get3A_2836 = arith.index_cast %get3A_2835 : i32 to index
    %get3A_2837 = arith.constant 672 : index
    %get3A_2838 = tpu.vector_load %arg6[%get3A_2836, %get3A_2837] {strides = array<i32>} : memref<8x1024xf32, #tpu.memory_space<vmem>>, vector<16xf32>,
    %mul3A_2839 = vector.broadcast %squeeze3A_211 : f32 to vector<16xf32>
    %mul3A_2840 = arith.mulf %mul3A_2839, %get3A_2838 : vector<16xf32>
    %add3A_2841 = arith.addf %add3A_2834, %mul3A_2840 : vector<16xf32>
    %get3A_2842 = arith.constant 2 : i32
    %get3A_2843 = arith.index_cast %get3A_2842 : i32 to index
    %get3A_2844 = arith.constant 672 : index
    %get3A_2845 = tpu.vector_load %arg6[%get3A_2843, %get3A_2844] {strides = array<i32>} : memref<8x1024xf32, #tpu.memory_space<vmem>>, vector<16xf32>,
    %mul3A_2846 = vector.broadcast %squeeze3A_213 : f32 to vector<16xf32>
    %mul3A_2847 = arith.mulf %mul3A_2846, %get3A_2845 : vector<16xf32>
    %add3A_2848 = arith.addf %add3A_2841, %mul3A_2847 : vector<16xf32>
    %get3A_2849 = arith.constant 3 : i32
    %get3A_2850 = arith.index_cast %get3A_2849 : i32 to index
    %get3A_2851 = arith.constant 672 : index
    %get3A_2852 = tpu.vector_load %arg6[%get3A_2850, %get3A_2851] {strides = array<i32>} : memref<8x1024xf32, #tpu.memory_space<vmem>>, vector<16xf32>,
    %mul3A_2853 = vector.broadcast %squeeze3A_215 : f32 to vector<16xf32>
    %mul3A_2854 = arith.mulf %mul3A_2853, %get3A_2852 : vector<16xf32>
    %add3A_2855 = arith.addf %add3A_2848, %mul3A_2854 : vector<16xf32>
    %get3A_2856 = arith.constant 4 : i32
    %get3A_2857 = arith.index_cast %get3A_2856 : i32 to index
    %get3A_2858 = arith.constant 672 : index
    %get3A_2859 = tpu.vector_load %arg6[%get3A_2857, %get3A_2858] {strides = array<i32>} : memref<8x1024xf32, #tpu.memory_space<vmem>>, vector<16xf32>,
    %mul3A_2860 = vector.broadcast %squeeze3A_217 : f32 to vector<16xf32>
    %mul3A_2861 = arith.mulf %mul3A_2860, %get3A_2859 : vector<16xf32>
    %add3A_2862 = arith.addf %add3A_2855, %mul3A_2861 : vector<16xf32>
    %get3A_2863 = arith.constant 5 : i32
    %get3A_2864 = arith.index_cast %get3A_2863 : i32 to index
    %get3A_2865 = arith.constant 672 : index
    %get3A_2866 = tpu.vector_load %arg6[%get3A_2864, %get3A_2865] {strides = array<i32>} : memref<8x1024xf32, #tpu.memory_space<vmem>>, vector<16xf32>,
    %mul3A_2867 = vector.broadcast %squeeze3A_219 : f32 to vector<16xf32>
    %mul3A_2868 = arith.mulf %mul3A_2867, %get3A_2866 : vector<16xf32>
    %add3A_2869 = arith.addf %add3A_2862, %mul3A_2868 : vector<16xf32>
    %get3A_2870 = arith.constant 6 : i32
    %get3A_2871 = arith.index_cast %get3A_2870 : i32 to index
    %get3A_2872 = arith.constant 672 : index
    %get3A_2873 = tpu.vector_load %arg6[%get3A_2871, %get3A_2872] {strides = array<i32>} : memref<8x1024xf32, #tpu.memory_space<vmem>>, vector<16xf32>,
    %mul3A_2874 = vector.broadcast %squeeze3A_221 : f32 to vector<16xf32>
    %mul3A_2875 = arith.mulf %mul3A_2874, %get3A_2873 : vector<16xf32>
    %add3A_2876 = arith.addf %add3A_2869, %mul3A_2875 : vector<16xf32>
    %get3A_2877 = arith.constant 7 : i32
    %get3A_2878 = arith.index_cast %get3A_2877 : i32 to index
    %get3A_2879 = arith.constant 672 : index
    %get3A_2880 = tpu.vector_load %arg6[%get3A_2878, %get3A_2879] {strides = array<i32>} : memref<8x1024xf32, #tpu.memory_space<vmem>>, vector<16xf32>,
    %mul3A_2881 = vector.broadcast %squeeze3A_223 : f32 to vector<16xf32>
    %mul3A_2882 = arith.mulf %mul3A_2881, %get3A_2880 : vector<16xf32>
    %add3A_2883 = arith.addf %add3A_2876, %mul3A_2882 : vector<16xf32>
    %swap3A_2884 = arith.constant 0 : i32
    %swap3A_2885 = arith.index_cast %swap3A_2884 : i32 to index
    %swap3A_2886 = arith.constant 672 : index
    %swap3A_2887 = tpu.vector_load %arg7[%swap3A_2885, %swap3A_2886] {strides = array<i32>} : memref<1x1024xf32, #tpu.memory_space<vmem>>, vector<16xf32>,
    tpu.vector_store %arg7[%swap3A_2885, %swap3A_2886], %add3A_2883 {strides = array<i32>} : memref<1x1024xf32, #tpu.memory_space<vmem>>, vector<16xf32>,
    %broadcast_in_dim3A_2888 = arith.constant 0.000000e+00 : f32
    %broadcast_in_dim3A_2889 = vector.broadcast %broadcast_in_dim3A_2888 : f32 to vector<16xf32>
    %get3A_2890 = arith.constant 0 : i32
    %get3A_2891 = arith.index_cast %get3A_2890 : i32 to index
    %get3A_2892 = arith.constant 688 : index
    %get3A_2893 = tpu.vector_load %arg6[%get3A_2891, %get3A_2892] {strides = array<i32>} : memref<8x1024xf32, #tpu.memory_space<vmem>>, vector<16xf32>,
    %mul3A_2894 = vector.broadcast %squeeze3A : f32 to vector<16xf32>
    %mul3A_2895 = arith.mulf %mul3A_2894, %get3A_2893 : vector<16xf32>
    %add3A_2896 = arith.addf %broadcast_in_dim3A_2889, %mul3A_2895 : vector<16xf32>
    %get3A_2897 = arith.constant 1 : i32
    %get3A_2898 = arith.index_cast %get3A_2897 : i32 to index
    %get3A_2899 = arith.constant 688 : index
    %get3A_2900 = tpu.vector_load %arg6[%get3A_2898, %get3A_2899] {strides = array<i32>} : memref<8x1024xf32, #tpu.memory_space<vmem>>, vector<16xf32>,
    %mul3A_2901 = vector.broadcast %squeeze3A_211 : f32 to vector<16xf32>
    %mul3A_2902 = arith.mulf %mul3A_2901, %get3A_2900 : vector<16xf32>
    %add3A_2903 = arith.addf %add3A_2896, %mul3A_2902 : vector<16xf32>
    %get3A_2904 = arith.constant 2 : i32
    %get3A_2905 = arith.index_cast %get3A_2904 : i32 to index
    %get3A_2906 = arith.constant 688 : index
    %get3A_2907 = tpu.vector_load %arg6[%get3A_2905, %get3A_2906] {strides = array<i32>} : memref<8x1024xf32, #tpu.memory_space<vmem>>, vector<16xf32>,
    %mul3A_2908 = vector.broadcast %squeeze3A_213 : f32 to vector<16xf32>
    %mul3A_2909 = arith.mulf %mul3A_2908, %get3A_2907 : vector<16xf32>
    %add3A_2910 = arith.addf %add3A_2903, %mul3A_2909 : vector<16xf32>
    %get3A_2911 = arith.constant 3 : i32
    %get3A_2912 = arith.index_cast %get3A_2911 : i32 to index
    %get3A_2913 = arith.constant 688 : index
    %get3A_2914 = tpu.vector_load %arg6[%get3A_2912, %get3A_2913] {strides = array<i32>} : memref<8x1024xf32, #tpu.memory_space<vmem>>, vector<16xf32>,
    %mul3A_2915 = vector.broadcast %squeeze3A_215 : f32 to vector<16xf32>
    %mul3A_2916 = arith.mulf %mul3A_2915, %get3A_2914 : vector<16xf32>
    %add3A_2917 = arith.addf %add3A_2910, %mul3A_2916 : vector<16xf32>
    %get3A_2918 = arith.constant 4 : i32
    %get3A_2919 = arith.index_cast %get3A_2918 : i32 to index
    %get3A_2920 = arith.constant 688 : index
    %get3A_2921 = tpu.vector_load %arg6[%get3A_2919, %get3A_2920] {strides = array<i32>} : memref<8x1024xf32, #tpu.memory_space<vmem>>, vector<16xf32>,
    %mul3A_2922 = vector.broadcast %squeeze3A_217 : f32 to vector<16xf32>
    %mul3A_2923 = arith.mulf %mul3A_2922, %get3A_2921 : vector<16xf32>
    %add3A_2924 = arith.addf %add3A_2917, %mul3A_2923 : vector<16xf32>
    %get3A_2925 = arith.constant 5 : i32
    %get3A_2926 = arith.index_cast %get3A_2925 : i32 to index
    %get3A_2927 = arith.constant 688 : index
    %get3A_2928 = tpu.vector_load %arg6[%get3A_2926, %get3A_2927] {strides = array<i32>} : memref<8x1024xf32, #tpu.memory_space<vmem>>, vector<16xf32>,
    %mul3A_2929 = vector.broadcast %squeeze3A_219 : f32 to vector<16xf32>
    %mul3A_2930 = arith.mulf %mul3A_2929, %get3A_2928 : vector<16xf32>
    %add3A_2931 = arith.addf %add3A_2924, %mul3A_2930 : vector<16xf32>
    %get3A_2932 = arith.constant 6 : i32
    %get3A_2933 = arith.index_cast %get3A_2932 : i32 to index
    %get3A_2934 = arith.constant 688 : index
    %get3A_2935 = tpu.vector_load %arg6[%get3A_2933, %get3A_2934] {strides = array<i32>} : memref<8x1024xf32, #tpu.memory_space<vmem>>, vector<16xf32>,
    %mul3A_2936 = vector.broadcast %squeeze3A_221 : f32 to vector<16xf32>
    %mul3A_2937 = arith.mulf %mul3A_2936, %get3A_2935 : vector<16xf32>
    %add3A_2938 = arith.addf %add3A_2931, %mul3A_2937 : vector<16xf32>
    %get3A_2939 = arith.constant 7 : i32
    %get3A_2940 = arith.index_cast %get3A_2939 : i32 to index
    %get3A_2941 = arith.constant 688 : index
    %get3A_2942 = tpu.vector_load %arg6[%get3A_2940, %get3A_2941] {strides = array<i32>} : memref<8x1024xf32, #tpu.memory_space<vmem>>, vector<16xf32>,
    %mul3A_2943 = vector.broadcast %squeeze3A_223 : f32 to vector<16xf32>
    %mul3A_2944 = arith.mulf %mul3A_2943, %get3A_2942 : vector<16xf32>
    %add3A_2945 = arith.addf %add3A_2938, %mul3A_2944 : vector<16xf32>
    %swap3A_2946 = arith.constant 0 : i32
    %swap3A_2947 = arith.index_cast %swap3A_2946 : i32 to index
    %swap3A_2948 = arith.constant 688 : index
    %swap3A_2949 = tpu.vector_load %arg7[%swap3A_2947, %swap3A_2948] {strides = array<i32>} : memref<1x1024xf32, #tpu.memory_space<vmem>>, vector<16xf32>,
    tpu.vector_store %arg7[%swap3A_2947, %swap3A_2948], %add3A_2945 {strides = array<i32>} : memref<1x1024xf32, #tpu.memory_space<vmem>>, vector<16xf32>,
    %broadcast_in_dim3A_2950 = arith.constant 0.000000e+00 : f32
    %broadcast_in_dim3A_2951 = vector.broadcast %broadcast_in_dim3A_2950 : f32 to vector<16xf32>
    %get3A_2952 = arith.constant 0 : i32
    %get3A_2953 = arith.index_cast %get3A_2952 : i32 to index
    %get3A_2954 = arith.constant 704 : index
    %get3A_2955 = tpu.vector_load %arg6[%get3A_2953, %get3A_2954] {strides = array<i32>} : memref<8x1024xf32, #tpu.memory_space<vmem>>, vector<16xf32>,
    %mul3A_2956 = vector.broadcast %squeeze3A : f32 to vector<16xf32>
    %mul3A_2957 = arith.mulf %mul3A_2956, %get3A_2955 : vector<16xf32>
    %add3A_2958 = arith.addf %broadcast_in_dim3A_2951, %mul3A_2957 : vector<16xf32>
    %get3A_2959 = arith.constant 1 : i32
    %get3A_2960 = arith.index_cast %get3A_2959 : i32 to index
    %get3A_2961 = arith.constant 704 : index
    %get3A_2962 = tpu.vector_load %arg6[%get3A_2960, %get3A_2961] {strides = array<i32>} : memref<8x1024xf32, #tpu.memory_space<vmem>>, vector<16xf32>,
    %mul3A_2963 = vector.broadcast %squeeze3A_211 : f32 to vector<16xf32>
    %mul3A_2964 = arith.mulf %mul3A_2963, %get3A_2962 : vector<16xf32>
    %add3A_2965 = arith.addf %add3A_2958, %mul3A_2964 : vector<16xf32>
    %get3A_2966 = arith.constant 2 : i32
    %get3A_2967 = arith.index_cast %get3A_2966 : i32 to index
    %get3A_2968 = arith.constant 704 : index
    %get3A_2969 = tpu.vector_load %arg6[%get3A_2967, %get3A_2968] {strides = array<i32>} : memref<8x1024xf32, #tpu.memory_space<vmem>>, vector<16xf32>,
    %mul3A_2970 = vector.broadcast %squeeze3A_213 : f32 to vector<16xf32>
    %mul3A_2971 = arith.mulf %mul3A_2970, %get3A_2969 : vector<16xf32>
    %add3A_2972 = arith.addf %add3A_2965, %mul3A_2971 : vector<16xf32>
    %get3A_2973 = arith.constant 3 : i32
    %get3A_2974 = arith.index_cast %get3A_2973 : i32 to index
    %get3A_2975 = arith.constant 704 : index
    %get3A_2976 = tpu.vector_load %arg6[%get3A_2974, %get3A_2975] {strides = array<i32>} : memref<8x1024xf32, #tpu.memory_space<vmem>>, vector<16xf32>,
    %mul3A_2977 = vector.broadcast %squeeze3A_215 : f32 to vector<16xf32>
    %mul3A_2978 = arith.mulf %mul3A_2977, %get3A_2976 : vector<16xf32>
    %add3A_2979 = arith.addf %add3A_2972, %mul3A_2978 : vector<16xf32>
    %get3A_2980 = arith.constant 4 : i32
    %get3A_2981 = arith.index_cast %get3A_2980 : i32 to index
    %get3A_2982 = arith.constant 704 : index
    %get3A_2983 = tpu.vector_load %arg6[%get3A_2981, %get3A_2982] {strides = array<i32>} : memref<8x1024xf32, #tpu.memory_space<vmem>>, vector<16xf32>,
    %mul3A_2984 = vector.broadcast %squeeze3A_217 : f32 to vector<16xf32>
    %mul3A_2985 = arith.mulf %mul3A_2984, %get3A_2983 : vector<16xf32>
    %add3A_2986 = arith.addf %add3A_2979, %mul3A_2985 : vector<16xf32>
    %get3A_2987 = arith.constant 5 : i32
    %get3A_2988 = arith.index_cast %get3A_2987 : i32 to index
    %get3A_2989 = arith.constant 704 : index
    %get3A_2990 = tpu.vector_load %arg6[%get3A_2988, %get3A_2989] {strides = array<i32>} : memref<8x1024xf32, #tpu.memory_space<vmem>>, vector<16xf32>,
    %mul3A_2991 = vector.broadcast %squeeze3A_219 : f32 to vector<16xf32>
    %mul3A_2992 = arith.mulf %mul3A_2991, %get3A_2990 : vector<16xf32>
    %add3A_2993 = arith.addf %add3A_2986, %mul3A_2992 : vector<16xf32>
    %get3A_2994 = arith.constant 6 : i32
    %get3A_2995 = arith.index_cast %get3A_2994 : i32 to index
    %get3A_2996 = arith.constant 704 : index
    %get3A_2997 = tpu.vector_load %arg6[%get3A_2995, %get3A_2996] {strides = array<i32>} : memref<8x1024xf32, #tpu.memory_space<vmem>>, vector<16xf32>,
    %mul3A_2998 = vector.broadcast %squeeze3A_221 : f32 to vector<16xf32>
    %mul3A_2999 = arith.mulf %mul3A_2998, %get3A_2997 : vector<16xf32>
    %add3A_3000 = arith.addf %add3A_2993, %mul3A_2999 : vector<16xf32>
    %get3A_3001 = arith.constant 7 : i32
    %get3A_3002 = arith.index_cast %get3A_3001 : i32 to index
    %get3A_3003 = arith.constant 704 : index
    %get3A_3004 = tpu.vector_load %arg6[%get3A_3002, %get3A_3003] {strides = array<i32>} : memref<8x1024xf32, #tpu.memory_space<vmem>>, vector<16xf32>,
    %mul3A_3005 = vector.broadcast %squeeze3A_223 : f32 to vector<16xf32>
    %mul3A_3006 = arith.mulf %mul3A_3005, %get3A_3004 : vector<16xf32>
    %add3A_3007 = arith.addf %add3A_3000, %mul3A_3006 : vector<16xf32>
    %swap3A_3008 = arith.constant 0 : i32
    %swap3A_3009 = arith.index_cast %swap3A_3008 : i32 to index
    %swap3A_3010 = arith.constant 704 : index
    %swap3A_3011 = tpu.vector_load %arg7[%swap3A_3009, %swap3A_3010] {strides = array<i32>} : memref<1x1024xf32, #tpu.memory_space<vmem>>, vector<16xf32>,
    tpu.vector_store %arg7[%swap3A_3009, %swap3A_3010], %add3A_3007 {strides = array<i32>} : memref<1x1024xf32, #tpu.memory_space<vmem>>, vector<16xf32>,
    %broadcast_in_dim3A_3012 = arith.constant 0.000000e+00 : f32
    %broadcast_in_dim3A_3013 = vector.broadcast %broadcast_in_dim3A_3012 : f32 to vector<16xf32>
    %get3A_3014 = arith.constant 0 : i32
    %get3A_3015 = arith.index_cast %get3A_3014 : i32 to index
    %get3A_3016 = arith.constant 720 : index
    %get3A_3017 = tpu.vector_load %arg6[%get3A_3015, %get3A_3016] {strides = array<i32>} : memref<8x1024xf32, #tpu.memory_space<vmem>>, vector<16xf32>,
    %mul3A_3018 = vector.broadcast %squeeze3A : f32 to vector<16xf32>
    %mul3A_3019 = arith.mulf %mul3A_3018, %get3A_3017 : vector<16xf32>
    %add3A_3020 = arith.addf %broadcast_in_dim3A_3013, %mul3A_3019 : vector<16xf32>
    %get3A_3021 = arith.constant 1 : i32
    %get3A_3022 = arith.index_cast %get3A_3021 : i32 to index
    %get3A_3023 = arith.constant 720 : index
    %get3A_3024 = tpu.vector_load %arg6[%get3A_3022, %get3A_3023] {strides = array<i32>} : memref<8x1024xf32, #tpu.memory_space<vmem>>, vector<16xf32>,
    %mul3A_3025 = vector.broadcast %squeeze3A_211 : f32 to vector<16xf32>
    %mul3A_3026 = arith.mulf %mul3A_3025, %get3A_3024 : vector<16xf32>
    %add3A_3027 = arith.addf %add3A_3020, %mul3A_3026 : vector<16xf32>
    %get3A_3028 = arith.constant 2 : i32
    %get3A_3029 = arith.index_cast %get3A_3028 : i32 to index
    %get3A_3030 = arith.constant 720 : index
    %get3A_3031 = tpu.vector_load %arg6[%get3A_3029, %get3A_3030] {strides = array<i32>} : memref<8x1024xf32, #tpu.memory_space<vmem>>, vector<16xf32>,
    %mul3A_3032 = vector.broadcast %squeeze3A_213 : f32 to vector<16xf32>
    %mul3A_3033 = arith.mulf %mul3A_3032, %get3A_3031 : vector<16xf32>
    %add3A_3034 = arith.addf %add3A_3027, %mul3A_3033 : vector<16xf32>
    %get3A_3035 = arith.constant 3 : i32
    %get3A_3036 = arith.index_cast %get3A_3035 : i32 to index
    %get3A_3037 = arith.constant 720 : index
    %get3A_3038 = tpu.vector_load %arg6[%get3A_3036, %get3A_3037] {strides = array<i32>} : memref<8x1024xf32, #tpu.memory_space<vmem>>, vector<16xf32>,
    %mul3A_3039 = vector.broadcast %squeeze3A_215 : f32 to vector<16xf32>
    %mul3A_3040 = arith.mulf %mul3A_3039, %get3A_3038 : vector<16xf32>
    %add3A_3041 = arith.addf %add3A_3034, %mul3A_3040 : vector<16xf32>
    %get3A_3042 = arith.constant 4 : i32
    %get3A_3043 = arith.index_cast %get3A_3042 : i32 to index
    %get3A_3044 = arith.constant 720 : index
    %get3A_3045 = tpu.vector_load %arg6[%get3A_3043, %get3A_3044] {strides = array<i32>} : memref<8x1024xf32, #tpu.memory_space<vmem>>, vector<16xf32>,
    %mul3A_3046 = vector.broadcast %squeeze3A_217 : f32 to vector<16xf32>
    %mul3A_3047 = arith.mulf %mul3A_3046, %get3A_3045 : vector<16xf32>
    %add3A_3048 = arith.addf %add3A_3041, %mul3A_3047 : vector<16xf32>
    %get3A_3049 = arith.constant 5 : i32
    %get3A_3050 = arith.index_cast %get3A_3049 : i32 to index
    %get3A_3051 = arith.constant 720 : index
    %get3A_3052 = tpu.vector_load %arg6[%get3A_3050, %get3A_3051] {strides = array<i32>} : memref<8x1024xf32, #tpu.memory_space<vmem>>, vector<16xf32>,
    %mul3A_3053 = vector.broadcast %squeeze3A_219 : f32 to vector<16xf32>
    %mul3A_3054 = arith.mulf %mul3A_3053, %get3A_3052 : vector<16xf32>
    %add3A_3055 = arith.addf %add3A_3048, %mul3A_3054 : vector<16xf32>
    %get3A_3056 = arith.constant 6 : i32
    %get3A_3057 = arith.index_cast %get3A_3056 : i32 to index
    %get3A_3058 = arith.constant 720 : index
    %get3A_3059 = tpu.vector_load %arg6[%get3A_3057, %get3A_3058] {strides = array<i32>} : memref<8x1024xf32, #tpu.memory_space<vmem>>, vector<16xf32>,
    %mul3A_3060 = vector.broadcast %squeeze3A_221 : f32 to vector<16xf32>
    %mul3A_3061 = arith.mulf %mul3A_3060, %get3A_3059 : vector<16xf32>
    %add3A_3062 = arith.addf %add3A_3055, %mul3A_3061 : vector<16xf32>
    %get3A_3063 = arith.constant 7 : i32
    %get3A_3064 = arith.index_cast %get3A_3063 : i32 to index
    %get3A_3065 = arith.constant 720 : index
    %get3A_3066 = tpu.vector_load %arg6[%get3A_3064, %get3A_3065] {strides = array<i32>} : memref<8x1024xf32, #tpu.memory_space<vmem>>, vector<16xf32>,
    %mul3A_3067 = vector.broadcast %squeeze3A_223 : f32 to vector<16xf32>
    %mul3A_3068 = arith.mulf %mul3A_3067, %get3A_3066 : vector<16xf32>
    %add3A_3069 = arith.addf %add3A_3062, %mul3A_3068 : vector<16xf32>
    %swap3A_3070 = arith.constant 0 : i32
    %swap3A_3071 = arith.index_cast %swap3A_3070 : i32 to index
    %swap3A_3072 = arith.constant 720 : index
    %swap3A_3073 = tpu.vector_load %arg7[%swap3A_3071, %swap3A_3072] {strides = array<i32>} : memref<1x1024xf32, #tpu.memory_space<vmem>>, vector<16xf32>,
    tpu.vector_store %arg7[%swap3A_3071, %swap3A_3072], %add3A_3069 {strides = array<i32>} : memref<1x1024xf32, #tpu.memory_space<vmem>>, vector<16xf32>,
    %broadcast_in_dim3A_3074 = arith.constant 0.000000e+00 : f32
    %broadcast_in_dim3A_3075 = vector.broadcast %broadcast_in_dim3A_3074 : f32 to vector<16xf32>
    %get3A_3076 = arith.constant 0 : i32
    %get3A_3077 = arith.index_cast %get3A_3076 : i32 to index
    %get3A_3078 = arith.constant 736 : index
    %get3A_3079 = tpu.vector_load %arg6[%get3A_3077, %get3A_3078] {strides = array<i32>} : memref<8x1024xf32, #tpu.memory_space<vmem>>, vector<16xf32>,
    %mul3A_3080 = vector.broadcast %squeeze3A : f32 to vector<16xf32>
    %mul3A_3081 = arith.mulf %mul3A_3080, %get3A_3079 : vector<16xf32>
    %add3A_3082 = arith.addf %broadcast_in_dim3A_3075, %mul3A_3081 : vector<16xf32>
    %get3A_3083 = arith.constant 1 : i32
    %get3A_3084 = arith.index_cast %get3A_3083 : i32 to index
    %get3A_3085 = arith.constant 736 : index
    %get3A_3086 = tpu.vector_load %arg6[%get3A_3084, %get3A_3085] {strides = array<i32>} : memref<8x1024xf32, #tpu.memory_space<vmem>>, vector<16xf32>,
    %mul3A_3087 = vector.broadcast %squeeze3A_211 : f32 to vector<16xf32>
    %mul3A_3088 = arith.mulf %mul3A_3087, %get3A_3086 : vector<16xf32>
    %add3A_3089 = arith.addf %add3A_3082, %mul3A_3088 : vector<16xf32>
    %get3A_3090 = arith.constant 2 : i32
    %get3A_3091 = arith.index_cast %get3A_3090 : i32 to index
    %get3A_3092 = arith.constant 736 : index
    %get3A_3093 = tpu.vector_load %arg6[%get3A_3091, %get3A_3092] {strides = array<i32>} : memref<8x1024xf32, #tpu.memory_space<vmem>>, vector<16xf32>,
    %mul3A_3094 = vector.broadcast %squeeze3A_213 : f32 to vector<16xf32>
    %mul3A_3095 = arith.mulf %mul3A_3094, %get3A_3093 : vector<16xf32>
    %add3A_3096 = arith.addf %add3A_3089, %mul3A_3095 : vector<16xf32>
    %get3A_3097 = arith.constant 3 : i32
    %get3A_3098 = arith.index_cast %get3A_3097 : i32 to index
    %get3A_3099 = arith.constant 736 : index
    %get3A_3100 = tpu.vector_load %arg6[%get3A_3098, %get3A_3099] {strides = array<i32>} : memref<8x1024xf32, #tpu.memory_space<vmem>>, vector<16xf32>,
    %mul3A_3101 = vector.broadcast %squeeze3A_215 : f32 to vector<16xf32>
    %mul3A_3102 = arith.mulf %mul3A_3101, %get3A_3100 : vector<16xf32>
    %add3A_3103 = arith.addf %add3A_3096, %mul3A_3102 : vector<16xf32>
    %get3A_3104 = arith.constant 4 : i32
    %get3A_3105 = arith.index_cast %get3A_3104 : i32 to index
    %get3A_3106 = arith.constant 736 : index
    %get3A_3107 = tpu.vector_load %arg6[%get3A_3105, %get3A_3106] {strides = array<i32>} : memref<8x1024xf32, #tpu.memory_space<vmem>>, vector<16xf32>,
    %mul3A_3108 = vector.broadcast %squeeze3A_217 : f32 to vector<16xf32>
    %mul3A_3109 = arith.mulf %mul3A_3108, %get3A_3107 : vector<16xf32>
    %add3A_3110 = arith.addf %add3A_3103, %mul3A_3109 : vector<16xf32>
    %get3A_3111 = arith.constant 5 : i32
    %get3A_3112 = arith.index_cast %get3A_3111 : i32 to index
    %get3A_3113 = arith.constant 736 : index
    %get3A_3114 = tpu.vector_load %arg6[%get3A_3112, %get3A_3113] {strides = array<i32>} : memref<8x1024xf32, #tpu.memory_space<vmem>>, vector<16xf32>,
    %mul3A_3115 = vector.broadcast %squeeze3A_219 : f32 to vector<16xf32>
    %mul3A_3116 = arith.mulf %mul3A_3115, %get3A_3114 : vector<16xf32>
    %add3A_3117 = arith.addf %add3A_3110, %mul3A_3116 : vector<16xf32>
    %get3A_3118 = arith.constant 6 : i32
    %get3A_3119 = arith.index_cast %get3A_3118 : i32 to index
    %get3A_3120 = arith.constant 736 : index
    %get3A_3121 = tpu.vector_load %arg6[%get3A_3119, %get3A_3120] {strides = array<i32>} : memref<8x1024xf32, #tpu.memory_space<vmem>>, vector<16xf32>,
    %mul3A_3122 = vector.broadcast %squeeze3A_221 : f32 to vector<16xf32>
    %mul3A_3123 = arith.mulf %mul3A_3122, %get3A_3121 : vector<16xf32>
    %add3A_3124 = arith.addf %add3A_3117, %mul3A_3123 : vector<16xf32>
    %get3A_3125 = arith.constant 7 : i32
    %get3A_3126 = arith.index_cast %get3A_3125 : i32 to index
    %get3A_3127 = arith.constant 736 : index
    %get3A_3128 = tpu.vector_load %arg6[%get3A_3126, %get3A_3127] {strides = array<i32>} : memref<8x1024xf32, #tpu.memory_space<vmem>>, vector<16xf32>,
    %mul3A_3129 = vector.broadcast %squeeze3A_223 : f32 to vector<16xf32>
    %mul3A_3130 = arith.mulf %mul3A_3129, %get3A_3128 : vector<16xf32>
    %add3A_3131 = arith.addf %add3A_3124, %mul3A_3130 : vector<16xf32>
    %swap3A_3132 = arith.constant 0 : i32
    %swap3A_3133 = arith.index_cast %swap3A_3132 : i32 to index
    %swap3A_3134 = arith.constant 736 : index
    %swap3A_3135 = tpu.vector_load %arg7[%swap3A_3133, %swap3A_3134] {strides = array<i32>} : memref<1x1024xf32, #tpu.memory_space<vmem>>, vector<16xf32>,
    tpu.vector_store %arg7[%swap3A_3133, %swap3A_3134], %add3A_3131 {strides = array<i32>} : memref<1x1024xf32, #tpu.memory_space<vmem>>, vector<16xf32>,
    %broadcast_in_dim3A_3136 = arith.constant 0.000000e+00 : f32
    %broadcast_in_dim3A_3137 = vector.broadcast %broadcast_in_dim3A_3136 : f32 to vector<16xf32>
    %get3A_3138 = arith.constant 0 : i32
    %get3A_3139 = arith.index_cast %get3A_3138 : i32 to index
    %get3A_3140 = arith.constant 752 : index
    %get3A_3141 = tpu.vector_load %arg6[%get3A_3139, %get3A_3140] {strides = array<i32>} : memref<8x1024xf32, #tpu.memory_space<vmem>>, vector<16xf32>,
    %mul3A_3142 = vector.broadcast %squeeze3A : f32 to vector<16xf32>
    %mul3A_3143 = arith.mulf %mul3A_3142, %get3A_3141 : vector<16xf32>
    %add3A_3144 = arith.addf %broadcast_in_dim3A_3137, %mul3A_3143 : vector<16xf32>
    %get3A_3145 = arith.constant 1 : i32
    %get3A_3146 = arith.index_cast %get3A_3145 : i32 to index
    %get3A_3147 = arith.constant 752 : index
    %get3A_3148 = tpu.vector_load %arg6[%get3A_3146, %get3A_3147] {strides = array<i32>} : memref<8x1024xf32, #tpu.memory_space<vmem>>, vector<16xf32>,
    %mul3A_3149 = vector.broadcast %squeeze3A_211 : f32 to vector<16xf32>
    %mul3A_3150 = arith.mulf %mul3A_3149, %get3A_3148 : vector<16xf32>
    %add3A_3151 = arith.addf %add3A_3144, %mul3A_3150 : vector<16xf32>
    %get3A_3152 = arith.constant 2 : i32
    %get3A_3153 = arith.index_cast %get3A_3152 : i32 to index
    %get3A_3154 = arith.constant 752 : index
    %get3A_3155 = tpu.vector_load %arg6[%get3A_3153, %get3A_3154] {strides = array<i32>} : memref<8x1024xf32, #tpu.memory_space<vmem>>, vector<16xf32>,
    %mul3A_3156 = vector.broadcast %squeeze3A_213 : f32 to vector<16xf32>
    %mul3A_3157 = arith.mulf %mul3A_3156, %get3A_3155 : vector<16xf32>
    %add3A_3158 = arith.addf %add3A_3151, %mul3A_3157 : vector<16xf32>
    %get3A_3159 = arith.constant 3 : i32
    %get3A_3160 = arith.index_cast %get3A_3159 : i32 to index
    %get3A_3161 = arith.constant 752 : index
    %get3A_3162 = tpu.vector_load %arg6[%get3A_3160, %get3A_3161] {strides = array<i32>} : memref<8x1024xf32, #tpu.memory_space<vmem>>, vector<16xf32>,
    %mul3A_3163 = vector.broadcast %squeeze3A_215 : f32 to vector<16xf32>
    %mul3A_3164 = arith.mulf %mul3A_3163, %get3A_3162 : vector<16xf32>
    %add3A_3165 = arith.addf %add3A_3158, %mul3A_3164 : vector<16xf32>
    %get3A_3166 = arith.constant 4 : i32
    %get3A_3167 = arith.index_cast %get3A_3166 : i32 to index
    %get3A_3168 = arith.constant 752 : index
    %get3A_3169 = tpu.vector_load %arg6[%get3A_3167, %get3A_3168] {strides = array<i32>} : memref<8x1024xf32, #tpu.memory_space<vmem>>, vector<16xf32>,
    %mul3A_3170 = vector.broadcast %squeeze3A_217 : f32 to vector<16xf32>
    %mul3A_3171 = arith.mulf %mul3A_3170, %get3A_3169 : vector<16xf32>
    %add3A_3172 = arith.addf %add3A_3165, %mul3A_3171 : vector<16xf32>
    %get3A_3173 = arith.constant 5 : i32
    %get3A_3174 = arith.index_cast %get3A_3173 : i32 to index
    %get3A_3175 = arith.constant 752 : index
    %get3A_3176 = tpu.vector_load %arg6[%get3A_3174, %get3A_3175] {strides = array<i32>} : memref<8x1024xf32, #tpu.memory_space<vmem>>, vector<16xf32>,
    %mul3A_3177 = vector.broadcast %squeeze3A_219 : f32 to vector<16xf32>
    %mul3A_3178 = arith.mulf %mul3A_3177, %get3A_3176 : vector<16xf32>
    %add3A_3179 = arith.addf %add3A_3172, %mul3A_3178 : vector<16xf32>
    %get3A_3180 = arith.constant 6 : i32
    %get3A_3181 = arith.index_cast %get3A_3180 : i32 to index
    %get3A_3182 = arith.constant 752 : index
    %get3A_3183 = tpu.vector_load %arg6[%get3A_3181, %get3A_3182] {strides = array<i32>} : memref<8x1024xf32, #tpu.memory_space<vmem>>, vector<16xf32>,
    %mul3A_3184 = vector.broadcast %squeeze3A_221 : f32 to vector<16xf32>
    %mul3A_3185 = arith.mulf %mul3A_3184, %get3A_3183 : vector<16xf32>
    %add3A_3186 = arith.addf %add3A_3179, %mul3A_3185 : vector<16xf32>
    %get3A_3187 = arith.constant 7 : i32
    %get3A_3188 = arith.index_cast %get3A_3187 : i32 to index
    %get3A_3189 = arith.constant 752 : index
    %get3A_3190 = tpu.vector_load %arg6[%get3A_3188, %get3A_3189] {strides = array<i32>} : memref<8x1024xf32, #tpu.memory_space<vmem>>, vector<16xf32>,
    %mul3A_3191 = vector.broadcast %squeeze3A_223 : f32 to vector<16xf32>
    %mul3A_3192 = arith.mulf %mul3A_3191, %get3A_3190 : vector<16xf32>
    %add3A_3193 = arith.addf %add3A_3186, %mul3A_3192 : vector<16xf32>
    %swap3A_3194 = arith.constant 0 : i32
    %swap3A_3195 = arith.index_cast %swap3A_3194 : i32 to index
    %swap3A_3196 = arith.constant 752 : index
    %swap3A_3197 = tpu.vector_load %arg7[%swap3A_3195, %swap3A_3196] {strides = array<i32>} : memref<1x1024xf32, #tpu.memory_space<vmem>>, vector<16xf32>,
    tpu.vector_store %arg7[%swap3A_3195, %swap3A_3196], %add3A_3193 {strides = array<i32>} : memref<1x1024xf32, #tpu.memory_space<vmem>>, vector<16xf32>,
    %broadcast_in_dim3A_3198 = arith.constant 0.000000e+00 : f32
    %broadcast_in_dim3A_3199 = vector.broadcast %broadcast_in_dim3A_3198 : f32 to vector<16xf32>
    %get3A_3200 = arith.constant 0 : i32
    %get3A_3201 = arith.index_cast %get3A_3200 : i32 to index
    %get3A_3202 = arith.constant 768 : index
    %get3A_3203 = tpu.vector_load %arg6[%get3A_3201, %get3A_3202] {strides = array<i32>} : memref<8x1024xf32, #tpu.memory_space<vmem>>, vector<16xf32>,
    %mul3A_3204 = vector.broadcast %squeeze3A : f32 to vector<16xf32>
    %mul3A_3205 = arith.mulf %mul3A_3204, %get3A_3203 : vector<16xf32>
    %add3A_3206 = arith.addf %broadcast_in_dim3A_3199, %mul3A_3205 : vector<16xf32>
    %get3A_3207 = arith.constant 1 : i32
    %get3A_3208 = arith.index_cast %get3A_3207 : i32 to index
    %get3A_3209 = arith.constant 768 : index
    %get3A_3210 = tpu.vector_load %arg6[%get3A_3208, %get3A_3209] {strides = array<i32>} : memref<8x1024xf32, #tpu.memory_space<vmem>>, vector<16xf32>,
    %mul3A_3211 = vector.broadcast %squeeze3A_211 : f32 to vector<16xf32>
    %mul3A_3212 = arith.mulf %mul3A_3211, %get3A_3210 : vector<16xf32>
    %add3A_3213 = arith.addf %add3A_3206, %mul3A_3212 : vector<16xf32>
    %get3A_3214 = arith.constant 2 : i32
    %get3A_3215 = arith.index_cast %get3A_3214 : i32 to index
    %get3A_3216 = arith.constant 768 : index
    %get3A_3217 = tpu.vector_load %arg6[%get3A_3215, %get3A_3216] {strides = array<i32>} : memref<8x1024xf32, #tpu.memory_space<vmem>>, vector<16xf32>,
    %mul3A_3218 = vector.broadcast %squeeze3A_213 : f32 to vector<16xf32>
    %mul3A_3219 = arith.mulf %mul3A_3218, %get3A_3217 : vector<16xf32>
    %add3A_3220 = arith.addf %add3A_3213, %mul3A_3219 : vector<16xf32>
    %get3A_3221 = arith.constant 3 : i32
    %get3A_3222 = arith.index_cast %get3A_3221 : i32 to index
    %get3A_3223 = arith.constant 768 : index
    %get3A_3224 = tpu.vector_load %arg6[%get3A_3222, %get3A_3223] {strides = array<i32>} : memref<8x1024xf32, #tpu.memory_space<vmem>>, vector<16xf32>,
    %mul3A_3225 = vector.broadcast %squeeze3A_215 : f32 to vector<16xf32>
    %mul3A_3226 = arith.mulf %mul3A_3225, %get3A_3224 : vector<16xf32>
    %add3A_3227 = arith.addf %add3A_3220, %mul3A_3226 : vector<16xf32>
    %get3A_3228 = arith.constant 4 : i32
    %get3A_3229 = arith.index_cast %get3A_3228 : i32 to index
    %get3A_3230 = arith.constant 768 : index
    %get3A_3231 = tpu.vector_load %arg6[%get3A_3229, %get3A_3230] {strides = array<i32>} : memref<8x1024xf32, #tpu.memory_space<vmem>>, vector<16xf32>,
    %mul3A_3232 = vector.broadcast %squeeze3A_217 : f32 to vector<16xf32>
    %mul3A_3233 = arith.mulf %mul3A_3232, %get3A_3231 : vector<16xf32>
    %add3A_3234 = arith.addf %add3A_3227, %mul3A_3233 : vector<16xf32>
    %get3A_3235 = arith.constant 5 : i32
    %get3A_3236 = arith.index_cast %get3A_3235 : i32 to index
    %get3A_3237 = arith.constant 768 : index
    %get3A_3238 = tpu.vector_load %arg6[%get3A_3236, %get3A_3237] {strides = array<i32>} : memref<8x1024xf32, #tpu.memory_space<vmem>>, vector<16xf32>,
    %mul3A_3239 = vector.broadcast %squeeze3A_219 : f32 to vector<16xf32>
    %mul3A_3240 = arith.mulf %mul3A_3239, %get3A_3238 : vector<16xf32>
    %add3A_3241 = arith.addf %add3A_3234, %mul3A_3240 : vector<16xf32>
    %get3A_3242 = arith.constant 6 : i32
    %get3A_3243 = arith.index_cast %get3A_3242 : i32 to index
    %get3A_3244 = arith.constant 768 : index
    %get3A_3245 = tpu.vector_load %arg6[%get3A_3243, %get3A_3244] {strides = array<i32>} : memref<8x1024xf32, #tpu.memory_space<vmem>>, vector<16xf32>,
    %mul3A_3246 = vector.broadcast %squeeze3A_221 : f32 to vector<16xf32>
    %mul3A_3247 = arith.mulf %mul3A_3246, %get3A_3245 : vector<16xf32>
    %add3A_3248 = arith.addf %add3A_3241, %mul3A_3247 : vector<16xf32>
    %get3A_3249 = arith.constant 7 : i32
    %get3A_3250 = arith.index_cast %get3A_3249 : i32 to index
    %get3A_3251 = arith.constant 768 : index
    %get3A_3252 = tpu.vector_load %arg6[%get3A_3250, %get3A_3251] {strides = array<i32>} : memref<8x1024xf32, #tpu.memory_space<vmem>>, vector<16xf32>,
    %mul3A_3253 = vector.broadcast %squeeze3A_223 : f32 to vector<16xf32>
    %mul3A_3254 = arith.mulf %mul3A_3253, %get3A_3252 : vector<16xf32>
    %add3A_3255 = arith.addf %add3A_3248, %mul3A_3254 : vector<16xf32>
    %swap3A_3256 = arith.constant 0 : i32
    %swap3A_3257 = arith.index_cast %swap3A_3256 : i32 to index
    %swap3A_3258 = arith.constant 768 : index
    %swap3A_3259 = tpu.vector_load %arg7[%swap3A_3257, %swap3A_3258] {strides = array<i32>} : memref<1x1024xf32, #tpu.memory_space<vmem>>, vector<16xf32>,
    tpu.vector_store %arg7[%swap3A_3257, %swap3A_3258], %add3A_3255 {strides = array<i32>} : memref<1x1024xf32, #tpu.memory_space<vmem>>, vector<16xf32>,
    %broadcast_in_dim3A_3260 = arith.constant 0.000000e+00 : f32
    %broadcast_in_dim3A_3261 = vector.broadcast %broadcast_in_dim3A_3260 : f32 to vector<16xf32>
    %get3A_3262 = arith.constant 0 : i32
    %get3A_3263 = arith.index_cast %get3A_3262 : i32 to index
    %get3A_3264 = arith.constant 784 : index
    %get3A_3265 = tpu.vector_load %arg6[%get3A_3263, %get3A_3264] {strides = array<i32>} : memref<8x1024xf32, #tpu.memory_space<vmem>>, vector<16xf32>,
    %mul3A_3266 = vector.broadcast %squeeze3A : f32 to vector<16xf32>
    %mul3A_3267 = arith.mulf %mul3A_3266, %get3A_3265 : vector<16xf32>
    %add3A_3268 = arith.addf %broadcast_in_dim3A_3261, %mul3A_3267 : vector<16xf32>
    %get3A_3269 = arith.constant 1 : i32
    %get3A_3270 = arith.index_cast %get3A_3269 : i32 to index
    %get3A_3271 = arith.constant 784 : index
    %get3A_3272 = tpu.vector_load %arg6[%get3A_3270, %get3A_3271] {strides = array<i32>} : memref<8x1024xf32, #tpu.memory_space<vmem>>, vector<16xf32>,
    %mul3A_3273 = vector.broadcast %squeeze3A_211 : f32 to vector<16xf32>
    %mul3A_3274 = arith.mulf %mul3A_3273, %get3A_3272 : vector<16xf32>
    %add3A_3275 = arith.addf %add3A_3268, %mul3A_3274 : vector<16xf32>
    %get3A_3276 = arith.constant 2 : i32
    %get3A_3277 = arith.index_cast %get3A_3276 : i32 to index
    %get3A_3278 = arith.constant 784 : index
    %get3A_3279 = tpu.vector_load %arg6[%get3A_3277, %get3A_3278] {strides = array<i32>} : memref<8x1024xf32, #tpu.memory_space<vmem>>, vector<16xf32>,
    %mul3A_3280 = vector.broadcast %squeeze3A_213 : f32 to vector<16xf32>
    %mul3A_3281 = arith.mulf %mul3A_3280, %get3A_3279 : vector<16xf32>
    %add3A_3282 = arith.addf %add3A_3275, %mul3A_3281 : vector<16xf32>
    %get3A_3283 = arith.constant 3 : i32
    %get3A_3284 = arith.index_cast %get3A_3283 : i32 to index
    %get3A_3285 = arith.constant 784 : index
    %get3A_3286 = tpu.vector_load %arg6[%get3A_3284, %get3A_3285] {strides = array<i32>} : memref<8x1024xf32, #tpu.memory_space<vmem>>, vector<16xf32>,
    %mul3A_3287 = vector.broadcast %squeeze3A_215 : f32 to vector<16xf32>
    %mul3A_3288 = arith.mulf %mul3A_3287, %get3A_3286 : vector<16xf32>
    %add3A_3289 = arith.addf %add3A_3282, %mul3A_3288 : vector<16xf32>
    %get3A_3290 = arith.constant 4 : i32
    %get3A_3291 = arith.index_cast %get3A_3290 : i32 to index
    %get3A_3292 = arith.constant 784 : index
    %get3A_3293 = tpu.vector_load %arg6[%get3A_3291, %get3A_3292] {strides = array<i32>} : memref<8x1024xf32, #tpu.memory_space<vmem>>, vector<16xf32>,
    %mul3A_3294 = vector.broadcast %squeeze3A_217 : f32 to vector<16xf32>
    %mul3A_3295 = arith.mulf %mul3A_3294, %get3A_3293 : vector<16xf32>
    %add3A_3296 = arith.addf %add3A_3289, %mul3A_3295 : vector<16xf32>
    %get3A_3297 = arith.constant 5 : i32
    %get3A_3298 = arith.index_cast %get3A_3297 : i32 to index
    %get3A_3299 = arith.constant 784 : index
    %get3A_3300 = tpu.vector_load %arg6[%get3A_3298, %get3A_3299] {strides = array<i32>} : memref<8x1024xf32, #tpu.memory_space<vmem>>, vector<16xf32>,
    %mul3A_3301 = vector.broadcast %squeeze3A_219 : f32 to vector<16xf32>
    %mul3A_3302 = arith.mulf %mul3A_3301, %get3A_3300 : vector<16xf32>
    %add3A_3303 = arith.addf %add3A_3296, %mul3A_3302 : vector<16xf32>
    %get3A_3304 = arith.constant 6 : i32
    %get3A_3305 = arith.index_cast %get3A_3304 : i32 to index
    %get3A_3306 = arith.constant 784 : index
    %get3A_3307 = tpu.vector_load %arg6[%get3A_3305, %get3A_3306] {strides = array<i32>} : memref<8x1024xf32, #tpu.memory_space<vmem>>, vector<16xf32>,
    %mul3A_3308 = vector.broadcast %squeeze3A_221 : f32 to vector<16xf32>
    %mul3A_3309 = arith.mulf %mul3A_3308, %get3A_3307 : vector<16xf32>
    %add3A_3310 = arith.addf %add3A_3303, %mul3A_3309 : vector<16xf32>
    %get3A_3311 = arith.constant 7 : i32
    %get3A_3312 = arith.index_cast %get3A_3311 : i32 to index
    %get3A_3313 = arith.constant 784 : index
    %get3A_3314 = tpu.vector_load %arg6[%get3A_3312, %get3A_3313] {strides = array<i32>} : memref<8x1024xf32, #tpu.memory_space<vmem>>, vector<16xf32>,
    %mul3A_3315 = vector.broadcast %squeeze3A_223 : f32 to vector<16xf32>
    %mul3A_3316 = arith.mulf %mul3A_3315, %get3A_3314 : vector<16xf32>
    %add3A_3317 = arith.addf %add3A_3310, %mul3A_3316 : vector<16xf32>
    %swap3A_3318 = arith.constant 0 : i32
    %swap3A_3319 = arith.index_cast %swap3A_3318 : i32 to index
    %swap3A_3320 = arith.constant 784 : index
    %swap3A_3321 = tpu.vector_load %arg7[%swap3A_3319, %swap3A_3320] {strides = array<i32>} : memref<1x1024xf32, #tpu.memory_space<vmem>>, vector<16xf32>,
    tpu.vector_store %arg7[%swap3A_3319, %swap3A_3320], %add3A_3317 {strides = array<i32>} : memref<1x1024xf32, #tpu.memory_space<vmem>>, vector<16xf32>,
    %broadcast_in_dim3A_3322 = arith.constant 0.000000e+00 : f32
    %broadcast_in_dim3A_3323 = vector.broadcast %broadcast_in_dim3A_3322 : f32 to vector<16xf32>
    %get3A_3324 = arith.constant 0 : i32
    %get3A_3325 = arith.index_cast %get3A_3324 : i32 to index
    %get3A_3326 = arith.constant 800 : index
    %get3A_3327 = tpu.vector_load %arg6[%get3A_3325, %get3A_3326] {strides = array<i32>} : memref<8x1024xf32, #tpu.memory_space<vmem>>, vector<16xf32>,
    %mul3A_3328 = vector.broadcast %squeeze3A : f32 to vector<16xf32>
    %mul3A_3329 = arith.mulf %mul3A_3328, %get3A_3327 : vector<16xf32>
    %add3A_3330 = arith.addf %broadcast_in_dim3A_3323, %mul3A_3329 : vector<16xf32>
    %get3A_3331 = arith.constant 1 : i32
    %get3A_3332 = arith.index_cast %get3A_3331 : i32 to index
    %get3A_3333 = arith.constant 800 : index
    %get3A_3334 = tpu.vector_load %arg6[%get3A_3332, %get3A_3333] {strides = array<i32>} : memref<8x1024xf32, #tpu.memory_space<vmem>>, vector<16xf32>,
    %mul3A_3335 = vector.broadcast %squeeze3A_211 : f32 to vector<16xf32>
    %mul3A_3336 = arith.mulf %mul3A_3335, %get3A_3334 : vector<16xf32>
    %add3A_3337 = arith.addf %add3A_3330, %mul3A_3336 : vector<16xf32>
    %get3A_3338 = arith.constant 2 : i32
    %get3A_3339 = arith.index_cast %get3A_3338 : i32 to index
    %get3A_3340 = arith.constant 800 : index
    %get3A_3341 = tpu.vector_load %arg6[%get3A_3339, %get3A_3340] {strides = array<i32>} : memref<8x1024xf32, #tpu.memory_space<vmem>>, vector<16xf32>,
    %mul3A_3342 = vector.broadcast %squeeze3A_213 : f32 to vector<16xf32>
    %mul3A_3343 = arith.mulf %mul3A_3342, %get3A_3341 : vector<16xf32>
    %add3A_3344 = arith.addf %add3A_3337, %mul3A_3343 : vector<16xf32>
    %get3A_3345 = arith.constant 3 : i32
    %get3A_3346 = arith.index_cast %get3A_3345 : i32 to index
    %get3A_3347 = arith.constant 800 : index
    %get3A_3348 = tpu.vector_load %arg6[%get3A_3346, %get3A_3347] {strides = array<i32>} : memref<8x1024xf32, #tpu.memory_space<vmem>>, vector<16xf32>,
    %mul3A_3349 = vector.broadcast %squeeze3A_215 : f32 to vector<16xf32>
    %mul3A_3350 = arith.mulf %mul3A_3349, %get3A_3348 : vector<16xf32>
    %add3A_3351 = arith.addf %add3A_3344, %mul3A_3350 : vector<16xf32>
    %get3A_3352 = arith.constant 4 : i32
    %get3A_3353 = arith.index_cast %get3A_3352 : i32 to index
    %get3A_3354 = arith.constant 800 : index
    %get3A_3355 = tpu.vector_load %arg6[%get3A_3353, %get3A_3354] {strides = array<i32>} : memref<8x1024xf32, #tpu.memory_space<vmem>>, vector<16xf32>,
    %mul3A_3356 = vector.broadcast %squeeze3A_217 : f32 to vector<16xf32>
    %mul3A_3357 = arith.mulf %mul3A_3356, %get3A_3355 : vector<16xf32>
    %add3A_3358 = arith.addf %add3A_3351, %mul3A_3357 : vector<16xf32>
    %get3A_3359 = arith.constant 5 : i32
    %get3A_3360 = arith.index_cast %get3A_3359 : i32 to index
    %get3A_3361 = arith.constant 800 : index
    %get3A_3362 = tpu.vector_load %arg6[%get3A_3360, %get3A_3361] {strides = array<i32>} : memref<8x1024xf32, #tpu.memory_space<vmem>>, vector<16xf32>,
    %mul3A_3363 = vector.broadcast %squeeze3A_219 : f32 to vector<16xf32>
    %mul3A_3364 = arith.mulf %mul3A_3363, %get3A_3362 : vector<16xf32>
    %add3A_3365 = arith.addf %add3A_3358, %mul3A_3364 : vector<16xf32>
    %get3A_3366 = arith.constant 6 : i32
    %get3A_3367 = arith.index_cast %get3A_3366 : i32 to index
    %get3A_3368 = arith.constant 800 : index
    %get3A_3369 = tpu.vector_load %arg6[%get3A_3367, %get3A_3368] {strides = array<i32>} : memref<8x1024xf32, #tpu.memory_space<vmem>>, vector<16xf32>,
    %mul3A_3370 = vector.broadcast %squeeze3A_221 : f32 to vector<16xf32>
    %mul3A_3371 = arith.mulf %mul3A_3370, %get3A_3369 : vector<16xf32>
    %add3A_3372 = arith.addf %add3A_3365, %mul3A_3371 : vector<16xf32>
    %get3A_3373 = arith.constant 7 : i32
    %get3A_3374 = arith.index_cast %get3A_3373 : i32 to index
    %get3A_3375 = arith.constant 800 : index
    %get3A_3376 = tpu.vector_load %arg6[%get3A_3374, %get3A_3375] {strides = array<i32>} : memref<8x1024xf32, #tpu.memory_space<vmem>>, vector<16xf32>,
    %mul3A_3377 = vector.broadcast %squeeze3A_223 : f32 to vector<16xf32>
    %mul3A_3378 = arith.mulf %mul3A_3377, %get3A_3376 : vector<16xf32>
    %add3A_3379 = arith.addf %add3A_3372, %mul3A_3378 : vector<16xf32>
    %swap3A_3380 = arith.constant 0 : i32
    %swap3A_3381 = arith.index_cast %swap3A_3380 : i32 to index
    %swap3A_3382 = arith.constant 800 : index
    %swap3A_3383 = tpu.vector_load %arg7[%swap3A_3381, %swap3A_3382] {strides = array<i32>} : memref<1x1024xf32, #tpu.memory_space<vmem>>, vector<16xf32>,
    tpu.vector_store %arg7[%swap3A_3381, %swap3A_3382], %add3A_3379 {strides = array<i32>} : memref<1x1024xf32, #tpu.memory_space<vmem>>, vector<16xf32>,
    %broadcast_in_dim3A_3384 = arith.constant 0.000000e+00 : f32
    %broadcast_in_dim3A_3385 = vector.broadcast %broadcast_in_dim3A_3384 : f32 to vector<16xf32>
    %get3A_3386 = arith.constant 0 : i32
    %get3A_3387 = arith.index_cast %get3A_3386 : i32 to index
    %get3A_3388 = arith.constant 816 : index
    %get3A_3389 = tpu.vector_load %arg6[%get3A_3387, %get3A_3388] {strides = array<i32>} : memref<8x1024xf32, #tpu.memory_space<vmem>>, vector<16xf32>,
    %mul3A_3390 = vector.broadcast %squeeze3A : f32 to vector<16xf32>
    %mul3A_3391 = arith.mulf %mul3A_3390, %get3A_3389 : vector<16xf32>
    %add3A_3392 = arith.addf %broadcast_in_dim3A_3385, %mul3A_3391 : vector<16xf32>
    %get3A_3393 = arith.constant 1 : i32
    %get3A_3394 = arith.index_cast %get3A_3393 : i32 to index
    %get3A_3395 = arith.constant 816 : index
    %get3A_3396 = tpu.vector_load %arg6[%get3A_3394, %get3A_3395] {strides = array<i32>} : memref<8x1024xf32, #tpu.memory_space<vmem>>, vector<16xf32>,
    %mul3A_3397 = vector.broadcast %squeeze3A_211 : f32 to vector<16xf32>
    %mul3A_3398 = arith.mulf %mul3A_3397, %get3A_3396 : vector<16xf32>
    %add3A_3399 = arith.addf %add3A_3392, %mul3A_3398 : vector<16xf32>
    %get3A_3400 = arith.constant 2 : i32
    %get3A_3401 = arith.index_cast %get3A_3400 : i32 to index
    %get3A_3402 = arith.constant 816 : index
    %get3A_3403 = tpu.vector_load %arg6[%get3A_3401, %get3A_3402] {strides = array<i32>} : memref<8x1024xf32, #tpu.memory_space<vmem>>, vector<16xf32>,
    %mul3A_3404 = vector.broadcast %squeeze3A_213 : f32 to vector<16xf32>
    %mul3A_3405 = arith.mulf %mul3A_3404, %get3A_3403 : vector<16xf32>
    %add3A_3406 = arith.addf %add3A_3399, %mul3A_3405 : vector<16xf32>
    %get3A_3407 = arith.constant 3 : i32
    %get3A_3408 = arith.index_cast %get3A_3407 : i32 to index
    %get3A_3409 = arith.constant 816 : index
    %get3A_3410 = tpu.vector_load %arg6[%get3A_3408, %get3A_3409] {strides = array<i32>} : memref<8x1024xf32, #tpu.memory_space<vmem>>, vector<16xf32>,
    %mul3A_3411 = vector.broadcast %squeeze3A_215 : f32 to vector<16xf32>
    %mul3A_3412 = arith.mulf %mul3A_3411, %get3A_3410 : vector<16xf32>
    %add3A_3413 = arith.addf %add3A_3406, %mul3A_3412 : vector<16xf32>
    %get3A_3414 = arith.constant 4 : i32
    %get3A_3415 = arith.index_cast %get3A_3414 : i32 to index
    %get3A_3416 = arith.constant 816 : index
    %get3A_3417 = tpu.vector_load %arg6[%get3A_3415, %get3A_3416] {strides = array<i32>} : memref<8x1024xf32, #tpu.memory_space<vmem>>, vector<16xf32>,
    %mul3A_3418 = vector.broadcast %squeeze3A_217 : f32 to vector<16xf32>
    %mul3A_3419 = arith.mulf %mul3A_3418, %get3A_3417 : vector<16xf32>
    %add3A_3420 = arith.addf %add3A_3413, %mul3A_3419 : vector<16xf32>
    %get3A_3421 = arith.constant 5 : i32
    %get3A_3422 = arith.index_cast %get3A_3421 : i32 to index
    %get3A_3423 = arith.constant 816 : index
    %get3A_3424 = tpu.vector_load %arg6[%get3A_3422, %get3A_3423] {strides = array<i32>} : memref<8x1024xf32, #tpu.memory_space<vmem>>, vector<16xf32>,
    %mul3A_3425 = vector.broadcast %squeeze3A_219 : f32 to vector<16xf32>
    %mul3A_3426 = arith.mulf %mul3A_3425, %get3A_3424 : vector<16xf32>
    %add3A_3427 = arith.addf %add3A_3420, %mul3A_3426 : vector<16xf32>
    %get3A_3428 = arith.constant 6 : i32
    %get3A_3429 = arith.index_cast %get3A_3428 : i32 to index
    %get3A_3430 = arith.constant 816 : index
    %get3A_3431 = tpu.vector_load %arg6[%get3A_3429, %get3A_3430] {strides = array<i32>} : memref<8x1024xf32, #tpu.memory_space<vmem>>, vector<16xf32>,
    %mul3A_3432 = vector.broadcast %squeeze3A_221 : f32 to vector<16xf32>
    %mul3A_3433 = arith.mulf %mul3A_3432, %get3A_3431 : vector<16xf32>
    %add3A_3434 = arith.addf %add3A_3427, %mul3A_3433 : vector<16xf32>
    %get3A_3435 = arith.constant 7 : i32
    %get3A_3436 = arith.index_cast %get3A_3435 : i32 to index
    %get3A_3437 = arith.constant 816 : index
    %get3A_3438 = tpu.vector_load %arg6[%get3A_3436, %get3A_3437] {strides = array<i32>} : memref<8x1024xf32, #tpu.memory_space<vmem>>, vector<16xf32>,
    %mul3A_3439 = vector.broadcast %squeeze3A_223 : f32 to vector<16xf32>
    %mul3A_3440 = arith.mulf %mul3A_3439, %get3A_3438 : vector<16xf32>
    %add3A_3441 = arith.addf %add3A_3434, %mul3A_3440 : vector<16xf32>
    %swap3A_3442 = arith.constant 0 : i32
    %swap3A_3443 = arith.index_cast %swap3A_3442 : i32 to index
    %swap3A_3444 = arith.constant 816 : index
    %swap3A_3445 = tpu.vector_load %arg7[%swap3A_3443, %swap3A_3444] {strides = array<i32>} : memref<1x1024xf32, #tpu.memory_space<vmem>>, vector<16xf32>,
    tpu.vector_store %arg7[%swap3A_3443, %swap3A_3444], %add3A_3441 {strides = array<i32>} : memref<1x1024xf32, #tpu.memory_space<vmem>>, vector<16xf32>,
    %broadcast_in_dim3A_3446 = arith.constant 0.000000e+00 : f32
    %broadcast_in_dim3A_3447 = vector.broadcast %broadcast_in_dim3A_3446 : f32 to vector<16xf32>
    %get3A_3448 = arith.constant 0 : i32
    %get3A_3449 = arith.index_cast %get3A_3448 : i32 to index
    %get3A_3450 = arith.constant 832 : index
    %get3A_3451 = tpu.vector_load %arg6[%get3A_3449, %get3A_3450] {strides = array<i32>} : memref<8x1024xf32, #tpu.memory_space<vmem>>, vector<16xf32>,
    %mul3A_3452 = vector.broadcast %squeeze3A : f32 to vector<16xf32>
    %mul3A_3453 = arith.mulf %mul3A_3452, %get3A_3451 : vector<16xf32>
    %add3A_3454 = arith.addf %broadcast_in_dim3A_3447, %mul3A_3453 : vector<16xf32>
    %get3A_3455 = arith.constant 1 : i32
    %get3A_3456 = arith.index_cast %get3A_3455 : i32 to index
    %get3A_3457 = arith.constant 832 : index
    %get3A_3458 = tpu.vector_load %arg6[%get3A_3456, %get3A_3457] {strides = array<i32>} : memref<8x1024xf32, #tpu.memory_space<vmem>>, vector<16xf32>,
    %mul3A_3459 = vector.broadcast %squeeze3A_211 : f32 to vector<16xf32>
    %mul3A_3460 = arith.mulf %mul3A_3459, %get3A_3458 : vector<16xf32>
    %add3A_3461 = arith.addf %add3A_3454, %mul3A_3460 : vector<16xf32>
    %get3A_3462 = arith.constant 2 : i32
    %get3A_3463 = arith.index_cast %get3A_3462 : i32 to index
    %get3A_3464 = arith.constant 832 : index
    %get3A_3465 = tpu.vector_load %arg6[%get3A_3463, %get3A_3464] {strides = array<i32>} : memref<8x1024xf32, #tpu.memory_space<vmem>>, vector<16xf32>,
    %mul3A_3466 = vector.broadcast %squeeze3A_213 : f32 to vector<16xf32>
    %mul3A_3467 = arith.mulf %mul3A_3466, %get3A_3465 : vector<16xf32>
    %add3A_3468 = arith.addf %add3A_3461, %mul3A_3467 : vector<16xf32>
    %get3A_3469 = arith.constant 3 : i32
    %get3A_3470 = arith.index_cast %get3A_3469 : i32 to index
    %get3A_3471 = arith.constant 832 : index
    %get3A_3472 = tpu.vector_load %arg6[%get3A_3470, %get3A_3471] {strides = array<i32>} : memref<8x1024xf32, #tpu.memory_space<vmem>>, vector<16xf32>,
    %mul3A_3473 = vector.broadcast %squeeze3A_215 : f32 to vector<16xf32>
    %mul3A_3474 = arith.mulf %mul3A_3473, %get3A_3472 : vector<16xf32>
    %add3A_3475 = arith.addf %add3A_3468, %mul3A_3474 : vector<16xf32>
    %get3A_3476 = arith.constant 4 : i32
    %get3A_3477 = arith.index_cast %get3A_3476 : i32 to index
    %get3A_3478 = arith.constant 832 : index
    %get3A_3479 = tpu.vector_load %arg6[%get3A_3477, %get3A_3478] {strides = array<i32>} : memref<8x1024xf32, #tpu.memory_space<vmem>>, vector<16xf32>,
    %mul3A_3480 = vector.broadcast %squeeze3A_217 : f32 to vector<16xf32>
    %mul3A_3481 = arith.mulf %mul3A_3480, %get3A_3479 : vector<16xf32>
    %add3A_3482 = arith.addf %add3A_3475, %mul3A_3481 : vector<16xf32>
    %get3A_3483 = arith.constant 5 : i32
    %get3A_3484 = arith.index_cast %get3A_3483 : i32 to index
    %get3A_3485 = arith.constant 832 : index
    %get3A_3486 = tpu.vector_load %arg6[%get3A_3484, %get3A_3485] {strides = array<i32>} : memref<8x1024xf32, #tpu.memory_space<vmem>>, vector<16xf32>,
    %mul3A_3487 = vector.broadcast %squeeze3A_219 : f32 to vector<16xf32>
    %mul3A_3488 = arith.mulf %mul3A_3487, %get3A_3486 : vector<16xf32>
    %add3A_3489 = arith.addf %add3A_3482, %mul3A_3488 : vector<16xf32>
    %get3A_3490 = arith.constant 6 : i32
    %get3A_3491 = arith.index_cast %get3A_3490 : i32 to index
    %get3A_3492 = arith.constant 832 : index
    %get3A_3493 = tpu.vector_load %arg6[%get3A_3491, %get3A_3492] {strides = array<i32>} : memref<8x1024xf32, #tpu.memory_space<vmem>>, vector<16xf32>,
    %mul3A_3494 = vector.broadcast %squeeze3A_221 : f32 to vector<16xf32>
    %mul3A_3495 = arith.mulf %mul3A_3494, %get3A_3493 : vector<16xf32>
    %add3A_3496 = arith.addf %add3A_3489, %mul3A_3495 : vector<16xf32>
    %get3A_3497 = arith.constant 7 : i32
    %get3A_3498 = arith.index_cast %get3A_3497 : i32 to index
    %get3A_3499 = arith.constant 832 : index
    %get3A_3500 = tpu.vector_load %arg6[%get3A_3498, %get3A_3499] {strides = array<i32>} : memref<8x1024xf32, #tpu.memory_space<vmem>>, vector<16xf32>,
    %mul3A_3501 = vector.broadcast %squeeze3A_223 : f32 to vector<16xf32>
    %mul3A_3502 = arith.mulf %mul3A_3501, %get3A_3500 : vector<16xf32>
    %add3A_3503 = arith.addf %add3A_3496, %mul3A_3502 : vector<16xf32>
    %swap3A_3504 = arith.constant 0 : i32
    %swap3A_3505 = arith.index_cast %swap3A_3504 : i32 to index
    %swap3A_3506 = arith.constant 832 : index
    %swap3A_3507 = tpu.vector_load %arg7[%swap3A_3505, %swap3A_3506] {strides = array<i32>} : memref<1x1024xf32, #tpu.memory_space<vmem>>, vector<16xf32>,
    tpu.vector_store %arg7[%swap3A_3505, %swap3A_3506], %add3A_3503 {strides = array<i32>} : memref<1x1024xf32, #tpu.memory_space<vmem>>, vector<16xf32>,
    %broadcast_in_dim3A_3508 = arith.constant 0.000000e+00 : f32
    %broadcast_in_dim3A_3509 = vector.broadcast %broadcast_in_dim3A_3508 : f32 to vector<16xf32>
    %get3A_3510 = arith.constant 0 : i32
    %get3A_3511 = arith.index_cast %get3A_3510 : i32 to index
    %get3A_3512 = arith.constant 848 : index
    %get3A_3513 = tpu.vector_load %arg6[%get3A_3511, %get3A_3512] {strides = array<i32>} : memref<8x1024xf32, #tpu.memory_space<vmem>>, vector<16xf32>,
    %mul3A_3514 = vector.broadcast %squeeze3A : f32 to vector<16xf32>
    %mul3A_3515 = arith.mulf %mul3A_3514, %get3A_3513 : vector<16xf32>
    %add3A_3516 = arith.addf %broadcast_in_dim3A_3509, %mul3A_3515 : vector<16xf32>
    %get3A_3517 = arith.constant 1 : i32
    %get3A_3518 = arith.index_cast %get3A_3517 : i32 to index
    %get3A_3519 = arith.constant 848 : index
    %get3A_3520 = tpu.vector_load %arg6[%get3A_3518, %get3A_3519] {strides = array<i32>} : memref<8x1024xf32, #tpu.memory_space<vmem>>, vector<16xf32>,
    %mul3A_3521 = vector.broadcast %squeeze3A_211 : f32 to vector<16xf32>
    %mul3A_3522 = arith.mulf %mul3A_3521, %get3A_3520 : vector<16xf32>
    %add3A_3523 = arith.addf %add3A_3516, %mul3A_3522 : vector<16xf32>
    %get3A_3524 = arith.constant 2 : i32
    %get3A_3525 = arith.index_cast %get3A_3524 : i32 to index
    %get3A_3526 = arith.constant 848 : index
    %get3A_3527 = tpu.vector_load %arg6[%get3A_3525, %get3A_3526] {strides = array<i32>} : memref<8x1024xf32, #tpu.memory_space<vmem>>, vector<16xf32>,
    %mul3A_3528 = vector.broadcast %squeeze3A_213 : f32 to vector<16xf32>
    %mul3A_3529 = arith.mulf %mul3A_3528, %get3A_3527 : vector<16xf32>
    %add3A_3530 = arith.addf %add3A_3523, %mul3A_3529 : vector<16xf32>
    %get3A_3531 = arith.constant 3 : i32
    %get3A_3532 = arith.index_cast %get3A_3531 : i32 to index
    %get3A_3533 = arith.constant 848 : index
    %get3A_3534 = tpu.vector_load %arg6[%get3A_3532, %get3A_3533] {strides = array<i32>} : memref<8x1024xf32, #tpu.memory_space<vmem>>, vector<16xf32>,
    %mul3A_3535 = vector.broadcast %squeeze3A_215 : f32 to vector<16xf32>
    %mul3A_3536 = arith.mulf %mul3A_3535, %get3A_3534 : vector<16xf32>
    %add3A_3537 = arith.addf %add3A_3530, %mul3A_3536 : vector<16xf32>
    %get3A_3538 = arith.constant 4 : i32
    %get3A_3539 = arith.index_cast %get3A_3538 : i32 to index
    %get3A_3540 = arith.constant 848 : index
    %get3A_3541 = tpu.vector_load %arg6[%get3A_3539, %get3A_3540] {strides = array<i32>} : memref<8x1024xf32, #tpu.memory_space<vmem>>, vector<16xf32>,
    %mul3A_3542 = vector.broadcast %squeeze3A_217 : f32 to vector<16xf32>
    %mul3A_3543 = arith.mulf %mul3A_3542, %get3A_3541 : vector<16xf32>
    %add3A_3544 = arith.addf %add3A_3537, %mul3A_3543 : vector<16xf32>
    %get3A_3545 = arith.constant 5 : i32
    %get3A_3546 = arith.index_cast %get3A_3545 : i32 to index
    %get3A_3547 = arith.constant 848 : index
    %get3A_3548 = tpu.vector_load %arg6[%get3A_3546, %get3A_3547] {strides = array<i32>} : memref<8x1024xf32, #tpu.memory_space<vmem>>, vector<16xf32>,
    %mul3A_3549 = vector.broadcast %squeeze3A_219 : f32 to vector<16xf32>
    %mul3A_3550 = arith.mulf %mul3A_3549, %get3A_3548 : vector<16xf32>
    %add3A_3551 = arith.addf %add3A_3544, %mul3A_3550 : vector<16xf32>
    %get3A_3552 = arith.constant 6 : i32
    %get3A_3553 = arith.index_cast %get3A_3552 : i32 to index
    %get3A_3554 = arith.constant 848 : index
    %get3A_3555 = tpu.vector_load %arg6[%get3A_3553, %get3A_3554] {strides = array<i32>} : memref<8x1024xf32, #tpu.memory_space<vmem>>, vector<16xf32>,
    %mul3A_3556 = vector.broadcast %squeeze3A_221 : f32 to vector<16xf32>
    %mul3A_3557 = arith.mulf %mul3A_3556, %get3A_3555 : vector<16xf32>
    %add3A_3558 = arith.addf %add3A_3551, %mul3A_3557 : vector<16xf32>
    %get3A_3559 = arith.constant 7 : i32
    %get3A_3560 = arith.index_cast %get3A_3559 : i32 to index
    %get3A_3561 = arith.constant 848 : index
    %get3A_3562 = tpu.vector_load %arg6[%get3A_3560, %get3A_3561] {strides = array<i32>} : memref<8x1024xf32, #tpu.memory_space<vmem>>, vector<16xf32>,
    %mul3A_3563 = vector.broadcast %squeeze3A_223 : f32 to vector<16xf32>
    %mul3A_3564 = arith.mulf %mul3A_3563, %get3A_3562 : vector<16xf32>
    %add3A_3565 = arith.addf %add3A_3558, %mul3A_3564 : vector<16xf32>
    %swap3A_3566 = arith.constant 0 : i32
    %swap3A_3567 = arith.index_cast %swap3A_3566 : i32 to index
    %swap3A_3568 = arith.constant 848 : index
    %swap3A_3569 = tpu.vector_load %arg7[%swap3A_3567, %swap3A_3568] {strides = array<i32>} : memref<1x1024xf32, #tpu.memory_space<vmem>>, vector<16xf32>,
    tpu.vector_store %arg7[%swap3A_3567, %swap3A_3568], %add3A_3565 {strides = array<i32>} : memref<1x1024xf32, #tpu.memory_space<vmem>>, vector<16xf32>,
    %broadcast_in_dim3A_3570 = arith.constant 0.000000e+00 : f32
    %broadcast_in_dim3A_3571 = vector.broadcast %broadcast_in_dim3A_3570 : f32 to vector<16xf32>
    %get3A_3572 = arith.constant 0 : i32
    %get3A_3573 = arith.index_cast %get3A_3572 : i32 to index
    %get3A_3574 = arith.constant 864 : index
    %get3A_3575 = tpu.vector_load %arg6[%get3A_3573, %get3A_3574] {strides = array<i32>} : memref<8x1024xf32, #tpu.memory_space<vmem>>, vector<16xf32>,
    %mul3A_3576 = vector.broadcast %squeeze3A : f32 to vector<16xf32>
    %mul3A_3577 = arith.mulf %mul3A_3576, %get3A_3575 : vector<16xf32>
    %add3A_3578 = arith.addf %broadcast_in_dim3A_3571, %mul3A_3577 : vector<16xf32>
    %get3A_3579 = arith.constant 1 : i32
    %get3A_3580 = arith.index_cast %get3A_3579 : i32 to index
    %get3A_3581 = arith.constant 864 : index
    %get3A_3582 = tpu.vector_load %arg6[%get3A_3580, %get3A_3581] {strides = array<i32>} : memref<8x1024xf32, #tpu.memory_space<vmem>>, vector<16xf32>,
    %mul3A_3583 = vector.broadcast %squeeze3A_211 : f32 to vector<16xf32>
    %mul3A_3584 = arith.mulf %mul3A_3583, %get3A_3582 : vector<16xf32>
    %add3A_3585 = arith.addf %add3A_3578, %mul3A_3584 : vector<16xf32>
    %get3A_3586 = arith.constant 2 : i32
    %get3A_3587 = arith.index_cast %get3A_3586 : i32 to index
    %get3A_3588 = arith.constant 864 : index
    %get3A_3589 = tpu.vector_load %arg6[%get3A_3587, %get3A_3588] {strides = array<i32>} : memref<8x1024xf32, #tpu.memory_space<vmem>>, vector<16xf32>,
    %mul3A_3590 = vector.broadcast %squeeze3A_213 : f32 to vector<16xf32>
    %mul3A_3591 = arith.mulf %mul3A_3590, %get3A_3589 : vector<16xf32>
    %add3A_3592 = arith.addf %add3A_3585, %mul3A_3591 : vector<16xf32>
    %get3A_3593 = arith.constant 3 : i32
    %get3A_3594 = arith.index_cast %get3A_3593 : i32 to index
    %get3A_3595 = arith.constant 864 : index
    %get3A_3596 = tpu.vector_load %arg6[%get3A_3594, %get3A_3595] {strides = array<i32>} : memref<8x1024xf32, #tpu.memory_space<vmem>>, vector<16xf32>,
    %mul3A_3597 = vector.broadcast %squeeze3A_215 : f32 to vector<16xf32>
    %mul3A_3598 = arith.mulf %mul3A_3597, %get3A_3596 : vector<16xf32>
    %add3A_3599 = arith.addf %add3A_3592, %mul3A_3598 : vector<16xf32>
    %get3A_3600 = arith.constant 4 : i32
    %get3A_3601 = arith.index_cast %get3A_3600 : i32 to index
    %get3A_3602 = arith.constant 864 : index
    %get3A_3603 = tpu.vector_load %arg6[%get3A_3601, %get3A_3602] {strides = array<i32>} : memref<8x1024xf32, #tpu.memory_space<vmem>>, vector<16xf32>,
    %mul3A_3604 = vector.broadcast %squeeze3A_217 : f32 to vector<16xf32>
    %mul3A_3605 = arith.mulf %mul3A_3604, %get3A_3603 : vector<16xf32>
    %add3A_3606 = arith.addf %add3A_3599, %mul3A_3605 : vector<16xf32>
    %get3A_3607 = arith.constant 5 : i32
    %get3A_3608 = arith.index_cast %get3A_3607 : i32 to index
    %get3A_3609 = arith.constant 864 : index
    %get3A_3610 = tpu.vector_load %arg6[%get3A_3608, %get3A_3609] {strides = array<i32>} : memref<8x1024xf32, #tpu.memory_space<vmem>>, vector<16xf32>,
    %mul3A_3611 = vector.broadcast %squeeze3A_219 : f32 to vector<16xf32>
    %mul3A_3612 = arith.mulf %mul3A_3611, %get3A_3610 : vector<16xf32>
    %add3A_3613 = arith.addf %add3A_3606, %mul3A_3612 : vector<16xf32>
    %get3A_3614 = arith.constant 6 : i32
    %get3A_3615 = arith.index_cast %get3A_3614 : i32 to index
    %get3A_3616 = arith.constant 864 : index
    %get3A_3617 = tpu.vector_load %arg6[%get3A_3615, %get3A_3616] {strides = array<i32>} : memref<8x1024xf32, #tpu.memory_space<vmem>>, vector<16xf32>,
    %mul3A_3618 = vector.broadcast %squeeze3A_221 : f32 to vector<16xf32>
    %mul3A_3619 = arith.mulf %mul3A_3618, %get3A_3617 : vector<16xf32>
    %add3A_3620 = arith.addf %add3A_3613, %mul3A_3619 : vector<16xf32>
    %get3A_3621 = arith.constant 7 : i32
    %get3A_3622 = arith.index_cast %get3A_3621 : i32 to index
    %get3A_3623 = arith.constant 864 : index
    %get3A_3624 = tpu.vector_load %arg6[%get3A_3622, %get3A_3623] {strides = array<i32>} : memref<8x1024xf32, #tpu.memory_space<vmem>>, vector<16xf32>,
    %mul3A_3625 = vector.broadcast %squeeze3A_223 : f32 to vector<16xf32>
    %mul3A_3626 = arith.mulf %mul3A_3625, %get3A_3624 : vector<16xf32>
    %add3A_3627 = arith.addf %add3A_3620, %mul3A_3626 : vector<16xf32>
    %swap3A_3628 = arith.constant 0 : i32
    %swap3A_3629 = arith.index_cast %swap3A_3628 : i32 to index
    %swap3A_3630 = arith.constant 864 : index
    %swap3A_3631 = tpu.vector_load %arg7[%swap3A_3629, %swap3A_3630] {strides = array<i32>} : memref<1x1024xf32, #tpu.memory_space<vmem>>, vector<16xf32>,
    tpu.vector_store %arg7[%swap3A_3629, %swap3A_3630], %add3A_3627 {strides = array<i32>} : memref<1x1024xf32, #tpu.memory_space<vmem>>, vector<16xf32>,
    %broadcast_in_dim3A_3632 = arith.constant 0.000000e+00 : f32
    %broadcast_in_dim3A_3633 = vector.broadcast %broadcast_in_dim3A_3632 : f32 to vector<16xf32>
    %get3A_3634 = arith.constant 0 : i32
    %get3A_3635 = arith.index_cast %get3A_3634 : i32 to index
    %get3A_3636 = arith.constant 880 : index
    %get3A_3637 = tpu.vector_load %arg6[%get3A_3635, %get3A_3636] {strides = array<i32>} : memref<8x1024xf32, #tpu.memory_space<vmem>>, vector<16xf32>,
    %mul3A_3638 = vector.broadcast %squeeze3A : f32 to vector<16xf32>
    %mul3A_3639 = arith.mulf %mul3A_3638, %get3A_3637 : vector<16xf32>
    %add3A_3640 = arith.addf %broadcast_in_dim3A_3633, %mul3A_3639 : vector<16xf32>
    %get3A_3641 = arith.constant 1 : i32
    %get3A_3642 = arith.index_cast %get3A_3641 : i32 to index
    %get3A_3643 = arith.constant 880 : index
    %get3A_3644 = tpu.vector_load %arg6[%get3A_3642, %get3A_3643] {strides = array<i32>} : memref<8x1024xf32, #tpu.memory_space<vmem>>, vector<16xf32>,
    %mul3A_3645 = vector.broadcast %squeeze3A_211 : f32 to vector<16xf32>
    %mul3A_3646 = arith.mulf %mul3A_3645, %get3A_3644 : vector<16xf32>
    %add3A_3647 = arith.addf %add3A_3640, %mul3A_3646 : vector<16xf32>
    %get3A_3648 = arith.constant 2 : i32
    %get3A_3649 = arith.index_cast %get3A_3648 : i32 to index
    %get3A_3650 = arith.constant 880 : index
    %get3A_3651 = tpu.vector_load %arg6[%get3A_3649, %get3A_3650] {strides = array<i32>} : memref<8x1024xf32, #tpu.memory_space<vmem>>, vector<16xf32>,
    %mul3A_3652 = vector.broadcast %squeeze3A_213 : f32 to vector<16xf32>
    %mul3A_3653 = arith.mulf %mul3A_3652, %get3A_3651 : vector<16xf32>
    %add3A_3654 = arith.addf %add3A_3647, %mul3A_3653 : vector<16xf32>
    %get3A_3655 = arith.constant 3 : i32
    %get3A_3656 = arith.index_cast %get3A_3655 : i32 to index
    %get3A_3657 = arith.constant 880 : index
    %get3A_3658 = tpu.vector_load %arg6[%get3A_3656, %get3A_3657] {strides = array<i32>} : memref<8x1024xf32, #tpu.memory_space<vmem>>, vector<16xf32>,
    %mul3A_3659 = vector.broadcast %squeeze3A_215 : f32 to vector<16xf32>
    %mul3A_3660 = arith.mulf %mul3A_3659, %get3A_3658 : vector<16xf32>
    %add3A_3661 = arith.addf %add3A_3654, %mul3A_3660 : vector<16xf32>
    %get3A_3662 = arith.constant 4 : i32
    %get3A_3663 = arith.index_cast %get3A_3662 : i32 to index
    %get3A_3664 = arith.constant 880 : index
    %get3A_3665 = tpu.vector_load %arg6[%get3A_3663, %get3A_3664] {strides = array<i32>} : memref<8x1024xf32, #tpu.memory_space<vmem>>, vector<16xf32>,
    %mul3A_3666 = vector.broadcast %squeeze3A_217 : f32 to vector<16xf32>
    %mul3A_3667 = arith.mulf %mul3A_3666, %get3A_3665 : vector<16xf32>
    %add3A_3668 = arith.addf %add3A_3661, %mul3A_3667 : vector<16xf32>
    %get3A_3669 = arith.constant 5 : i32
    %get3A_3670 = arith.index_cast %get3A_3669 : i32 to index
    %get3A_3671 = arith.constant 880 : index
    %get3A_3672 = tpu.vector_load %arg6[%get3A_3670, %get3A_3671] {strides = array<i32>} : memref<8x1024xf32, #tpu.memory_space<vmem>>, vector<16xf32>,
    %mul3A_3673 = vector.broadcast %squeeze3A_219 : f32 to vector<16xf32>
    %mul3A_3674 = arith.mulf %mul3A_3673, %get3A_3672 : vector<16xf32>
    %add3A_3675 = arith.addf %add3A_3668, %mul3A_3674 : vector<16xf32>
    %get3A_3676 = arith.constant 6 : i32
    %get3A_3677 = arith.index_cast %get3A_3676 : i32 to index
    %get3A_3678 = arith.constant 880 : index
    %get3A_3679 = tpu.vector_load %arg6[%get3A_3677, %get3A_3678] {strides = array<i32>} : memref<8x1024xf32, #tpu.memory_space<vmem>>, vector<16xf32>,
    %mul3A_3680 = vector.broadcast %squeeze3A_221 : f32 to vector<16xf32>
    %mul3A_3681 = arith.mulf %mul3A_3680, %get3A_3679 : vector<16xf32>
    %add3A_3682 = arith.addf %add3A_3675, %mul3A_3681 : vector<16xf32>
    %get3A_3683 = arith.constant 7 : i32
    %get3A_3684 = arith.index_cast %get3A_3683 : i32 to index
    %get3A_3685 = arith.constant 880 : index
    %get3A_3686 = tpu.vector_load %arg6[%get3A_3684, %get3A_3685] {strides = array<i32>} : memref<8x1024xf32, #tpu.memory_space<vmem>>, vector<16xf32>,
    %mul3A_3687 = vector.broadcast %squeeze3A_223 : f32 to vector<16xf32>
    %mul3A_3688 = arith.mulf %mul3A_3687, %get3A_3686 : vector<16xf32>
    %add3A_3689 = arith.addf %add3A_3682, %mul3A_3688 : vector<16xf32>
    %swap3A_3690 = arith.constant 0 : i32
    %swap3A_3691 = arith.index_cast %swap3A_3690 : i32 to index
    %swap3A_3692 = arith.constant 880 : index
    %swap3A_3693 = tpu.vector_load %arg7[%swap3A_3691, %swap3A_3692] {strides = array<i32>} : memref<1x1024xf32, #tpu.memory_space<vmem>>, vector<16xf32>,
    tpu.vector_store %arg7[%swap3A_3691, %swap3A_3692], %add3A_3689 {strides = array<i32>} : memref<1x1024xf32, #tpu.memory_space<vmem>>, vector<16xf32>,
    %broadcast_in_dim3A_3694 = arith.constant 0.000000e+00 : f32
    %broadcast_in_dim3A_3695 = vector.broadcast %broadcast_in_dim3A_3694 : f32 to vector<16xf32>
    %get3A_3696 = arith.constant 0 : i32
    %get3A_3697 = arith.index_cast %get3A_3696 : i32 to index
    %get3A_3698 = arith.constant 896 : index
    %get3A_3699 = tpu.vector_load %arg6[%get3A_3697, %get3A_3698] {strides = array<i32>} : memref<8x1024xf32, #tpu.memory_space<vmem>>, vector<16xf32>,
    %mul3A_3700 = vector.broadcast %squeeze3A : f32 to vector<16xf32>
    %mul3A_3701 = arith.mulf %mul3A_3700, %get3A_3699 : vector<16xf32>
    %add3A_3702 = arith.addf %broadcast_in_dim3A_3695, %mul3A_3701 : vector<16xf32>
    %get3A_3703 = arith.constant 1 : i32
    %get3A_3704 = arith.index_cast %get3A_3703 : i32 to index
    %get3A_3705 = arith.constant 896 : index
    %get3A_3706 = tpu.vector_load %arg6[%get3A_3704, %get3A_3705] {strides = array<i32>} : memref<8x1024xf32, #tpu.memory_space<vmem>>, vector<16xf32>,
    %mul3A_3707 = vector.broadcast %squeeze3A_211 : f32 to vector<16xf32>
    %mul3A_3708 = arith.mulf %mul3A_3707, %get3A_3706 : vector<16xf32>
    %add3A_3709 = arith.addf %add3A_3702, %mul3A_3708 : vector<16xf32>
    %get3A_3710 = arith.constant 2 : i32
    %get3A_3711 = arith.index_cast %get3A_3710 : i32 to index
    %get3A_3712 = arith.constant 896 : index
    %get3A_3713 = tpu.vector_load %arg6[%get3A_3711, %get3A_3712] {strides = array<i32>} : memref<8x1024xf32, #tpu.memory_space<vmem>>, vector<16xf32>,
    %mul3A_3714 = vector.broadcast %squeeze3A_213 : f32 to vector<16xf32>
    %mul3A_3715 = arith.mulf %mul3A_3714, %get3A_3713 : vector<16xf32>
    %add3A_3716 = arith.addf %add3A_3709, %mul3A_3715 : vector<16xf32>
    %get3A_3717 = arith.constant 3 : i32
    %get3A_3718 = arith.index_cast %get3A_3717 : i32 to index
    %get3A_3719 = arith.constant 896 : index
    %get3A_3720 = tpu.vector_load %arg6[%get3A_3718, %get3A_3719] {strides = array<i32>} : memref<8x1024xf32, #tpu.memory_space<vmem>>, vector<16xf32>,
    %mul3A_3721 = vector.broadcast %squeeze3A_215 : f32 to vector<16xf32>
    %mul3A_3722 = arith.mulf %mul3A_3721, %get3A_3720 : vector<16xf32>
    %add3A_3723 = arith.addf %add3A_3716, %mul3A_3722 : vector<16xf32>
    %get3A_3724 = arith.constant 4 : i32
    %get3A_3725 = arith.index_cast %get3A_3724 : i32 to index
    %get3A_3726 = arith.constant 896 : index
    %get3A_3727 = tpu.vector_load %arg6[%get3A_3725, %get3A_3726] {strides = array<i32>} : memref<8x1024xf32, #tpu.memory_space<vmem>>, vector<16xf32>,
    %mul3A_3728 = vector.broadcast %squeeze3A_217 : f32 to vector<16xf32>
    %mul3A_3729 = arith.mulf %mul3A_3728, %get3A_3727 : vector<16xf32>
    %add3A_3730 = arith.addf %add3A_3723, %mul3A_3729 : vector<16xf32>
    %get3A_3731 = arith.constant 5 : i32
    %get3A_3732 = arith.index_cast %get3A_3731 : i32 to index
    %get3A_3733 = arith.constant 896 : index
    %get3A_3734 = tpu.vector_load %arg6[%get3A_3732, %get3A_3733] {strides = array<i32>} : memref<8x1024xf32, #tpu.memory_space<vmem>>, vector<16xf32>,
    %mul3A_3735 = vector.broadcast %squeeze3A_219 : f32 to vector<16xf32>
    %mul3A_3736 = arith.mulf %mul3A_3735, %get3A_3734 : vector<16xf32>
    %add3A_3737 = arith.addf %add3A_3730, %mul3A_3736 : vector<16xf32>
    %get3A_3738 = arith.constant 6 : i32
    %get3A_3739 = arith.index_cast %get3A_3738 : i32 to index
    %get3A_3740 = arith.constant 896 : index
    %get3A_3741 = tpu.vector_load %arg6[%get3A_3739, %get3A_3740] {strides = array<i32>} : memref<8x1024xf32, #tpu.memory_space<vmem>>, vector<16xf32>,
    %mul3A_3742 = vector.broadcast %squeeze3A_221 : f32 to vector<16xf32>
    %mul3A_3743 = arith.mulf %mul3A_3742, %get3A_3741 : vector<16xf32>
    %add3A_3744 = arith.addf %add3A_3737, %mul3A_3743 : vector<16xf32>
    %get3A_3745 = arith.constant 7 : i32
    %get3A_3746 = arith.index_cast %get3A_3745 : i32 to index
    %get3A_3747 = arith.constant 896 : index
    %get3A_3748 = tpu.vector_load %arg6[%get3A_3746, %get3A_3747] {strides = array<i32>} : memref<8x1024xf32, #tpu.memory_space<vmem>>, vector<16xf32>,
    %mul3A_3749 = vector.broadcast %squeeze3A_223 : f32 to vector<16xf32>
    %mul3A_3750 = arith.mulf %mul3A_3749, %get3A_3748 : vector<16xf32>
    %add3A_3751 = arith.addf %add3A_3744, %mul3A_3750 : vector<16xf32>
    %swap3A_3752 = arith.constant 0 : i32
    %swap3A_3753 = arith.index_cast %swap3A_3752 : i32 to index
    %swap3A_3754 = arith.constant 896 : index
    %swap3A_3755 = tpu.vector_load %arg7[%swap3A_3753, %swap3A_3754] {strides = array<i32>} : memref<1x1024xf32, #tpu.memory_space<vmem>>, vector<16xf32>,
    tpu.vector_store %arg7[%swap3A_3753, %swap3A_3754], %add3A_3751 {strides = array<i32>} : memref<1x1024xf32, #tpu.memory_space<vmem>>, vector<16xf32>,
    %broadcast_in_dim3A_3756 = arith.constant 0.000000e+00 : f32
    %broadcast_in_dim3A_3757 = vector.broadcast %broadcast_in_dim3A_3756 : f32 to vector<16xf32>
    %get3A_3758 = arith.constant 0 : i32
    %get3A_3759 = arith.index_cast %get3A_3758 : i32 to index
    %get3A_3760 = arith.constant 912 : index
    %get3A_3761 = tpu.vector_load %arg6[%get3A_3759, %get3A_3760] {strides = array<i32>} : memref<8x1024xf32, #tpu.memory_space<vmem>>, vector<16xf32>,
    %mul3A_3762 = vector.broadcast %squeeze3A : f32 to vector<16xf32>
    %mul3A_3763 = arith.mulf %mul3A_3762, %get3A_3761 : vector<16xf32>
    %add3A_3764 = arith.addf %broadcast_in_dim3A_3757, %mul3A_3763 : vector<16xf32>
    %get3A_3765 = arith.constant 1 : i32
    %get3A_3766 = arith.index_cast %get3A_3765 : i32 to index
    %get3A_3767 = arith.constant 912 : index
    %get3A_3768 = tpu.vector_load %arg6[%get3A_3766, %get3A_3767] {strides = array<i32>} : memref<8x1024xf32, #tpu.memory_space<vmem>>, vector<16xf32>,
    %mul3A_3769 = vector.broadcast %squeeze3A_211 : f32 to vector<16xf32>
    %mul3A_3770 = arith.mulf %mul3A_3769, %get3A_3768 : vector<16xf32>
    %add3A_3771 = arith.addf %add3A_3764, %mul3A_3770 : vector<16xf32>
    %get3A_3772 = arith.constant 2 : i32
    %get3A_3773 = arith.index_cast %get3A_3772 : i32 to index
    %get3A_3774 = arith.constant 912 : index
    %get3A_3775 = tpu.vector_load %arg6[%get3A_3773, %get3A_3774] {strides = array<i32>} : memref<8x1024xf32, #tpu.memory_space<vmem>>, vector<16xf32>,
    %mul3A_3776 = vector.broadcast %squeeze3A_213 : f32 to vector<16xf32>
    %mul3A_3777 = arith.mulf %mul3A_3776, %get3A_3775 : vector<16xf32>
    %add3A_3778 = arith.addf %add3A_3771, %mul3A_3777 : vector<16xf32>
    %get3A_3779 = arith.constant 3 : i32
    %get3A_3780 = arith.index_cast %get3A_3779 : i32 to index
    %get3A_3781 = arith.constant 912 : index
    %get3A_3782 = tpu.vector_load %arg6[%get3A_3780, %get3A_3781] {strides = array<i32>} : memref<8x1024xf32, #tpu.memory_space<vmem>>, vector<16xf32>,
    %mul3A_3783 = vector.broadcast %squeeze3A_215 : f32 to vector<16xf32>
    %mul3A_3784 = arith.mulf %mul3A_3783, %get3A_3782 : vector<16xf32>
    %add3A_3785 = arith.addf %add3A_3778, %mul3A_3784 : vector<16xf32>
    %get3A_3786 = arith.constant 4 : i32
    %get3A_3787 = arith.index_cast %get3A_3786 : i32 to index
    %get3A_3788 = arith.constant 912 : index
    %get3A_3789 = tpu.vector_load %arg6[%get3A_3787, %get3A_3788] {strides = array<i32>} : memref<8x1024xf32, #tpu.memory_space<vmem>>, vector<16xf32>,
    %mul3A_3790 = vector.broadcast %squeeze3A_217 : f32 to vector<16xf32>
    %mul3A_3791 = arith.mulf %mul3A_3790, %get3A_3789 : vector<16xf32>
    %add3A_3792 = arith.addf %add3A_3785, %mul3A_3791 : vector<16xf32>
    %get3A_3793 = arith.constant 5 : i32
    %get3A_3794 = arith.index_cast %get3A_3793 : i32 to index
    %get3A_3795 = arith.constant 912 : index
    %get3A_3796 = tpu.vector_load %arg6[%get3A_3794, %get3A_3795] {strides = array<i32>} : memref<8x1024xf32, #tpu.memory_space<vmem>>, vector<16xf32>,
    %mul3A_3797 = vector.broadcast %squeeze3A_219 : f32 to vector<16xf32>
    %mul3A_3798 = arith.mulf %mul3A_3797, %get3A_3796 : vector<16xf32>
    %add3A_3799 = arith.addf %add3A_3792, %mul3A_3798 : vector<16xf32>
    %get3A_3800 = arith.constant 6 : i32
    %get3A_3801 = arith.index_cast %get3A_3800 : i32 to index
    %get3A_3802 = arith.constant 912 : index
    %get3A_3803 = tpu.vector_load %arg6[%get3A_3801, %get3A_3802] {strides = array<i32>} : memref<8x1024xf32, #tpu.memory_space<vmem>>, vector<16xf32>,
    %mul3A_3804 = vector.broadcast %squeeze3A_221 : f32 to vector<16xf32>
    %mul3A_3805 = arith.mulf %mul3A_3804, %get3A_3803 : vector<16xf32>
    %add3A_3806 = arith.addf %add3A_3799, %mul3A_3805 : vector<16xf32>
    %get3A_3807 = arith.constant 7 : i32
    %get3A_3808 = arith.index_cast %get3A_3807 : i32 to index
    %get3A_3809 = arith.constant 912 : index
    %get3A_3810 = tpu.vector_load %arg6[%get3A_3808, %get3A_3809] {strides = array<i32>} : memref<8x1024xf32, #tpu.memory_space<vmem>>, vector<16xf32>,
    %mul3A_3811 = vector.broadcast %squeeze3A_223 : f32 to vector<16xf32>
    %mul3A_3812 = arith.mulf %mul3A_3811, %get3A_3810 : vector<16xf32>
    %add3A_3813 = arith.addf %add3A_3806, %mul3A_3812 : vector<16xf32>
    %swap3A_3814 = arith.constant 0 : i32
    %swap3A_3815 = arith.index_cast %swap3A_3814 : i32 to index
    %swap3A_3816 = arith.constant 912 : index
    %swap3A_3817 = tpu.vector_load %arg7[%swap3A_3815, %swap3A_3816] {strides = array<i32>} : memref<1x1024xf32, #tpu.memory_space<vmem>>, vector<16xf32>,
    tpu.vector_store %arg7[%swap3A_3815, %swap3A_3816], %add3A_3813 {strides = array<i32>} : memref<1x1024xf32, #tpu.memory_space<vmem>>, vector<16xf32>,
    %broadcast_in_dim3A_3818 = arith.constant 0.000000e+00 : f32
    %broadcast_in_dim3A_3819 = vector.broadcast %broadcast_in_dim3A_3818 : f32 to vector<16xf32>
    %get3A_3820 = arith.constant 0 : i32
    %get3A_3821 = arith.index_cast %get3A_3820 : i32 to index
    %get3A_3822 = arith.constant 928 : index
    %get3A_3823 = tpu.vector_load %arg6[%get3A_3821, %get3A_3822] {strides = array<i32>} : memref<8x1024xf32, #tpu.memory_space<vmem>>, vector<16xf32>,
    %mul3A_3824 = vector.broadcast %squeeze3A : f32 to vector<16xf32>
    %mul3A_3825 = arith.mulf %mul3A_3824, %get3A_3823 : vector<16xf32>
    %add3A_3826 = arith.addf %broadcast_in_dim3A_3819, %mul3A_3825 : vector<16xf32>
    %get3A_3827 = arith.constant 1 : i32
    %get3A_3828 = arith.index_cast %get3A_3827 : i32 to index
    %get3A_3829 = arith.constant 928 : index
    %get3A_3830 = tpu.vector_load %arg6[%get3A_3828, %get3A_3829] {strides = array<i32>} : memref<8x1024xf32, #tpu.memory_space<vmem>>, vector<16xf32>,
    %mul3A_3831 = vector.broadcast %squeeze3A_211 : f32 to vector<16xf32>
    %mul3A_3832 = arith.mulf %mul3A_3831, %get3A_3830 : vector<16xf32>
    %add3A_3833 = arith.addf %add3A_3826, %mul3A_3832 : vector<16xf32>
    %get3A_3834 = arith.constant 2 : i32
    %get3A_3835 = arith.index_cast %get3A_3834 : i32 to index
    %get3A_3836 = arith.constant 928 : index
    %get3A_3837 = tpu.vector_load %arg6[%get3A_3835, %get3A_3836] {strides = array<i32>} : memref<8x1024xf32, #tpu.memory_space<vmem>>, vector<16xf32>,
    %mul3A_3838 = vector.broadcast %squeeze3A_213 : f32 to vector<16xf32>
    %mul3A_3839 = arith.mulf %mul3A_3838, %get3A_3837 : vector<16xf32>
    %add3A_3840 = arith.addf %add3A_3833, %mul3A_3839 : vector<16xf32>
    %get3A_3841 = arith.constant 3 : i32
    %get3A_3842 = arith.index_cast %get3A_3841 : i32 to index
    %get3A_3843 = arith.constant 928 : index
    %get3A_3844 = tpu.vector_load %arg6[%get3A_3842, %get3A_3843] {strides = array<i32>} : memref<8x1024xf32, #tpu.memory_space<vmem>>, vector<16xf32>,
    %mul3A_3845 = vector.broadcast %squeeze3A_215 : f32 to vector<16xf32>
    %mul3A_3846 = arith.mulf %mul3A_3845, %get3A_3844 : vector<16xf32>
    %add3A_3847 = arith.addf %add3A_3840, %mul3A_3846 : vector<16xf32>
    %get3A_3848 = arith.constant 4 : i32
    %get3A_3849 = arith.index_cast %get3A_3848 : i32 to index
    %get3A_3850 = arith.constant 928 : index
    %get3A_3851 = tpu.vector_load %arg6[%get3A_3849, %get3A_3850] {strides = array<i32>} : memref<8x1024xf32, #tpu.memory_space<vmem>>, vector<16xf32>,
    %mul3A_3852 = vector.broadcast %squeeze3A_217 : f32 to vector<16xf32>
    %mul3A_3853 = arith.mulf %mul3A_3852, %get3A_3851 : vector<16xf32>
    %add3A_3854 = arith.addf %add3A_3847, %mul3A_3853 : vector<16xf32>
    %get3A_3855 = arith.constant 5 : i32
    %get3A_3856 = arith.index_cast %get3A_3855 : i32 to index
    %get3A_3857 = arith.constant 928 : index
    %get3A_3858 = tpu.vector_load %arg6[%get3A_3856, %get3A_3857] {strides = array<i32>} : memref<8x1024xf32, #tpu.memory_space<vmem>>, vector<16xf32>,
    %mul3A_3859 = vector.broadcast %squeeze3A_219 : f32 to vector<16xf32>
    %mul3A_3860 = arith.mulf %mul3A_3859, %get3A_3858 : vector<16xf32>
    %add3A_3861 = arith.addf %add3A_3854, %mul3A_3860 : vector<16xf32>
    %get3A_3862 = arith.constant 6 : i32
    %get3A_3863 = arith.index_cast %get3A_3862 : i32 to index
    %get3A_3864 = arith.constant 928 : index
    %get3A_3865 = tpu.vector_load %arg6[%get3A_3863, %get3A_3864] {strides = array<i32>} : memref<8x1024xf32, #tpu.memory_space<vmem>>, vector<16xf32>,
    %mul3A_3866 = vector.broadcast %squeeze3A_221 : f32 to vector<16xf32>
    %mul3A_3867 = arith.mulf %mul3A_3866, %get3A_3865 : vector<16xf32>
    %add3A_3868 = arith.addf %add3A_3861, %mul3A_3867 : vector<16xf32>
    %get3A_3869 = arith.constant 7 : i32
    %get3A_3870 = arith.index_cast %get3A_3869 : i32 to index
    %get3A_3871 = arith.constant 928 : index
    %get3A_3872 = tpu.vector_load %arg6[%get3A_3870, %get3A_3871] {strides = array<i32>} : memref<8x1024xf32, #tpu.memory_space<vmem>>, vector<16xf32>,
    %mul3A_3873 = vector.broadcast %squeeze3A_223 : f32 to vector<16xf32>
    %mul3A_3874 = arith.mulf %mul3A_3873, %get3A_3872 : vector<16xf32>
    %add3A_3875 = arith.addf %add3A_3868, %mul3A_3874 : vector<16xf32>
    %swap3A_3876 = arith.constant 0 : i32
    %swap3A_3877 = arith.index_cast %swap3A_3876 : i32 to index
    %swap3A_3878 = arith.constant 928 : index
    %swap3A_3879 = tpu.vector_load %arg7[%swap3A_3877, %swap3A_3878] {strides = array<i32>} : memref<1x1024xf32, #tpu.memory_space<vmem>>, vector<16xf32>,
    tpu.vector_store %arg7[%swap3A_3877, %swap3A_3878], %add3A_3875 {strides = array<i32>} : memref<1x1024xf32, #tpu.memory_space<vmem>>, vector<16xf32>,
    %broadcast_in_dim3A_3880 = arith.constant 0.000000e+00 : f32
    %broadcast_in_dim3A_3881 = vector.broadcast %broadcast_in_dim3A_3880 : f32 to vector<16xf32>
    %get3A_3882 = arith.constant 0 : i32
    %get3A_3883 = arith.index_cast %get3A_3882 : i32 to index
    %get3A_3884 = arith.constant 944 : index
    %get3A_3885 = tpu.vector_load %arg6[%get3A_3883, %get3A_3884] {strides = array<i32>} : memref<8x1024xf32, #tpu.memory_space<vmem>>, vector<16xf32>,
    %mul3A_3886 = vector.broadcast %squeeze3A : f32 to vector<16xf32>
    %mul3A_3887 = arith.mulf %mul3A_3886, %get3A_3885 : vector<16xf32>
    %add3A_3888 = arith.addf %broadcast_in_dim3A_3881, %mul3A_3887 : vector<16xf32>
    %get3A_3889 = arith.constant 1 : i32
    %get3A_3890 = arith.index_cast %get3A_3889 : i32 to index
    %get3A_3891 = arith.constant 944 : index
    %get3A_3892 = tpu.vector_load %arg6[%get3A_3890, %get3A_3891] {strides = array<i32>} : memref<8x1024xf32, #tpu.memory_space<vmem>>, vector<16xf32>,
    %mul3A_3893 = vector.broadcast %squeeze3A_211 : f32 to vector<16xf32>
    %mul3A_3894 = arith.mulf %mul3A_3893, %get3A_3892 : vector<16xf32>
    %add3A_3895 = arith.addf %add3A_3888, %mul3A_3894 : vector<16xf32>
    %get3A_3896 = arith.constant 2 : i32
    %get3A_3897 = arith.index_cast %get3A_3896 : i32 to index
    %get3A_3898 = arith.constant 944 : index
    %get3A_3899 = tpu.vector_load %arg6[%get3A_3897, %get3A_3898] {strides = array<i32>} : memref<8x1024xf32, #tpu.memory_space<vmem>>, vector<16xf32>,
    %mul3A_3900 = vector.broadcast %squeeze3A_213 : f32 to vector<16xf32>
    %mul3A_3901 = arith.mulf %mul3A_3900, %get3A_3899 : vector<16xf32>
    %add3A_3902 = arith.addf %add3A_3895, %mul3A_3901 : vector<16xf32>
    %get3A_3903 = arith.constant 3 : i32
    %get3A_3904 = arith.index_cast %get3A_3903 : i32 to index
    %get3A_3905 = arith.constant 944 : index
    %get3A_3906 = tpu.vector_load %arg6[%get3A_3904, %get3A_3905] {strides = array<i32>} : memref<8x1024xf32, #tpu.memory_space<vmem>>, vector<16xf32>,
    %mul3A_3907 = vector.broadcast %squeeze3A_215 : f32 to vector<16xf32>
    %mul3A_3908 = arith.mulf %mul3A_3907, %get3A_3906 : vector<16xf32>
    %add3A_3909 = arith.addf %add3A_3902, %mul3A_3908 : vector<16xf32>
    %get3A_3910 = arith.constant 4 : i32
    %get3A_3911 = arith.index_cast %get3A_3910 : i32 to index
    %get3A_3912 = arith.constant 944 : index
    %get3A_3913 = tpu.vector_load %arg6[%get3A_3911, %get3A_3912] {strides = array<i32>} : memref<8x1024xf32, #tpu.memory_space<vmem>>, vector<16xf32>,
    %mul3A_3914 = vector.broadcast %squeeze3A_217 : f32 to vector<16xf32>
    %mul3A_3915 = arith.mulf %mul3A_3914, %get3A_3913 : vector<16xf32>
    %add3A_3916 = arith.addf %add3A_3909, %mul3A_3915 : vector<16xf32>
    %get3A_3917 = arith.constant 5 : i32
    %get3A_3918 = arith.index_cast %get3A_3917 : i32 to index
    %get3A_3919 = arith.constant 944 : index
    %get3A_3920 = tpu.vector_load %arg6[%get3A_3918, %get3A_3919] {strides = array<i32>} : memref<8x1024xf32, #tpu.memory_space<vmem>>, vector<16xf32>,
    %mul3A_3921 = vector.broadcast %squeeze3A_219 : f32 to vector<16xf32>
    %mul3A_3922 = arith.mulf %mul3A_3921, %get3A_3920 : vector<16xf32>
    %add3A_3923 = arith.addf %add3A_3916, %mul3A_3922 : vector<16xf32>
    %get3A_3924 = arith.constant 6 : i32
    %get3A_3925 = arith.index_cast %get3A_3924 : i32 to index
    %get3A_3926 = arith.constant 944 : index
    %get3A_3927 = tpu.vector_load %arg6[%get3A_3925, %get3A_3926] {strides = array<i32>} : memref<8x1024xf32, #tpu.memory_space<vmem>>, vector<16xf32>,
    %mul3A_3928 = vector.broadcast %squeeze3A_221 : f32 to vector<16xf32>
    %mul3A_3929 = arith.mulf %mul3A_3928, %get3A_3927 : vector<16xf32>
    %add3A_3930 = arith.addf %add3A_3923, %mul3A_3929 : vector<16xf32>
    %get3A_3931 = arith.constant 7 : i32
    %get3A_3932 = arith.index_cast %get3A_3931 : i32 to index
    %get3A_3933 = arith.constant 944 : index
    %get3A_3934 = tpu.vector_load %arg6[%get3A_3932, %get3A_3933] {strides = array<i32>} : memref<8x1024xf32, #tpu.memory_space<vmem>>, vector<16xf32>,
    %mul3A_3935 = vector.broadcast %squeeze3A_223 : f32 to vector<16xf32>
    %mul3A_3936 = arith.mulf %mul3A_3935, %get3A_3934 : vector<16xf32>
    %add3A_3937 = arith.addf %add3A_3930, %mul3A_3936 : vector<16xf32>
    %swap3A_3938 = arith.constant 0 : i32
    %swap3A_3939 = arith.index_cast %swap3A_3938 : i32 to index
    %swap3A_3940 = arith.constant 944 : index
    %swap3A_3941 = tpu.vector_load %arg7[%swap3A_3939, %swap3A_3940] {strides = array<i32>} : memref<1x1024xf32, #tpu.memory_space<vmem>>, vector<16xf32>,
    tpu.vector_store %arg7[%swap3A_3939, %swap3A_3940], %add3A_3937 {strides = array<i32>} : memref<1x1024xf32, #tpu.memory_space<vmem>>, vector<16xf32>,
    %broadcast_in_dim3A_3942 = arith.constant 0.000000e+00 : f32
    %broadcast_in_dim3A_3943 = vector.broadcast %broadcast_in_dim3A_3942 : f32 to vector<16xf32>
    %get3A_3944 = arith.constant 0 : i32
    %get3A_3945 = arith.index_cast %get3A_3944 : i32 to index
    %get3A_3946 = arith.constant 960 : index
    %get3A_3947 = tpu.vector_load %arg6[%get3A_3945, %get3A_3946] {strides = array<i32>} : memref<8x1024xf32, #tpu.memory_space<vmem>>, vector<16xf32>,
    %mul3A_3948 = vector.broadcast %squeeze3A : f32 to vector<16xf32>
    %mul3A_3949 = arith.mulf %mul3A_3948, %get3A_3947 : vector<16xf32>
    %add3A_3950 = arith.addf %broadcast_in_dim3A_3943, %mul3A_3949 : vector<16xf32>
    %get3A_3951 = arith.constant 1 : i32
    %get3A_3952 = arith.index_cast %get3A_3951 : i32 to index
    %get3A_3953 = arith.constant 960 : index
    %get3A_3954 = tpu.vector_load %arg6[%get3A_3952, %get3A_3953] {strides = array<i32>} : memref<8x1024xf32, #tpu.memory_space<vmem>>, vector<16xf32>,
    %mul3A_3955 = vector.broadcast %squeeze3A_211 : f32 to vector<16xf32>
    %mul3A_3956 = arith.mulf %mul3A_3955, %get3A_3954 : vector<16xf32>
    %add3A_3957 = arith.addf %add3A_3950, %mul3A_3956 : vector<16xf32>
    %get3A_3958 = arith.constant 2 : i32
    %get3A_3959 = arith.index_cast %get3A_3958 : i32 to index
    %get3A_3960 = arith.constant 960 : index
    %get3A_3961 = tpu.vector_load %arg6[%get3A_3959, %get3A_3960] {strides = array<i32>} : memref<8x1024xf32, #tpu.memory_space<vmem>>, vector<16xf32>,
    %mul3A_3962 = vector.broadcast %squeeze3A_213 : f32 to vector<16xf32>
    %mul3A_3963 = arith.mulf %mul3A_3962, %get3A_3961 : vector<16xf32>
    %add3A_3964 = arith.addf %add3A_3957, %mul3A_3963 : vector<16xf32>
    %get3A_3965 = arith.constant 3 : i32
    %get3A_3966 = arith.index_cast %get3A_3965 : i32 to index
    %get3A_3967 = arith.constant 960 : index
    %get3A_3968 = tpu.vector_load %arg6[%get3A_3966, %get3A_3967] {strides = array<i32>} : memref<8x1024xf32, #tpu.memory_space<vmem>>, vector<16xf32>,
    %mul3A_3969 = vector.broadcast %squeeze3A_215 : f32 to vector<16xf32>
    %mul3A_3970 = arith.mulf %mul3A_3969, %get3A_3968 : vector<16xf32>
    %add3A_3971 = arith.addf %add3A_3964, %mul3A_3970 : vector<16xf32>
    %get3A_3972 = arith.constant 4 : i32
    %get3A_3973 = arith.index_cast %get3A_3972 : i32 to index
    %get3A_3974 = arith.constant 960 : index
    %get3A_3975 = tpu.vector_load %arg6[%get3A_3973, %get3A_3974] {strides = array<i32>} : memref<8x1024xf32, #tpu.memory_space<vmem>>, vector<16xf32>,
    %mul3A_3976 = vector.broadcast %squeeze3A_217 : f32 to vector<16xf32>
    %mul3A_3977 = arith.mulf %mul3A_3976, %get3A_3975 : vector<16xf32>
    %add3A_3978 = arith.addf %add3A_3971, %mul3A_3977 : vector<16xf32>
    %get3A_3979 = arith.constant 5 : i32
    %get3A_3980 = arith.index_cast %get3A_3979 : i32 to index
    %get3A_3981 = arith.constant 960 : index
    %get3A_3982 = tpu.vector_load %arg6[%get3A_3980, %get3A_3981] {strides = array<i32>} : memref<8x1024xf32, #tpu.memory_space<vmem>>, vector<16xf32>,
    %mul3A_3983 = vector.broadcast %squeeze3A_219 : f32 to vector<16xf32>
    %mul3A_3984 = arith.mulf %mul3A_3983, %get3A_3982 : vector<16xf32>
    %add3A_3985 = arith.addf %add3A_3978, %mul3A_3984 : vector<16xf32>
    %get3A_3986 = arith.constant 6 : i32
    %get3A_3987 = arith.index_cast %get3A_3986 : i32 to index
    %get3A_3988 = arith.constant 960 : index
    %get3A_3989 = tpu.vector_load %arg6[%get3A_3987, %get3A_3988] {strides = array<i32>} : memref<8x1024xf32, #tpu.memory_space<vmem>>, vector<16xf32>,
    %mul3A_3990 = vector.broadcast %squeeze3A_221 : f32 to vector<16xf32>
    %mul3A_3991 = arith.mulf %mul3A_3990, %get3A_3989 : vector<16xf32>
    %add3A_3992 = arith.addf %add3A_3985, %mul3A_3991 : vector<16xf32>
    %get3A_3993 = arith.constant 7 : i32
    %get3A_3994 = arith.index_cast %get3A_3993 : i32 to index
    %get3A_3995 = arith.constant 960 : index
    %get3A_3996 = tpu.vector_load %arg6[%get3A_3994, %get3A_3995] {strides = array<i32>} : memref<8x1024xf32, #tpu.memory_space<vmem>>, vector<16xf32>,
    %mul3A_3997 = vector.broadcast %squeeze3A_223 : f32 to vector<16xf32>
    %mul3A_3998 = arith.mulf %mul3A_3997, %get3A_3996 : vector<16xf32>
    %add3A_3999 = arith.addf %add3A_3992, %mul3A_3998 : vector<16xf32>
    %swap3A_4000 = arith.constant 0 : i32
    %swap3A_4001 = arith.index_cast %swap3A_4000 : i32 to index
    %swap3A_4002 = arith.constant 960 : index
    %swap3A_4003 = tpu.vector_load %arg7[%swap3A_4001, %swap3A_4002] {strides = array<i32>} : memref<1x1024xf32, #tpu.memory_space<vmem>>, vector<16xf32>,
    tpu.vector_store %arg7[%swap3A_4001, %swap3A_4002], %add3A_3999 {strides = array<i32>} : memref<1x1024xf32, #tpu.memory_space<vmem>>, vector<16xf32>,
    %broadcast_in_dim3A_4004 = arith.constant 0.000000e+00 : f32
    %broadcast_in_dim3A_4005 = vector.broadcast %broadcast_in_dim3A_4004 : f32 to vector<16xf32>
    %get3A_4006 = arith.constant 0 : i32
    %get3A_4007 = arith.index_cast %get3A_4006 : i32 to index
    %get3A_4008 = arith.constant 976 : index
    %get3A_4009 = tpu.vector_load %arg6[%get3A_4007, %get3A_4008] {strides = array<i32>} : memref<8x1024xf32, #tpu.memory_space<vmem>>, vector<16xf32>,
    %mul3A_4010 = vector.broadcast %squeeze3A : f32 to vector<16xf32>
    %mul3A_4011 = arith.mulf %mul3A_4010, %get3A_4009 : vector<16xf32>
    %add3A_4012 = arith.addf %broadcast_in_dim3A_4005, %mul3A_4011 : vector<16xf32>
    %get3A_4013 = arith.constant 1 : i32
    %get3A_4014 = arith.index_cast %get3A_4013 : i32 to index
    %get3A_4015 = arith.constant 976 : index
    %get3A_4016 = tpu.vector_load %arg6[%get3A_4014, %get3A_4015] {strides = array<i32>} : memref<8x1024xf32, #tpu.memory_space<vmem>>, vector<16xf32>,
    %mul3A_4017 = vector.broadcast %squeeze3A_211 : f32 to vector<16xf32>
    %mul3A_4018 = arith.mulf %mul3A_4017, %get3A_4016 : vector<16xf32>
    %add3A_4019 = arith.addf %add3A_4012, %mul3A_4018 : vector<16xf32>
    %get3A_4020 = arith.constant 2 : i32
    %get3A_4021 = arith.index_cast %get3A_4020 : i32 to index
    %get3A_4022 = arith.constant 976 : index
    %get3A_4023 = tpu.vector_load %arg6[%get3A_4021, %get3A_4022] {strides = array<i32>} : memref<8x1024xf32, #tpu.memory_space<vmem>>, vector<16xf32>,
    %mul3A_4024 = vector.broadcast %squeeze3A_213 : f32 to vector<16xf32>
    %mul3A_4025 = arith.mulf %mul3A_4024, %get3A_4023 : vector<16xf32>
    %add3A_4026 = arith.addf %add3A_4019, %mul3A_4025 : vector<16xf32>
    %get3A_4027 = arith.constant 3 : i32
    %get3A_4028 = arith.index_cast %get3A_4027 : i32 to index
    %get3A_4029 = arith.constant 976 : index
    %get3A_4030 = tpu.vector_load %arg6[%get3A_4028, %get3A_4029] {strides = array<i32>} : memref<8x1024xf32, #tpu.memory_space<vmem>>, vector<16xf32>,
    %mul3A_4031 = vector.broadcast %squeeze3A_215 : f32 to vector<16xf32>
    %mul3A_4032 = arith.mulf %mul3A_4031, %get3A_4030 : vector<16xf32>
    %add3A_4033 = arith.addf %add3A_4026, %mul3A_4032 : vector<16xf32>
    %get3A_4034 = arith.constant 4 : i32
    %get3A_4035 = arith.index_cast %get3A_4034 : i32 to index
    %get3A_4036 = arith.constant 976 : index
    %get3A_4037 = tpu.vector_load %arg6[%get3A_4035, %get3A_4036] {strides = array<i32>} : memref<8x1024xf32, #tpu.memory_space<vmem>>, vector<16xf32>,
    %mul3A_4038 = vector.broadcast %squeeze3A_217 : f32 to vector<16xf32>
    %mul3A_4039 = arith.mulf %mul3A_4038, %get3A_4037 : vector<16xf32>
    %add3A_4040 = arith.addf %add3A_4033, %mul3A_4039 : vector<16xf32>
    %get3A_4041 = arith.constant 5 : i32
    %get3A_4042 = arith.index_cast %get3A_4041 : i32 to index
    %get3A_4043 = arith.constant 976 : index
    %get3A_4044 = tpu.vector_load %arg6[%get3A_4042, %get3A_4043] {strides = array<i32>} : memref<8x1024xf32, #tpu.memory_space<vmem>>, vector<16xf32>,
    %mul3A_4045 = vector.broadcast %squeeze3A_219 : f32 to vector<16xf32>
    %mul3A_4046 = arith.mulf %mul3A_4045, %get3A_4044 : vector<16xf32>
    %add3A_4047 = arith.addf %add3A_4040, %mul3A_4046 : vector<16xf32>
    %get3A_4048 = arith.constant 6 : i32
    %get3A_4049 = arith.index_cast %get3A_4048 : i32 to index
    %get3A_4050 = arith.constant 976 : index
    %get3A_4051 = tpu.vector_load %arg6[%get3A_4049, %get3A_4050] {strides = array<i32>} : memref<8x1024xf32, #tpu.memory_space<vmem>>, vector<16xf32>,
    %mul3A_4052 = vector.broadcast %squeeze3A_221 : f32 to vector<16xf32>
    %mul3A_4053 = arith.mulf %mul3A_4052, %get3A_4051 : vector<16xf32>
    %add3A_4054 = arith.addf %add3A_4047, %mul3A_4053 : vector<16xf32>
    %get3A_4055 = arith.constant 7 : i32
    %get3A_4056 = arith.index_cast %get3A_4055 : i32 to index
    %get3A_4057 = arith.constant 976 : index
    %get3A_4058 = tpu.vector_load %arg6[%get3A_4056, %get3A_4057] {strides = array<i32>} : memref<8x1024xf32, #tpu.memory_space<vmem>>, vector<16xf32>,
    %mul3A_4059 = vector.broadcast %squeeze3A_223 : f32 to vector<16xf32>
    %mul3A_4060 = arith.mulf %mul3A_4059, %get3A_4058 : vector<16xf32>
    %add3A_4061 = arith.addf %add3A_4054, %mul3A_4060 : vector<16xf32>
    %swap3A_4062 = arith.constant 0 : i32
    %swap3A_4063 = arith.index_cast %swap3A_4062 : i32 to index
    %swap3A_4064 = arith.constant 976 : index
    %swap3A_4065 = tpu.vector_load %arg7[%swap3A_4063, %swap3A_4064] {strides = array<i32>} : memref<1x1024xf32, #tpu.memory_space<vmem>>, vector<16xf32>,
    tpu.vector_store %arg7[%swap3A_4063, %swap3A_4064], %add3A_4061 {strides = array<i32>} : memref<1x1024xf32, #tpu.memory_space<vmem>>, vector<16xf32>,
    %broadcast_in_dim3A_4066 = arith.constant 0.000000e+00 : f32
    %broadcast_in_dim3A_4067 = vector.broadcast %broadcast_in_dim3A_4066 : f32 to vector<16xf32>
    %get3A_4068 = arith.constant 0 : i32
    %get3A_4069 = arith.index_cast %get3A_4068 : i32 to index
    %get3A_4070 = arith.constant 992 : index
    %get3A_4071 = tpu.vector_load %arg6[%get3A_4069, %get3A_4070] {strides = array<i32>} : memref<8x1024xf32, #tpu.memory_space<vmem>>, vector<16xf32>,
    %mul3A_4072 = vector.broadcast %squeeze3A : f32 to vector<16xf32>
    %mul3A_4073 = arith.mulf %mul3A_4072, %get3A_4071 : vector<16xf32>
    %add3A_4074 = arith.addf %broadcast_in_dim3A_4067, %mul3A_4073 : vector<16xf32>
    %get3A_4075 = arith.constant 1 : i32
    %get3A_4076 = arith.index_cast %get3A_4075 : i32 to index
    %get3A_4077 = arith.constant 992 : index
    %get3A_4078 = tpu.vector_load %arg6[%get3A_4076, %get3A_4077] {strides = array<i32>} : memref<8x1024xf32, #tpu.memory_space<vmem>>, vector<16xf32>,
    %mul3A_4079 = vector.broadcast %squeeze3A_211 : f32 to vector<16xf32>
    %mul3A_4080 = arith.mulf %mul3A_4079, %get3A_4078 : vector<16xf32>
    %add3A_4081 = arith.addf %add3A_4074, %mul3A_4080 : vector<16xf32>
    %get3A_4082 = arith.constant 2 : i32
    %get3A_4083 = arith.index_cast %get3A_4082 : i32 to index
    %get3A_4084 = arith.constant 992 : index
    %get3A_4085 = tpu.vector_load %arg6[%get3A_4083, %get3A_4084] {strides = array<i32>} : memref<8x1024xf32, #tpu.memory_space<vmem>>, vector<16xf32>,
    %mul3A_4086 = vector.broadcast %squeeze3A_213 : f32 to vector<16xf32>
    %mul3A_4087 = arith.mulf %mul3A_4086, %get3A_4085 : vector<16xf32>
    %add3A_4088 = arith.addf %add3A_4081, %mul3A_4087 : vector<16xf32>
    %get3A_4089 = arith.constant 3 : i32
    %get3A_4090 = arith.index_cast %get3A_4089 : i32 to index
    %get3A_4091 = arith.constant 992 : index
    %get3A_4092 = tpu.vector_load %arg6[%get3A_4090, %get3A_4091] {strides = array<i32>} : memref<8x1024xf32, #tpu.memory_space<vmem>>, vector<16xf32>,
    %mul3A_4093 = vector.broadcast %squeeze3A_215 : f32 to vector<16xf32>
    %mul3A_4094 = arith.mulf %mul3A_4093, %get3A_4092 : vector<16xf32>
    %add3A_4095 = arith.addf %add3A_4088, %mul3A_4094 : vector<16xf32>
    %get3A_4096 = arith.constant 4 : i32
    %get3A_4097 = arith.index_cast %get3A_4096 : i32 to index
    %get3A_4098 = arith.constant 992 : index
    %get3A_4099 = tpu.vector_load %arg6[%get3A_4097, %get3A_4098] {strides = array<i32>} : memref<8x1024xf32, #tpu.memory_space<vmem>>, vector<16xf32>,
    %mul3A_4100 = vector.broadcast %squeeze3A_217 : f32 to vector<16xf32>
    %mul3A_4101 = arith.mulf %mul3A_4100, %get3A_4099 : vector<16xf32>
    %add3A_4102 = arith.addf %add3A_4095, %mul3A_4101 : vector<16xf32>
    %get3A_4103 = arith.constant 5 : i32
    %get3A_4104 = arith.index_cast %get3A_4103 : i32 to index
    %get3A_4105 = arith.constant 992 : index
    %get3A_4106 = tpu.vector_load %arg6[%get3A_4104, %get3A_4105] {strides = array<i32>} : memref<8x1024xf32, #tpu.memory_space<vmem>>, vector<16xf32>,
    %mul3A_4107 = vector.broadcast %squeeze3A_219 : f32 to vector<16xf32>
    %mul3A_4108 = arith.mulf %mul3A_4107, %get3A_4106 : vector<16xf32>
    %add3A_4109 = arith.addf %add3A_4102, %mul3A_4108 : vector<16xf32>
    %get3A_4110 = arith.constant 6 : i32
    %get3A_4111 = arith.index_cast %get3A_4110 : i32 to index
    %get3A_4112 = arith.constant 992 : index
    %get3A_4113 = tpu.vector_load %arg6[%get3A_4111, %get3A_4112] {strides = array<i32>} : memref<8x1024xf32, #tpu.memory_space<vmem>>, vector<16xf32>,
    %mul3A_4114 = vector.broadcast %squeeze3A_221 : f32 to vector<16xf32>
    %mul3A_4115 = arith.mulf %mul3A_4114, %get3A_4113 : vector<16xf32>
    %add3A_4116 = arith.addf %add3A_4109, %mul3A_4115 : vector<16xf32>
    %get3A_4117 = arith.constant 7 : i32
    %get3A_4118 = arith.index_cast %get3A_4117 : i32 to index
    %get3A_4119 = arith.constant 992 : index
    %get3A_4120 = tpu.vector_load %arg6[%get3A_4118, %get3A_4119] {strides = array<i32>} : memref<8x1024xf32, #tpu.memory_space<vmem>>, vector<16xf32>,
    %mul3A_4121 = vector.broadcast %squeeze3A_223 : f32 to vector<16xf32>
    %mul3A_4122 = arith.mulf %mul3A_4121, %get3A_4120 : vector<16xf32>
    %add3A_4123 = arith.addf %add3A_4116, %mul3A_4122 : vector<16xf32>
    %swap3A_4124 = arith.constant 0 : i32
    %swap3A_4125 = arith.index_cast %swap3A_4124 : i32 to index
    %swap3A_4126 = arith.constant 992 : index
    %swap3A_4127 = tpu.vector_load %arg7[%swap3A_4125, %swap3A_4126] {strides = array<i32>} : memref<1x1024xf32, #tpu.memory_space<vmem>>, vector<16xf32>,
    tpu.vector_store %arg7[%swap3A_4125, %swap3A_4126], %add3A_4123 {strides = array<i32>} : memref<1x1024xf32, #tpu.memory_space<vmem>>, vector<16xf32>,
    %broadcast_in_dim3A_4128 = arith.constant 0.000000e+00 : f32
    %broadcast_in_dim3A_4129 = vector.broadcast %broadcast_in_dim3A_4128 : f32 to vector<16xf32>
    %get3A_4130 = arith.constant 0 : i32
    %get3A_4131 = arith.index_cast %get3A_4130 : i32 to index
    %get3A_4132 = arith.constant 1008 : index
    %get3A_4133 = tpu.vector_load %arg6[%get3A_4131, %get3A_4132] {strides = array<i32>} : memref<8x1024xf32, #tpu.memory_space<vmem>>, vector<16xf32>,
    %mul3A_4134 = vector.broadcast %squeeze3A : f32 to vector<16xf32>
    %mul3A_4135 = arith.mulf %mul3A_4134, %get3A_4133 : vector<16xf32>
    %add3A_4136 = arith.addf %broadcast_in_dim3A_4129, %mul3A_4135 : vector<16xf32>
    %get3A_4137 = arith.constant 1 : i32
    %get3A_4138 = arith.index_cast %get3A_4137 : i32 to index
    %get3A_4139 = arith.constant 1008 : index
    %get3A_4140 = tpu.vector_load %arg6[%get3A_4138, %get3A_4139] {strides = array<i32>} : memref<8x1024xf32, #tpu.memory_space<vmem>>, vector<16xf32>,
    %mul3A_4141 = vector.broadcast %squeeze3A_211 : f32 to vector<16xf32>
    %mul3A_4142 = arith.mulf %mul3A_4141, %get3A_4140 : vector<16xf32>
    %add3A_4143 = arith.addf %add3A_4136, %mul3A_4142 : vector<16xf32>
    %get3A_4144 = arith.constant 2 : i32
    %get3A_4145 = arith.index_cast %get3A_4144 : i32 to index
    %get3A_4146 = arith.constant 1008 : index
    %get3A_4147 = tpu.vector_load %arg6[%get3A_4145, %get3A_4146] {strides = array<i32>} : memref<8x1024xf32, #tpu.memory_space<vmem>>, vector<16xf32>,
    %mul3A_4148 = vector.broadcast %squeeze3A_213 : f32 to vector<16xf32>
    %mul3A_4149 = arith.mulf %mul3A_4148, %get3A_4147 : vector<16xf32>
    %add3A_4150 = arith.addf %add3A_4143, %mul3A_4149 : vector<16xf32>
    %get3A_4151 = arith.constant 3 : i32
    %get3A_4152 = arith.index_cast %get3A_4151 : i32 to index
    %get3A_4153 = arith.constant 1008 : index
    %get3A_4154 = tpu.vector_load %arg6[%get3A_4152, %get3A_4153] {strides = array<i32>} : memref<8x1024xf32, #tpu.memory_space<vmem>>, vector<16xf32>,
    %mul3A_4155 = vector.broadcast %squeeze3A_215 : f32 to vector<16xf32>
    %mul3A_4156 = arith.mulf %mul3A_4155, %get3A_4154 : vector<16xf32>
    %add3A_4157 = arith.addf %add3A_4150, %mul3A_4156 : vector<16xf32>
    %get3A_4158 = arith.constant 4 : i32
    %get3A_4159 = arith.index_cast %get3A_4158 : i32 to index
    %get3A_4160 = arith.constant 1008 : index
    %get3A_4161 = tpu.vector_load %arg6[%get3A_4159, %get3A_4160] {strides = array<i32>} : memref<8x1024xf32, #tpu.memory_space<vmem>>, vector<16xf32>,
    %mul3A_4162 = vector.broadcast %squeeze3A_217 : f32 to vector<16xf32>
    %mul3A_4163 = arith.mulf %mul3A_4162, %get3A_4161 : vector<16xf32>
    %add3A_4164 = arith.addf %add3A_4157, %mul3A_4163 : vector<16xf32>
    %get3A_4165 = arith.constant 5 : i32
    %get3A_4166 = arith.index_cast %get3A_4165 : i32 to index
    %get3A_4167 = arith.constant 1008 : index
    %get3A_4168 = tpu.vector_load %arg6[%get3A_4166, %get3A_4167] {strides = array<i32>} : memref<8x1024xf32, #tpu.memory_space<vmem>>, vector<16xf32>,
    %mul3A_4169 = vector.broadcast %squeeze3A_219 : f32 to vector<16xf32>
    %mul3A_4170 = arith.mulf %mul3A_4169, %get3A_4168 : vector<16xf32>
    %add3A_4171 = arith.addf %add3A_4164, %mul3A_4170 : vector<16xf32>
    %get3A_4172 = arith.constant 6 : i32
    %get3A_4173 = arith.index_cast %get3A_4172 : i32 to index
    %get3A_4174 = arith.constant 1008 : index
    %get3A_4175 = tpu.vector_load %arg6[%get3A_4173, %get3A_4174] {strides = array<i32>} : memref<8x1024xf32, #tpu.memory_space<vmem>>, vector<16xf32>,
    %mul3A_4176 = vector.broadcast %squeeze3A_221 : f32 to vector<16xf32>
    %mul3A_4177 = arith.mulf %mul3A_4176, %get3A_4175 : vector<16xf32>
    %add3A_4178 = arith.addf %add3A_4171, %mul3A_4177 : vector<16xf32>
    %get3A_4179 = arith.constant 7 : i32
    %get3A_4180 = arith.index_cast %get3A_4179 : i32 to index
    %get3A_4181 = arith.constant 1008 : index
    %get3A_4182 = tpu.vector_load %arg6[%get3A_4180, %get3A_4181] {strides = array<i32>} : memref<8x1024xf32, #tpu.memory_space<vmem>>, vector<16xf32>,
    %mul3A_4183 = vector.broadcast %squeeze3A_223 : f32 to vector<16xf32>
    %mul3A_4184 = arith.mulf %mul3A_4183, %get3A_4182 : vector<16xf32>
    %add3A_4185 = arith.addf %add3A_4178, %mul3A_4184 : vector<16xf32>
    %swap3A_4186 = arith.constant 0 : i32
    %swap3A_4187 = arith.index_cast %swap3A_4186 : i32 to index
    %swap3A_4188 = arith.constant 1008 : index
    %swap3A_4189 = tpu.vector_load %arg7[%swap3A_4187, %swap3A_4188] {strides = array<i32>} : memref<1x1024xf32, #tpu.memory_space<vmem>>, vector<16xf32>,
    tpu.vector_store %arg7[%swap3A_4187, %swap3A_4188], %add3A_4185 {strides = array<i32>} : memref<1x1024xf32, #tpu.memory_space<vmem>>, vector<16xf32>,
    "tpu.region"() ({
      %run_scoped3A = tpu.sem_alloc : memref<!tpu.dma_semaphore, #tpu.memory_space<semaphore_mem>>
      %dma_start3A_4190 = arith.constant 0 : i32
      %dma_start3A_4191 = tpu.memref_slice %arg4[%add3A, %dma_start3A_4190] : memref<32x1024xf32, #tpu.memory_space<hbm>> -> memref<1x1024xf32, #tpu.memory_space<hbm>>
      %dma_start3A_4192 = arith.constant 0 : i32
      %dma_start3A_4193 = tpu.memref_slice %arg4[%add3A, %dma_start3A_4192] : memref<32x1024xf32, #tpu.memory_space<hbm>> -> memref<1x1024xf32, #tpu.memory_space<hbm>>
      tpu.enqueue_dma source(%arg7 : memref<1x1024xf32, #tpu.memory_space<vmem>>) target(%dma_start3A_4193 : memref<1x1024xf32, #tpu.memory_space<hbm>>) target_semaphore(%run_scoped3A : memref<!tpu.dma_semaphore, #tpu.memory_space<semaphore_mem>>)
      %dma_wait3A_4194 = arith.constant 0 : i32
      %dma_wait3A_4195 = tpu.memref_slice %arg4[%add3A, %dma_wait3A_4194] : memref<32x1024xf32, #tpu.memory_space<hbm>> -> memref<1x1024xf32, #tpu.memory_space<hbm>>
      %dma_wait3A_4196 = arith.constant 0 : i32
      %dma_wait3A_4197 = tpu.memref_slice %arg4[%add3A, %dma_wait3A_4196] : memref<32x1024xf32, #tpu.memory_space<hbm>> -> memref<1x1024xf32, #tpu.memory_space<hbm>>
      tpu.wait_dma2 semaphore(%run_scoped3A : memref<!tpu.dma_semaphore, #tpu.memory_space<semaphore_mem>>) src(%arg7 : memref<1x1024xf32, #tpu.memory_space<vmem>>) dst(%dma_wait3A_4197 : memref<1x1024xf32, #tpu.memory_space<hbm>>)
      tpu.yield
    }) : () -> ()
    return
  }
}

#map = affine_map<(d0, d1) -> (0, 0)>
module attributes {stable_mosaic.version = 14 : i64} {
  func.func @_sc_router(%arg0: i32, %arg1: i32, %arg2: memref<32x1024xf32, #tpu.memory_space<hbm>>, %arg3: memref<8x1024xf32, #tpu.memory_space<hbm>>, %arg4: memref<32x16xf32, #tpu.memory_space<hbm>>, %arg5: memref<1x1024xf32, #tpu.memory_space<vmem>>, %arg6: memref<8x1024xf32, #tpu.memory_space<vmem>>, %arg7: memref<1x16xf32, #tpu.memory_space<vmem>>) attributes {dimension_semantics = [#tpu.dimension_semantics<core_parallel>, #tpu.dimension_semantics<subcore_parallel>], iteration_bounds = array<i64: 2, 16>, scalar_prefetch = 0 : i64, scratch_operands = 3 : i64, tpu.core_type = #tpu.core_type<sc_vector_subcore>, window_params = [{transform_indices = #map}, {transform_indices = #map}, {transform_indices = #map}]} {
    %mul3A = arith.constant 2 : i32
    %mul3A_0 = arith.muli %arg1, %mul3A : i32
    %add3A = arith.addi %mul3A_0, %arg0 : i32
    "tpu.region"() ({
      %run_scoped3A = tpu.sem_alloc : memref<!tpu.dma_semaphore, #tpu.memory_space<semaphore_mem>>
      %dma_start3A = arith.constant 0 : i32
      %dma_start3A_195 = tpu.memref_slice %arg2[%add3A, %dma_start3A] : memref<32x1024xf32, #tpu.memory_space<hbm>> -> memref<1x1024xf32, #tpu.memory_space<hbm>>
      %dma_start3A_196 = arith.constant 0 : i32
      %dma_start3A_197 = tpu.memref_slice %arg2[%add3A, %dma_start3A_196] : memref<32x1024xf32, #tpu.memory_space<hbm>> -> memref<1x1024xf32, #tpu.memory_space<hbm>>
      tpu.enqueue_dma source(%dma_start3A_197 : memref<1x1024xf32, #tpu.memory_space<hbm>>) target(%arg5 : memref<1x1024xf32, #tpu.memory_space<vmem>>) target_semaphore(%run_scoped3A : memref<!tpu.dma_semaphore, #tpu.memory_space<semaphore_mem>>)
      %dma_wait3A = arith.constant 0 : i32
      %dma_wait3A_198 = tpu.memref_slice %arg2[%add3A, %dma_wait3A] : memref<32x1024xf32, #tpu.memory_space<hbm>> -> memref<1x1024xf32, #tpu.memory_space<hbm>>
      %dma_wait3A_199 = arith.constant 0 : i32
      %dma_wait3A_200 = tpu.memref_slice %arg2[%add3A, %dma_wait3A_199] : memref<32x1024xf32, #tpu.memory_space<hbm>> -> memref<1x1024xf32, #tpu.memory_space<hbm>>
      tpu.wait_dma2 semaphore(%run_scoped3A : memref<!tpu.dma_semaphore, #tpu.memory_space<semaphore_mem>>) src(%dma_wait3A_200 : memref<1x1024xf32, #tpu.memory_space<hbm>>) dst(%arg5 : memref<1x1024xf32, #tpu.memory_space<vmem>>)
      tpu.yield
    }) : () -> ()
    "tpu.region"() ({
      %run_scoped3A = tpu.sem_alloc : memref<!tpu.dma_semaphore, #tpu.memory_space<semaphore_mem>>
      tpu.enqueue_dma source(%arg3 : memref<8x1024xf32, #tpu.memory_space<hbm>>) target(%arg6 : memref<8x1024xf32, #tpu.memory_space<vmem>>) target_semaphore(%run_scoped3A : memref<!tpu.dma_semaphore, #tpu.memory_space<semaphore_mem>>)
      tpu.wait_dma2 semaphore(%run_scoped3A : memref<!tpu.dma_semaphore, #tpu.memory_space<semaphore_mem>>) src(%arg3 : memref<8x1024xf32, #tpu.memory_space<hbm>>) dst(%arg6 : memref<8x1024xf32, #tpu.memory_space<vmem>>)
      tpu.yield
    }) : () -> ()
    %iota3A = tpu.iota {dimensions = array<i32: 0>} : vector<16xi32>
    %broadcast_in_dim3A = arith.constant 0xFF800000 : f32
    %broadcast_in_dim3A_1 = vector.broadcast %broadcast_in_dim3A : f32 to vector<16xf32>
    %broadcast_in_dim3A_2 = arith.constant 0.000000e+00 : f32
    %broadcast_in_dim3A_3 = vector.broadcast %broadcast_in_dim3A_2 : f32 to vector<16xf32>
    %scan3A = arith.constant 0 : i32
    %scan3A_4 = arith.constant 64 : i32
    %scan3A_5 = arith.addi %scan3A, %scan3A_4 : i32
    %scan3A_6 = arith.constant 1 : i32
    %scan3A_7 = scf.for %scan3A_195 = %scan3A to %scan3A_5 step %scan3A_6 iter_args(%scan3A_196 = %broadcast_in_dim3A_3) -> (vector<16xf32>)  : i32 {
      %mul3A_197 = arith.constant 16 : i32
      %mul3A_198 = arith.muli %scan3A_195, %mul3A_197 : i32
      %get3A = arith.constant 0 : i32
      %get3A_199 = arith.index_cast %get3A : i32 to index
      %get3A_200 = arith.index_cast %mul3A_198 : i32 to index
      %get3A_201 = tpu.vector_load %arg5[%get3A_199, %get3A_200] {strides = array<i32>} : memref<1x1024xf32, #tpu.memory_space<vmem>>, vector<16xf32>,
      %mul3A_202 = arith.constant 16 : i32
      %mul3A_203 = arith.muli %scan3A_195, %mul3A_202 : i32
      %get3A_204 = arith.constant 0 : i32
      %get3A_205 = arith.index_cast %get3A_204 : i32 to index
      %get3A_206 = arith.index_cast %mul3A_203 : i32 to index
      %get3A_207 = tpu.vector_load %arg6[%get3A_205, %get3A_206] {strides = array<i32>} : memref<8x1024xf32, #tpu.memory_space<vmem>>, vector<16xf32>,
      %mul3A_208 = arith.mulf %get3A_201, %get3A_207 : vector<16xf32>
      %add3A_209 = arith.addf %scan3A_196, %mul3A_208 : vector<16xf32>
      scf.yield %add3A_209 : vector<16xf32>
    }
    %scan3A_8 = arith.constant 64 : i32
    %eq3A = arith.constant 0 : i32
    %eq3A_9 = vector.broadcast %eq3A : i32 to vector<16xi32>
    %eq3A_10 = arith.cmpi eq, %iota3A, %eq3A_9 : vector<16xi32>
    %reduce_sum3A = arith.constant true
    %reduce_sum3A_11 = vector.broadcast %reduce_sum3A : i1 to vector<16xi1>
    %reduce_sum3A_12 = tpu.scan <sum>, %scan3A_7 masked %reduce_sum3A_11 : vector<16xf32>, vector<16xi1> -> vector<16xf32>
    %reduce_sum3A_13 = vector.extract %reduce_sum3A_12[15] : f32 from vector<16xf32>
    %broadcast_in_dim3A_14 = vector.broadcast %reduce_sum3A_13 : f32 to vector<16xf32>
    %select_n3A = arith.select %eq3A_10, %broadcast_in_dim3A_14, %broadcast_in_dim3A_1 : vector<16xi1>, vector<16xf32>
    %broadcast_in_dim3A_15 = arith.constant 0.000000e+00 : f32
    %broadcast_in_dim3A_16 = vector.broadcast %broadcast_in_dim3A_15 : f32 to vector<16xf32>
    %scan3A_17 = arith.constant 0 : i32
    %scan3A_18 = arith.constant 64 : i32
    %scan3A_19 = arith.addi %scan3A_17, %scan3A_18 : i32
    %scan3A_20 = arith.constant 1 : i32
    %scan3A_21 = scf.for %scan3A_195 = %scan3A_17 to %scan3A_19 step %scan3A_20 iter_args(%scan3A_196 = %broadcast_in_dim3A_16) -> (vector<16xf32>)  : i32 {
      %mul3A_197 = arith.constant 16 : i32
      %mul3A_198 = arith.muli %scan3A_195, %mul3A_197 : i32
      %get3A = arith.constant 0 : i32
      %get3A_199 = arith.index_cast %get3A : i32 to index
      %get3A_200 = arith.index_cast %mul3A_198 : i32 to index
      %get3A_201 = tpu.vector_load %arg5[%get3A_199, %get3A_200] {strides = array<i32>} : memref<1x1024xf32, #tpu.memory_space<vmem>>, vector<16xf32>,
      %mul3A_202 = arith.constant 16 : i32
      %mul3A_203 = arith.muli %scan3A_195, %mul3A_202 : i32
      %get3A_204 = arith.constant 1 : i32
      %get3A_205 = arith.index_cast %get3A_204 : i32 to index
      %get3A_206 = arith.index_cast %mul3A_203 : i32 to index
      %get3A_207 = tpu.vector_load %arg6[%get3A_205, %get3A_206] {strides = array<i32>} : memref<8x1024xf32, #tpu.memory_space<vmem>>, vector<16xf32>,
      %mul3A_208 = arith.mulf %get3A_201, %get3A_207 : vector<16xf32>
      %add3A_209 = arith.addf %scan3A_196, %mul3A_208 : vector<16xf32>
      scf.yield %add3A_209 : vector<16xf32>
    }
    %scan3A_22 = arith.constant 64 : i32
    %eq3A_23 = arith.constant 1 : i32
    %eq3A_24 = vector.broadcast %eq3A_23 : i32 to vector<16xi32>
    %eq3A_25 = arith.cmpi eq, %iota3A, %eq3A_24 : vector<16xi32>
    %reduce_sum3A_26 = arith.constant true
    %reduce_sum3A_27 = vector.broadcast %reduce_sum3A_26 : i1 to vector<16xi1>
    %reduce_sum3A_28 = tpu.scan <sum>, %scan3A_21 masked %reduce_sum3A_27 : vector<16xf32>, vector<16xi1> -> vector<16xf32>
    %reduce_sum3A_29 = vector.extract %reduce_sum3A_28[15] : f32 from vector<16xf32>
    %broadcast_in_dim3A_30 = vector.broadcast %reduce_sum3A_29 : f32 to vector<16xf32>
    %select_n3A_31 = arith.select %eq3A_25, %broadcast_in_dim3A_30, %select_n3A : vector<16xi1>, vector<16xf32>
    %broadcast_in_dim3A_32 = arith.constant 0.000000e+00 : f32
    %broadcast_in_dim3A_33 = vector.broadcast %broadcast_in_dim3A_32 : f32 to vector<16xf32>
    %scan3A_34 = arith.constant 0 : i32
    %scan3A_35 = arith.constant 64 : i32
    %scan3A_36 = arith.addi %scan3A_34, %scan3A_35 : i32
    %scan3A_37 = arith.constant 1 : i32
    %scan3A_38 = scf.for %scan3A_195 = %scan3A_34 to %scan3A_36 step %scan3A_37 iter_args(%scan3A_196 = %broadcast_in_dim3A_33) -> (vector<16xf32>)  : i32 {
      %mul3A_197 = arith.constant 16 : i32
      %mul3A_198 = arith.muli %scan3A_195, %mul3A_197 : i32
      %get3A = arith.constant 0 : i32
      %get3A_199 = arith.index_cast %get3A : i32 to index
      %get3A_200 = arith.index_cast %mul3A_198 : i32 to index
      %get3A_201 = tpu.vector_load %arg5[%get3A_199, %get3A_200] {strides = array<i32>} : memref<1x1024xf32, #tpu.memory_space<vmem>>, vector<16xf32>,
      %mul3A_202 = arith.constant 16 : i32
      %mul3A_203 = arith.muli %scan3A_195, %mul3A_202 : i32
      %get3A_204 = arith.constant 2 : i32
      %get3A_205 = arith.index_cast %get3A_204 : i32 to index
      %get3A_206 = arith.index_cast %mul3A_203 : i32 to index
      %get3A_207 = tpu.vector_load %arg6[%get3A_205, %get3A_206] {strides = array<i32>} : memref<8x1024xf32, #tpu.memory_space<vmem>>, vector<16xf32>,
      %mul3A_208 = arith.mulf %get3A_201, %get3A_207 : vector<16xf32>
      %add3A_209 = arith.addf %scan3A_196, %mul3A_208 : vector<16xf32>
      scf.yield %add3A_209 : vector<16xf32>
    }
    %scan3A_39 = arith.constant 64 : i32
    %eq3A_40 = arith.constant 2 : i32
    %eq3A_41 = vector.broadcast %eq3A_40 : i32 to vector<16xi32>
    %eq3A_42 = arith.cmpi eq, %iota3A, %eq3A_41 : vector<16xi32>
    %reduce_sum3A_43 = arith.constant true
    %reduce_sum3A_44 = vector.broadcast %reduce_sum3A_43 : i1 to vector<16xi1>
    %reduce_sum3A_45 = tpu.scan <sum>, %scan3A_38 masked %reduce_sum3A_44 : vector<16xf32>, vector<16xi1> -> vector<16xf32>
    %reduce_sum3A_46 = vector.extract %reduce_sum3A_45[15] : f32 from vector<16xf32>
    %broadcast_in_dim3A_47 = vector.broadcast %reduce_sum3A_46 : f32 to vector<16xf32>
    %select_n3A_48 = arith.select %eq3A_42, %broadcast_in_dim3A_47, %select_n3A_31 : vector<16xi1>, vector<16xf32>
    %broadcast_in_dim3A_49 = arith.constant 0.000000e+00 : f32
    %broadcast_in_dim3A_50 = vector.broadcast %broadcast_in_dim3A_49 : f32 to vector<16xf32>
    %scan3A_51 = arith.constant 0 : i32
    %scan3A_52 = arith.constant 64 : i32
    %scan3A_53 = arith.addi %scan3A_51, %scan3A_52 : i32
    %scan3A_54 = arith.constant 1 : i32
    %scan3A_55 = scf.for %scan3A_195 = %scan3A_51 to %scan3A_53 step %scan3A_54 iter_args(%scan3A_196 = %broadcast_in_dim3A_50) -> (vector<16xf32>)  : i32 {
      %mul3A_197 = arith.constant 16 : i32
      %mul3A_198 = arith.muli %scan3A_195, %mul3A_197 : i32
      %get3A = arith.constant 0 : i32
      %get3A_199 = arith.index_cast %get3A : i32 to index
      %get3A_200 = arith.index_cast %mul3A_198 : i32 to index
      %get3A_201 = tpu.vector_load %arg5[%get3A_199, %get3A_200] {strides = array<i32>} : memref<1x1024xf32, #tpu.memory_space<vmem>>, vector<16xf32>,
      %mul3A_202 = arith.constant 16 : i32
      %mul3A_203 = arith.muli %scan3A_195, %mul3A_202 : i32
      %get3A_204 = arith.constant 3 : i32
      %get3A_205 = arith.index_cast %get3A_204 : i32 to index
      %get3A_206 = arith.index_cast %mul3A_203 : i32 to index
      %get3A_207 = tpu.vector_load %arg6[%get3A_205, %get3A_206] {strides = array<i32>} : memref<8x1024xf32, #tpu.memory_space<vmem>>, vector<16xf32>,
      %mul3A_208 = arith.mulf %get3A_201, %get3A_207 : vector<16xf32>
      %add3A_209 = arith.addf %scan3A_196, %mul3A_208 : vector<16xf32>
      scf.yield %add3A_209 : vector<16xf32>
    }
    %scan3A_56 = arith.constant 64 : i32
    %eq3A_57 = arith.constant 3 : i32
    %eq3A_58 = vector.broadcast %eq3A_57 : i32 to vector<16xi32>
    %eq3A_59 = arith.cmpi eq, %iota3A, %eq3A_58 : vector<16xi32>
    %reduce_sum3A_60 = arith.constant true
    %reduce_sum3A_61 = vector.broadcast %reduce_sum3A_60 : i1 to vector<16xi1>
    %reduce_sum3A_62 = tpu.scan <sum>, %scan3A_55 masked %reduce_sum3A_61 : vector<16xf32>, vector<16xi1> -> vector<16xf32>
    %reduce_sum3A_63 = vector.extract %reduce_sum3A_62[15] : f32 from vector<16xf32>
    %broadcast_in_dim3A_64 = vector.broadcast %reduce_sum3A_63 : f32 to vector<16xf32>
    %select_n3A_65 = arith.select %eq3A_59, %broadcast_in_dim3A_64, %select_n3A_48 : vector<16xi1>, vector<16xf32>
    %broadcast_in_dim3A_66 = arith.constant 0.000000e+00 : f32
    %broadcast_in_dim3A_67 = vector.broadcast %broadcast_in_dim3A_66 : f32 to vector<16xf32>
    %scan3A_68 = arith.constant 0 : i32
    %scan3A_69 = arith.constant 64 : i32
    %scan3A_70 = arith.addi %scan3A_68, %scan3A_69 : i32
    %scan3A_71 = arith.constant 1 : i32
    %scan3A_72 = scf.for %scan3A_195 = %scan3A_68 to %scan3A_70 step %scan3A_71 iter_args(%scan3A_196 = %broadcast_in_dim3A_67) -> (vector<16xf32>)  : i32 {
      %mul3A_197 = arith.constant 16 : i32
      %mul3A_198 = arith.muli %scan3A_195, %mul3A_197 : i32
      %get3A = arith.constant 0 : i32
      %get3A_199 = arith.index_cast %get3A : i32 to index
      %get3A_200 = arith.index_cast %mul3A_198 : i32 to index
      %get3A_201 = tpu.vector_load %arg5[%get3A_199, %get3A_200] {strides = array<i32>} : memref<1x1024xf32, #tpu.memory_space<vmem>>, vector<16xf32>,
      %mul3A_202 = arith.constant 16 : i32
      %mul3A_203 = arith.muli %scan3A_195, %mul3A_202 : i32
      %get3A_204 = arith.constant 4 : i32
      %get3A_205 = arith.index_cast %get3A_204 : i32 to index
      %get3A_206 = arith.index_cast %mul3A_203 : i32 to index
      %get3A_207 = tpu.vector_load %arg6[%get3A_205, %get3A_206] {strides = array<i32>} : memref<8x1024xf32, #tpu.memory_space<vmem>>, vector<16xf32>,
      %mul3A_208 = arith.mulf %get3A_201, %get3A_207 : vector<16xf32>
      %add3A_209 = arith.addf %scan3A_196, %mul3A_208 : vector<16xf32>
      scf.yield %add3A_209 : vector<16xf32>
    }
    %scan3A_73 = arith.constant 64 : i32
    %eq3A_74 = arith.constant 4 : i32
    %eq3A_75 = vector.broadcast %eq3A_74 : i32 to vector<16xi32>
    %eq3A_76 = arith.cmpi eq, %iota3A, %eq3A_75 : vector<16xi32>
    %reduce_sum3A_77 = arith.constant true
    %reduce_sum3A_78 = vector.broadcast %reduce_sum3A_77 : i1 to vector<16xi1>
    %reduce_sum3A_79 = tpu.scan <sum>, %scan3A_72 masked %reduce_sum3A_78 : vector<16xf32>, vector<16xi1> -> vector<16xf32>
    %reduce_sum3A_80 = vector.extract %reduce_sum3A_79[15] : f32 from vector<16xf32>
    %broadcast_in_dim3A_81 = vector.broadcast %reduce_sum3A_80 : f32 to vector<16xf32>
    %select_n3A_82 = arith.select %eq3A_76, %broadcast_in_dim3A_81, %select_n3A_65 : vector<16xi1>, vector<16xf32>
    %broadcast_in_dim3A_83 = arith.constant 0.000000e+00 : f32
    %broadcast_in_dim3A_84 = vector.broadcast %broadcast_in_dim3A_83 : f32 to vector<16xf32>
    %scan3A_85 = arith.constant 0 : i32
    %scan3A_86 = arith.constant 64 : i32
    %scan3A_87 = arith.addi %scan3A_85, %scan3A_86 : i32
    %scan3A_88 = arith.constant 1 : i32
    %scan3A_89 = scf.for %scan3A_195 = %scan3A_85 to %scan3A_87 step %scan3A_88 iter_args(%scan3A_196 = %broadcast_in_dim3A_84) -> (vector<16xf32>)  : i32 {
      %mul3A_197 = arith.constant 16 : i32
      %mul3A_198 = arith.muli %scan3A_195, %mul3A_197 : i32
      %get3A = arith.constant 0 : i32
      %get3A_199 = arith.index_cast %get3A : i32 to index
      %get3A_200 = arith.index_cast %mul3A_198 : i32 to index
      %get3A_201 = tpu.vector_load %arg5[%get3A_199, %get3A_200] {strides = array<i32>} : memref<1x1024xf32, #tpu.memory_space<vmem>>, vector<16xf32>,
      %mul3A_202 = arith.constant 16 : i32
      %mul3A_203 = arith.muli %scan3A_195, %mul3A_202 : i32
      %get3A_204 = arith.constant 5 : i32
      %get3A_205 = arith.index_cast %get3A_204 : i32 to index
      %get3A_206 = arith.index_cast %mul3A_203 : i32 to index
      %get3A_207 = tpu.vector_load %arg6[%get3A_205, %get3A_206] {strides = array<i32>} : memref<8x1024xf32, #tpu.memory_space<vmem>>, vector<16xf32>,
      %mul3A_208 = arith.mulf %get3A_201, %get3A_207 : vector<16xf32>
      %add3A_209 = arith.addf %scan3A_196, %mul3A_208 : vector<16xf32>
      scf.yield %add3A_209 : vector<16xf32>
    }
    %scan3A_90 = arith.constant 64 : i32
    %eq3A_91 = arith.constant 5 : i32
    %eq3A_92 = vector.broadcast %eq3A_91 : i32 to vector<16xi32>
    %eq3A_93 = arith.cmpi eq, %iota3A, %eq3A_92 : vector<16xi32>
    %reduce_sum3A_94 = arith.constant true
    %reduce_sum3A_95 = vector.broadcast %reduce_sum3A_94 : i1 to vector<16xi1>
    %reduce_sum3A_96 = tpu.scan <sum>, %scan3A_89 masked %reduce_sum3A_95 : vector<16xf32>, vector<16xi1> -> vector<16xf32>
    %reduce_sum3A_97 = vector.extract %reduce_sum3A_96[15] : f32 from vector<16xf32>
    %broadcast_in_dim3A_98 = vector.broadcast %reduce_sum3A_97 : f32 to vector<16xf32>
    %select_n3A_99 = arith.select %eq3A_93, %broadcast_in_dim3A_98, %select_n3A_82 : vector<16xi1>, vector<16xf32>
    %broadcast_in_dim3A_100 = arith.constant 0.000000e+00 : f32
    %broadcast_in_dim3A_101 = vector.broadcast %broadcast_in_dim3A_100 : f32 to vector<16xf32>
    %scan3A_102 = arith.constant 0 : i32
    %scan3A_103 = arith.constant 64 : i32
    %scan3A_104 = arith.addi %scan3A_102, %scan3A_103 : i32
    %scan3A_105 = arith.constant 1 : i32
    %scan3A_106 = scf.for %scan3A_195 = %scan3A_102 to %scan3A_104 step %scan3A_105 iter_args(%scan3A_196 = %broadcast_in_dim3A_101) -> (vector<16xf32>)  : i32 {
      %mul3A_197 = arith.constant 16 : i32
      %mul3A_198 = arith.muli %scan3A_195, %mul3A_197 : i32
      %get3A = arith.constant 0 : i32
      %get3A_199 = arith.index_cast %get3A : i32 to index
      %get3A_200 = arith.index_cast %mul3A_198 : i32 to index
      %get3A_201 = tpu.vector_load %arg5[%get3A_199, %get3A_200] {strides = array<i32>} : memref<1x1024xf32, #tpu.memory_space<vmem>>, vector<16xf32>,
      %mul3A_202 = arith.constant 16 : i32
      %mul3A_203 = arith.muli %scan3A_195, %mul3A_202 : i32
      %get3A_204 = arith.constant 6 : i32
      %get3A_205 = arith.index_cast %get3A_204 : i32 to index
      %get3A_206 = arith.index_cast %mul3A_203 : i32 to index
      %get3A_207 = tpu.vector_load %arg6[%get3A_205, %get3A_206] {strides = array<i32>} : memref<8x1024xf32, #tpu.memory_space<vmem>>, vector<16xf32>,
      %mul3A_208 = arith.mulf %get3A_201, %get3A_207 : vector<16xf32>
      %add3A_209 = arith.addf %scan3A_196, %mul3A_208 : vector<16xf32>
      scf.yield %add3A_209 : vector<16xf32>
    }
    %scan3A_107 = arith.constant 64 : i32
    %eq3A_108 = arith.constant 6 : i32
    %eq3A_109 = vector.broadcast %eq3A_108 : i32 to vector<16xi32>
    %eq3A_110 = arith.cmpi eq, %iota3A, %eq3A_109 : vector<16xi32>
    %reduce_sum3A_111 = arith.constant true
    %reduce_sum3A_112 = vector.broadcast %reduce_sum3A_111 : i1 to vector<16xi1>
    %reduce_sum3A_113 = tpu.scan <sum>, %scan3A_106 masked %reduce_sum3A_112 : vector<16xf32>, vector<16xi1> -> vector<16xf32>
    %reduce_sum3A_114 = vector.extract %reduce_sum3A_113[15] : f32 from vector<16xf32>
    %broadcast_in_dim3A_115 = vector.broadcast %reduce_sum3A_114 : f32 to vector<16xf32>
    %select_n3A_116 = arith.select %eq3A_110, %broadcast_in_dim3A_115, %select_n3A_99 : vector<16xi1>, vector<16xf32>
    %broadcast_in_dim3A_117 = arith.constant 0.000000e+00 : f32
    %broadcast_in_dim3A_118 = vector.broadcast %broadcast_in_dim3A_117 : f32 to vector<16xf32>
    %scan3A_119 = arith.constant 0 : i32
    %scan3A_120 = arith.constant 64 : i32
    %scan3A_121 = arith.addi %scan3A_119, %scan3A_120 : i32
    %scan3A_122 = arith.constant 1 : i32
    %scan3A_123 = scf.for %scan3A_195 = %scan3A_119 to %scan3A_121 step %scan3A_122 iter_args(%scan3A_196 = %broadcast_in_dim3A_118) -> (vector<16xf32>)  : i32 {
      %mul3A_197 = arith.constant 16 : i32
      %mul3A_198 = arith.muli %scan3A_195, %mul3A_197 : i32
      %get3A = arith.constant 0 : i32
      %get3A_199 = arith.index_cast %get3A : i32 to index
      %get3A_200 = arith.index_cast %mul3A_198 : i32 to index
      %get3A_201 = tpu.vector_load %arg5[%get3A_199, %get3A_200] {strides = array<i32>} : memref<1x1024xf32, #tpu.memory_space<vmem>>, vector<16xf32>,
      %mul3A_202 = arith.constant 16 : i32
      %mul3A_203 = arith.muli %scan3A_195, %mul3A_202 : i32
      %get3A_204 = arith.constant 7 : i32
      %get3A_205 = arith.index_cast %get3A_204 : i32 to index
      %get3A_206 = arith.index_cast %mul3A_203 : i32 to index
      %get3A_207 = tpu.vector_load %arg6[%get3A_205, %get3A_206] {strides = array<i32>} : memref<8x1024xf32, #tpu.memory_space<vmem>>, vector<16xf32>,
      %mul3A_208 = arith.mulf %get3A_201, %get3A_207 : vector<16xf32>
      %add3A_209 = arith.addf %scan3A_196, %mul3A_208 : vector<16xf32>
      scf.yield %add3A_209 : vector<16xf32>
    }
    %scan3A_124 = arith.constant 64 : i32
    %eq3A_125 = arith.constant 7 : i32
    %eq3A_126 = vector.broadcast %eq3A_125 : i32 to vector<16xi32>
    %eq3A_127 = arith.cmpi eq, %iota3A, %eq3A_126 : vector<16xi32>
    %reduce_sum3A_128 = arith.constant true
    %reduce_sum3A_129 = vector.broadcast %reduce_sum3A_128 : i1 to vector<16xi1>
    %reduce_sum3A_130 = tpu.scan <sum>, %scan3A_123 masked %reduce_sum3A_129 : vector<16xf32>, vector<16xi1> -> vector<16xf32>
    %reduce_sum3A_131 = vector.extract %reduce_sum3A_130[15] : f32 from vector<16xf32>
    %broadcast_in_dim3A_132 = vector.broadcast %reduce_sum3A_131 : f32 to vector<16xf32>
    %select_n3A_133 = arith.select %eq3A_127, %broadcast_in_dim3A_132, %select_n3A_116 : vector<16xi1>, vector<16xf32>
    %reduce_max3A = arith.constant true
    %reduce_max3A_134 = vector.broadcast %reduce_max3A : i1 to vector<16xi1>
    %reduce_max3A_135 = tpu.scan <max>, %select_n3A_133 masked %reduce_max3A_134 : vector<16xf32>, vector<16xi1> -> vector<16xf32>
    %reduce_max3A_136 = vector.extract %reduce_max3A_135[15] : f32 from vector<16xf32>
    %eq3A_137 = vector.broadcast %reduce_max3A_136 : f32 to vector<16xf32>
    %eq3A_138 = arith.cmpf oeq, %select_n3A_133, %eq3A_137 : vector<16xf32>
    %jit3A = arith.constant 16 : i32
    %broadcast_in_dim3A_139 = vector.broadcast %jit3A : i32 to vector<16xi32>
    %select_n3A_140 = arith.select %eq3A_138, %iota3A, %broadcast_in_dim3A_139 : vector<16xi1>, vector<16xi32>
    %reduce_min3A = arith.constant true
    %reduce_min3A_141 = vector.broadcast %reduce_min3A : i1 to vector<16xi1>
    %reduce_min3A_142 = arith.constant -2147483648 : i32
    %reduce_min3A_143 = vector.broadcast %reduce_min3A_142 : i32 to vector<16xi32>
    %reduce_min3A_144 = arith.xori %select_n3A_140, %reduce_min3A_143 : vector<16xi32>
    %reduce_min3A_145 = tpu.scan <min>, %reduce_min3A_144 masked %reduce_min3A_141 : vector<16xi32>, vector<16xi1> -> vector<16xi32>
    %reduce_min3A_146 = arith.xori %reduce_min3A_145, %reduce_min3A_143 : vector<16xi32>
    %reduce_min3A_147 = vector.extract %reduce_min3A_146[15] : i32 from vector<16xi32>
    %eq3A_148 = vector.broadcast %reduce_min3A_147 : i32 to vector<16xi32>
    %eq3A_149 = arith.cmpi eq, %iota3A, %eq3A_148 : vector<16xi32>
    %jit3A_150 = arith.constant 0xFF800000 : f32
    %broadcast_in_dim3A_151 = vector.broadcast %jit3A_150 : f32 to vector<16xf32>
    %select_n3A_152 = arith.select %eq3A_149, %broadcast_in_dim3A_151, %select_n3A_133 : vector<16xi1>, vector<16xf32>
    %reduce_max3A_153 = arith.constant true
    %reduce_max3A_154 = vector.broadcast %reduce_max3A_153 : i1 to vector<16xi1>
    %reduce_max3A_155 = tpu.scan <max>, %select_n3A_152 masked %reduce_max3A_154 : vector<16xf32>, vector<16xi1> -> vector<16xf32>
    %reduce_max3A_156 = vector.extract %reduce_max3A_155[15] : f32 from vector<16xf32>
    %eq3A_157 = vector.broadcast %reduce_max3A_156 : f32 to vector<16xf32>
    %eq3A_158 = arith.cmpf oeq, %select_n3A_152, %eq3A_157 : vector<16xf32>
    %jit3A_159 = arith.constant 16 : i32
    %broadcast_in_dim3A_160 = vector.broadcast %jit3A_159 : i32 to vector<16xi32>
    %select_n3A_161 = arith.select %eq3A_158, %iota3A, %broadcast_in_dim3A_160 : vector<16xi1>, vector<16xi32>
    %reduce_min3A_162 = arith.constant true
    %reduce_min3A_163 = vector.broadcast %reduce_min3A_162 : i1 to vector<16xi1>
    %reduce_min3A_164 = arith.constant -2147483648 : i32
    %reduce_min3A_165 = vector.broadcast %reduce_min3A_164 : i32 to vector<16xi32>
    %reduce_min3A_166 = arith.xori %select_n3A_161, %reduce_min3A_165 : vector<16xi32>
    %reduce_min3A_167 = tpu.scan <min>, %reduce_min3A_166 masked %reduce_min3A_163 : vector<16xi32>, vector<16xi1> -> vector<16xi32>
    %reduce_min3A_168 = arith.xori %reduce_min3A_167, %reduce_min3A_165 : vector<16xi32>
    %reduce_min3A_169 = vector.extract %reduce_min3A_168[15] : i32 from vector<16xi32>
    %eq3A_170 = vector.broadcast %reduce_min3A_169 : i32 to vector<16xi32>
    %eq3A_171 = arith.cmpi eq, %iota3A, %eq3A_170 : vector<16xi32>
    %sub3A = vector.broadcast %reduce_max3A_136 : f32 to vector<16xf32>
    %sub3A_172 = arith.subf %select_n3A_152, %sub3A : vector<16xf32>
    %max3A = arith.constant -8.000000e+01 : f32
    %max3A_173 = vector.broadcast %max3A : f32 to vector<16xf32>
    %max3A_174 = arith.maximumf %sub3A_172, %max3A_173 : vector<16xf32>
    %exp3A = math.exp %max3A_174 : vector<16xf32>
    %reduce_max3A_175 = arith.constant true
    %reduce_max3A_176 = vector.broadcast %reduce_max3A_175 : i1 to vector<16xi1>
    %reduce_max3A_177 = tpu.scan <max>, %exp3A masked %reduce_max3A_176 : vector<16xf32>, vector<16xi1> -> vector<16xf32>
    %reduce_max3A_178 = vector.extract %reduce_max3A_177[15] : f32 from vector<16xf32>
    %add3A_179 = arith.constant 1.000000e+00 : f32
    %add3A_180 = arith.addf %add3A_179, %reduce_max3A_178 : f32
    %jit3A_181 = arith.constant 1.000000e+00 : f32
    %jit3A_182 = arith.constant 0.000000e+00 : f32
    %broadcast_in_dim3A_183 = vector.broadcast %jit3A_181 : f32 to vector<16xf32>
    %broadcast_in_dim3A_184 = vector.broadcast %jit3A_182 : f32 to vector<16xf32>
    %select_n3A_185 = arith.select %eq3A_149, %broadcast_in_dim3A_183, %broadcast_in_dim3A_184 : vector<16xi1>, vector<16xf32>
    %jit3A_186 = arith.constant 0.000000e+00 : f32
    %broadcast_in_dim3A_187 = vector.broadcast %reduce_max3A_178 : f32 to vector<16xf32>
    %broadcast_in_dim3A_188 = vector.broadcast %jit3A_186 : f32 to vector<16xf32>
    %select_n3A_189 = arith.select %eq3A_171, %broadcast_in_dim3A_187, %broadcast_in_dim3A_188 : vector<16xi1>, vector<16xf32>
    %add3A_190 = arith.addf %select_n3A_185, %select_n3A_189 : vector<16xf32>
    %div3A = vector.broadcast %add3A_180 : f32 to vector<16xf32>
    %div3A_191 = arith.divf %add3A_190, %div3A : vector<16xf32>
    %swap3A = arith.constant 0 : i32
    %swap3A_192 = arith.index_cast %swap3A : i32 to index
    %swap3A_193 = arith.constant 0 : index
    %swap3A_194 = tpu.vector_load %arg7[%swap3A_192, %swap3A_193] {strides = array<i32>} : memref<1x16xf32, #tpu.memory_space<vmem>>, vector<16xf32>,
    tpu.vector_store %arg7[%swap3A_192, %swap3A_193], %div3A_191 {strides = array<i32>} : memref<1x16xf32, #tpu.memory_space<vmem>>, vector<16xf32>,
    "tpu.region"() ({
      %run_scoped3A = tpu.sem_alloc : memref<!tpu.dma_semaphore, #tpu.memory_space<semaphore_mem>>
      %dma_start3A = arith.constant 0 : i32
      %dma_start3A_195 = tpu.memref_slice %arg4[%add3A, %dma_start3A] : memref<32x16xf32, #tpu.memory_space<hbm>> -> memref<1x16xf32, #tpu.memory_space<hbm>>
      %dma_start3A_196 = arith.constant 0 : i32
      %dma_start3A_197 = tpu.memref_slice %arg4[%add3A, %dma_start3A_196] : memref<32x16xf32, #tpu.memory_space<hbm>> -> memref<1x16xf32, #tpu.memory_space<hbm>>
      tpu.enqueue_dma source(%arg7 : memref<1x16xf32, #tpu.memory_space<vmem>>) target(%dma_start3A_197 : memref<1x16xf32, #tpu.memory_space<hbm>>) target_semaphore(%run_scoped3A : memref<!tpu.dma_semaphore, #tpu.memory_space<semaphore_mem>>)
      %dma_wait3A = arith.constant 0 : i32
      %dma_wait3A_198 = tpu.memref_slice %arg4[%add3A, %dma_wait3A] : memref<32x16xf32, #tpu.memory_space<hbm>> -> memref<1x16xf32, #tpu.memory_space<hbm>>
      %dma_wait3A_199 = arith.constant 0 : i32
      %dma_wait3A_200 = tpu.memref_slice %arg4[%add3A, %dma_wait3A_199] : memref<32x16xf32, #tpu.memory_space<hbm>> -> memref<1x16xf32, #tpu.memory_space<hbm>>
      tpu.wait_dma2 semaphore(%run_scoped3A : memref<!tpu.dma_semaphore, #tpu.memory_space<semaphore_mem>>) src(%arg7 : memref<1x16xf32, #tpu.memory_space<vmem>>) dst(%dma_wait3A_200 : memref<1x16xf32, #tpu.memory_space<hbm>>)
      tpu.yield
    }) : () -> ()
    return
  }
}

module attributes {stable_mosaic.version = 14 : i64} {
  func.func @_moe_body(%arg0: i32, %arg1: i32, %arg2: memref<32x1024xf32, #tpu.memory_space<vmem>>, %arg3: memref<1x2x1024x1024xf32, #tpu.memory_space<vmem>>, %arg4: memref<1x1024x1024xf32, #tpu.memory_space<vmem>>, %arg5: memref<1x32x1024xf32, #tpu.memory_space<vmem>>) attributes {dimension_semantics = [#tpu.dimension_semantics<arbitrary>, #tpu.dimension_semantics<arbitrary>], iteration_bounds = array<i64: 8, 2>, scalar_prefetch = 0 : i64, scratch_operands = 0 : i64, tpu.core_type = #tpu.core_type<tc>, window_params = [{pipeline_mode = #tpu.pipeline_mode<synchronous>, transform_indices = @transform_0, window_bounds = array<i64: 32, 1024>}, {transform_indices = @transform_1, window_bounds = array<i64: 1, 2, 1024, 1024>}, {transform_indices = @transform_2, window_bounds = array<i64: 1, 1024, 1024>}, {transform_indices = @transform_3, window_bounds = array<i64: 1, 32, 1024>}]} {
    %get3A = arith.constant 0 : index
    %get3A_0 = arith.constant 0 : index
    %get3A_1 = vector.load %arg2[%get3A, %get3A_0] : memref<32x1024xf32, #tpu.memory_space<vmem>>, vector<32x1024xf32>
    %get3A_2 = arith.constant 0 : index
    %get3A_3 = arith.constant 0 : index
    %get3A_4 = arith.constant 0 : index
    %get3A_5 = arith.constant 0 : index
    %get3A_6 = vector.load %arg3[%get3A_2, %get3A_3, %get3A_4, %get3A_5] : memref<1x2x1024x1024xf32, #tpu.memory_space<vmem>>, vector<1x1x1024x1024xf32>
    %get3A_7 = vector.shape_cast %get3A_6 : vector<1x1x1024x1024xf32> to vector<1024x1024xf32>
    %dot_general3A = arith.constant dense<0.000000e+00> : vector<32x1024xf32>
    %dot_general3A_8 = tpu.matmul %get3A_1, %get3A_7, %dot_general3A {dimension_numbers = #tpu.dot_dimension_numbers<[1], [1], [0], [0], [0, 0, 1, 0], [], []>, transpose_lhs_hint = false} : vector<32x1024xf32>, vector<1024x1024xf32>, vector<32x1024xf32> -> vector<32x1024xf32>
    %get3A_9 = arith.constant 0 : index
    %get3A_10 = arith.constant 1 : index
    %get3A_11 = arith.constant 0 : index
    %get3A_12 = arith.constant 0 : index
    %get3A_13 = vector.load %arg3[%get3A_9, %get3A_10, %get3A_11, %get3A_12] : memref<1x2x1024x1024xf32, #tpu.memory_space<vmem>>, vector<1x1x1024x1024xf32>
    %get3A_14 = vector.shape_cast %get3A_13 : vector<1x1x1024x1024xf32> to vector<1024x1024xf32>
    %dot_general3A_15 = arith.constant dense<0.000000e+00> : vector<32x1024xf32>
    %dot_general3A_16 = tpu.matmul %get3A_1, %get3A_14, %dot_general3A_15 {dimension_numbers = #tpu.dot_dimension_numbers<[1], [1], [0], [0], [0, 0, 1, 0], [], []>, transpose_lhs_hint = false} : vector<32x1024xf32>, vector<1024x1024xf32>, vector<32x1024xf32> -> vector<32x1024xf32>
    %logistic3A = arith.negf %dot_general3A_8 : vector<32x1024xf32>
    %logistic3A_17 = math.exp %logistic3A : vector<32x1024xf32>
    %logistic3A_18 = arith.constant 1.000000e+00 : f32
    %logistic3A_19 = vector.broadcast %logistic3A_18 : f32 to vector<32x1024xf32>
    %logistic3A_20 = arith.addf %logistic3A_19, %logistic3A_17 : vector<32x1024xf32>
    %logistic3A_21 = arith.divf %logistic3A_19, %logistic3A_20 : vector<32x1024xf32>
    %mul3A = arith.mulf %dot_general3A_8, %logistic3A_21 : vector<32x1024xf32>
    %mul3A_22 = arith.mulf %mul3A, %dot_general3A_16 : vector<32x1024xf32>
    %get3A_23 = arith.constant 0 : index
    %get3A_24 = arith.constant 0 : index
    %get3A_25 = arith.constant 0 : index
    %get3A_26 = vector.load %arg4[%get3A_23, %get3A_24, %get3A_25] : memref<1x1024x1024xf32, #tpu.memory_space<vmem>>, vector<1x1024x1024xf32>
    %get3A_27 = vector.shape_cast %get3A_26 : vector<1x1024x1024xf32> to vector<1024x1024xf32>
    %dot_general3A_28 = arith.constant dense<0.000000e+00> : vector<32x1024xf32>
    %dot_general3A_29 = tpu.matmul %mul3A_22, %get3A_27, %dot_general3A_28 {dimension_numbers = #tpu.dot_dimension_numbers<[1], [1], [0], [0], [0, 0, 1, 0], [], []>, transpose_lhs_hint = false} : vector<32x1024xf32>, vector<1024x1024xf32>, vector<32x1024xf32> -> vector<32x1024xf32>
    %eq3A = arith.constant 0 : i32
    %eq3A_30 = arith.cmpi eq, %arg1, %eq3A : i32
    %convert_element_type3A = arith.extui %eq3A_30 : i1 to i32
    %cond3A = arith.constant 0 : i32
    %cond3A_31 = arith.cmpi ne, %convert_element_type3A, %cond3A : i32
    scf.if %cond3A_31 {
      %swap3A = arith.constant 0 : index
      %swap3A_36 = arith.constant 0 : index
      %swap3A_37 = arith.constant 0 : index
      %swap3A_38 = vector.load %arg5[%swap3A, %swap3A_36, %swap3A_37] : memref<1x32x1024xf32, #tpu.memory_space<vmem>>, vector<1x32x1024xf32>
      %swap3A_39 = vector.shape_cast %swap3A_38 : vector<1x32x1024xf32> to vector<32x1024xf32>
      %swap3A_40 = vector.shape_cast %dot_general3A_29 : vector<32x1024xf32> to vector<1x32x1024xf32>
      tpu.vector_store %arg5[%swap3A, %swap3A_36, %swap3A_37], %swap3A_40 {strides = array<i32>} : memref<1x32x1024xf32, #tpu.memory_space<vmem>>, vector<1x32x1024xf32>,
    } else {
    }
    %ne3A = arith.constant 0 : i32
    %ne3A_32 = arith.cmpi ne, %arg1, %ne3A : i32
    %convert_element_type3A_33 = arith.extui %ne3A_32 : i1 to i32
    %cond3A_34 = arith.constant 0 : i32
    %cond3A_35 = arith.cmpi ne, %convert_element_type3A_33, %cond3A_34 : i32
    scf.if %cond3A_35 {
      %get3A_36 = arith.constant 0 : index
      %get3A_37 = arith.constant 0 : index
      %get3A_38 = arith.constant 0 : index
      %get3A_39 = vector.load %arg5[%get3A_36, %get3A_37, %get3A_38] : memref<1x32x1024xf32, #tpu.memory_space<vmem>>, vector<1x32x1024xf32>
      %get3A_40 = vector.shape_cast %get3A_39 : vector<1x32x1024xf32> to vector<32x1024xf32>
      %add3A = arith.addf %get3A_40, %dot_general3A_29 : vector<32x1024xf32>
      %swap3A = arith.constant 0 : index
      %swap3A_41 = arith.constant 0 : index
      %swap3A_42 = arith.constant 0 : index
      %swap3A_43 = vector.load %arg5[%swap3A, %swap3A_41, %swap3A_42] : memref<1x32x1024xf32, #tpu.memory_space<vmem>>, vector<1x32x1024xf32>
      %swap3A_44 = vector.shape_cast %swap3A_43 : vector<1x32x1024xf32> to vector<32x1024xf32>
      %swap3A_45 = vector.shape_cast %add3A : vector<32x1024xf32> to vector<1x32x1024xf32>
      tpu.vector_store %arg5[%swap3A, %swap3A_41, %swap3A_42], %swap3A_45 {strides = array<i32>} : memref<1x32x1024xf32, #tpu.memory_space<vmem>>, vector<1x32x1024xf32>,
    } else {
    }
    return
  }
  func.func @transform_0(%arg0: i32, %arg1: i32) -> (i32, i32) {
    %c0_i32 = arith.constant 0 : i32
    %c0_i32_0 = arith.constant 0 : i32
    %c0_i32_1 = arith.constant 0 : i32
    return %c0_i32, %c0_i32_0 : i32, i32
  }
  func.func @transform_1(%arg0: i32, %arg1: i32) -> (i32, i32, i32, i32) {
    %c0_i32 = arith.constant 0 : i32
    %c0_i32_0 = arith.constant 0 : i32
    %c0_i32_1 = arith.constant 0 : i32
    return %arg0, %c0_i32, %arg1, %c0_i32_0 : i32, i32, i32, i32
  }
  func.func @transform_2(%arg0: i32, %arg1: i32) -> (i32, i32, i32) {
    %c0_i32 = arith.constant 0 : i32
    %c0_i32_0 = arith.constant 0 : i32
    return %arg0, %c0_i32, %arg1 : i32, i32, i32
  }
  func.func @transform_3(%arg0: i32, %arg1: i32) -> (i32, i32, i32) {
    %c0_i32 = arith.constant 0 : i32
    %c0_i32_0 = arith.constant 0 : i32
    %c0_i32_1 = arith.constant 0 : i32
    return %arg0, %c0_i32, %c0_i32_0 : i32, i32, i32
  }
}

</mosaic_0001>

<sc_bundles>
// kernel: kernel.5.cloned.1.call-start
scs
__scs_entry_jumppad:
0x0: {  	(pc) =	sbr.rel $0x88, $3  }
0x1: {  	(tag) =	ssettag $0x0;
	lr =	simm.s32 $0x1  }
0x2: {  	[smem:$0x3F9D] =	sst lr;
	_ =	strace $0xD0000000  }
0x3: {  	_ = 	snop  }
0x4: {  	_ = 	snop  }
0x5: {  	_ = 	snop  }
0x6: {  	_ = 	snop  }
0x7: {  	_ = 	snop  }
__scs_overlays_trampoline_lowered:
0x8: {  	[smem:$0x3FAC] =	sst s0  }
0x9: {  	[smem:$0x3FAD] =	sst s1  }
0xa: {  	[smem:$0x3FAE] =	sst s2  }
0xb: {  	[smem:$0x3FAF] =	sst s3  }
0xc: {  	[smem:$0x3FB0] =	sst s4  }
0xd: {  	[smem:$0x3FB1] =	sst s5  }
0xe: {  	[smem:$0x3FB2] =	sst s6  }
0xf: {  	[smem:$0x3FB3] =	sst s7  }
0x10: {  	[smem:$0x3FB4] =	sst s8  }
0x11: {  	[smem:$0x3FB5] =	sst s9;
	s0 =	simm.s32 @!p0 $0x0  }
0x12: {  	s1 =	sld [smem:$0x3F9B];
	s0 =	simm.s32 @p0 $0x1  }
0x13: {  	[smem:$0x3FB6] =	sst s0;
	s0 =	simm.s32 @!p1 $0x0  }
0x14: {  	s2 =	sld [smem:$0x3F9A];
	s0 =	simm.s32 @p1 $0x1  }
0x15: {  	[smem:$0x3FB7] =	sst s0;
	s0 =	simm.s32 @!p2 $0x0  }
0x16: {  	s3 =	sld [smem:$0x3FDB];
	s0 =	simm.s32 @p2 $0x1  }
0x17: {  	s4 =	simm.s32 $0x1BF5;
	[smem:$0x3FB9] =	sst s0  }
0x18: {  	s0 =	sld [smem:$0x3F9C];
	_ =	swait.ge [sflag:s4], $0x0  }
0x19: {  	s7 =	sld [smem:$0x3F9D]  }
0x1a: {  	s8 =	sadd.s32 $0xFFFFE003, lr  }
0x1b: {  	s9 =	sadd.s32 $0xFFFFFEF7, lr;
	s5 =	simm.s32 $0xFFFFFFFF;
	p2 =	slt.u32 s8, $0xFFFFF086  }
0x1c: {  	p1 =	slt.u32 s9, $0xF7A;
	s5 =	simm.s32 @!p2 $0x0  }
0x1d: {  	s5 =	simm.s32 @p1 $0x1;
	p0 =	seq.s32 s7, s2  }
0x1e: {  	s7 =	smul.u32 @!p0 $0xF7A, s2;
	p2 =	seq.s32 @!p0 s5, $0x0  }
0x1f: {  	s9 =	smul.u32 $0xF7A, s1;
	s8 =	simm.s32 @!p0 $0x1BF5;
	p2 =	por !p2, p0  }
0x20: {  	[sflag:s8] =	ssyncset.s32 @!p0 $0xFFFFF086;
	s6 =	sadd.s32 @!p0 s3, s7;
	s7 =	simm.s32 @!p0 $0x108  }
0x21: {  	s3 =	sadd.s32 s3, s9;
	s6 =	sadd.s32 @!p0 $0x88, s6;
	s7 =	simm.s32 @p2 $0x1082  }
0x22: {  	[simem:s7], [sflag:s8] =	dma.local @!p0 [hbm:s6], $0xF7A  }
0x23: {  	s9 =	sor.u32 $0xD0000000, s2;
	s6 =	simm.s32 $0x108;
	_ =	swait.ge @!p0 [sflag:s8], $0x0  }
0x24: {  	s3 =	sadd.s32 $0x88, s3;
	s6 =	simm.s32 @!p1 $0x1082;
	[sflag:s4] =	ssyncset.s32 $0xFFFFF086  }
0x25: {  	[simem:s6], [sflag:s4] =	dma.local [hbm:s3], $0xF7A  }
0x26: {  	[smem:$0x3F9D] =	sst s1;
	(tag) =	ssettag s2;
	_ =	strace s9  }
0x27: {  	s1 =	sld [smem:$0x3FAD]  }
0x28: {  	s2 =	sld [smem:$0x3FAE]  }
0x29: {  	s4 =	sld [smem:$0x3FB0]  }
0x2a: {  	p0 =	seq.s32 s5, $0x0;
	s5 =	sld [smem:$0x3FB1]  }
0x2b: {  	s6 =	sld [smem:$0x3FB2]  }
0x2c: {  	s7 =	sld [smem:$0x3FB3]  }
0x2d: {  	s3 =	simm.s32 $0x108;
	s8 =	sld [smem:$0x3FB4]  }
0x2e: {  	s3 =	simm.s32 @!p0 $0x1082;
	s9 =	sld [smem:$0x3FB5]  }
0x2f: {  	lr =	sadd.s32 s0, s3;
	s0 =	sld [smem:$0x3FAC]  }
0x30: {  	s3 =	sld [smem:$0x3FAF]  }
0x31: {  	[smem:$0x3FB8] =	sst s10  }
0x32: {  	s10 =	sld [smem:$0x3FB6];
	_ =	sdelay $0x3  }
0x33: {  	p0 =	seq.s32 s10, $0x1;
	s10 =	sld [smem:$0x3FB8];
	_ =	sdelay $0x3  }
0x34: {  	[smem:$0x3FB8] =	sst s10  }
0x35: {  	s10 =	sld [smem:$0x3FB7];
	_ =	sdelay $0x3  }
0x36: {  	p1 =	seq.s32 s10, $0x1;
	s10 =	sld [smem:$0x3FB8];
	_ =	sdelay $0x3  }
0x37: {  	[smem:$0x3FB8] =	sst s10  }
0x38: {  	s10 =	sld [smem:$0x3FB9]  }
0x39: {  	_ = 	snop;
	(pc) =	sbr.ind lr, $3  }
0x3a: {  	_ = 	snop  }
0x3b: {  	_ = 	snop  }
0x3c: {  	p2 =	seq.s32 s10, $0x1;
	s10 =	sld [smem:$0x3FB8]  }
0x3d: {  	_ =	shalt  }
0x3e: {  	_ =	shalt  }
0x3f: {  	_ =	shalt  }
0x40: {  	_ =	shalt  }
0x41: {  	_ =	shalt  }
0x42: {  	_ =	shalt  }
0x43: {  	_ =	shalt  }
0x44: {  	_ =	shalt  }
0x45: {  	_ =	shalt  }
0x46: {  	_ =	shalt  }
0x47: {  	_ =	shalt  }
0x48: {  	_ =	shalt  }
0x49: {  	_ =	shalt  }
0x4a: {  	_ =	shalt  }
0x4b: {  	_ =	shalt  }
0x4c: {  	_ =	shalt  }
0x4d: {  	_ =	shalt  }
0x4e: {  	_ =	shalt  }
0x4f: {  	_ =	shalt  }
0x50: {  	_ =	shalt  }
0x51: {  	_ =	shalt  }
0x52: {  	_ =	shalt  }
0x53: {  	_ =	shalt  }
0x54: {  	_ =	shalt  }
0x55: {  	_ =	shalt  }
0x56: {  	_ =	shalt  }
0x57: {  	_ =	shalt  }
0x58: {  	_ =	shalt  }
0x59: {  	_ =	shalt  }
0x5a: {  	_ =	shalt  }
0x5b: {  	_ =	shalt  }
0x5c: {  	_ =	shalt  }
0x5d: {  	_ =	shalt  }
0x5e: {  	_ =	shalt  }
0x5f: {  	_ =	shalt  }
0x60: {  	_ =	shalt  }
0x61: {  	_ =	shalt  }
0x62: {  	_ =	shalt  }
0x63: {  	_ =	shalt  }
0x64: {  	_ =	shalt  }
0x65: {  	_ =	shalt  }
0x66: {  	_ =	shalt  }
0x67: {  	_ =	shalt  }
0x68: {  	_ =	shalt  }
0x69: {  	_ =	shalt  }
0x6a: {  	_ =	shalt  }
0x6b: {  	_ =	shalt  }
0x6c: {  	_ =	shalt  }
0x6d: {  	_ =	shalt  }
0x6e: {  	_ =	shalt  }
0x6f: {  	_ =	shalt  }
0x70: {  	_ =	shalt  }
0x71: {  	_ =	shalt  }
0x72: {  	_ =	shalt  }
0x73: {  	_ =	shalt  }
0x74: {  	_ =	shalt  }
0x75: {  	_ =	shalt  }
0x76: {  	_ =	shalt  }
0x77: {  	_ =	shalt  }
0x78: {  	_ =	shalt  }
0x79: {  	_ =	shalt  }
0x7a: {  	_ =	shalt  }
0x7b: {  	_ =	shalt  }
0x7c: {  	_ =	shalt  }
0x7d: {  	_ =	shalt  }
0x7e: {  	_ =	shalt  }
0x7f: {  	_ =	shalt  }
0x80: {  	_ =	shalt  }
0x81: {  	_ =	shalt  }
0x82: {  	_ =	shalt  }
0x83: {  	_ =	shalt  }
0x84: {  	_ =	shalt  }
0x85: {  	_ =	shalt  }
0x86: {  	_ =	shalt  }
0x87: {  	_ =	shalt  }
.Lfunc_end0:
.L_simem_size_0:
called_computation_lowered:
.L_overlay_start_0:
0x88: {  	s2 =	sld [smem:$0x3FD9]  }
0x89: {  	s3 =	sld [smem:$0x3FFE];
	_ =	sdelay $0x1  }
0x8a: {  	s1 =	srdreg.scid  }
0x8b: {  	s0 =	sand.u32 $0x1, s1  }
0x8c: {  	s17 =	sshll.u32 s0, $0xA;
	s2 =	sadd.s32 s3, s2  }
0x8d: {  	s2 =	sadd.s32 s2, s17  }
0x8e: {  	[smem:$0x3FC4] =	sst s2  }
0x8f: {  	_ = 	snop  }
0x90: {  	s2 =	sld [smem:$0x3FC9]  }
0x91: {  	s18 =	sld [smem:$0x3FC8];
	(tm) =	ssettm $0x1  }
0x92: {  	s4 =	sld [smem:$0x3FFB];
	_ =	sdelay $0x3  }
0x93: {  	_ =	strace s4  }
0x94: {  	s4 =	sld [smem:$0x3FFC];
	_ =	sdelay $0x3  }
0x95: {  	_ =	strace s4  }
0x96: {  	s4 =	sld [smem:$0x3FFD];
	_ =	sdelay $0x3  }
0x97: {  	_ =	strace s4  }
0x98: {  	_ =	strace $0x8FFFFFFF  }
0x99: {  	s19 =	sld [smem:$0x3FDB];
	_ =	sdelay $0x1  }
0x9a: {  	s5 =	simm.s32 $_scs_section_size  }
0x9b: {  	s6 =	simm.s32 $_size__tile_overlayer_lowered;
	s7 =	simm.s32 $_tile_overlayer_lowered  }
0x9c: {  	s22 =	simm.s32 $0x1BFF;
	s21 =	sshll.u32 s7, $0x1;
	s4 =	sadd.s32 s5, s19  }
0x9d: {  	s8 =	simm.s32 $0x0;
	s20 =	sshll.u32 s6, $0x1;
	s6 =	sadd.s32 s21, s4  }
0x9e: {  	[timem:s8], [sflag:s22] =	dma.local [hbm:s6], s20  }
0x9f: {  	_ =	swait.ge [sflag:s22], s20  }
0xa0: {  	s5 =	ssub.s32 $0x0, s20;
	[sflag:s22] =	ssyncset.done $0x0  }
0xa1: {  	[sflag:s22] =	ssyncadd.s32 s5;
	_ =	sdelay $0x1  }
0xa2: {  	s23 =	simm.s32 $0x1B8B  }
0xa3: {  	_ =	swait.ge [sflag:s23], $0x1  }
0xa4: {  	[sflag:s23] =	ssyncset.done $0x0  }
0xa5: {  	s25 =	simm.s32 $0x1B8E;
	s24 =	sld [smem:$0x3FFE];
	[sflag:s23] =	ssyncadd.s32 $0xFFFFFFFF  }
0xa6: {  	s26 =	simm.s32 $execute0_lowered;
	[smem:$0x3FD2] =	sst s25  }
0xa7: {  	s6 =	sshll.u32 s26, $0x1;
	_ =	strace $0x80000046;
	[dreg:$0x1] =	wrdreg $0xFFFFFFFF  }
0xa8: {  	s28 =	simm.s32 $_size_execute0_lowered;
	s4 =	sadd.s32 s4, s6;
	[dreg:$0x0] =	wrdreg $0x0  }
0xa9: {  	s6 =	sshll.u32 s28, $0x1;
	[dreg:$0x2] =	wrdreg s4  }
0xaa: {  	[dreg:$0x3] =	wrdreg s6  }
0xab: {  	[dreg:$0x4] =	wrdreg $0xC0  }
0xac: {  	_ =	task [dreg:s8], $0x5FFFF  }
0xad: {  	[dreg:$0x1] =	wrdreg $0xFFFFFFFF  }
0xae: {  	[dreg:$0x0] =	wrdreg $0x60  }
0xaf: {  	[dreg:$0x2] =	wrdreg s2  }
0xb0: {  	[dreg:$0x3] =	wrdreg s18  }
0xb1: {  	[dreg:$0x4] =	wrdreg s24  }
0xb2: {  	[dreg:$0x5] =	wrdreg $0x9  }
0xb3: {  	_ =	task.clear_ibuf [dreg:s8], $0x6FFFF;
	_ =	strace $0x90000046  }
0xb4: {  	s29 =	simm.s32 $0x9;
	_ =	strace $0x80000048  }
0xb5: {  	_ =	swait.ge [sflag:s29], $0x1  }
0xb6: {  	[sflag:s29] =	ssyncadd.s32 $0xFFFFFFFF  }
0xb7: {  	_ =	strace $0x90000048  }
0xb8: {  	_ =	sfence  }
0xb9: {  	s30 =	sld [smem:$0x0];
	_ =	sdelay $0x2  }
0xba: {  	s31 =	sshll.u32 s1, $0xD;
	s1 =	sshrl.u32 s1, $0x2  }
0xbb: {  	s3 =	sand.u32 $0x4000, s31;
	s1 =	sadd.s32 s1, s30  }
0xbc: {  	s0 =	sor.u32 s3, s0;
	s1 =	sshll.u32 s1, $0x11  }
0xbd: {  	s0 =	sor.u32 s1, s0  }
0xbe: {  	s0 =	sadd.s32 $0x8F2B, s0  }
0xbf: {  	[sflag:s0] =	ssyncadd.remote.s32 $0x1  }
0xc0: {  	_ =	sfence.sel $0xFFFF  }
0xc1: {  	[dreg:$0x0] =	wrdreg $0xFFFFFFFF;
	(pc) =	sbr.abs _section_cstart, $3  }
0xc2: {  	[dreg:$0x1] =	wrdreg $0xFFFFFFFF  }
0xc3: {  	_ =	task.clear_ibuf [dreg:s8], $0x2FFFF;
	_ =	strace $0x9FFFFFFF  }
0xc4: {  	(tm) =	ssettm $0x7FFFFFFF  }
0xc5: {  	_ =	shalt  }
tec
execute0_lowered:
.L_overlay_start_1:
0x0: {  	(tag) =	ssettag $0x1  }
0x1: {  	s4 =	rddreg [dreg:$0x0]  }
0x2: {  	s2 =	rddreg [dreg:$0x1]  }
0x3: {  	s5 =	rddreg [dreg:$0x2]  }
0x4: {  	s0 =	rddreg [dreg:$0x3]  }
0x5: {  	s6 =	srdreg.scid;
	s1 =	stileid.u32  }
0x6: {  	s3 =	simm.s32 $0x0;
	s10 =	simm.s32 $0x2400;
	s11 =	simm.s32 $0x0  }
0x7: {  	s6 =	sand.u32 $0x1, s6;
	s7 =	sshll.u32 s1, $0x8;
	s8 =	sshrl.u32 s1, $0x2  }
0x8: {  	[smem:$0x7FF] =	sst s3;
	s9 =	sshll.u32 s6, $0x7;
	s7 =	sand.u32 $0x300, s7  }
0x9: {  	s30 =	sshll.u32 s8, $0xA;
	_ =	strace $0x80000047;
	s6 =	ssub.s32 $0x2, s6  }
0xa: {  	s8 =	sshll.u32 s8, $0xD;
	s7 =	sor.u32 s9, s7;
	s31 =	sshrl.u32 s6, $0x1  }
0xb: {  	vm0 =	vmmov $0x1;
	vm1 =	vcmask $0x320;
	s9 =	sor.u32 s30, s7;
	s7 =	sor.u32 s8, s7;
	s6 =	ssub.s32 s6, s31  }
0xc: {  	vm2 =	vcmask $0x720;
	vm3 =	vcmask $0xB20;
	vm4 =	vcmask $0xF20;
	s8 =	simm.s32 $0x400;
	s9 =	sshrl.u32 s9, $0x3;
	s7 =	sshrl.u32 s7, $0x3  }
0xd: {  	vm5 =	vcmask $0x1320;
	vm6 =	vcmask $0x1720;
	v0 =	vlaneseq.u32;
	s6 =	smax.u32 s6, $0x1;
	s5 =	sadd.s32 s9, s5;
	s4 =	sadd.s32 s4, s7  }
0xe: {  	vm7 =	vcmask $0x1B20;
	v2 =	vimm.f32 $0.0e+00;
	v1 =	vor.u32 $0x80000000, v0;
	s7 =	simm.s32 $0x80;
	s9 =	simm.s32 $0x1;
	s5 =	sadd.s32 $0xC00, s5  }
.LBB2_1:
0xf: {  	[tilespmem:s3], [sflag:$0x1] =	stream.strided.gather [hbm4b:s4+s7], $0x400, s8, s7, $0x38;
	[tilespmem:$0x2480] =	vst v63  }
0x10: {  	_ =	swait.ge [sflag:s9], $0x400  }
0x11: {  	[sflag:s9] =	ssyncset.done $0x0  }
0x12: {  	[sflag:s9] =	ssyncadd.s32 $0xFFFFFC00  }
0x13: {  	[tilespmem:s8], [sflag:$0x1] =	stream.linear.gather [hbm4b:s2+s3], $0x2000, $0x38;
	[tilespmem:$0x2480] =	vst v63  }
0x14: {  	_ =	swait.ge [sflag:s9], $0x2000  }
0x15: {  	[sflag:s9] =	ssyncset.done $0x0  }
0x16: {  	s12 =	sand.u32 $0x70, s3;
	s13 =	sand.u32 $0x1C00, s3;
	[sflag:s9] =	ssyncadd.s32 $0xFFFFE000  }
0x17: {  	s13 =	sor.u32 s12, s13;
	v3 =	vld [tilespmem:s3+$0x0]  }
0x18: {  	v4 =	vld [tilespmem:s13+$0x400]  }
0x19: {  	s14 =	simm.s32 $0x0;
	v5 =	vimm.f32 $0.0e+00;
	s12 =	simm.s32 $0x10;
	s13 =	simm.s32 $0x0  }
.LBB2_2:
0x1a: {  	s15 =	sand.u32 $0x70, s12;
	p0 =	sne.s32 s12, $0x3F0  }
.Ltmp0:
0x1b: {  	s13 =	sadd.s32 $0x80, s13;
	s14 =	sadd.s32 $0x10, s14;
	(pc) =	sbr.rel @p0 .LBB2_2-.Ltmp0, $4  }
0x1c: {  	s12 =	sadd.s32 $0x10, s12;
	s16 =	sand.u32 $0x1C00, s13  }
0x1d: {  	s15 =	sor.u32 s15, s16;
	v6 =	vmul.f32 v4, v3;
	v3 =	vld [tilespmem:s14+$0x0]  }
0x1e: {  	v4 =	vld [tilespmem:s15+$0x400]  }
0x1f: {  	v5 =	vadd.f32 v6, v5  }
0x20: {  	_ = 	snop  }
0x21: {  	s12 =	simm.s32 $0x0  }
0x22: {  	s13 =	sand.u32 $0x70, s12;
	s14 =	sand.u32 $0x1C00, s12  }
0x23: {  	s13 =	sor.u32 s13, s14;
	v3 =	vmul.f32 v4, v3;
	v4 =	vld [tilespmem:s12+$0x0]  }
0x24: {  	v6 =	vld [tilespmem:s13+$0x480]  }
0x25: {  	s15 =	simm.s32 $0x0;
	s16 =	simm.s32 $0x0;
	v7 =	vimm.f32 $0.0e+00;
	s14 =	simm.s32 $0x10;
	v3 =	vadd.f32 v3, v5;
	v5 =	vimm.f32 $0.0e+00  }
.LBB2_4:
0x26: {  	s17 =	sand.u32 $0x70, s14;
	p0 =	sne.s32 s14, $0x3F0  }
.Ltmp1:
0x27: {  	s15 =	sadd.s32 $0x80, s15;
	s16 =	sadd.s32 $0x10, s16;
	(pc) =	sbr.rel @p0 .LBB2_4-.Ltmp1, $4  }
0x28: {  	s14 =	sadd.s32 $0x10, s14;
	s18 =	sand.u32 $0x1C00, s15  }
0x29: {  	s17 =	sor.u32 s17, s18;
	v8 =	vmul.f32 v6, v4;
	v4 =	vld [tilespmem:s16+$0x0]  }
0x2a: {  	v6 =	vld [tilespmem:s17+$0x480]  }
0x2b: {  	v7 =	vadd.f32 v8, v7  }
0x2c: {  	_ =	sdelay $0x2  }
0x2d: {  	v4 =	vmul.f32 v6, v4  }
0x2e: {  	v6 =	vld [tilespmem:s12+$0x0]  }
0x2f: {  	v4 =	vadd.f32 v4, v7;
	v7 =	vld [tilespmem:s13+$0x500]  }
0x30: {  	s14 =	simm.s32 $0x10;
	s13 =	simm.s32 $0x0  }
.LBB2_6:
0x31: {  	s15 =	sand.u32 $0x70, s14;
	p0 =	sne.s32 s14, $0x3F0  }
.Ltmp2:
0x32: {  	s12 =	sadd.s32 $0x80, s12;
	s13 =	sadd.s32 $0x10, s13;
	(pc) =	sbr.rel @p0 .LBB2_6-.Ltmp2, $4  }
0x33: {  	s14 =	sadd.s32 $0x10, s14;
	s16 =	sand.u32 $0x1C00, s12  }
0x34: {  	s15 =	sor.u32 s15, s16;
	v8 =	vmul.f32 v7, v6;
	v6 =	vld [tilespmem:s13+$0x0]  }
0x35: {  	v7 =	vld [tilespmem:s15+$0x500]  }
0x36: {  	v5 =	vadd.f32 v8, v5  }
0x37: {  	_ = 	snop  }
0x38: {  	s12 =	simm.s32 $0x0  }
0x39: {  	s13 =	sand.u32 $0x70, s12;
	s14 =	sand.u32 $0x1C00, s12  }
0x3a: {  	s13 =	sor.u32 s13, s14;
	v7 =	vmul.f32 v7, v6;
	v6 =	vld [tilespmem:s12+$0x0]  }
0x3b: {  	v8 =	vld [tilespmem:s13+$0x580]  }
0x3c: {  	s15 =	simm.s32 $0x0;
	s16 =	simm.s32 $0x0;
	v9 =	vimm.f32 $0.0e+00;
	s14 =	simm.s32 $0x10;
	v5 =	vadd.f32 v7, v5;
	v7 =	vimm.f32 $0.0e+00  }
.LBB2_8:
0x3d: {  	s17 =	sand.u32 $0x70, s14;
	p0 =	sne.s32 s14, $0x3F0  }
.Ltmp3:
0x3e: {  	s15 =	sadd.s32 $0x80, s15;
	s16 =	sadd.s32 $0x10, s16;
	(pc) =	sbr.rel @p0 .LBB2_8-.Ltmp3, $4  }
0x3f: {  	s14 =	sadd.s32 $0x10, s14;
	s18 =	sand.u32 $0x1C00, s15  }
0x40: {  	s17 =	sor.u32 s17, s18;
	v10 =	vmul.f32 v8, v6;
	v6 =	vld [tilespmem:s16+$0x0]  }
0x41: {  	v8 =	vld [tilespmem:s17+$0x580]  }
0x42: {  	v9 =	vadd.f32 v10, v9  }
0x43: {  	_ =	sdelay $0x2  }
0x44: {  	v6 =	vmul.f32 v8, v6  }
0x45: {  	v8 =	vld [tilespmem:s12+$0x0]  }
0x46: {  	v6 =	vadd.f32 v6, v9;
	v9 =	vld [tilespmem:s13+$0x600]  }
0x47: {  	s14 =	simm.s32 $0x10;
	s13 =	simm.s32 $0x0  }
.LBB2_10:
0x48: {  	s15 =	sand.u32 $0x70, s14;
	p0 =	sne.s32 s14, $0x3F0  }
.Ltmp4:
0x49: {  	s12 =	sadd.s32 $0x80, s12;
	s13 =	sadd.s32 $0x10, s13;
	(pc) =	sbr.rel @p0 .LBB2_10-.Ltmp4, $4  }
0x4a: {  	s14 =	sadd.s32 $0x10, s14;
	s16 =	sand.u32 $0x1C00, s12  }
0x4b: {  	s15 =	sor.u32 s15, s16;
	v10 =	vmul.f32 v9, v8;
	v8 =	vld [tilespmem:s13+$0x0]  }
0x4c: {  	v9 =	vld [tilespmem:s15+$0x600]  }
0x4d: {  	v7 =	vadd.f32 v10, v7  }
0x4e: {  	_ = 	snop  }
0x4f: {  	s12 =	simm.s32 $0x0  }
0x50: {  	s13 =	sand.u32 $0x70, s12;
	s14 =	sand.u32 $0x1C00, s12  }
0x51: {  	s13 =	sor.u32 s13, s14;
	v9 =	vmul.f32 v9, v8;
	v8 =	vld [tilespmem:s12+$0x0]  }
0x52: {  	v10 =	vld [tilespmem:s13+$0x680]  }
0x53: {  	s15 =	simm.s32 $0x0;
	s16 =	simm.s32 $0x0;
	v11 =	vimm.f32 $0.0e+00;
	s14 =	simm.s32 $0x10;
	v7 =	vadd.f32 v9, v7;
	v9 =	vimm.f32 $0.0e+00  }
.LBB2_12:
0x54: {  	s17 =	sand.u32 $0x70, s14;
	p0 =	sne.s32 s14, $0x3F0  }
.Ltmp5:
0x55: {  	s15 =	sadd.s32 $0x80, s15;
	s16 =	sadd.s32 $0x10, s16;
	(pc) =	sbr.rel @p0 .LBB2_12-.Ltmp5, $4  }
0x56: {  	s14 =	sadd.s32 $0x10, s14;
	s18 =	sand.u32 $0x1C00, s15  }
0x57: {  	s17 =	sor.u32 s17, s18;
	v12 =	vmul.f32 v10, v8;
	v8 =	vld [tilespmem:s16+$0x0]  }
0x58: {  	v10 =	vld [tilespmem:s17+$0x680]  }
0x59: {  	v11 =	vadd.f32 v12, v11  }
0x5a: {  	_ =	sdelay $0x2  }
0x5b: {  	v8 =	vmul.f32 v10, v8  }
0x5c: {  	v10 =	vld [tilespmem:s12+$0x0]  }
0x5d: {  	v8 =	vadd.f32 v8, v11;
	v11 =	vld [tilespmem:s13+$0x700]  }
0x5e: {  	s14 =	simm.s32 $0x10;
	s13 =	simm.s32 $0x0  }
.LBB2_14:
0x5f: {  	s15 =	sand.u32 $0x70, s14;
	p0 =	sne.s32 s14, $0x3F0  }
.Ltmp6:
0x60: {  	s12 =	sadd.s32 $0x80, s12;
	s13 =	sadd.s32 $0x10, s13;
	(pc) =	sbr.rel @p0 .LBB2_14-.Ltmp6, $4  }
0x61: {  	s14 =	sadd.s32 $0x10, s14;
	s16 =	sand.u32 $0x1C00, s12  }
0x62: {  	s15 =	sor.u32 s15, s16;
	v12 =	vmul.f32 v11, v10;
	v10 =	vld [tilespmem:s13+$0x0]  }
0x63: {  	v11 =	vld [tilespmem:s15+$0x700]  }
0x64: {  	v9 =	vadd.f32 v12, v9  }
0x65: {  	_ = 	snop  }
0x66: {  	s12 =	simm.s32 $0x0  }
0x67: {  	s13 =	sor.u32 s12, s12  }
0x68: {  	s13 =	sor.u32 $0x380, s13;
	v10 =	vmul.f32 v11, v10;
	v11 =	vld [tilespmem:s12+$0x0]  }
0x69: {  	v12 =	vld [tilespmem:s13+$0x400];
	_ =	sdelay $0x2  }
0x6a: {  	s14 =	simm.s32 $0x10;
	s12 =	simm.s32 $0x10;
	s13 =	simm.s32 $0x80;
	v9 =	vadd.f32 v10, v9;
	v10 =	vimm.f32 $0.0e+00  }
.LBB2_16:
0x6b: {  	s15 =	sor.u32 s13, s12;
	p0 =	sne.s32 s12, $0x3F0;
	s12 =	sadd.s32 $0x10, s12  }
.Ltmp7:
0x6c: {  	s15 =	sor.u32 $0x380, s15;
	v13 =	vmul.f32 v12, v11;
	v11 =	vld [tilespmem:s14+$0x0];
	(pc) =	sbr.rel @p0 .LBB2_16-.Ltmp7, $3  }
0x6d: {  	v12 =	vld [tilespmem:s15+$0x400]  }
0x6e: {  	v10 =	vadd.f32 v13, v10;
	_ =	sdelay $0x1  }
0x6f: {  	s13 =	sadd.s32 $0x80, s13;
	s14 =	sadd.s32 $0x10, s14  }
0x70: {  	(xrf2) =	vadd.scan.msk.f32 $0xffff, v3  }
0x71: {  	(xrf2) =	vadd.scan.msk.f32 $0xffff, v4  }
0x72: {  	(xrf2) =	vadd.scan.msk.f32 $0xffff, v5  }
0x73: {  	v3 =	vmul.f32 v12, v11;
	(xrf2) =	vadd.scan.msk.f32 $0xffff, v6  }
0x74: {  	(xrf2) =	vadd.scan.msk.f32 $0xffff, v7  }
0x75: {  	v3 =	vadd.f32 v3, v10;
	(xrf2) =	vadd.scan.msk.f32 $0xffff, v8  }
0x76: {  	(xrf2) =	vadd.scan.msk.f32 $0xffff, v9  }
0x77: {  	(xrf2) =	vadd.scan.msk.f32 $0xffff, v3;
	_ =	sdelay $0x2  }
0x78: {  	v3, _, _ =	vpop (xrf2)  }
0x79: {  	v4, _, _ =	vpop (xrf2);
	v3 =	vbroadcast v3, $0xF  }
0x7a: {  	v5, _, _ =	vpop (xrf2);
	v4 =	vbroadcast v4, $0xF  }
0x7b: {  	v6, _, _ =	vpop (xrf2);
	v3 =	vnsel vm0, $0xFF800000, v3;
	v5 =	vbroadcast v5, $0xF  }
0x7c: {  	v7, _, _ =	vpop (xrf2);
	v3 =	vsel vm1, v3, v4;
	v48 =	vbroadcast v6, $0xF  }
0x7d: {  	v49, _, _ =	vpop (xrf2);
	v3 =	vsel vm2, v3, v5;
	v50 =	vbroadcast v7, $0xF  }
0x7e: {  	v51, _, _ =	vpop (xrf2);
	v3 =	vsel vm3, v3, v48;
	v52 =	vbroadcast v49, $0xF  }
0x7f: {  	v3 =	vsel vm4, v3, v50;
	v53 =	vbroadcast v51, $0xF;
	v54, _, _ =	vpop (xrf2)  }
0x80: {  	v3 =	vsel vm5, v3, v52;
	v55 =	vbroadcast v54, $0xF  }
0x81: {  	v3 =	vsel vm6, v3, v53  }
0x82: {  	v3 =	vsel vm7, v3, v55  }
0x83: {  	(xrf0) =	vmax.scan.msk.f32 $0xffff, v3;
	_ =	sdelay $0x5  }
0x84: {  	v56, _, _ =	vpop (xrf0)  }
0x85: {  	v4 =	vbroadcast v56, $0xF;
	_ =	sdelay $0x1  }
0x86: {  	vm8 =	veq.f32 v3, v4  }
0x87: {  	v57 =	vnsel vm8, $0x80000010, v1  }
0x88: {  	(xrf0) =	vmin.scan.msk.u32 $0xffff, v57;
	_ =	sdelay $0x5  }
0x89: {  	v5, _, _ =	vpop (xrf0)  }
0x8a: {  	(v2sf) =	vpush v5, $0xF;
	_ =	sdelay $0xe  }
0x8b: {  	s12 =	spop (v2sf)  }
0x8c: {  	s12 =	sxor.u32 $0x80000000, s12  }
0x8d: {  	v58 =	vmov s12  }
0x8e: {  	vm8 =	veq.s32 v58, v0  }
0x8f: {  	v3 =	vsel vm8, $0xFF800000, v3  }
0x90: {  	v4 =	vsub.f32 v3, v4  }
0x91: {  	(xrf0) =	vmax.scan.msk.f32 $0xffff, v3  }
0x92: {  	v4 =	vmax.f32 v4, $-8.000000000e+01  }
0x93: {  	v4 =	vmul.f32 $1.442695020e+00, v4;
	_ =	sdelay $0x1  }
0x94: {  	(erf) = vpow2.f32 v4;
	_ =	sdelay $0x1  }
0x95: {  	v59, _, _ =	vpop (xrf0)  }
0x96: {  	v4 =	vbroadcast v59, $0xF;
	_ =	sdelay $0x1  }
0x97: {  	vm9 =	veq.f32 v3, v4  }
0x98: {  	v3 =	vnsel vm9, $0x80000010, v1;
	_ =	sdelay $0x2  }
0x99: {  	(xrf0) =	vmin.scan.msk.u32 $0xffff, v3;
	v3 =	vpop (erf)  }
0x9a: {  	(xrf0) =	vmax.scan.msk.f32 $0xffff, v3;
	_ =	sdelay $0x4  }
0x9b: {  	v3, _, _ =	vpop (xrf0)  }
0x9c: {  	(v2sf) =	vpush v3, $0xF;
	v3, _, _ =	vpop (xrf0)  }
0x9d: {  	(v2sf) =	vpush v3, $0xF;
	_ =	sdelay $0xd  }
0x9e: {  	s31 =	spop (v2sf)  }
0x9f: {  	s13 =	spop (v2sf)  }
0xa0: {  	s13 =	sadd.f32 $1.000000000e+00, s13;
	_ =	sdelay $0x1  }
0xa1: {  	v60 =	vmov s13  }
0xa2: {  	(erf) = vrcp.f32 v60;
	_ =	sdelay $0x3  }
0xa3: {  	s12 =	sxor.u32 $0x80000000, s31  }
0xa4: {  	v3 =	vbroadcast v3, $0xF;
	v61 =	vmov s12  }
0xa5: {  	vm15 =	veq.s32 v61, v0  }
0xa6: {  	v62 =	vsel vm8, $0x3F800000, v2;
	v3 =	vnsel vm15, $0x0, v3  }
0xa7: {  	v3 =	vadd.f32 v3, v62  }
0xa8: {  	v63 =	vpop (erf)  }
0xa9: {  	s11 =	sadd.s32 $0x1, s11;
	v3 =	vmul.f32 v3, v63  }
0xaa: {  	p0 =	sne.s32 s11, s6  }
.Ltmp8:
0xab: {  	[tilespmem:$0x2400] =	vst v3;
	(pc) =	sbr.rel @p0 .LBB2_1-.Ltmp8, $4  }
0xac: {  	[hbm4b:s5+s3] =	stream.linear.scatter [tilespmem:s10], [sflag:$0x1], $0x80, $0x38;
	[tilespmem:$0x2480] =	vst v63  }
0xad: {  	_ =	swait.ge [sflag:s9], $0x80  }
0xae: {  	[sflag:s9] =	ssyncset.done $0x0  }
0xaf: {  	[sflag:s9] =	ssyncadd.s32 $0xFFFFFF80  }
0xb0: {  	_ =	sfence.sel $0x180000  }
0xb1: {  	[bflag:$0x0] =	sbarrier.arrive $0xFFFF  }
0xb2: {  	p0 =	sne.s32 s1, $0x0;
	_ =	strace $0x90000047  }
0xb3: {  	s0 =	sadd.s32 @!p0 $0x100000, s0;
	[bflag:$0x2] =	sbarrier.arrive $0xFFFF  }
0xb4: {  	[sflag:s0] =	ssyncadd.tile.s32 @!p0 $0x1;
	_ =	shalt  }
.Lfunc_end2:
_tile_overlayer_lowered:
.L_overlay_start_2:
0xb5: {  	(tag) =	ssettag $0x2  }
0xb6: {  	s0 =	rddreg [dreg:$0x0];
	s2 =	stileid.u32  }
0xb7: {  	s1 =	rddreg [dreg:$0x1];
	p0 =	sne.s32 s2, $0x0  }
0xb8: {  	s3 =	rddreg [dreg:$0x2];
	[bflag:$0x3] =	sbarrier.arrive $0xFFFF;
	s2 =	simm.s32 @!p0 $0x1C01  }
0xb9: {  	[timem:s3], [sflag:s2] =	dma.local @!p0 [hbm:s0], s1  }
0xba: {  	s0 =	simm.s32 @!p0 $0x1  }
0xbb: {  	_ =	swait.ge @!p0 [sflag:s0], s1  }
0xbc: {  	s1 =	ssub.s32 @!p0 $0x0, s1;
	[sflag:s0] =	ssyncset.done @!p0 $0x0  }
0xbd: {  	[sflag:s0] =	ssyncadd.s32 @!p0 s1  }
0xbe: {  	[bflag:$0x3] =	sbarrier.arrive $0xFFFF  }
0xbf: {  	_ =	shalt  }

// kernel: kernel.8.cloned.1.call-start
scs
__scs_entry_jumppad:
0x0: {  	(pc) =	sbr.rel $0x88, $3  }
0x1: {  	(tag) =	ssettag $0x0;
	lr =	simm.s32 $0x1  }
0x2: {  	[smem:$0x3F9D] =	sst lr;
	_ =	strace $0xD0000000  }
0x3: {  	_ = 	snop  }
0x4: {  	_ = 	snop  }
0x5: {  	_ = 	snop  }
0x6: {  	_ = 	snop  }
0x7: {  	_ = 	snop  }
__scs_overlays_trampoline_lowered:
0x8: {  	[smem:$0x3FAC] =	sst s0  }
0x9: {  	[smem:$0x3FAD] =	sst s1  }
0xa: {  	[smem:$0x3FAE] =	sst s2  }
0xb: {  	[smem:$0x3FAF] =	sst s3  }
0xc: {  	[smem:$0x3FB0] =	sst s4  }
0xd: {  	[smem:$0x3FB1] =	sst s5  }
0xe: {  	[smem:$0x3FB2] =	sst s6  }
0xf: {  	[smem:$0x3FB3] =	sst s7  }
0x10: {  	[smem:$0x3FB4] =	sst s8  }
0x11: {  	[smem:$0x3FB5] =	sst s9;
	s0 =	simm.s32 @!p0 $0x0  }
0x12: {  	s1 =	sld [smem:$0x3F9B];
	s0 =	simm.s32 @p0 $0x1  }
0x13: {  	[smem:$0x3FB6] =	sst s0;
	s0 =	simm.s32 @!p1 $0x0  }
0x14: {  	s2 =	sld [smem:$0x3F9A];
	s0 =	simm.s32 @p1 $0x1  }
0x15: {  	[smem:$0x3FB7] =	sst s0;
	s0 =	simm.s32 @!p2 $0x0  }
0x16: {  	s3 =	sld [smem:$0x3FDB];
	s0 =	simm.s32 @p2 $0x1  }
0x17: {  	s4 =	simm.s32 $0x1BF5;
	[smem:$0x3FB9] =	sst s0  }
0x18: {  	s0 =	sld [smem:$0x3F9C];
	_ =	swait.ge [sflag:s4], $0x0  }
0x19: {  	s7 =	sld [smem:$0x3F9D]  }
0x1a: {  	s8 =	sadd.s32 $0xFFFFE003, lr  }
0x1b: {  	s9 =	sadd.s32 $0xFFFFFEF7, lr;
	s5 =	simm.s32 $0xFFFFFFFF;
	p2 =	slt.u32 s8, $0xFFFFF086  }
0x1c: {  	p1 =	slt.u32 s9, $0xF7A;
	s5 =	simm.s32 @!p2 $0x0  }
0x1d: {  	s5 =	simm.s32 @p1 $0x1;
	p0 =	seq.s32 s7, s2  }
0x1e: {  	s7 =	smul.u32 @!p0 $0xF7A, s2;
	p2 =	seq.s32 @!p0 s5, $0x0  }
0x1f: {  	s9 =	smul.u32 $0xF7A, s1;
	s8 =	simm.s32 @!p0 $0x1BF5;
	p2 =	por !p2, p0  }
0x20: {  	[sflag:s8] =	ssyncset.s32 @!p0 $0xFFFFF086;
	s6 =	sadd.s32 @!p0 s3, s7;
	s7 =	simm.s32 @!p0 $0x108  }
0x21: {  	s3 =	sadd.s32 s3, s9;
	s6 =	sadd.s32 @!p0 $0x88, s6;
	s7 =	simm.s32 @p2 $0x1082  }
0x22: {  	[simem:s7], [sflag:s8] =	dma.local @!p0 [hbm:s6], $0xF7A  }
0x23: {  	s9 =	sor.u32 $0xD0000000, s2;
	s6 =	simm.s32 $0x108;
	_ =	swait.ge @!p0 [sflag:s8], $0x0  }
0x24: {  	s3 =	sadd.s32 $0x88, s3;
	s6 =	simm.s32 @!p1 $0x1082;
	[sflag:s4] =	ssyncset.s32 $0xFFFFF086  }
0x25: {  	[simem:s6], [sflag:s4] =	dma.local [hbm:s3], $0xF7A  }
0x26: {  	[smem:$0x3F9D] =	sst s1;
	(tag) =	ssettag s2;
	_ =	strace s9  }
0x27: {  	s1 =	sld [smem:$0x3FAD]  }
0x28: {  	s2 =	sld [smem:$0x3FAE]  }
0x29: {  	s4 =	sld [smem:$0x3FB0]  }
0x2a: {  	p0 =	seq.s32 s5, $0x0;
	s5 =	sld [smem:$0x3FB1]  }
0x2b: {  	s6 =	sld [smem:$0x3FB2]  }
0x2c: {  	s7 =	sld [smem:$0x3FB3]  }
0x2d: {  	s3 =	simm.s32 $0x108;
	s8 =	sld [smem:$0x3FB4]  }
0x2e: {  	s3 =	simm.s32 @!p0 $0x1082;
	s9 =	sld [smem:$0x3FB5]  }
0x2f: {  	lr =	sadd.s32 s0, s3;
	s0 =	sld [smem:$0x3FAC]  }
0x30: {  	s3 =	sld [smem:$0x3FAF]  }
0x31: {  	[smem:$0x3FB8] =	sst s10  }
0x32: {  	s10 =	sld [smem:$0x3FB6];
	_ =	sdelay $0x3  }
0x33: {  	p0 =	seq.s32 s10, $0x1;
	s10 =	sld [smem:$0x3FB8];
	_ =	sdelay $0x3  }
0x34: {  	[smem:$0x3FB8] =	sst s10  }
0x35: {  	s10 =	sld [smem:$0x3FB7];
	_ =	sdelay $0x3  }
0x36: {  	p1 =	seq.s32 s10, $0x1;
	s10 =	sld [smem:$0x3FB8];
	_ =	sdelay $0x3  }
0x37: {  	[smem:$0x3FB8] =	sst s10  }
0x38: {  	s10 =	sld [smem:$0x3FB9]  }
0x39: {  	_ = 	snop;
	(pc) =	sbr.ind lr, $3  }
0x3a: {  	_ = 	snop  }
0x3b: {  	_ = 	snop  }
0x3c: {  	p2 =	seq.s32 s10, $0x1;
	s10 =	sld [smem:$0x3FB8]  }
0x3d: {  	_ =	shalt  }
0x3e: {  	_ =	shalt  }
0x3f: {  	_ =	shalt  }
0x40: {  	_ =	shalt  }
0x41: {  	_ =	shalt  }
0x42: {  	_ =	shalt  }
0x43: {  	_ =	shalt  }
0x44: {  	_ =	shalt  }
0x45: {  	_ =	shalt  }
0x46: {  	_ =	shalt  }
0x47: {  	_ =	shalt  }
0x48: {  	_ =	shalt  }
0x49: {  	_ =	shalt  }
0x4a: {  	_ =	shalt  }
0x4b: {  	_ =	shalt  }
0x4c: {  	_ =	shalt  }
0x4d: {  	_ =	shalt  }
0x4e: {  	_ =	shalt  }
0x4f: {  	_ =	shalt  }
0x50: {  	_ =	shalt  }
0x51: {  	_ =	shalt  }
0x52: {  	_ =	shalt  }
0x53: {  	_ =	shalt  }
0x54: {  	_ =	shalt  }
0x55: {  	_ =	shalt  }
0x56: {  	_ =	shalt  }
0x57: {  	_ =	shalt  }
0x58: {  	_ =	shalt  }
0x59: {  	_ =	shalt  }
0x5a: {  	_ =	shalt  }
0x5b: {  	_ =	shalt  }
0x5c: {  	_ =	shalt  }
0x5d: {  	_ =	shalt  }
0x5e: {  	_ =	shalt  }
0x5f: {  	_ =	shalt  }
0x60: {  	_ =	shalt  }
0x61: {  	_ =	shalt  }
0x62: {  	_ =	shalt  }
0x63: {  	_ =	shalt  }
0x64: {  	_ =	shalt  }
0x65: {  	_ =	shalt  }
0x66: {  	_ =	shalt  }
0x67: {  	_ =	shalt  }
0x68: {  	_ =	shalt  }
0x69: {  	_ =	shalt  }
0x6a: {  	_ =	shalt  }
0x6b: {  	_ =	shalt  }
0x6c: {  	_ =	shalt  }
0x6d: {  	_ =	shalt  }
0x6e: {  	_ =	shalt  }
0x6f: {  	_ =	shalt  }
0x70: {  	_ =	shalt  }
0x71: {  	_ =	shalt  }
0x72: {  	_ =	shalt  }
0x73: {  	_ =	shalt  }
0x74: {  	_ =	shalt  }
0x75: {  	_ =	shalt  }
0x76: {  	_ =	shalt  }
0x77: {  	_ =	shalt  }
0x78: {  	_ =	shalt  }
0x79: {  	_ =	shalt  }
0x7a: {  	_ =	shalt  }
0x7b: {  	_ =	shalt  }
0x7c: {  	_ =	shalt  }
0x7d: {  	_ =	shalt  }
0x7e: {  	_ =	shalt  }
0x7f: {  	_ =	shalt  }
0x80: {  	_ =	shalt  }
0x81: {  	_ =	shalt  }
0x82: {  	_ =	shalt  }
0x83: {  	_ =	shalt  }
0x84: {  	_ =	shalt  }
0x85: {  	_ =	shalt  }
0x86: {  	_ =	shalt  }
0x87: {  	_ =	shalt  }
.Lfunc_end0:
.L_simem_size_0:
called_computation.1_lowered:
.L_overlay_start_0:
0x88: {  	s2 =	sld [smem:$0x3FD9]  }
0x89: {  	s3 =	sld [smem:$0x3FFE];
	_ =	sdelay $0x1  }
0x8a: {  	s1 =	srdreg.scid  }
0x8b: {  	s0 =	sand.u32 $0x1, s1  }
0x8c: {  	s17 =	sshll.u32 s0, $0xA;
	s2 =	sadd.s32 s3, s2  }
0x8d: {  	s2 =	sadd.s32 s2, s17  }
0x8e: {  	[smem:$0x3FC4] =	sst s2  }
0x8f: {  	_ = 	snop  }
0x90: {  	s2 =	sld [smem:$0x3FD0];
	(tm) =	ssettm $0x1  }
0x91: {  	s18 =	sld [smem:$0x3FFB];
	_ =	sdelay $0x3  }
0x92: {  	_ =	strace s18  }
0x93: {  	s3 =	sld [smem:$0x3FFC];
	_ =	sdelay $0x3  }
0x94: {  	_ =	strace s3  }
0x95: {  	s3 =	sld [smem:$0x3FFD];
	_ =	sdelay $0x3  }
0x96: {  	_ =	strace s3  }
0x97: {  	_ =	strace $0x8FFFFFFF  }
0x98: {  	s19 =	sld [smem:$0x3FDB];
	_ =	sdelay $0x1  }
0x99: {  	s4 =	simm.s32 $_scs_section_size  }
0x9a: {  	s5 =	simm.s32 $_size__tile_overlayer_lowered;
	s6 =	simm.s32 $_tile_overlayer_lowered  }
0x9b: {  	s22 =	simm.s32 $0x1BFF;
	s21 =	sshll.u32 s6, $0x1;
	s3 =	sadd.s32 s4, s19  }
0x9c: {  	s7 =	simm.s32 $0x0;
	s20 =	sshll.u32 s5, $0x1;
	s5 =	sadd.s32 s21, s3  }
0x9d: {  	[timem:s7], [sflag:s22] =	dma.local [hbm:s5], s20  }
0x9e: {  	_ =	swait.ge [sflag:s22], s20  }
0x9f: {  	s4 =	ssub.s32 $0x0, s20;
	[sflag:s22] =	ssyncset.done $0x0  }
0xa0: {  	[sflag:s22] =	ssyncadd.s32 s4;
	_ =	sdelay $0x1  }
0xa1: {  	s23 =	simm.s32 $0x1B8B  }
0xa2: {  	_ =	swait.ge [sflag:s23], $0x1  }
0xa3: {  	[sflag:s23] =	ssyncset.done $0x0  }
0xa4: {  	s25 =	simm.s32 $0x1B8E;
	s24 =	sld [smem:$0x3FFE];
	[sflag:s23] =	ssyncadd.s32 $0xFFFFFFFF  }
0xa5: {  	s26 =	simm.s32 $execute0_lowered;
	[smem:$0x3FD2] =	sst s25  }
0xa6: {  	s5 =	sshll.u32 s26, $0x1;
	_ =	strace $0x80000049;
	[dreg:$0x1] =	wrdreg $0xFFFFFFFF  }
0xa7: {  	s28 =	simm.s32 $_size_execute0_lowered;
	s3 =	sadd.s32 s3, s5;
	[dreg:$0x0] =	wrdreg $0x0  }
0xa8: {  	s5 =	sshll.u32 s28, $0x1;
	[dreg:$0x2] =	wrdreg s3  }
0xa9: {  	[dreg:$0x3] =	wrdreg s5  }
0xaa: {  	[dreg:$0x4] =	wrdreg $0xC0  }
0xab: {  	_ =	task [dreg:s7], $0x5FFFF  }
0xac: {  	[dreg:$0x1] =	wrdreg $0xFFFFFFFF  }
0xad: {  	[dreg:$0x0] =	wrdreg $0x60  }
0xae: {  	[dreg:$0x2] =	wrdreg s24  }
0xaf: {  	[dreg:$0x3] =	wrdreg s2  }
0xb0: {  	[dreg:$0x4] =	wrdreg $0x9  }
0xb1: {  	_ =	task.clear_ibuf [dreg:s7], $0x5FFFF;
	_ =	strace $0x90000049  }
0xb2: {  	s29 =	simm.s32 $0x9;
	_ =	strace $0x8000004B  }
0xb3: {  	_ =	swait.ge [sflag:s29], $0x1  }
0xb4: {  	[sflag:s29] =	ssyncadd.s32 $0xFFFFFFFF  }
0xb5: {  	_ =	strace $0x9000004B  }
0xb6: {  	_ =	sfence  }
0xb7: {  	s30 =	sld [smem:$0x0];
	_ =	sdelay $0x2  }
0xb8: {  	s31 =	sshll.u32 s1, $0xD;
	s1 =	sshrl.u32 s1, $0x2  }
0xb9: {  	s3 =	sand.u32 $0x4000, s31;
	s1 =	sadd.s32 s1, s30  }
0xba: {  	s0 =	sor.u32 s3, s0;
	s1 =	sshll.u32 s1, $0x11  }
0xbb: {  	s0 =	sor.u32 s1, s0  }
0xbc: {  	s0 =	sadd.s32 $0x8F2B, s0  }
0xbd: {  	[sflag:s0] =	ssyncadd.remote.s32 $0x1  }
0xbe: {  	_ =	sfence.sel $0xFFFF  }
0xbf: {  	[dreg:$0x0] =	wrdreg $0xFFFFFFFF;
	(pc) =	sbr.abs _section_cstart, $3  }
0xc0: {  	[dreg:$0x1] =	wrdreg $0xFFFFFFFF  }
0xc1: {  	_ =	task.clear_ibuf [dreg:s7], $0x2FFFF;
	_ =	strace $0x9FFFFFFF  }
0xc2: {  	(tm) =	ssettm $0x7FFFFFFF  }
0xc3: {  	_ =	shalt  }
tec
execute0_lowered:
.L_overlay_start_1:
0x0: {  	(tag) =	ssettag $0x1  }
0x1: {  	s1 =	srdreg.scid;
	s0 =	stileid.u32  }
0x2: {  	s3 =	rddreg [dreg:$0x0];
	s4 =	sand.u32 $0x1, s1;
	s11 =	sshll.u32 s0, $0x8  }
0x3: {  	s6 =	rddreg [dreg:$0x1];
	s2 =	sshll.u32 s4, $0x7;
	s1 =	sand.u32 $0x300, s11  }
0x4: {  	s7 =	sor.u32 s2, s1;
	s1 =	rddreg [dreg:$0x2];
	s2 =	simm.s32 $0x0  }
0x5: {  	s16 =	simm.s32 $0x480;
	[smem:$0x7FF] =	sst s2  }
0x6: {  	s18 =	simm.s32 $0x880;
	_ =	strace $0x8000004A;
	[dreg:$0x6] =	wrdreg s16  }
0x7: {  	s20 =	simm.s32 $0xC80;
	[dreg:$0x8] =	wrdreg s18  }
0x8: {  	s22 =	simm.s32 $0x1080;
	[dreg:$0xa] =	wrdreg s20  }
0x9: {  	s24 =	simm.s32 $0x1480;
	[dreg:$0xc] =	wrdreg s22  }
0xa: {  	s25 =	simm.s32 $0x1880;
	[dreg:$0xe] =	wrdreg s24  }
0xb: {  	s26 =	simm.s32 $0x1C80;
	[dreg:$0xf] =	wrdreg s25  }
0xc: {  	s28 =	simm.s32 $0x100;
	[dreg:$0x10] =	wrdreg s26  }
0xd: {  	s29 =	simm.s32 $0x500;
	[dreg:$0x11] =	wrdreg s28  }
0xe: {  	s30 =	simm.s32 $0x900;
	[dreg:$0x12] =	wrdreg s29  }
0xf: {  	s31 =	simm.s32 $0xD00;
	[dreg:$0x13] =	wrdreg s30  }
0x10: {  	s9 =	simm.s32 $0x1D00;
	s5 =	sshrl.u32 s0, $0x2;
	[dreg:$0x14] =	wrdreg s31  }
0x11: {  	s12 =	sshll.u32 s5, $0xA;
	s11 =	simm.s32 $0x180;
	[dreg:$0x18] =	wrdreg s9  }
0x12: {  	s8 =	sor.u32 s12, s7;
	s12 =	simm.s32 $0x580;
	[dreg:$0x19] =	wrdreg s11  }
0x13: {  	s13 =	sshrl.u32 s8, $0x3;
	s8 =	simm.s32 $0x1900;
	[dreg:$0x1a] =	wrdreg s12  }
0x14: {  	s16 =	simm.s32 $0x1580;
	[dreg:$0x17] =	wrdreg s8  }
0x15: {  	s18 =	simm.s32 $0x1D80;
	[dreg:$0x1e] =	wrdreg s16  }
0x16: {  	s20 =	simm.s32 $0x600;
	[smem:$0x7D5] =	sst s18  }
0x17: {  	s22 =	simm.s32 $0xE00;
	[smem:$0x7D7] =	sst s20  }
0x18: {  	s24 =	simm.s32 $0x1600;
	[smem:$0x7D9] =	sst s22  }
0x19: {  	s25 =	simm.s32 $0x1A00;
	[smem:$0x7DB] =	sst s24  }
0x1a: {  	s26 =	simm.s32 $0x1E00;
	[smem:$0x7DC] =	sst s25  }
0x1b: {  	s28 =	simm.s32 $0x280;
	[smem:$0x7DD] =	sst s26  }
0x1c: {  	s29 =	simm.s32 $0x680;
	[smem:$0x7DE] =	sst s28  }
0x1d: {  	s30 =	simm.s32 $0xA80;
	[smem:$0x7DF] =	sst s29  }
0x1e: {  	s31 =	simm.s32 $0xE80;
	[smem:$0x7E0] =	sst s30  }
0x1f: {  	s5 =	sshll.u32 s5, $0xD;
	s9 =	simm.s32 $0x1E80;
	[smem:$0x7E1] =	sst s31  }
0x20: {  	s5 =	sor.u32 s5, s7;
	s11 =	simm.s32 $0x300;
	[smem:$0x7E5] =	sst s9  }
0x21: {  	s5 =	sshrl.u32 s5, $0x3;
	s12 =	simm.s32 $0x700;
	[smem:$0x7E6] =	sst s11  }
0x22: {  	s10 =	sadd.s32 s5, s3;
	s5 =	sadd.s32 s6, s5;
	[smem:$0x7E7] =	sst s12  }
0x23: {  	s6 =	simm.s32 $0x1100;
	[dreg:$0x4] =	wrdreg s5  }
0x24: {  	s7 =	sadd.s32 s13, s3;
	s13 =	simm.s32 $0x980;
	[dreg:$0x15] =	wrdreg s6  }
0x25: {  	s8 =	simm.s32 $0x1A80;
	[dreg:$0x1b] =	wrdreg s13  }
0x26: {  	s16 =	simm.s32 $0x1700;
	[smem:$0x7E4] =	sst s8  }
0x27: {  	s18 =	simm.s32 $0x1F00;
	[smem:$0x7EB] =	sst s16  }
0x28: {  	s20 =	simm.s32 $0x780;
	[smem:$0x7ED] =	sst s18  }
0x29: {  	s22 =	simm.s32 $0xF80;
	[smem:$0x7EF] =	sst s20  }
0x2a: {  	s24 =	simm.s32 $0x1380;
	[smem:$0x7F1] =	sst s22  }
0x2b: {  	s25 =	simm.s32 $0x1780;
	[smem:$0x7F2] =	sst s24  }
0x2c: {  	s26 =	simm.s32 $0x1B80;
	[smem:$0x7F3] =	sst s25  }
0x2d: {  	s28 =	simm.s32 $0x1F80;
	[smem:$0x7F4] =	sst s26  }
0x2e: {  	s29 =	simm.s32 $0x800;
	[smem:$0x7F5] =	sst s28  }
0x2f: {  	s9 =	simm.s32 $0xC00;
	[smem:$0x7F6] =	sst s29  }
0x30: {  	s12 =	simm.s32 $0x1000;
	[smem:$0x7F7] =	sst s9  }
0x31: {  	s30 =	simm.s32 $0x1400;
	[smem:$0x7F8] =	sst s12  }
0x32: {  	s31 =	simm.s32 $0x1800;
	[smem:$0x7F9] =	sst s30  }
0x33: {  	s14 =	sadd.s32 $0xC00, s7;
	[smem:$0x7FA] =	sst s31  }
0x34: {  	s7 =	simm.s32 $0x1500;
	[dreg:$0x3] =	wrdreg s14  }
0x35: {  	s6 =	simm.s32 $0x1280;
	[dreg:$0x16] =	wrdreg s7  }
0x36: {  	s13 =	simm.s32 $0xB00;
	[smem:$0x7E2] =	sst s6  }
0x37: {  	s3 =	sadd.s32 $0xE00, s10;
	s16 =	simm.s32 $0x2080;
	[smem:$0x7E8] =	sst s13  }
0x38: {  	s15 =	sadd.s32 $0x80, s3;
	[smem:$0x7FD] =	sst s16  }
0x39: {  	s17 =	sadd.s32 $0x100, s3;
	[dreg:$0x5] =	wrdreg s15  }
0x3a: {  	s19 =	sadd.s32 $0x180, s3;
	[dreg:$0x7] =	wrdreg s17  }
0x3b: {  	s21 =	sadd.s32 $0x200, s3;
	[dreg:$0x9] =	wrdreg s19  }
0x3c: {  	s23 =	sadd.s32 $0x280, s3;
	[dreg:$0xb] =	wrdreg s21  }
0x3d: {  	s14 =	simm.s32 $0xD80;
	[dreg:$0xd] =	wrdreg s23  }
0x3e: {  	s7 =	simm.s32 $0x1680;
	[dreg:$0x1c] =	wrdreg s14  }
0x3f: {  	s13 =	simm.s32 $0x1C00;
	[smem:$0x7E3] =	sst s7  }
0x40: {  	s15 =	simm.s32 $0x1180;
	[smem:$0x7FB] =	sst s13  }
0x41: {  	s4 =	ssub.s32 $0x2, s4;
	s17 =	simm.s32 $0x1980;
	[dreg:$0x1d] =	wrdreg s15  }
0x42: {  	s5 =	sadd.s32 $0x2E00, s10;
	s19 =	simm.s32 $0x200;
	[dreg:$0x1f] =	wrdreg s17  }
0x43: {  	s8 =	sadd.s32 $0x5E00, s10;
	s21 =	simm.s32 $0xA00;
	[smem:$0x7D6] =	sst s19  }
0x44: {  	s9 =	sadd.s32 $0x6E00, s10;
	s23 =	simm.s32 $0x1200;
	[smem:$0x7D8] =	sst s21  }
0x45: {  	s12 =	simm.s32 $0x2;
	s14 =	simm.s32 $0xF00;
	[smem:$0x7DA] =	sst s23  }
0x46: {  	s6 =	sadd.s32 $0x3E00, s10;
	[smem:$0x7E9] =	sst s14;
	s15 =	simm.s32 $0x1300  }
0x47: {  	s7 =	sadd.s32 $0x4E00, s10;
	s17 =	simm.s32 $0x1B00;
	[smem:$0x7EA] =	sst s15  }
0x48: {  	s13 =	simm.s32 $0x80;
	s19 =	simm.s32 $0x380;
	[smem:$0x7EC] =	sst s17  }
0x49: {  	s21 =	simm.s32 $0xB80;
	s23 =	sshrl.u32 s4, $0x1;
	[smem:$0x7EE] =	sst s19  }
0x4a: {  	s14 =	simm.s32 $0x2000;
	[smem:$0x7F0] =	sst s21;
	s11 =	ssub.s32 s4, s23  }
0x4b: {  	s4 =	sadd.s32 $0x1E00, s10;
	s10 =	sadd.s32 $0x7E00, s10;
	[smem:$0x7FC] =	sst s14  }
0x4c: {  	s14 =	simm.s32 $0x400;
	s15 =	simm.s32 $0x1;
	s11 =	smax.u32 s11, $0x1  }
.LBB2_1:
0x4d: {  	s16 =	rddreg [dreg:$0x3]  }
0x4e: {  	[tilespmem:s2], [sflag:$0x2] =	stream.linear.gather [hbm4b:s16+s2], $0x80, $0x38;
	[tilespmem:$0x2480] =	vst v63  }
0x4f: {  	_ =	swait.ge [sflag:s12], $0x80  }
0x50: {  	s29 =	rddreg [dreg:$0x5]  }
0x51: {  	s17 =	rddreg [dreg:$0x6]  }
0x52: {  	s30 =	rddreg [dreg:$0x7]  }
0x53: {  	s31 =	rddreg [dreg:$0x8]  }
0x54: {  	[sflag:s12] =	ssyncset.done $0x0;
	s18 =	rddreg [dreg:$0x9]  }
0x55: {  	s19 =	rddreg [dreg:$0xa];
	[sflag:s12] =	ssyncadd.s32 $0xFFFFFF80  }
0x56: {  	[tilespmem:s13], [sflag:$0x1] =	stream.linear.gather [hbm4b:s3+s2], $0x80, $0x38;
	[tilespmem:$0x2480] =	vst v63  }
0x57: {  	s20 =	rddreg [dreg:$0xc]  }
0x58: {  	[tilespmem:s17], [sflag:$0x1] =	stream.linear.gather [hbm4b:s29+s2], $0x80, $0x38;
	[tilespmem:$0x2480] =	vst v63  }
0x59: {  	s21 =	rddreg [dreg:$0xd]  }
0x5a: {  	[tilespmem:s31], [sflag:$0x1] =	stream.linear.gather [hbm4b:s30+s2], $0x80, $0x38;
	[tilespmem:$0x2480] =	vst v63  }
0x5b: {  	s22 =	rddreg [dreg:$0xe]  }
0x5c: {  	[tilespmem:s19], [sflag:$0x1] =	stream.linear.gather [hbm4b:s18+s2], $0x80, $0x38;
	[tilespmem:$0x2480] =	vst v63  }
0x5d: {  	s19 =	rddreg [dreg:$0xb]  }
0x5e: {  	[tilespmem:s20], [sflag:$0x1] =	stream.linear.gather [hbm4b:s19+s2], $0x80, $0x38;
	[tilespmem:$0x2480] =	vst v63  }
0x5f: {  	s23 =	rddreg [dreg:$0xf]  }
0x60: {  	[tilespmem:s22], [sflag:$0x1] =	stream.linear.gather [hbm4b:s21+s2], $0x80, $0x38;
	[tilespmem:$0x2480] =	vst v63  }
0x61: {  	s24 =	sadd.s32 $0x300, s3;
	s25 =	rddreg [dreg:$0x10]  }
0x62: {  	[tilespmem:s23], [sflag:$0x1] =	stream.linear.gather [hbm4b:s24+s2], $0x80, $0x38;
	[tilespmem:$0x2480] =	vst v63  }
0x63: {  	s26 =	sadd.s32 $0x380, s3;
	s28 =	rddreg [dreg:$0x11]  }
0x64: {  	[tilespmem:s25], [sflag:$0x1] =	stream.linear.gather [hbm4b:s26+s2], $0x80, $0x38;
	[tilespmem:$0x2480] =	vst v63  }
0x65: {  	s29 =	rddreg [dreg:$0x12]  }
0x66: {  	[tilespmem:s28], [sflag:$0x1] =	stream.linear.gather [hbm4b:s4+s2], $0x80, $0x38;
	[tilespmem:$0x2480] =	vst v63  }
0x67: {  	s17 =	rddreg [dreg:$0x1a];
	s30 =	sadd.s32 $0x80, s4  }
0x68: {  	[tilespmem:s29], [sflag:$0x1] =	stream.linear.gather [hbm4b:s30+s2], $0x80, $0x38;
	[tilespmem:$0x2480] =	vst v63  }
0x69: {  	s31 =	rddreg [dreg:$0x13];
	s19 =	sadd.s32 $0x100, s4  }
0x6a: {  	[tilespmem:s31], [sflag:$0x1] =	stream.linear.gather [hbm4b:s19+s2], $0x80, $0x38;
	[tilespmem:$0x2480] =	vst v63  }
0x6b: {  	s20 =	rddreg [dreg:$0x14];
	s21 =	sadd.s32 $0x180, s4  }
0x6c: {  	[tilespmem:s20], [sflag:$0x1] =	stream.linear.gather [hbm4b:s21+s2], $0x80, $0x38;
	[tilespmem:$0x2480] =	vst v63  }
0x6d: {  	s22 =	rddreg [dreg:$0x15];
	s23 =	sadd.s32 $0x200, s4  }
0x6e: {  	[tilespmem:s22], [sflag:$0x1] =	stream.linear.gather [hbm4b:s23+s2], $0x80, $0x38;
	[tilespmem:$0x2480] =	vst v63  }
0x6f: {  	s24 =	rddreg [dreg:$0x16];
	s25 =	sadd.s32 $0x280, s4  }
0x70: {  	[tilespmem:s24], [sflag:$0x1] =	stream.linear.gather [hbm4b:s25+s2], $0x80, $0x38;
	[tilespmem:$0x2480] =	vst v63  }
0x71: {  	s26 =	rddreg [dreg:$0x17];
	s28 =	sadd.s32 $0x300, s4  }
0x72: {  	[tilespmem:s26], [sflag:$0x1] =	stream.linear.gather [hbm4b:s28+s2], $0x80, $0x38;
	[tilespmem:$0x2480] =	vst v63  }
0x73: {  	s29 =	rddreg [dreg:$0x18];
	s30 =	sadd.s32 $0x380, s4  }
0x74: {  	[tilespmem:s29], [sflag:$0x1] =	stream.linear.gather [hbm4b:s30+s2], $0x80, $0x38;
	[tilespmem:$0x2480] =	vst v63  }
0x75: {  	s31 =	rddreg [dreg:$0x19]  }
0x76: {  	[tilespmem:s31], [sflag:$0x1] =	stream.linear.gather [hbm4b:s5+s2], $0x80, $0x38;
	[tilespmem:$0x2480] =	vst v63  }
0x77: {  	s19 =	sadd.s32 $0x80, s5;
	s20 =	rddreg [dreg:$0x1b]  }
0x78: {  	[tilespmem:s17], [sflag:$0x1] =	stream.linear.gather [hbm4b:s19+s2], $0x80, $0x38;
	[tilespmem:$0x2480] =	vst v63  }
0x79: {  	s21 =	sadd.s32 $0x100, s5;
	s22 =	rddreg [dreg:$0x1c]  }
0x7a: {  	[tilespmem:s20], [sflag:$0x1] =	stream.linear.gather [hbm4b:s21+s2], $0x80, $0x38;
	[tilespmem:$0x2480] =	vst v63  }
0x7b: {  	s23 =	sadd.s32 $0x180, s5;
	s24 =	rddreg [dreg:$0x1d]  }
0x7c: {  	[tilespmem:s22], [sflag:$0x1] =	stream.linear.gather [hbm4b:s23+s2], $0x80, $0x38;
	[tilespmem:$0x2480] =	vst v63  }
0x7d: {  	s25 =	sadd.s32 $0x200, s5;
	s26 =	rddreg [dreg:$0x1e]  }
0x7e: {  	[tilespmem:s24], [sflag:$0x1] =	stream.linear.gather [hbm4b:s25+s2], $0x80, $0x38;
	[tilespmem:$0x2480] =	vst v63  }
0x7f: {  	s28 =	sadd.s32 $0x280, s5;
	s29 =	rddreg [dreg:$0x1f]  }
0x80: {  	[tilespmem:s26], [sflag:$0x1] =	stream.linear.gather [hbm4b:s28+s2], $0x80, $0x38;
	[tilespmem:$0x2480] =	vst v63  }
0x81: {  	s30 =	sadd.s32 $0x300, s5;
	s31 =	sld [smem:$0x7D5]  }
0x82: {  	[tilespmem:s29], [sflag:$0x1] =	stream.linear.gather [hbm4b:s30+s2], $0x80, $0x38;
	[tilespmem:$0x2480] =	vst v63  }
0x83: {  	s18 =	sadd.s32 $0x380, s5;
	s19 =	sld [smem:$0x7D6]  }
0x84: {  	[tilespmem:s31], [sflag:$0x1] =	stream.linear.gather [hbm4b:s18+s2], $0x80, $0x38;
	[tilespmem:$0x2480] =	vst v63  }
0x85: {  	s20 =	sld [smem:$0x7D7]  }
0x86: {  	[tilespmem:s19], [sflag:$0x1] =	stream.linear.gather [hbm4b:s6+s2], $0x80, $0x38;
	[tilespmem:$0x2480] =	vst v63  }
0x87: {  	s21 =	sadd.s32 $0x80, s6;
	s22 =	sld [smem:$0x7D8]  }
0x88: {  	[tilespmem:s20], [sflag:$0x1] =	stream.linear.gather [hbm4b:s21+s2], $0x80, $0x38;
	[tilespmem:$0x2480] =	vst v63  }
0x89: {  	s23 =	sadd.s32 $0x100, s6;
	s24 =	sld [smem:$0x7D9]  }
0x8a: {  	[tilespmem:s22], [sflag:$0x1] =	stream.linear.gather [hbm4b:s23+s2], $0x80, $0x38;
	[tilespmem:$0x2480] =	vst v63  }
0x8b: {  	s25 =	sadd.s32 $0x180, s6;
	s26 =	sld [smem:$0x7DA]  }
0x8c: {  	[tilespmem:s24], [sflag:$0x1] =	stream.linear.gather [hbm4b:s25+s2], $0x80, $0x38;
	[tilespmem:$0x2480] =	vst v63  }
0x8d: {  	s28 =	sadd.s32 $0x200, s6;
	s29 =	sld [smem:$0x7DB]  }
0x8e: {  	[tilespmem:s26], [sflag:$0x1] =	stream.linear.gather [hbm4b:s28+s2], $0x80, $0x38;
	[tilespmem:$0x2480] =	vst v63  }
0x8f: {  	s30 =	sadd.s32 $0x280, s6;
	s31 =	sld [smem:$0x7DC]  }
0x90: {  	[tilespmem:s29], [sflag:$0x1] =	stream.linear.gather [hbm4b:s30+s2], $0x80, $0x38;
	[tilespmem:$0x2480] =	vst v63  }
0x91: {  	s17 =	sadd.s32 $0x300, s6;
	s19 =	sld [smem:$0x7DD]  }
0x92: {  	[tilespmem:s31], [sflag:$0x1] =	stream.linear.gather [hbm4b:s17+s2], $0x80, $0x38;
	[tilespmem:$0x2480] =	vst v63  }
0x93: {  	s20 =	sadd.s32 $0x380, s6;
	s21 =	sld [smem:$0x7DE]  }
0x94: {  	[tilespmem:s19], [sflag:$0x1] =	stream.linear.gather [hbm4b:s20+s2], $0x80, $0x38;
	[tilespmem:$0x2480] =	vst v63  }
0x95: {  	s22 =	sld [smem:$0x7DF]  }
0x96: {  	[tilespmem:s21], [sflag:$0x1] =	stream.linear.gather [hbm4b:s7+s2], $0x80, $0x38;
	[tilespmem:$0x2480] =	vst v63  }
0x97: {  	s23 =	sadd.s32 $0x80, s7;
	s24 =	sld [smem:$0x7E0]  }
0x98: {  	[tilespmem:s22], [sflag:$0x1] =	stream.linear.gather [hbm4b:s23+s2], $0x80, $0x38;
	[tilespmem:$0x2480] =	vst v63  }
0x99: {  	s25 =	sadd.s32 $0x100, s7;
	s26 =	sld [smem:$0x7E1]  }
0x9a: {  	[tilespmem:s24], [sflag:$0x1] =	stream.linear.gather [hbm4b:s25+s2], $0x80, $0x38;
	[tilespmem:$0x2480] =	vst v63  }
0x9b: {  	s28 =	sadd.s32 $0x180, s7;
	s29 =	sld [smem:$0x7E2]  }
0x9c: {  	[tilespmem:s26], [sflag:$0x1] =	stream.linear.gather [hbm4b:s28+s2], $0x80, $0x38;
	[tilespmem:$0x2480] =	vst v63  }
0x9d: {  	s30 =	sadd.s32 $0x200, s7;
	s31 =	sld [smem:$0x7E3]  }
0x9e: {  	[tilespmem:s29], [sflag:$0x1] =	stream.linear.gather [hbm4b:s30+s2], $0x80, $0x38;
	[tilespmem:$0x2480] =	vst v63  }
0x9f: {  	s18 =	sadd.s32 $0x280, s7;
	s19 =	sld [smem:$0x7E4]  }
0xa0: {  	[tilespmem:s31], [sflag:$0x1] =	stream.linear.gather [hbm4b:s18+s2], $0x80, $0x38;
	[tilespmem:$0x2480] =	vst v63  }
0xa1: {  	s20 =	sadd.s32 $0x300, s7;
	s21 =	sld [smem:$0x7E5]  }
0xa2: {  	[tilespmem:s19], [sflag:$0x1] =	stream.linear.gather [hbm4b:s20+s2], $0x80, $0x38;
	[tilespmem:$0x2480] =	vst v63  }
0xa3: {  	s22 =	sadd.s32 $0x380, s7;
	s23 =	sld [smem:$0x7E6]  }
0xa4: {  	[tilespmem:s21], [sflag:$0x1] =	stream.linear.gather [hbm4b:s22+s2], $0x80, $0x38;
	[tilespmem:$0x2480] =	vst v63  }
0xa5: {  	s24 =	sld [smem:$0x7E7]  }
0xa6: {  	[tilespmem:s23], [sflag:$0x1] =	stream.linear.gather [hbm4b:s8+s2], $0x80, $0x38;
	[tilespmem:$0x2480] =	vst v63  }
0xa7: {  	s25 =	sadd.s32 $0x80, s8;
	s26 =	sld [smem:$0x7E8]  }
0xa8: {  	[tilespmem:s24], [sflag:$0x1] =	stream.linear.gather [hbm4b:s25+s2], $0x80, $0x38;
	[tilespmem:$0x2480] =	vst v63  }
0xa9: {  	s28 =	sadd.s32 $0x100, s8;
	s29 =	sld [smem:$0x7E9]  }
0xaa: {  	[tilespmem:s26], [sflag:$0x1] =	stream.linear.gather [hbm4b:s28+s2], $0x80, $0x38;
	[tilespmem:$0x2480] =	vst v63  }
0xab: {  	s30 =	sadd.s32 $0x180, s8;
	s31 =	sld [smem:$0x7EA]  }
0xac: {  	[tilespmem:s29], [sflag:$0x1] =	stream.linear.gather [hbm4b:s30+s2], $0x80, $0x38;
	[tilespmem:$0x2480] =	vst v63  }
0xad: {  	s17 =	sadd.s32 $0x200, s8;
	s19 =	sld [smem:$0x7EB]  }
0xae: {  	[tilespmem:s31], [sflag:$0x1] =	stream.linear.gather [hbm4b:s17+s2], $0x80, $0x38;
	[tilespmem:$0x2480] =	vst v63  }
0xaf: {  	s20 =	sadd.s32 $0x280, s8;
	s21 =	sld [smem:$0x7EC]  }
0xb0: {  	[tilespmem:s19], [sflag:$0x1] =	stream.linear.gather [hbm4b:s20+s2], $0x80, $0x38;
	[tilespmem:$0x2480] =	vst v63  }
0xb1: {  	s22 =	sadd.s32 $0x300, s8;
	s23 =	sld [smem:$0x7ED]  }
0xb2: {  	[tilespmem:s21], [sflag:$0x1] =	stream.linear.gather [hbm4b:s22+s2], $0x80, $0x38;
	[tilespmem:$0x2480] =	vst v63  }
0xb3: {  	s24 =	sadd.s32 $0x380, s8;
	s25 =	sld [smem:$0x7EE]  }
0xb4: {  	[tilespmem:s23], [sflag:$0x1] =	stream.linear.gather [hbm4b:s24+s2], $0x80, $0x38;
	[tilespmem:$0x2480] =	vst v63  }
0xb5: {  	s26 =	sld [smem:$0x7EF]  }
0xb6: {  	[tilespmem:s25], [sflag:$0x1] =	stream.linear.gather [hbm4b:s9+s2], $0x80, $0x38;
	[tilespmem:$0x2480] =	vst v63  }
0xb7: {  	s28 =	sadd.s32 $0x80, s9;
	s29 =	sld [smem:$0x7F0]  }
0xb8: {  	[tilespmem:s26], [sflag:$0x1] =	stream.linear.gather [hbm4b:s28+s2], $0x80, $0x38;
	[tilespmem:$0x2480] =	vst v63  }
0xb9: {  	s30 =	sadd.s32 $0x100, s9;
	s31 =	sld [smem:$0x7F1]  }
0xba: {  	[tilespmem:s29], [sflag:$0x1] =	stream.linear.gather [hbm4b:s30+s2], $0x80, $0x38;
	[tilespmem:$0x2480] =	vst v63  }
0xbb: {  	s19 =	sadd.s32 $0x180, s9;
	s20 =	sld [smem:$0x7F2]  }
0xbc: {  	[tilespmem:s31], [sflag:$0x1] =	stream.linear.gather [hbm4b:s19+s2], $0x80, $0x38;
	[tilespmem:$0x2480] =	vst v63  }
0xbd: {  	s21 =	sadd.s32 $0x200, s9;
	s22 =	sld [smem:$0x7F3]  }
0xbe: {  	[tilespmem:s20], [sflag:$0x1] =	stream.linear.gather [hbm4b:s21+s2], $0x80, $0x38;
	[tilespmem:$0x2480] =	vst v63  }
0xbf: {  	s23 =	sadd.s32 $0x280, s9;
	s24 =	sld [smem:$0x7F4]  }
0xc0: {  	[tilespmem:s22], [sflag:$0x1] =	stream.linear.gather [hbm4b:s23+s2], $0x80, $0x38;
	[tilespmem:$0x2480] =	vst v63  }
0xc1: {  	s25 =	sadd.s32 $0x300, s9;
	s26 =	sld [smem:$0x7F5]  }
0xc2: {  	[tilespmem:s24], [sflag:$0x1] =	stream.linear.gather [hbm4b:s25+s2], $0x80, $0x38;
	[tilespmem:$0x2480] =	vst v63  }
0xc3: {  	s28 =	sadd.s32 $0x380, s9  }
0xc4: {  	[tilespmem:s26], [sflag:$0x1] =	stream.linear.gather [hbm4b:s28+s2], $0x80, $0x38;
	[tilespmem:$0x2480] =	vst v63  }
0xc5: {  	s29 =	sld [smem:$0x7F6]  }
0xc6: {  	[tilespmem:s14], [sflag:$0x1] =	stream.linear.gather [hbm4b:s10+s2], $0x80, $0x38;
	[tilespmem:$0x2480] =	vst v63  }
0xc7: {  	s30 =	sadd.s32 $0x80, s10;
	s31 =	sld [smem:$0x7F7]  }
0xc8: {  	[tilespmem:s29], [sflag:$0x1] =	stream.linear.gather [hbm4b:s30+s2], $0x80, $0x38;
	[tilespmem:$0x2480] =	vst v63  }
0xc9: {  	s17 =	sadd.s32 $0x100, s10;
	s19 =	sld [smem:$0x7F8]  }
0xca: {  	[tilespmem:s31], [sflag:$0x1] =	stream.linear.gather [hbm4b:s17+s2], $0x80, $0x38;
	[tilespmem:$0x2480] =	vst v63  }
0xcb: {  	s20 =	sadd.s32 $0x180, s10;
	s21 =	sld [smem:$0x7F9]  }
0xcc: {  	[tilespmem:s19], [sflag:$0x1] =	stream.linear.gather [hbm4b:s20+s2], $0x80, $0x38;
	[tilespmem:$0x2480] =	vst v63  }
0xcd: {  	s22 =	sadd.s32 $0x200, s10;
	s23 =	sld [smem:$0x7FA]  }
0xce: {  	[tilespmem:s21], [sflag:$0x1] =	stream.linear.gather [hbm4b:s22+s2], $0x80, $0x38;
	[tilespmem:$0x2480] =	vst v63  }
0xcf: {  	s24 =	sadd.s32 $0x280, s10;
	s25 =	sld [smem:$0x7FB]  }
0xd0: {  	[tilespmem:s23], [sflag:$0x1] =	stream.linear.gather [hbm4b:s24+s2], $0x80, $0x38;
	[tilespmem:$0x2480] =	vst v63  }
0xd1: {  	s26 =	sadd.s32 $0x300, s10;
	s28 =	sld [smem:$0x7FC]  }
0xd2: {  	[tilespmem:s25], [sflag:$0x1] =	stream.linear.gather [hbm4b:s26+s2], $0x80, $0x38;
	[tilespmem:$0x2480] =	vst v63  }
0xd3: {  	s29 =	sadd.s32 $0x380, s10  }
0xd4: {  	[tilespmem:s28], [sflag:$0x1] =	stream.linear.gather [hbm4b:s29+s2], $0x80, $0x38;
	[tilespmem:$0x2480] =	vst v63  }
0xd5: {  	_ =	swait.ge [sflag:s15], $0x400  }
0xd6: {  	[sflag:s15] =	ssyncset.done $0x0  }
0xd7: {  	[sflag:s15] =	ssyncadd.s32 $0xFFFFFC00  }
0xd8: {  	_ =	swait.ge [sflag:s15], $0x400  }
0xd9: {  	[sflag:s15] =	ssyncset.done $0x0  }
0xda: {  	[sflag:s15] =	ssyncadd.s32 $0xFFFFFC00  }
0xdb: {  	_ =	swait.ge [sflag:s15], $0x400  }
0xdc: {  	[sflag:s15] =	ssyncset.done $0x0  }
0xdd: {  	[sflag:s15] =	ssyncadd.s32 $0xFFFFFC00  }
0xde: {  	_ =	swait.ge [sflag:s15], $0x400  }
0xdf: {  	[sflag:s15] =	ssyncset.done $0x0  }
0xe0: {  	[sflag:s15] =	ssyncadd.s32 $0xFFFFFC00  }
0xe1: {  	_ =	swait.ge [sflag:s15], $0x400  }
0xe2: {  	[sflag:s15] =	ssyncset.done $0x0  }
0xe3: {  	[sflag:s15] =	ssyncadd.s32 $0xFFFFFC00  }
0xe4: {  	_ =	swait.ge [sflag:s15], $0x400  }
0xe5: {  	[sflag:s15] =	ssyncset.done $0x0  }
0xe6: {  	[sflag:s15] =	ssyncadd.s32 $0xFFFFFC00  }
0xe7: {  	_ =	swait.ge [sflag:s15], $0x400  }
0xe8: {  	[sflag:s15] =	ssyncset.done $0x0  }
0xe9: {  	[sflag:s15] =	ssyncadd.s32 $0xFFFFFC00  }
0xea: {  	_ =	swait.ge [sflag:s15], $0x400  }
0xeb: {  	[sflag:s15] =	ssyncset.done $0x0  }
0xec: {  	[sflag:s15] =	ssyncadd.s32 $0xFFFFFC00  }
0xed: {  	v2 =	vld [tilespmem:$0x0];
	_ =	sdelay $0x1  }
0xee: {  	v0 =	vld [tilespmem:$0x80];
	_ =	sdelay $0x1  }
0xef: {  	v1 =	vld [tilespmem:$0x100]  }
0xf0: {  	v7 =	vbroadcast v2, $0x0  }
0xf1: {  	v3 =	vld [tilespmem:$0x180]  }
0xf2: {  	v8 =	vld [tilespmem:$0x200];
	v6 =	vbroadcast v2, $0x1;
	v0 =	vmul.f32 v0, v7  }
0xf3: {  	v9 =	vld [tilespmem:$0x280]  }
0xf4: {  	v10 =	vld [tilespmem:$0x300];
	v5 =	vbroadcast v2, $0x2;
	v1 =	vmul.f32 v1, v6;
	v0 =	vadd.f32 $0.0e+00, v0  }
0xf5: {  	v11 =	vld [tilespmem:$0x380]  }
0xf6: {  	v12 =	vld [tilespmem:$0x400];
	v33 =	vbroadcast v2, $0x3;
	v54 =	vmul.f32 v3, v5;
	v0 =	vadd.f32 v1, v0  }
0xf7: {  	v13 =	vld [tilespmem:$0x90]  }
0xf8: {  	v14 =	vld [tilespmem:$0x110];
	v34 =	vbroadcast v2, $0x4;
	v55 =	vmul.f32 v8, v33;
	v0 =	vadd.f32 v54, v0  }
0xf9: {  	v56 =	vld [tilespmem:$0xC0]  }
0xfa: {  	v15 =	vld [tilespmem:$0x190];
	v37 =	vbroadcast v2, $0x5;
	v9 =	vmul.f32 v9, v34;
	v1 =	vadd.f32 v55, v0  }
0xfb: {  	v58 =	vld [tilespmem:$0x140]  }
0xfc: {  	v21 =	vld [tilespmem:$0xA0];
	v36 =	vbroadcast v2, $0x6;
	v10 =	vmul.f32 v10, v37;
	v9 =	vadd.f32 v9, v1  }
0xfd: {  	v60 =	vld [tilespmem:$0x1C0];
	v35 =	vbroadcast v2, $0x7;
	v13 =	vmul.f32 v13, v7  }
0xfe: {  	v22 =	vld [tilespmem:$0x120];
	v11 =	vmul.f32 v11, v36;
	v49 =	vmul.f32 v56, v7;
	v9 =	vadd.f32 v10, v9  }
0xff: {  	v62 =	vld [tilespmem:$0x240];
	v57 =	vmul.f32 v15, v5;
	v12 =	vmul.f32 v12, v35  }
0x100: {  	v15 =	vmul.f32 v58, v6;
	v54 =	vadd.f32 $0.0e+00, v49;
	v9 =	vadd.f32 v11, v9  }
0x101: {  	v63 =	vld [tilespmem:$0x2C0];
	v14 =	vmul.f32 v14, v6;
	v59 =	vmul.f32 v21, v7;
	v13 =	vadd.f32 $0.0e+00, v13  }
0x102: {  	v58 =	vmul.f32 v60, v5;
	v9 =	vadd.f32 v12, v9;
	v12 =	vadd.f32 v15, v54  }
0x103: {  	v22 =	vmul.f32 v22, v6;
	v13 =	vadd.f32 v14, v13  }
0x104: {  	v60 =	vmul.f32 v62, v33;
	v14 =	vld [tilespmem:$0x340];
	v10 =	vadd.f32 $0.0e+00, v59;
	v12 =	vadd.f32 v58, v12;
	_ =	sdelay $0x1  }
0x105: {  	v63 =	vmul.f32 v63, v34;
	v10 =	vadd.f32 v22, v10;
	v22 =	vld [tilespmem:$0x3C0];
	v12 =	vadd.f32 v60, v12;
	_ =	sdelay $0x1  }
0x106: {  	v12 =	vadd.f32 v63, v12;
	v63 =	vld [tilespmem:$0x680]  }
0x107: {  	v14 =	vmul.f32 v14, v37;
	_ =	sdelay $0x1  }
0x108: {  	v22 =	vmul.f32 v22, v36;
	v12 =	vadd.f32 v14, v12;
	_ =	sdelay $0x1  }
0x109: {  	v12 =	vadd.f32 v22, v12;
	v22 =	vmul.f32 v63, v34;
	v63 =	vld [tilespmem:$0x980];
	_ =	sdelay $0x4  }
0x10a: {  	[tilespmem:$0x1F310] =	vst v63;
	v63 =	vld [tilespmem:$0xA80];
	_ =	sdelay $0x4  }
0x10b: {  	[tilespmem:$0x1F380] =	vst v63;
	v63 =	vld [tilespmem:$0xB80];
	_ =	sdelay $0x4  }
0x10c: {  	[tilespmem:$0x1F420] =	vst v63;
	v63 =	vld [tilespmem:$0x990];
	_ =	sdelay $0x4  }
0x10d: {  	[tilespmem:$0x1F330] =	vst v63;
	v63 =	vld [tilespmem:$0xA10];
	_ =	sdelay $0x4  }
0x10e: {  	[tilespmem:$0x1F350] =	vst v63;
	v63 =	vld [tilespmem:$0xA90];
	_ =	sdelay $0x4  }
0x10f: {  	[tilespmem:$0x1F390] =	vst v63;
	v63 =	vld [tilespmem:$0xB10];
	_ =	sdelay $0x4  }
0x110: {  	[tilespmem:$0x1F3E0] =	vst v63;
	v63 =	vld [tilespmem:$0xB90];
	_ =	sdelay $0x4  }
0x111: {  	[tilespmem:$0x1F440] =	vst v63;
	v63 =	vld [tilespmem:$0xC10];
	_ =	sdelay $0x4  }
0x112: {  	[tilespmem:$0x1F490] =	vst v63;
	v63 =	vld [tilespmem:$0x8A0];
	_ =	sdelay $0x4  }
0x113: {  	[tilespmem:$0x1F3A0] =	vst v63;
	v63 =	vld [tilespmem:$0x920];
	_ =	sdelay $0x4  }
0x114: {  	[tilespmem:$0x1F3D0] =	vst v63;
	v63 =	vld [tilespmem:$0x9A0];
	_ =	sdelay $0x4  }
0x115: {  	[tilespmem:$0x1F400] =	vst v63;
	v63 =	vld [tilespmem:$0xA20];
	_ =	sdelay $0x4  }
0x116: {  	[tilespmem:$0x1F430] =	vst v63;
	v63 =	vld [tilespmem:$0xAA0];
	_ =	sdelay $0x4  }
0x117: {  	[tilespmem:$0x1F460] =	vst v63;
	v63 =	vld [tilespmem:$0xB20];
	_ =	sdelay $0x4  }
0x118: {  	[tilespmem:$0x1F4A0] =	vst v63;
	v63 =	vld [tilespmem:$0xBA0];
	_ =	sdelay $0x4  }
0x119: {  	[tilespmem:$0x1F4E0] =	vst v63;
	v63 =	vld [tilespmem:$0xC20];
	_ =	sdelay $0x4  }
0x11a: {  	[tilespmem:$0x1F540] =	vst v63;
	v63 =	vld [tilespmem:$0x8B0];
	_ =	sdelay $0x4  }
0x11b: {  	[tilespmem:$0x1F3B0] =	vst v63;
	v63 =	vld [tilespmem:$0x930];
	_ =	sdelay $0x4  }
0x11c: {  	[tilespmem:$0x1F3F0] =	vst v63;
	v63 =	vld [tilespmem:$0x9B0];
	_ =	sdelay $0x4  }
0x11d: {  	[tilespmem:$0x1F410] =	vst v63;
	v63 =	vld [tilespmem:$0xA30];
	_ =	sdelay $0x4  }
0x11e: {  	[tilespmem:$0x1F450] =	vst v63;
	v63 =	vld [tilespmem:$0xAB0];
	_ =	sdelay $0x4  }
0x11f: {  	[tilespmem:$0x1F470] =	vst v63;
	v63 =	vld [tilespmem:$0xB30];
	_ =	sdelay $0x4  }
0x120: {  	[tilespmem:$0x1F4B0] =	vst v63;
	v63 =	vld [tilespmem:$0xBB0];
	_ =	sdelay $0x4  }
0x121: {  	[tilespmem:$0x1F500] =	vst v63;
	v63 =	vld [tilespmem:$0xC30];
	_ =	sdelay $0x4  }
0x122: {  	[tilespmem:$0x1F560] =	vst v63;
	v63 =	vld [tilespmem:$0x8C0];
	_ =	sdelay $0x4  }
0x123: {  	[tilespmem:$0x1F4C0] =	vst v63;
	v63 =	vld [tilespmem:$0x940];
	_ =	sdelay $0x4  }
0x124: {  	[tilespmem:$0x1F4F0] =	vst v63;
	v63 =	vld [tilespmem:$0x9C0];
	_ =	sdelay $0x4  }
0x125: {  	[tilespmem:$0x1F520] =	vst v63;
	v63 =	vld [tilespmem:$0xA40];
	_ =	sdelay $0x4  }
0x126: {  	[tilespmem:$0x1F550] =	vst v63;
	v63 =	vld [tilespmem:$0xAC0];
	_ =	sdelay $0x4  }
0x127: {  	[tilespmem:$0x1F580] =	vst v63;
	v63 =	vld [tilespmem:$0xB40];
	_ =	sdelay $0x4  }
0x128: {  	[tilespmem:$0x1F5A0] =	vst v63;
	v63 =	vld [tilespmem:$0xBC0];
	_ =	sdelay $0x4  }
0x129: {  	[tilespmem:$0x1F600] =	vst v63;
	v63 =	vld [tilespmem:$0xC40];
	_ =	sdelay $0x4  }
0x12a: {  	[tilespmem:$0x1F660] =	vst v63;
	v63 =	vld [tilespmem:$0x8D0];
	_ =	sdelay $0x4  }
0x12b: {  	[tilespmem:$0x1F4D0] =	vst v63;
	v63 =	vld [tilespmem:$0x950];
	_ =	sdelay $0x4  }
0x12c: {  	[tilespmem:$0x1F510] =	vst v63;
	v63 =	vld [tilespmem:$0x9D0];
	_ =	sdelay $0x4  }
0x12d: {  	[tilespmem:$0x1F530] =	vst v63;
	v63 =	vld [tilespmem:$0xA50];
	_ =	sdelay $0x4  }
0x12e: {  	[tilespmem:$0x1F570] =	vst v63;
	v63 =	vld [tilespmem:$0xAD0];
	_ =	sdelay $0x4  }
0x12f: {  	[tilespmem:$0x1F590] =	vst v63;
	v63 =	vld [tilespmem:$0xB50];
	_ =	sdelay $0x4  }
0x130: {  	[tilespmem:$0x1F5C0] =	vst v63;
	v63 =	vld [tilespmem:$0xBD0];
	_ =	sdelay $0x4  }
0x131: {  	[tilespmem:$0x1F620] =	vst v63;
	v63 =	vld [tilespmem:$0xC50];
	_ =	sdelay $0x4  }
0x132: {  	[tilespmem:$0x1F670] =	vst v63;
	v63 =	vld [tilespmem:$0x8E0];
	_ =	sdelay $0x4  }
0x133: {  	[tilespmem:$0x1F5B0] =	vst v63;
	v63 =	vld [tilespmem:$0x960];
	_ =	sdelay $0x4  }
0x134: {  	[tilespmem:$0x1F5E0] =	vst v63;
	v63 =	vld [tilespmem:$0x9E0];
	_ =	sdelay $0x4  }
0x135: {  	[tilespmem:$0x1F610] =	vst v63;
	v63 =	vld [tilespmem:$0xA60];
	_ =	sdelay $0x4  }
0x136: {  	[tilespmem:$0x1F640] =	vst v63;
	v63 =	vld [tilespmem:$0xAE0];
	_ =	sdelay $0x4  }
0x137: {  	[tilespmem:$0x1F680] =	vst v63;
	v63 =	vld [tilespmem:$0xB60];
	_ =	sdelay $0x4  }
0x138: {  	[tilespmem:$0x1F6C0] =	vst v63;
	v63 =	vld [tilespmem:$0xBE0];
	_ =	sdelay $0x4  }
0x139: {  	[tilespmem:$0x1F720] =	vst v63;
	v63 =	vld [tilespmem:$0xC60];
	_ =	sdelay $0x4  }
0x13a: {  	[tilespmem:$0x1F780] =	vst v63;
	v63 =	vld [tilespmem:$0x8F0];
	_ =	sdelay $0x4  }
0x13b: {  	[tilespmem:$0x1F5D0] =	vst v63;
	v63 =	vld [tilespmem:$0x970];
	_ =	sdelay $0x4  }
0x13c: {  	[tilespmem:$0x1F5F0] =	vst v63;
	v63 =	vld [tilespmem:$0x9F0];
	_ =	sdelay $0x4  }
0x13d: {  	[tilespmem:$0x1F630] =	vst v63;
	v63 =	vld [tilespmem:$0xA70];
	_ =	sdelay $0x4  }
0x13e: {  	[tilespmem:$0x1F650] =	vst v63;
	v63 =	vld [tilespmem:$0xAF0];
	_ =	sdelay $0x4  }
0x13f: {  	[tilespmem:$0x1F690] =	vst v63;
	v63 =	vld [tilespmem:$0xB70];
	_ =	sdelay $0x4  }
0x140: {  	[tilespmem:$0x1F6E0] =	vst v63;
	v63 =	vld [tilespmem:$0xBF0];
	_ =	sdelay $0x4  }
0x141: {  	[tilespmem:$0x1F740] =	vst v63;
	v63 =	vld [tilespmem:$0xC70];
	_ =	sdelay $0x4  }
0x142: {  	[tilespmem:$0x1F790] =	vst v63;
	v63 =	vld [tilespmem:$0xC80];
	_ =	sdelay $0x4  }
0x143: {  	[tilespmem:$0x1F6A0] =	vst v63;
	v63 =	vld [tilespmem:$0xD00];
	_ =	sdelay $0x4  }
0x144: {  	[tilespmem:$0x1F6D0] =	vst v63;
	v63 =	vld [tilespmem:$0xD80];
	_ =	sdelay $0x2  }
0x145: {  	v16 =	vld [tilespmem:$0x210]  }
0x146: {  	v17 =	vld [tilespmem:$0x290]  }
0x147: {  	[tilespmem:$0x1F700] =	vst v63;
	v63 =	vld [tilespmem:$0xE00]  }
0x148: {  	v18 =	vld [tilespmem:$0x310]  }
0x149: {  	v19 =	vld [tilespmem:$0x390]  }
0x14a: {  	v20 =	vld [tilespmem:$0x410]  }
0x14b: {  	v23 =	vld [tilespmem:$0x1A0]  }
0x14c: {  	[tilespmem:$0x1F730] =	vst v63;
	v63 =	vld [tilespmem:$0xE80]  }
0x14d: {  	v24 =	vld [tilespmem:$0x220]  }
0x14e: {  	v25 =	vld [tilespmem:$0x2A0]  }
0x14f: {  	v26 =	vld [tilespmem:$0x320]  }
0x150: {  	v27 =	vld [tilespmem:$0x3A0]  }
0x151: {  	[tilespmem:$0x1F760] =	vst v63;
	v63 =	vld [tilespmem:$0xF00]  }
0x152: {  	v28 =	vld [tilespmem:$0x420]  }
0x153: {  	v29 =	vld [tilespmem:$0xB0]  }
0x154: {  	v30 =	vld [tilespmem:$0x130]  }
0x155: {  	v31 =	vld [tilespmem:$0x1B0]  }
0x156: {  	[tilespmem:$0x1F7A0] =	vst v63;
	v63 =	vld [tilespmem:$0xF80]  }
0x157: {  	v32 =	vld [tilespmem:$0x230]  }
0x158: {  	v38 =	vld [tilespmem:$0x330]  }
0x159: {  	v39 =	vld [tilespmem:$0x430]  }
0x15a: {  	v44 =	vld [tilespmem:$0xD0]  }
0x15b: {  	[tilespmem:$0x1F7E0] =	vst v63;
	v63 =	vld [tilespmem:$0x1000]  }
0x15c: {  	v47 =	vld [tilespmem:$0x150]  }
0x15d: {  	v50 =	vld [tilespmem:$0x1D0]  }
0x15e: {  	v53 =	vld [tilespmem:$0x250]  }
0x15f: {  	v8 =	vld [tilespmem:$0x2B0]  }
0x160: {  	[tilespmem:$0x1F840] =	vst v63;
	v63 =	vld [tilespmem:$0xC90]  }
0x161: {  	v42 =	vmul.f32 v18, v37;
	v18 =	vld [tilespmem:$0x440]  }
0x162: {  	v21 =	vld [tilespmem:$0x3D0]  }
0x163: {  	v62 =	vld [tilespmem:$0x160]  }
0x164: {  	v3 =	vmul.f32 v44, v7;
	v44 =	vld [tilespmem:$0x3E0]  }
0x165: {  	[tilespmem:$0x1F6B0] =	vst v63;
	v63 =	vld [tilespmem:$0xD10]  }
0x166: {  	v48 =	vmul.f32 v25, v34;
	v25 =	vld [tilespmem:$0x460]  }
0x167: {  	v41 =	vmul.f32 v23, v5;
	v23 =	vmul.f32 v47, v6;
	v47 =	vld [tilespmem:$0xF0]  }
0x168: {  	v56 =	vmul.f32 v31, v5;
	v31 =	vld [tilespmem:$0x3F0]  }
0x169: {  	v52 =	vmul.f32 v30, v6;
	v30 =	vld [tilespmem:$0x810]  }
0x16a: {  	[tilespmem:$0x1F6F0] =	vst v63;
	v63 =	vld [tilespmem:$0xD90]  }
0x16b: {  	v46 =	vmul.f32 v29, v7;
	v2 =	vmul.f32 v28, v35;
	v28 =	vld [tilespmem:$0x6A0]  }
0x16c: {  	v29 =	vld [tilespmem:$0x5D0]  }
0x16d: {  	v51 =	vadd.f32 $0.0e+00, v46;
	v46 =	vmul.f32 v39, v35;
	v39 =	vld [tilespmem:$0x470]  }
0x16e: {  	v45 =	vmul.f32 v19, v36;
	v19 =	vmul.f32 v62, v6;
	v62 =	vld [tilespmem:$0x2F0]  }
0x16f: {  	[tilespmem:$0x1F710] =	vst v63;
	v63 =	vld [tilespmem:$0xE10]  }
0x170: {  	v13 =	vadd.f32 v57, v13;
	v57 =	vld [tilespmem:$0x350]  }
0x171: {  	v49 =	vld [tilespmem:$0x480]  }
0x172: {  	v0 =	vld [tilespmem:$0x3B0]  }
0x173: {  	v61 =	vmul.f32 v16, v33;
	v55 =	vld [tilespmem:$0x2D0]  }
0x174: {  	[tilespmem:$0x1F750] =	vst v63;
	v63 =	vld [tilespmem:$0xE90]  }
0x175: {  	v4 =	vadd.f32 v61, v13;
	v61 =	vld [tilespmem:$0xE0]  }
0x176: {  	v13 =	vadd.f32 v52, v51;
	v52 =	vld [tilespmem:$0x500]  }
0x177: {  	v1 =	vld [tilespmem:$0x1E0]  }
0x178: {  	v13 =	vadd.f32 v56, v13;
	v56 =	vmul.f32 v47, v7;
	v47 =	vmul.f32 v25, v35;
	v25 =	vld [tilespmem:$0x550]  }
0x179: {  	v40 =	vmul.f32 v17, v34;
	[tilespmem:$0x1F770] =	vst v63;
	v63 =	vld [tilespmem:$0xF10]  }
0x17a: {  	v51 =	vmul.f32 v55, v34;
	v55 =	vmul.f32 v57, v37;
	v57 =	vld [tilespmem:$0x580]  }
0x17b: {  	v43 =	vmul.f32 v24, v33;
	v16 =	vmul.f32 v61, v7;
	v61 =	vld [tilespmem:$0x600]  }
0x17c: {  	v24 =	vmul.f32 v52, v6;
	v52 =	vmul.f32 v39, v35;
	v39 =	vld [tilespmem:$0x7B0]  }
0x17d: {  	v11 =	vadd.f32 v40, v4;
	v4 =	vld [tilespmem:$0x260]  }
0x17e: {  	[tilespmem:$0x1F7B0] =	vst v63;
	v63 =	vld [tilespmem:$0xF90]  }
0x17f: {  	v40 =	vmul.f32 v38, v37;
	v38 =	vld [tilespmem:$0x780]  }
0x180: {  	v59 =	vmul.f32 v32, v33;
	v10 =	vadd.f32 v41, v10;
	v41 =	vld [tilespmem:$0x2E0]  }
0x181: {  	v11 =	vadd.f32 v42, v11;
	v42 =	vld [tilespmem:$0x360]  }
0x182: {  	v8 =	vmul.f32 v8, v34;
	v13 =	vadd.f32 v59, v13;
	v54 =	vld [tilespmem:$0x1F0]  }
0x183: {  	[tilespmem:$0x1F800] =	vst v63;
	v63 =	vld [tilespmem:$0x1010]  }
0x184: {  	v8 =	vadd.f32 v8, v13;
	v13 =	vadd.f32 $0.0e+00, v3;
	v3 =	vld [tilespmem:$0x700]  }
0x185: {  	v11 =	vadd.f32 v45, v11;
	v45 =	vmul.f32 v50, v5;
	v50 =	vld [tilespmem:$0x170]  }
0x186: {  	v58 =	vld [tilespmem:$0x270]  }
0x187: {  	v10 =	vadd.f32 v43, v10;
	v43 =	vmul.f32 v0, v36;
	v0 =	vld [tilespmem:$0x370]  }
0x188: {  	[tilespmem:$0x1F860] =	vst v63;
	v63 =	vld [tilespmem:$0xCA0]  }
0x189: {  	v20 =	vmul.f32 v20, v35;
	[tilespmem:$0x2080] =	vst v9;
	v9 =	vld [tilespmem:$0x4B0]  }
0x18a: {  	v13 =	vadd.f32 v23, v13;
	v23 =	vmul.f32 v49, v7;
	v32 =	vmul.f32 v61, v33;
	v61 =	vld [tilespmem:$0x870]  }
0x18b: {  	v49 =	vmul.f32 v38, v36;
	v38 =	vld [tilespmem:$0x6C0];
	v10 =	vadd.f32 v48, v10;
	v48 =	vmul.f32 v53, v33  }
0x18c: {  	v53 =	vmul.f32 v1, v5;
	v1 =	vmul.f32 v57, v5;
	v57 =	vld [tilespmem:$0x7E0]  }
0x18d: {  	v26 =	vmul.f32 v26, v37;
	v8 =	vadd.f32 v40, v8;
	[tilespmem:$0x1F7C0] =	vst v63;
	v63 =	vld [tilespmem:$0xD20]  }
0x18e: {  	v17 =	vmul.f32 v4, v33;
	v11 =	vadd.f32 v20, v11;
	v4 =	vmul.f32 v42, v37;
	v42 =	vld [tilespmem:$0x800]  }
0x18f: {  	v23 =	vadd.f32 $0.0e+00, v23;
	v10 =	vadd.f32 v26, v10;
	v26 =	vld [tilespmem:$0x450]  }
0x190: {  	[tilespmem:$0x2090] =	vst v11;
	v11 =	vld [tilespmem:$0x590]  }
0x191: {  	v8 =	vadd.f32 v43, v8;
	v23 =	vadd.f32 v24, v23;
	v24 =	vld [tilespmem:$0x6B0]  }
0x192: {  	[tilespmem:$0x1F7F0] =	vst v63;
	v63 =	vld [tilespmem:$0xDA0]  }
0x193: {  	v8 =	vadd.f32 v46, v8;
	v46 =	vmul.f32 v31, v36;
	v31 =	vld [tilespmem:$0x730]  }
0x194: {  	v16 =	vadd.f32 $0.0e+00, v16;
	v15 =	vmul.f32 v41, v34;
	v41 =	vmul.f32 v0, v37;
	v0 =	vld [tilespmem:$0x650]  }
0x195: {  	[tilespmem:$0x1F370] =	vst v61;
	v61 =	vld [tilespmem:$0x900]  }
0x196: {  	v16 =	vadd.f32 v19, v16;
	[tilespmem:$0x20B0] =	vst v8;
	v8 =	vld [tilespmem:$0x490]  }
0x197: {  	v27 =	vmul.f32 v27, v36;
	[tilespmem:$0x1F820] =	vst v63;
	v63 =	vld [tilespmem:$0xE20]  }
0x198: {  	v16 =	vadd.f32 v53, v16;
	v23 =	vadd.f32 v1, v23;
	v1 =	vld [tilespmem:$0x720]  }
0x199: {  	v59 =	vadd.f32 $0.0e+00, v56;
	v60 =	vmul.f32 v50, v6;
	v10 =	vadd.f32 v27, v10;
	v27 =	vld [tilespmem:$0x540]  }
0x19a: {  	v16 =	vadd.f32 v17, v16;
	v17 =	vmul.f32 v62, v34;
	v62 =	vld [tilespmem:$0x840]  }
0x19b: {  	v20 =	vadd.f32 v60, v59;
	v59 =	vld [tilespmem:$0x6E0]  }
0x19c: {  	[tilespmem:$0x1F850] =	vst v63;
	v63 =	vld [tilespmem:$0xEA0]  }
0x19d: {  	v60 =	vld [tilespmem:$0x860]  }
0x19e: {  	[tilespmem:$0x1F300] =	vst v57;
	v57 =	vld [tilespmem:$0xA00]  }
0x19f: {  	v19 =	vmul.f32 v54, v5;
	v54 =	vmul.f32 v42, v35;
	v42 =	vld [tilespmem:$0x7A0]  }
0x1a0: {  	v40 =	vadd.f32 v32, v23;
	v23 =	vld [tilespmem:$0x4C0]  }
0x1a1: {  	v13 =	vadd.f32 v45, v13;
	[tilespmem:$0x1F880] =	vst v63;
	v63 =	vld [tilespmem:$0xF20]  }
0x1a2: {  	v32 =	vld [tilespmem:$0x5C0]  }
0x1a3: {  	v13 =	vadd.f32 v48, v13;
	v43 =	vmul.f32 v26, v35;
	v26 =	vld [tilespmem:$0x790]  }
0x1a4: {  	v10 =	vadd.f32 v2, v10;
	v2 =	vadd.f32 v19, v20;
	v20 =	vld [tilespmem:$0x630]  }
0x1a5: {  	v18 =	vmul.f32 v18, v35;
	v13 =	vadd.f32 v51, v13;
	v19 =	vmul.f32 v3, v37;
	v3 =	vld [tilespmem:$0x6D0]  }
0x1a6: {  	v21 =	vmul.f32 v21, v36;
	v15 =	vadd.f32 v15, v16;
	[tilespmem:$0x1F8A0] =	vst v63;
	v63 =	vld [tilespmem:$0xFA0]  }
0x1a7: {  	v13 =	vadd.f32 v55, v13;
	v12 =	vadd.f32 v18, v12;
	v18 =	vmul.f32 v58, v33;
	v58 =	vld [tilespmem:$0x850]  }
0x1a8: {  	v15 =	vadd.f32 v4, v15;
	v4 =	vld [tilespmem:$0x760]  }
0x1a9: {  	v13 =	vadd.f32 v21, v13;
	v21 =	vadd.f32 v22, v40;
	v22 =	vld [tilespmem:$0x620]  }
0x1aa: {  	v40 =	vld [tilespmem:$0x750]  }
0x1ab: {  	v14 =	vmul.f32 v44, v36;
	[tilespmem:$0x1F900] =	vst v63;
	v63 =	vld [tilespmem:$0x1020]  }
0x1ac: {  	[tilespmem:$0x20C0] =	vst v12;
	v12 =	vld [tilespmem:$0x610]  }
0x1ad: {  	v44 =	vadd.f32 v14, v15;
	v15 =	vld [tilespmem:$0x690]  }
0x1ae: {  	v16 =	vadd.f32 v18, v2;
	v18 =	vld [tilespmem:$0x710]  }
0x1af: {  	v50 =	vadd.f32 v43, v13;
	v13 =	vld [tilespmem:$0x4A0]  }
0x1b0: {  	[tilespmem:$0x1F960] =	vst v63;
	v63 =	vld [tilespmem:$0xCB0]  }
0x1b1: {  	v14 =	vld [tilespmem:$0x530]  }
0x1b2: {  	v2 =	vld [tilespmem:$0x640]  }
0x1b3: {  	v43 =	vld [tilespmem:$0x570]  }
0x1b4: {  	[tilespmem:$0x1F360] =	vst v60;
	v60 =	vld [tilespmem:$0x770]  }
0x1b5: {  	[tilespmem:$0x1F7D0] =	vst v63;
	v63 =	vld [tilespmem:$0xD30]  }
0x1b6: {  	[tilespmem:$0x1F340] =	vst v57;
	v57 =	vld [tilespmem:$0xB00]  }
0x1b7: {  	v48 =	vadd.f32 v19, v21;
	v19 =	vld [tilespmem:$0x5A0]  }
0x1b8: {  	v21 =	vld [tilespmem:$0x4D0]  }
0x1b9: {  	[tilespmem:$0x20D0] =	vst v50;
	v50 =	vld [tilespmem:$0x820]  }
0x1ba: {  	[tilespmem:$0x1F810] =	vst v63;
	v63 =	vld [tilespmem:$0xDB0]  }
0x1bb: {  	v16 =	vadd.f32 v17, v16;
	v17 =	vld [tilespmem:$0x5B0]  }
0x1bc: {  	[tilespmem:$0x20A0] =	vst v10;
	v10 =	vadd.f32 v47, v44;
	v44 =	vld [tilespmem:$0x740]  }
0x1bd: {  	v47 =	vld [tilespmem:$0x5F0]  }
0x1be: {  	v53 =	vadd.f32 v49, v48;
	v48 =	vld [tilespmem:$0x7D0]  }
0x1bf: {  	[tilespmem:$0x1F830] =	vst v63;
	v63 =	vld [tilespmem:$0xE30]  }
0x1c0: {  	v49 =	vld [tilespmem:$0x5E0]  }
0x1c1: {  	[tilespmem:$0x1F2F0] =	vst v4;
	v4 =	vld [tilespmem:$0x4F0]  }
0x1c2: {  	[tilespmem:$0x20E0] =	vst v10;
	v10 =	vld [tilespmem:$0x510]  }
0x1c3: {  	v45 =	vadd.f32 v41, v16;
	v16 =	vld [tilespmem:$0x520]  }
0x1c4: {  	[tilespmem:$0x1F870] =	vst v63;
	v63 =	vld [tilespmem:$0xEB0]  }
0x1c5: {  	v41 =	vld [tilespmem:$0x4E0]  }
0x1c6: {  	v56 =	vadd.f32 v54, v53;
	v54 =	vld [tilespmem:$0x660]  }
0x1c7: {  	v8 =	vmul.f32 v8, v7;
	v53 =	vld [tilespmem:$0x7F0]  }
0x1c8: {  	[tilespmem:$0x1F3C0] =	vst v57;
	v57 =	vld [tilespmem:$0xC00]  }
0x1c9: {  	v8 =	vadd.f32 $0.0e+00, v8;
	v10 =	vmul.f32 v10, v6;
	[tilespmem:$0x1F890] =	vst v63;
	v63 =	vld [tilespmem:$0xF30]  }
0x1ca: {  	v51 =	vadd.f32 v46, v45;
	v46 =	vld [tilespmem:$0x830]  }
0x1cb: {  	v45 =	vld [tilespmem:$0x560];
	v8 =	vadd.f32 v10, v8;
	v10 =	vmul.f32 v11, v5  }
0x1cc: {  	[tilespmem:$0x2100] =	vst v56;
	v56 =	vld [tilespmem:$0x6F0]  }
0x1cd: {  	v8 =	vadd.f32 v10, v8;
	v10 =	vmul.f32 v12, v33;
	v12 =	vld [tilespmem:$0xCC0]  }
0x1ce: {  	[tilespmem:$0x1F8C0] =	vst v63;
	v63 =	vld [tilespmem:$0xFB0]  }
0x1cf: {  	v55 =	vadd.f32 v52, v51;
	v51 =	vld [tilespmem:$0x7C0];
	v8 =	vadd.f32 v10, v8;
	v10 =	vmul.f32 v15, v34  }
0x1d0: {  	v52 =	vld [tilespmem:$0x670];
	v11 =	vmul.f32 v13, v7  }
0x1d1: {  	[tilespmem:$0x20F0] =	vst v55;
	v55 =	vld [tilespmem:$0x880];
	v8 =	vadd.f32 v10, v8  }
0x1d2: {  	v10 =	vadd.f32 $0.0e+00, v11;
	v11 =	vmul.f32 v16, v6;
	[tilespmem:$0x1F8B0] =	vst v12;
	v12 =	vmul.f32 v18, v37;
	v18 =	vld [tilespmem:$0xEC0]  }
0x1d3: {  	[tilespmem:$0x1F920] =	vst v63;
	v63 =	vld [tilespmem:$0x1030]  }
0x1d4: {  	v19 =	vmul.f32 v19, v5;
	v16 =	vld [tilespmem:$0xE40];
	v10 =	vadd.f32 v11, v10  }
0x1d5: {  	[tilespmem:$0x1F320] =	vst v53;
	v53 =	vld [tilespmem:$0x890]  }
0x1d6: {  	[tilespmem:$0x1F480] =	vst v57;
	v57 =	vld [tilespmem:$0x910];
	v10 =	vadd.f32 v19, v10;
	v19 =	vmul.f32 v26, v36  }
0x1d7: {  	v8 =	vadd.f32 v12, v8;
	v26 =	vmul.f32 v22, v33;
	v22 =	vmul.f32 v28, v34;
	v28 =	vld [tilespmem:$0xDD0];
	[tilespmem:$0x1F980] =	vst v18  }
0x1d8: {  	v18 =	vmul.f32 v17, v5;
	v17 =	vmul.f32 v20, v33;
	[tilespmem:$0x1F970] =	vst v63;
	v63 =	vld [tilespmem:$0xD40]  }
0x1d9: {  	[tilespmem:$0x1F940] =	vst v16;
	v16 =	vld [tilespmem:$0xF40];
	v8 =	vadd.f32 v19, v8;
	v10 =	vadd.f32 v26, v10;
	v19 =	vmul.f32 v30, v35  }
0x1da: {  	v20 =	vld [tilespmem:$0xD50];
	v30 =	vmul.f32 v23, v7;
	v23 =	vmul.f32 v32, v5  }
0x1db: {  	v32 =	vmul.f32 v42, v36;
	v42 =	vld [tilespmem:$0xDE0];
	v10 =	vadd.f32 v22, v10;
	v22 =	vmul.f32 v25, v6  }
0x1dc: {  	v25 =	vmul.f32 v46, v35;
	v46 =	vmul.f32 v41, v7;
	v41 =	vld [tilespmem:$0xFF0]  }
0x1dd: {  	[tilespmem:$0x1F8E0] =	vst v63;
	v63 =	vld [tilespmem:$0xDC0]  }
0x1de: {  	v8 =	vadd.f32 v19, v8;
	v19 =	vmul.f32 v1, v37;
	v1 =	vmul.f32 v60, v37;
	v60 =	vld [tilespmem:$0x1F380];
	[tilespmem:$0x1F930] =	vst v28  }
0x1df: {  	v28 =	vld [tilespmem:$0xFD0];
	[tilespmem:$0x1F9C0] =	vst v16  }
0x1e0: {  	v9 =	vmul.f32 v9, v7;
	v16 =	vld [tilespmem:$0x1040];
	[tilespmem:$0x1FDE0] =	vst v8  }
0x1e1: {  	v8 =	vadd.f32 $0.0e+00, v30;
	v10 =	vadd.f32 v19, v10;
	v30 =	vmul.f32 v29, v5;
	v19 =	vld [tilespmem:$0xD60];
	[tilespmem:$0x1F8F0] =	vst v20  }
0x1e2: {  	v9 =	vadd.f32 $0.0e+00, v9;
	v29 =	vld [tilespmem:$0xEF0];
	v20 =	vmul.f32 v27, v6;
	[tilespmem:$0x1F910] =	vst v63;
	v63 =	vmul.f32 v14, v6  }
0x1e3: {  	v27 =	vld [tilespmem:$0x1050]  }
0x1e4: {  	v8 =	vadd.f32 v20, v8;
	v20 =	vmul.f32 v39, v36;
	v39 =	vld [tilespmem:$0xE60];
	v9 =	vadd.f32 v63, v9  }
0x1e5: {  	[tilespmem:$0x1FA00] =	vst v16;
	v16 =	vld [tilespmem:$0xE50]  }
0x1e6: {  	v8 =	vadd.f32 v23, v8;
	v23 =	vmul.f32 v3, v34;
	v3 =	vld [tilespmem:$0xFE0];
	v9 =	vadd.f32 v18, v9  }
0x1e7: {  	v18 =	vld [tilespmem:$0xCD0]  }
0x1e8: {  	v26 =	vmul.f32 v24, v34;
	[tilespmem:$0x1F9F0] =	vst v29;
	v29 =	vld [tilespmem:$0x1400];
	v9 =	vadd.f32 v17, v9  }
0x1e9: {  	v17 =	vmul.f32 v21, v7;
	v21 =	vmul.f32 v31, v37;
	v31 =	vld [tilespmem:$0xCE0]  }
0x1ea: {  	v63 =	vld [tilespmem:$0xFC0];
	v9 =	vadd.f32 v26, v9  }
0x1eb: {  	v26 =	vld [tilespmem:$0xF50];
	v11 =	vadd.f32 $0.0e+00, v17  }
0x1ec: {  	v24 =	vmul.f32 v50, v35;
	v10 =	vadd.f32 v32, v10;
	[tilespmem:$0x1F8D0] =	vst v18;
	v18 =	vld [tilespmem:$0xED0];
	v9 =	vadd.f32 v21, v9  }
0x1ed: {  	v11 =	vadd.f32 v22, v11;
	v21 =	vmul.f32 v0, v33;
	v0 =	vmul.f32 v55, v7;
	v55 =	vld [tilespmem:$0x1200]  }
0x1ee: {  	v22 =	vmul.f32 v38, v34;
	[tilespmem:$0x1F9A0] =	vst v31;
	v31 =	vld [tilespmem:$0xEE0]  }
0x1ef: {  	v38 =	vmul.f32 v40, v37;
	v40 =	vadd.f32 v24, v10;
	v11 =	vadd.f32 v30, v11;
	v30 =	vld [tilespmem:$0xF60]  }
0x1f0: {  	v9 =	vadd.f32 v20, v9;
	v20 =	vmul.f32 v45, v6;
	v45 =	vld [tilespmem:$0xDF0]  }
0x1f1: {  	[tilespmem:$0x1FDF0] =	vst v40;
	v40 =	vld [tilespmem:$0x1F330]  }
0x1f2: {  	[tilespmem:$0x1F950] =	vst v16;
	v16 =	vadd.f32 $0.0e+00, v0;
	v0 =	vld [tilespmem:$0x10C0]  }
0x1f3: {  	[tilespmem:$0x1F990] =	vst v18;
	v18 =	vmul.f32 v2, v33;
	v2 =	vld [tilespmem:$0x1060]  }
0x1f4: {  	v11 =	vadd.f32 v21, v11;
	v21 =	vld [tilespmem:$0xD70]  }
0x1f5: {  	v32 =	vmul.f32 v44, v37;
	v44 =	vadd.f32 v25, v9;
	v9 =	vadd.f32 $0.0e+00, v46;
	v46 =	vld [tilespmem:$0xE70]  }
0x1f6: {  	v8 =	vadd.f32 v18, v8;
	v18 =	vld [tilespmem:$0xCF0]  }
0x1f7: {  	v11 =	vadd.f32 v23, v11;
	v23 =	vmul.f32 v43, v6;
	v43 =	vld [tilespmem:$0xF70]  }
0x1f8: {  	v24 =	vmul.f32 v49, v5;
	[tilespmem:$0x1FE00] =	vst v44;
	v44 =	vmul.f32 v58, v35;
	v58 =	vld [tilespmem:$0x1080]  }
0x1f9: {  	v9 =	vadd.f32 v20, v9;
	v20 =	vld [tilespmem:$0x1F300];
	v8 =	vadd.f32 v22, v8;
	v22 =	vmul.f32 v48, v36  }
0x1fa: {  	v50 =	vadd.f32 v38, v11;
	v38 =	vmul.f32 v54, v33;
	v54 =	vmul.f32 v56, v34;
	v56 =	vld [tilespmem:$0x1180]  }
0x1fb: {  	v17 =	vmul.f32 v4, v7;
	v9 =	vadd.f32 v24, v9;
	v24 =	vld [tilespmem:$0x1F320]  }
0x1fc: {  	v10 =	vadd.f32 v22, v50;
	v50 =	vmul.f32 v59, v34;
	v59 =	vld [tilespmem:$0x1F2F0]  }
0x1fd: {  	v11 =	vadd.f32 $0.0e+00, v17;
	v17 =	vmul.f32 v61, v6;
	v22 =	vld [tilespmem:$0x1F310]  }
0x1fe: {  	v49 =	vadd.f32 v38, v9;
	v38 =	vld [tilespmem:$0x1380]  }
0x1ff: {  	[tilespmem:$0x1F9D0] =	vst v19;
	v9 =	vadd.f32 v17, v16;
	v17 =	vld [tilespmem:$0x1190]  }
0x200: {  	[tilespmem:$0x1FA20] =	vst v58;
	v58 =	vld [tilespmem:$0x1100]  }
0x201: {  	v19 =	vmul.f32 v51, v36;
	[tilespmem:$0x1F9E0] =	vst v21;
	v8 =	vadd.f32 v32, v8;
	v21 =	vmul.f32 v20, v36;
	v20 =	vld [tilespmem:$0x1F3A0]  }
0x202: {  	v25 =	vmul.f32 v47, v5;
	v11 =	vadd.f32 v23, v11;
	[tilespmem:$0x1FA10] =	vst v43;
	v43 =	vmul.f32 v40, v5;
	v40 =	vld [tilespmem:$0x1F3C0]  }
0x203: {  	v32 =	vmul.f32 v62, v35;
	v8 =	vadd.f32 v19, v8;
	v51 =	vadd.f32 v44, v10;
	v44 =	vld [tilespmem:$0x1F340]  }
0x204: {  	v19 =	vmul.f32 v57, v6;
	v57 =	vld [tilespmem:$0x1F370]  }
0x205: {  	v47 =	vmul.f32 v52, v33;
	v11 =	vadd.f32 v25, v11;
	v48 =	vadd.f32 v32, v8;
	v32 =	vld [tilespmem:$0x1070]  }
0x206: {  	v8 =	vadd.f32 v50, v49;
	v50 =	vld [tilespmem:$0x1300]  }
0x207: {  	[tilespmem:$0x1FE20] =	vst v51;
	v52 =	vadd.f32 v47, v11;
	v51 =	vld [tilespmem:$0x1090]  }
0x208: {  	v23 =	vmul.f32 v22, v5;
	v22 =	vld [tilespmem:$0x1210]  }
0x209: {  	v10 =	vadd.f32 v54, v52;
	v54 =	vld [tilespmem:$0x1280]  }
0x20a: {  	v62 =	vmul.f32 v59, v37;
	[tilespmem:$0x1FE10] =	vst v48;
	v48 =	vld [tilespmem:$0x1F350]  }
0x20b: {  	v52 =	vld [tilespmem:$0x1F360]  }
0x20c: {  	v8 =	vadd.f32 v62, v8;
	v62 =	vld [tilespmem:$0x1F390]  }
0x20d: {  	v9 =	vadd.f32 v23, v9;
	v23 =	vld [tilespmem:$0x1F3B0]  }
0x20e: {  	v47 =	vmul.f32 v44, v33;
	v44 =	vld [tilespmem:$0x1F3D0]  }
0x20f: {  	v59 =	vmul.f32 v57, v35;
	v57 =	vld [tilespmem:$0x1310]  }
0x210: {  	v25 =	vmul.f32 v24, v36;
	v10 =	vadd.f32 v1, v10;
	[tilespmem:$0x1FA30] =	vst v51;
	v51 =	vld [tilespmem:$0x1F3F0]  }
0x211: {  	v8 =	vadd.f32 v21, v8;
	v21 =	vmul.f32 v20, v7;
	v20 =	vld [tilespmem:$0x1F420]  }
0x212: {  	v4 =	vmul.f32 v53, v7;
	v13 =	vadd.f32 v25, v10;
	v10 =	vld [tilespmem:$0x1110]  }
0x213: {  	[tilespmem:$0x1F9B0] =	vst v18;
	v25 =	vld [tilespmem:$0x1290]  }
0x214: {  	v61 =	vmul.f32 v60, v34;
	v18 =	vadd.f32 $0.0e+00, v4;
	v9 =	vadd.f32 v47, v9;
	[tilespmem:$0x1FA50] =	vst v22;
	v22 =	vld [tilespmem:$0x1F430]  }
0x215: {  	v49 =	vmul.f32 v48, v33;
	v48 =	vld [tilespmem:$0x1F3E0]  }
0x216: {  	v11 =	vadd.f32 v19, v18;
	v9 =	vadd.f32 v61, v9;
	v61 =	vld [tilespmem:$0x1410]  }
0x217: {  	v53 =	vmul.f32 v52, v35;
	v19 =	vadd.f32 v59, v13;
	v59 =	vld [tilespmem:$0x1F400]  }
0x218: {  	v11 =	vadd.f32 v43, v11;
	v43 =	vmul.f32 v40, v37;
	v4 =	vmul.f32 v62, v34;
	v62 =	vld [tilespmem:$0x1F410]  }
0x219: {  	v18 =	vadd.f32 v53, v8;
	v53 =	vld [tilespmem:$0x1390]  }
0x21a: {  	v24 =	vmul.f32 v23, v7;
	v13 =	vadd.f32 v43, v9;
	v9 =	vld [tilespmem:$0x10A0]  }
0x21b: {  	v43 =	vld [tilespmem:$0x1F450]  }
0x21c: {  	v12 =	vadd.f32 $0.0e+00, v24;
	v24 =	vld [tilespmem:$0x1120]  }
0x21d: {  	v52 =	vmul.f32 v51, v6;
	v51 =	vld [tilespmem:$0x1220]  }
0x21e: {  	[tilespmem:$0x1FE40] =	vst v19;
	v19 =	vld [tilespmem:$0x1320]  }
0x21f: {  	v47 =	vmul.f32 v44, v6;
	v8 =	vadd.f32 $0.0e+00, v21;
	v21 =	vmul.f32 v20, v36;
	v20 =	vld [tilespmem:$0x1F4A0]  }
0x220: {  	[tilespmem:$0x1FA60] =	vst v25;
	v25 =	vld [tilespmem:$0x1F440]  }
0x221: {  	v8 =	vadd.f32 v47, v8;
	v47 =	vld [tilespmem:$0x11A0]  }
0x222: {  	v23 =	vmul.f32 v22, v33;
	v22 =	vld [tilespmem:$0x1F4B0]  }
0x223: {  	v11 =	vadd.f32 v49, v11;
	v49 =	vmul.f32 v48, v37;
	v48 =	vld [tilespmem:$0x1F460]  }
0x224: {  	v12 =	vadd.f32 v52, v12;
	v52 =	vld [tilespmem:$0x1F470]  }
0x225: {  	v60 =	vmul.f32 v59, v5;
	v59 =	vld [tilespmem:$0x12A0]  }
0x226: {  	v11 =	vadd.f32 v4, v11;
	v4 =	vmul.f32 v62, v5;
	v62 =	vld [tilespmem:$0x1F490]  }
0x227: {  	v44 =	vmul.f32 v43, v33;
	v43 =	vld [tilespmem:$0x1F4C0]  }
0x228: {  	v8 =	vadd.f32 v60, v8;
	v60 =	vld [tilespmem:$0x1F480]  }
0x229: {  	[tilespmem:$0x1FA70] =	vst v24;
	v24 =	vld [tilespmem:$0x13A0]  }
0x22a: {  	v13 =	vadd.f32 v21, v13;
	v21 =	vmul.f32 v20, v37;
	v20 =	vld [tilespmem:$0x1140]  }
0x22b: {  	v11 =	vadd.f32 v49, v11;
	v40 =	vmul.f32 v25, v36;
	[tilespmem:$0x1FA80] =	vst v47;
	v47 =	vld [tilespmem:$0x1420]  }
0x22c: {  	[tilespmem:$0x1FA90] =	vst v53;
	v8 =	vadd.f32 v23, v8;
	v49 =	vmul.f32 v48, v34;
	v53 =	vmul.f32 v52, v34;
	v52 =	vld [tilespmem:$0x1F4E0]  }
0x22d: {  	v12 =	vadd.f32 v4, v12;
	v4 =	vmul.f32 v62, v35;
	v62 =	vld [tilespmem:$0x1F500]  }
0x22e: {  	v11 =	vadd.f32 v40, v11;
	v8 =	vadd.f32 v49, v8;
	v49 =	vld [tilespmem:$0x1F4D0]  }
0x22f: {  	v12 =	vadd.f32 v44, v12;
	v44 =	vmul.f32 v43, v7;
	v43 =	vld [tilespmem:$0x1F520]  }
0x230: {  	v40 =	vadd.f32 v4, v11;
	v11 =	vld [tilespmem:$0x10B0]  }
0x231: {  	[tilespmem:$0x1FAC0] =	vst v61;
	v61 =	vmul.f32 v60, v35;
	v60 =	vld [tilespmem:$0x1F4F0]  }
0x232: {  	[tilespmem:$0x1FB30] =	vst v24;
	v24 =	vld [tilespmem:$0x1F510]  }
0x233: {  	v48 =	vadd.f32 v21, v8;
	v8 =	vld [tilespmem:$0x1130]  }
0x234: {  	[tilespmem:$0x1FB70] =	vst v47;
	v47 =	vld [tilespmem:$0x1230]  }
0x235: {  	v21 =	vld [tilespmem:$0x1F5C0]  }
0x236: {  	v12 =	vadd.f32 v53, v12;
	v53 =	vmul.f32 v52, v36;
	v52 =	vld [tilespmem:$0x1F540]  }
0x237: {  	v25 =	vadd.f32 v61, v13;
	v4 =	vmul.f32 v62, v36;
	v62 =	vld [tilespmem:$0x1F560]  }
0x238: {  	[tilespmem:$0x1FAA0] =	vst v51;
	v51 =	vmul.f32 v49, v7;
	v14 =	vadd.f32 v53, v48;
	v48 =	vld [tilespmem:$0x1F530]  }
0x239: {  	[tilespmem:$0x1FE50] =	vst v25;
	v25 =	vmul.f32 v24, v6;
	v24 =	vld [tilespmem:$0x1F570]  }
0x23a: {  	[tilespmem:$0x1FAD0] =	vst v59;
	v59 =	vadd.f32 $0.0e+00, v44;
	v61 =	vmul.f32 v60, v6;
	v15 =	vadd.f32 $0.0e+00, v51;
	v51 =	vld [tilespmem:$0x12B0]  }
0x23b: {  	v23 =	vmul.f32 v22, v37;
	[tilespmem:$0x1FAB0] =	vst v47;
	v47 =	vld [tilespmem:$0x1F580];
	v53 =	vmul.f32 v52, v35  }
0x23c: {  	[tilespmem:$0x1FE60] =	vst v40;
	v40 =	vadd.f32 v61, v59;
	v59 =	vld [tilespmem:$0x1F550]  }
0x23d: {  	[tilespmem:$0x1FA40] =	vst v17;
	v12 =	vadd.f32 v23, v12;
	v44 =	vmul.f32 v43, v5;
	v43 =	vadd.f32 v53, v14;
	v53 =	vld [tilespmem:$0x1F590]  }
0x23e: {  	[tilespmem:$0x1FE30] =	vst v18;
	v61 =	vld [tilespmem:$0x1330];
	v15 =	vadd.f32 v25, v15;
	v49 =	vmul.f32 v48, v5  }
0x23f: {  	[tilespmem:$0x1FAF0] =	vst v19;
	v23 =	vld [tilespmem:$0x1F5D0];
	v12 =	vadd.f32 v4, v12;
	v4 =	vmul.f32 v62, v35  }
0x240: {  	[tilespmem:$0x1FB00] =	vst v20;
	v16 =	vadd.f32 v44, v40;
	v40 =	vld [tilespmem:$0x13B0];
	v25 =	vmul.f32 v24, v33;
	v15 =	vadd.f32 v49, v15  }
0x241: {  	[tilespmem:$0x1FAE0] =	vst v51;
	v48 =	vmul.f32 v47, v34;
	v49 =	vld [tilespmem:$0x1430];
	v51 =	vadd.f32 v4, v12  }
0x242: {  	[tilespmem:$0x1FE70] =	vst v43;
	v47 =	vld [tilespmem:$0x1240];
	v60 =	vmul.f32 v59, v33;
	v52 =	vadd.f32 v25, v15;
	v59 =	vmul.f32 v53, v34  }
0x243: {  	[tilespmem:$0x1FB10] =	vst v61;
	v25 =	vld [tilespmem:$0x11C0]  }
0x244: {  	[tilespmem:$0x1FE80] =	vst v51;
	v12 =	vadd.f32 v59, v52;
	v52 =	vld [tilespmem:$0x12C0]  }
0x245: {  	[tilespmem:$0x1FB50] =	vst v40;
	v44 =	vadd.f32 v60, v16;
	v60 =	vld [tilespmem:$0x1F5A0]  }
0x246: {  	v13 =	vld [tilespmem:$0x11B0];
	[tilespmem:$0x1FB80] =	vst v49  }
0x247: {  	v62 =	vld [tilespmem:$0x1F5B0];
	[tilespmem:$0x1FB40] =	vst v47  }
0x248: {  	v43 =	vld [tilespmem:$0x1F5E0];
	[tilespmem:$0x1FB20] =	vst v25  }
0x249: {  	v49 =	vld [tilespmem:$0x1F5F0];
	[tilespmem:$0x1FB60] =	vst v52  }
0x24a: {  	v14 =	vadd.f32 v48, v44;
	v61 =	vmul.f32 v60, v37;
	v1 =	vld [tilespmem:$0x1F600]  }
0x24b: {  	v59 =	vld [tilespmem:$0x1F610]  }
0x24c: {  	v4 =	vmul.f32 v62, v7;
	v14 =	vadd.f32 v61, v14;
	v61 =	vld [tilespmem:$0x1340]  }
0x24d: {  	v24 =	vmul.f32 v23, v7;
	v62 =	vld [tilespmem:$0x1F620]  }
0x24e: {  	v40 =	vadd.f32 $0.0e+00, v4;
	v44 =	vmul.f32 v43, v6;
	v23 =	vld [tilespmem:$0x1F630]  }
0x24f: {  	v48 =	vadd.f32 $0.0e+00, v24;
	v51 =	vmul.f32 v49, v6;
	v25 =	vld [tilespmem:$0x13C0]  }
0x250: {  	v16 =	vadd.f32 v44, v40;
	v40 =	vld [tilespmem:$0x1F640]  }
0x251: {  	v15 =	vadd.f32 v51, v48;
	v48 =	vld [tilespmem:$0x1F650]  }
0x252: {  	v51 =	vld [tilespmem:$0x1F660]  }
0x253: {  	v4 =	vmul.f32 v62, v36;
	v62 =	vld [tilespmem:$0x1F690]  }
0x254: {  	v24 =	vmul.f32 v23, v5;
	v23 =	vld [tilespmem:$0x1F6B0]  }
0x255: {  	v53 =	vmul.f32 v1, v36;
	v60 =	vmul.f32 v59, v5;
	[tilespmem:$0x1FBB0] =	vst v25;
	v25 =	vld [tilespmem:$0x1F6C0]  }
0x256: {  	v22 =	vmul.f32 v21, v37;
	v49 =	vmul.f32 v48, v33;
	v48 =	vld [tilespmem:$0x1350]  }
0x257: {  	v43 =	vmul.f32 v40, v33;
	v14 =	vadd.f32 v53, v14;
	v16 =	vadd.f32 v60, v16;
	v53 =	vld [tilespmem:$0x1F670]  }
0x258: {  	v47 =	vadd.f32 v24, v15;
	v60 =	vld [tilespmem:$0x1F680]  }
0x259: {  	v12 =	vadd.f32 v22, v12;
	v16 =	vadd.f32 v43, v16;
	v43 =	vld [tilespmem:$0x1F6D0]  }
0x25a: {  	v19 =	vadd.f32 v49, v47;
	v49 =	vld [tilespmem:$0x1F6E0]  }
0x25b: {  	v18 =	vadd.f32 v4, v12;
	v4 =	vmul.f32 v62, v34;
	v62 =	vld [tilespmem:$0x1F700]  }
0x25c: {  	v24 =	vmul.f32 v23, v7;
	v23 =	vld [tilespmem:$0x1F710]  }
0x25d: {  	v40 =	vmul.f32 v25, v37;
	v25 =	vld [tilespmem:$0x1F720];
	v59 =	vmul.f32 v53, v35  }
0x25e: {  	[tilespmem:$0x1FBA0] =	vst v48;
	v48 =	vld [tilespmem:$0x1F740]  }
0x25f: {  	[tilespmem:$0x1FB90] =	vst v61;
	v52 =	vmul.f32 v51, v35;
	v61 =	vmul.f32 v60, v34;
	v17 =	vadd.f32 v59, v18;
	v18 =	vld [tilespmem:$0x1F6A0]  }
0x260: {  	v59 =	vld [tilespmem:$0x1F6F0]  }
0x261: {  	v14 =	vadd.f32 v52, v14;
	v16 =	vadd.f32 v61, v16;
	v61 =	vld [tilespmem:$0x13D0]  }
0x262: {  	v47 =	vmul.f32 v43, v6;
	v52 =	vmul.f32 v49, v37;
	v43 =	vld [tilespmem:$0x1F730];
	[tilespmem:$0x1FEA0] =	vst v17;
	v17 =	vadd.f32 v4, v19  }
0x263: {  	v19 =	vadd.f32 v40, v16;
	v40 =	vmul.f32 v25, v36;
	v25 =	vld [tilespmem:$0x12E0]  }
0x264: {  	v17 =	vadd.f32 v52, v17;
	v52 =	vld [tilespmem:$0x1F750]  }
0x265: {  	v19 =	vadd.f32 v40, v19;
	v40 =	vld [tilespmem:$0x1F780]  }
0x266: {  	v49 =	vmul.f32 v48, v36;
	v21 =	vmul.f32 v18, v7;
	[tilespmem:$0x1FBC0] =	vst v61;
	v61 =	vld [tilespmem:$0x1F760]  }
0x267: {  	v18 =	vadd.f32 $0.0e+00, v24;
	v60 =	vmul.f32 v59, v6;
	v24 =	vmul.f32 v23, v5;
	v23 =	vld [tilespmem:$0x1F770]  }
0x268: {  	[tilespmem:$0x1FE90] =	vst v14;
	v17 =	vadd.f32 v49, v17;
	v49 =	vld [tilespmem:$0x1360];
	v14 =	vadd.f32 $0.0e+00, v21  }
0x269: {  	v18 =	vadd.f32 v60, v18;
	v60 =	vld [tilespmem:$0x11E0]  }
0x26a: {  	v4 =	vmul.f32 v62, v5;
	[tilespmem:$0x1FC10] =	vst v25;
	v25 =	vld [tilespmem:$0x1F7C0];
	v14 =	vadd.f32 v47, v14;
	v47 =	vmul.f32 v43, v33  }
0x26b: {  	v59 =	vmul.f32 v52, v33;
	v43 =	vmul.f32 v40, v35;
	v52 =	vld [tilespmem:$0x1F7A0]  }
0x26c: {  	v18 =	vadd.f32 v24, v18;
	v24 =	vmul.f32 v23, v34;
	v23 =	vld [tilespmem:$0x12F0]  }
0x26d: {  	v14 =	vadd.f32 v4, v14;
	v20 =	vadd.f32 v43, v19;
	v43 =	vld [tilespmem:$0x1460]  }
0x26e: {  	[tilespmem:$0x1FBD0] =	vst v60;
	v60 =	vld [tilespmem:$0x1F7B0]  }
0x26f: {  	v4 =	vmul.f32 v61, v34;
	v14 =	vadd.f32 v47, v14;
	v47 =	vld [tilespmem:$0x1F790]  }
0x270: {  	v18 =	vadd.f32 v59, v18;
	[tilespmem:$0x1FC30] =	vst v49;
	v49 =	vld [tilespmem:$0x1F7E0]  }
0x271: {  	v40 =	vmul.f32 v25, v7;
	v25 =	vld [tilespmem:$0x1F850];
	v59 =	vmul.f32 v52, v37;
	v14 =	vadd.f32 v4, v14  }
0x272: {  	v4 =	vld [tilespmem:$0x13E0]  }
0x273: {  	v18 =	vadd.f32 v24, v18;
	v61 =	vmul.f32 v60, v37;
	v19 =	vadd.f32 v59, v14;
	v59 =	vld [tilespmem:$0x1F7F0]  }
0x274: {  	v48 =	vmul.f32 v47, v35;
	v47 =	vld [tilespmem:$0x1F7D0]  }
0x275: {  	v52 =	vmul.f32 v49, v36;
	v18 =	vadd.f32 v61, v18;
	v61 =	vld [tilespmem:$0x1F800]  }
0x276: {  	v24 =	vadd.f32 v48, v17;
	v17 =	vadd.f32 $0.0e+00, v40;
	v40 =	vld [tilespmem:$0x1F810]  }
0x277: {  	[tilespmem:$0x1FEB0] =	vst v20;
	v19 =	vadd.f32 v52, v19;
	v52 =	vld [tilespmem:$0x1F820]  }
0x278: {  	[tilespmem:$0x1FC20] =	vst v23;
	v23 =	vld [tilespmem:$0x1F8A0]  }
0x279: {  	[tilespmem:$0x1FC80] =	vst v43;
	v49 =	vld [tilespmem:$0x1F860];
	v48 =	vmul.f32 v47, v7  }
0x27a: {  	[tilespmem:$0x1FEC0] =	vst v24;
	v60 =	vmul.f32 v59, v6;
	v24 =	vld [tilespmem:$0x1F840]  }
0x27b: {  	[tilespmem:$0x1FC50] =	vst v4;
	v4 =	vmul.f32 v61, v36;
	v61 =	vld [tilespmem:$0x1F830];
	v20 =	vadd.f32 $0.0e+00, v48;
	v43 =	vmul.f32 v40, v6  }
0x27c: {  	v17 =	vadd.f32 v60, v17;
	v59 =	vmul.f32 v52, v5;
	v40 =	vmul.f32 v25, v33;
	v25 =	vld [tilespmem:$0x1F880]  }
0x27d: {  	v20 =	vadd.f32 v43, v20;
	v43 =	vld [tilespmem:$0x1370]  }
0x27e: {  	v17 =	vadd.f32 v59, v17;
	v59 =	vld [tilespmem:$0x1F870];
	_ =	sdelay $0x1  }
0x27f: {  	v21 =	vmul.f32 v24, v35  }
0x280: {  	v18 =	vadd.f32 v4, v18;
	v24 =	vmul.f32 v23, v37;
	v23 =	vld [tilespmem:$0x1F8E0];
	v4 =	vmul.f32 v61, v5  }
0x281: {  	v52 =	vmul.f32 v49, v35;
	v17 =	vadd.f32 v40, v17;
	[tilespmem:$0x1FC40] =	vst v43;
	v43 =	vld [tilespmem:$0x1470]  }
0x282: {  	v40 =	vmul.f32 v25, v34;
	v25 =	vld [tilespmem:$0x1F8B0];
	v20 =	vadd.f32 v4, v20;
	v61 =	vmul.f32 v59, v33  }
0x283: {  	v4 =	vld [tilespmem:$0x13F0]  }
0x284: {  	v49 =	vadd.f32 v52, v18;
	v52 =	vadd.f32 v61, v20;
	v61 =	vld [tilespmem:$0x1F890];
	_ =	sdelay $0x1  }
0x285: {  	v17 =	vadd.f32 v40, v17;
	[tilespmem:$0x1FC90] =	vst v43;
	v43 =	vld [tilespmem:$0x1F8C0];
	_ =	sdelay $0x1  }
0x286: {  	v17 =	vadd.f32 v24, v17;
	v24 =	vmul.f32 v23, v6;
	v23 =	vld [tilespmem:$0x1F900];
	v40 =	vmul.f32 v25, v7  }
0x287: {  	[tilespmem:$0x1FC60] =	vst v4;
	v4 =	vmul.f32 v61, v34;
	v61 =	vld [tilespmem:$0x1F8D0]  }
0x288: {  	v21 =	vadd.f32 v21, v19;
	v25 =	vld [tilespmem:$0x1600];
	v19 =	vadd.f32 $0.0e+00, v40  }
0x289: {  	v18 =	vadd.f32 v4, v52;
	v52 =	vmul.f32 v43, v37;
	v43 =	vld [tilespmem:$0x1F8F0]  }
0x28a: {  	v19 =	vadd.f32 v24, v19;
	v24 =	vld [tilespmem:$0x1F910];
	_ =	sdelay $0x1  }
0x28b: {  	v4 =	vmul.f32 v61, v7;
	_ =	sdelay $0x1  }
0x28c: {  	v22 =	vld [tilespmem:$0x1260];
	[tilespmem:$0x1FED0] =	vst v21;
	v18 =	vadd.f32 v52, v18;
	v40 =	vadd.f32 $0.0e+00, v4;
	v52 =	vmul.f32 v43, v6  }
0x28d: {  	v21 =	vmul.f32 v23, v36;
	[tilespmem:$0x1FC70] =	vst v25;
	v25 =	vld [tilespmem:$0x1700];
	v23 =	vmul.f32 v24, v5  }
0x28e: {  	v20 =	vadd.f32 v52, v40;
	v40 =	vld [tilespmem:$0x1F920]  }
0x28f: {  	v19 =	vadd.f32 v23, v19;
	v23 =	vld [tilespmem:$0x1F940];
	_ =	sdelay $0x3  }
0x290: {  	[tilespmem:$0x1FBF0] =	vst v22;
	v22 =	vmul.f32 v40, v36;
	v40 =	vld [tilespmem:$0x1800]  }
0x291: {  	v24 =	vld [tilespmem:$0x1F960];
	[tilespmem:$0x1FCB0] =	vst v25;
	v25 =	vmul.f32 v23, v33;
	_ =	sdelay $0x1  }
0x292: {  	v19 =	vadd.f32 v25, v19;
	v25 =	vld [tilespmem:$0x1F970]  }
0x293: {  	v43 =	vld [tilespmem:$0x1F930]  }
0x294: {  	[tilespmem:$0x1FD00] =	vst v40;
	v40 =	vld [tilespmem:$0x1F980]  }
0x295: {  	v17 =	vadd.f32 v21, v17;
	v21 =	vmul.f32 v24, v35;
	_ =	sdelay $0x1  }
0x296: {  	v17 =	vadd.f32 v21, v17;
	v21 =	vld [tilespmem:$0x1F9A0];
	v18 =	vadd.f32 v22, v18;
	v24 =	vmul.f32 v25, v35  }
0x297: {  	v52 =	vmul.f32 v43, v5;
	v43 =	vld [tilespmem:$0x1F950]  }
0x298: {  	v18 =	vadd.f32 v24, v18;
	v23 =	vmul.f32 v40, v34;
	_ =	sdelay $0x1  }
0x299: {  	[tilespmem:$0x1FF00] =	vst v18;
	v18 =	vadd.f32 v23, v19;
	v23 =	vld [tilespmem:$0x1F9C0]  }
0x29a: {  	v25 =	vld [tilespmem:$0x1710];
	v24 =	vmul.f32 v21, v7  }
0x29b: {  	v20 =	vadd.f32 v52, v20;
	v52 =	vmul.f32 v43, v33;
	v43 =	vld [tilespmem:$0x1F990]  }
0x29c: {  	[tilespmem:$0x1FEF0] =	vst v17;
	v17 =	vadd.f32 $0.0e+00, v24;
	v24 =	vld [tilespmem:$0x1F9D0]  }
0x29d: {  	v21 =	vld [tilespmem:$0x1F9B0]  }
0x29e: {  	v23 =	vmul.f32 v23, v37  }
0x29f: {  	v20 =	vadd.f32 v52, v20;
	[tilespmem:$0x1FCC0] =	vst v25;
	v25 =	vmul.f32 v26, v37;
	v26 =	vld [tilespmem:$0x1F9E0]  }
0x2a0: {  	v52 =	vmul.f32 v43, v34;
	v18 =	vadd.f32 v23, v18;
	v23 =	vmul.f32 v42, v5;
	v42 =	vld [tilespmem:$0x1810]  }
0x2a1: {  	v24 =	vmul.f32 v24, v6  }
0x2a2: {  	v20 =	vadd.f32 v52, v20;
	v21 =	vmul.f32 v21, v7  }
0x2a3: {  	v17 =	vadd.f32 v24, v17  }
0x2a4: {  	v44 =	vld [tilespmem:$0x1440];
	v20 =	vadd.f32 v25, v20;
	v21 =	vadd.f32 $0.0e+00, v21;
	v26 =	vmul.f32 v26, v6  }
0x2a5: {  	v25 =	vld [tilespmem:$0x16A0];
	v17 =	vadd.f32 v23, v17;
	[tilespmem:$0x1FD10] =	vst v42;
	v42 =	vmul.f32 v63, v36;
	v63 =	vmul.f32 v39, v33  }
0x2a6: {  	v1 =	vmul.f32 v45, v5;
	v12 =	vld [tilespmem:$0x10D0];
	v21 =	vadd.f32 v26, v21  }
0x2a7: {  	v31 =	vmul.f32 v31, v34;
	v26 =	vld [tilespmem:$0x1FA00];
	v17 =	vadd.f32 v63, v17  }
0x2a8: {  	v21 =	vadd.f32 v1, v21;
	v39 =	vld [tilespmem:$0x1F9F0]  }
0x2a9: {  	v1 =	vmul.f32 v28, v36;
	v28 =	vmul.f32 v46, v33;
	v17 =	vadd.f32 v31, v17;
	v31 =	vld [tilespmem:$0x1FA10]  }
0x2aa: {  	[tilespmem:$0x1FCF0] =	vst v25;
	v25 =	vmul.f32 v27, v35;
	v27 =	vld [tilespmem:$0x1FA20]  }
0x2ab: {  	v21 =	vadd.f32 v28, v21;
	v28 =	vld [tilespmem:$0x1720]  }
0x2ac: {  	[tilespmem:$0x1FBE0] =	vst v44;
	v44 =	vld [tilespmem:$0x11D0]  }
0x2ad: {  	v15 =	vld [tilespmem:$0x1150];
	v12 =	vmul.f32 v12, v7  }
0x2ae: {  	v18 =	vadd.f32 v42, v18;
	v42 =	vmul.f32 v39, v34;
	v39 =	vmul.f32 v31, v37;
	v31 =	vld [tilespmem:$0x1FA30]  }
0x2af: {  	v45 =	vld [tilespmem:$0x1520]  }
0x2b0: {  	v12 =	vadd.f32 $0.0e+00, v12;
	v16 =	vld [tilespmem:$0x1450];
	v23 =	vmul.f32 v26, v35;
	[tilespmem:$0x1FD20] =	vst v28;
	v28 =	vmul.f32 v27, v7  }
0x2b1: {  	v24 =	vmul.f32 v30, v37;
	v30 =	vld [tilespmem:$0x1820];
	v20 =	vadd.f32 v1, v20;
	v21 =	vadd.f32 v42, v21  }
0x2b2: {  	v15 =	vmul.f32 v15, v6;
	v23 =	vadd.f32 v23, v18;
	v18 =	vadd.f32 $0.0e+00, v28;
	v28 =	vld [tilespmem:$0x1FA40]  }
0x2b3: {  	v51 =	vld [tilespmem:$0x1250];
	v25 =	vadd.f32 v25, v20;
	v20 =	vadd.f32 v39, v21;
	v39 =	vmul.f32 v31, v7  }
0x2b4: {  	v53 =	vld [tilespmem:$0x12D0];
	v12 =	vadd.f32 v15, v12;
	v15 =	vmul.f32 v44, v5  }
0x2b5: {  	v10 =	vmul.f32 v10, v6;
	v62 =	vld [tilespmem:$0x1160];
	v21 =	vadd.f32 $0.0e+00, v39  }
0x2b6: {  	v12 =	vadd.f32 v15, v12;
	v15 =	vld [tilespmem:$0x1FB50];
	[tilespmem:$0x1FC00] =	vst v16  }
0x2b7: {  	v16 =	vld [tilespmem:$0x10E0];
	[tilespmem:$0x1FD50] =	vst v30;
	v30 =	vmul.f32 v28, v5;
	v10 =	vadd.f32 v10, v21  }
0x2b8: {  	v14 =	vld [tilespmem:$0x10F0]  }
0x2b9: {  	v10 =	vadd.f32 v30, v10;
	v30 =	vld [tilespmem:$0x1FA50]  }
0x2ba: {  	v42 =	vld [tilespmem:$0x17A0]  }
0x2bb: {  	v47 =	vld [tilespmem:$0x1170]  }
0x2bc: {  	v4 =	vld [tilespmem:$0x1680]  }
0x2bd: {  	v1 =	vmul.f32 v58, v6;
	v21 =	vmul.f32 v32, v35;
	v32 =	vld [tilespmem:$0x17B0]  }
0x2be: {  	v9 =	vmul.f32 v9, v7;
	v17 =	vadd.f32 v24, v17;
	v28 =	vmul.f32 v30, v33;
	v30 =	vld [tilespmem:$0x1FA70]  }
0x2bf: {  	v60 =	vld [tilespmem:$0x1270];
	v18 =	vadd.f32 v1, v18;
	v24 =	vmul.f32 v56, v5;
	[tilespmem:$0x1FD30] =	vst v42;
	v42 =	vmul.f32 v3, v36  }
0x2c0: {  	v48 =	vld [tilespmem:$0x11F0];
	v58 =	vmul.f32 v55, v33;
	v3 =	vmul.f32 v41, v36  }
0x2c1: {  	[tilespmem:$0x1FEE0] =	vst v49;
	v49 =	vld [tilespmem:$0x1480];
	v18 =	vadd.f32 v24, v18;
	v17 =	vadd.f32 v42, v17;
	v42 =	vmul.f32 v2, v35  }
0x2c2: {  	v54 =	vmul.f32 v54, v34;
	v9 =	vadd.f32 $0.0e+00, v9;
	[tilespmem:$0x1FCA0] =	vst v4;
	v4 =	vld [tilespmem:$0x1780];
	v20 =	vadd.f32 v3, v20  }
0x2c3: {  	v24 =	vld [tilespmem:$0x1FA60];
	v39 =	vadd.f32 v42, v17;
	v42 =	vadd.f32 v58, v18;
	[tilespmem:$0x1FD40] =	vst v32;
	v32 =	vmul.f32 v30, v6  }
0x2c4: {  	v21 =	vadd.f32 v21, v20;
	v30 =	vld [tilespmem:$0x17C0]  }
0x2c5: {  	v27 =	vmul.f32 v50, v37;
	v17 =	vadd.f32 v54, v42;
	v9 =	vadd.f32 v32, v9;
	v32 =	vld [tilespmem:$0x1FAA0]  }
0x2c6: {  	[tilespmem:$0x1FF40] =	vst v21;
	v21 =	vld [tilespmem:$0x1FA80]  }
0x2c7: {  	v17 =	vadd.f32 v27, v17;
	v27 =	vld [tilespmem:$0x1FA90]  }
0x2c8: {  	v59 =	vld [tilespmem:$0x1500];
	[tilespmem:$0x1FF20] =	vst v25;
	v25 =	vmul.f32 v24, v34;
	v10 =	vadd.f32 v28, v10  }
0x2c9: {  	v50 =	vmul.f32 v38, v36;
	[tilespmem:$0x1FD90] =	vst v30;
	v30 =	vld [tilespmem:$0x1FAC0]  }
0x2ca: {  	v28 =	vmul.f32 v57, v37;
	v10 =	vadd.f32 v25, v10;
	v38 =	vmul.f32 v32, v33;
	v32 =	vld [tilespmem:$0x1FAD0]  }
0x2cb: {  	v61 =	vld [tilespmem:$0x1580];
	v24 =	vmul.f32 v21, v5  }
0x2cc: {  	[tilespmem:$0x1FCD0] =	vst v4;
	v4 =	vld [tilespmem:$0x1510];
	v10 =	vadd.f32 v28, v10;
	v28 =	vmul.f32 v27, v36  }
0x2cd: {  	v22 =	vld [tilespmem:$0x1490];
	v9 =	vadd.f32 v24, v9  }
0x2ce: {  	v43 =	vld [tilespmem:$0x1610];
	v18 =	vmul.f32 v29, v35;
	v17 =	vadd.f32 v50, v17;
	v10 =	vadd.f32 v28, v10  }
0x2cf: {  	v9 =	vadd.f32 v38, v9;
	v24 =	vmul.f32 v30, v35;
	v38 =	vmul.f32 v32, v34;
	v32 =	vld [tilespmem:$0x1FAF0]  }
0x2d0: {  	v42 =	vld [tilespmem:$0x16C0];
	v20 =	vmul.f32 v0, v7  }
0x2d1: {  	v11 =	vmul.f32 v11, v7;
	v17 =	vadd.f32 v18, v17;
	v27 =	vld [tilespmem:$0x1FAB0];
	v18 =	vadd.f32 v24, v10  }
0x2d2: {  	v10 =	vadd.f32 $0.0e+00, v20;
	v20 =	vld [tilespmem:$0x1FB00]  }
0x2d3: {  	v8 =	vmul.f32 v8, v6;
	v11 =	vadd.f32 $0.0e+00, v11;
	[tilespmem:$0x1FF60] =	vst v18;
	v18 =	vld [tilespmem:$0x1FB30]  }
0x2d4: {  	v9 =	vadd.f32 v38, v9;
	v38 =	vmul.f32 v32, v37;
	v32 =	vld [tilespmem:$0x1FB20]  }
0x2d5: {  	v13 =	vmul.f32 v13, v5;
	v8 =	vadd.f32 v8, v11;
	v40 =	vld [tilespmem:$0x1590]  }
0x2d6: {  	v52 =	vld [tilespmem:$0x1690]  }
0x2d7: {  	v50 =	vadd.f32 v13, v8;
	[tilespmem:$0x1FD70] =	vst v42;
	v42 =	vld [tilespmem:$0x1840];
	v28 =	vmul.f32 v27, v33;
	v24 =	vmul.f32 v20, v6  }
0x2d8: {  	v19 =	vld [tilespmem:$0x1790];
	v9 =	vadd.f32 v38, v9;
	v20 =	vmul.f32 v18, v36  }
0x2d9: {  	v11 =	vadd.f32 v28, v50;
	v28 =	vld [tilespmem:$0x1FB10];
	v10 =	vadd.f32 v24, v10;
	v38 =	vmul.f32 v32, v5  }
0x2da: {  	v9 =	vadd.f32 v20, v9;
	v20 =	vld [tilespmem:$0x1FB60]  }
0x2db: {  	v10 =	vadd.f32 v38, v10;
	v38 =	vld [tilespmem:$0x1FB40]  }
0x2dc: {  	[tilespmem:$0x1FDA0] =	vst v42;
	v42 =	vld [tilespmem:$0x1FAE0]  }
0x2dd: {  	[tilespmem:$0x1FCE0] =	vst v19;
	v19 =	vld [tilespmem:$0x14A0]  }
0x2de: {  	v46 =	vld [tilespmem:$0x15A0]  }
0x2df: {  	v55 =	vld [tilespmem:$0x1730];
	v30 =	vmul.f32 v28, v37  }
0x2e0: {  	v28 =	vmul.f32 v20, v34;
	v20 =	vld [tilespmem:$0x1FBA0];
	v44 =	vmul.f32 v38, v33  }
0x2e1: {  	v13 =	vld [tilespmem:$0x1FB70];
	v50 =	vmul.f32 v42, v34;
	v18 =	vmul.f32 v51, v33  }
0x2e2: {  	v26 =	vld [tilespmem:$0x1530];
	v10 =	vadd.f32 v44, v10  }
0x2e3: {  	v11 =	vadd.f32 v50, v11;
	v12 =	vadd.f32 v18, v12;
	v18 =	vld [tilespmem:$0x1FB90];
	v32 =	vmul.f32 v53, v34  }
0x2e4: {  	v15 =	vmul.f32 v15, v36;
	v10 =	vadd.f32 v28, v10;
	v28 =	vld [tilespmem:$0x17E0]  }
0x2e5: {  	v63 =	vld [tilespmem:$0x1620];
	v11 =	vadd.f32 v30, v11;
	v12 =	vadd.f32 v32, v12;
	v32 =	vmul.f32 v20, v37  }
0x2e6: {  	[tilespmem:$0x1FF10] =	vst v23;
	v23 =	vld [tilespmem:$0x14B0];
	v13 =	vmul.f32 v13, v35;
	v20 =	vmul.f32 v16, v7  }
0x2e7: {  	v11 =	vadd.f32 v15, v11;
	v12 =	vadd.f32 v32, v12;
	v32 =	vld [tilespmem:$0x1FBB0]  }
0x2e8: {  	v13 =	vadd.f32 v13, v9;
	v15 =	vmul.f32 v18, v37;
	v9 =	vadd.f32 $0.0e+00, v20;
	v20 =	vld [tilespmem:$0x1FBC0]  }
0x2e9: {  	[tilespmem:$0x1FDC0] =	vst v28;
	v28 =	vld [tilespmem:$0x1860]  }
0x2ea: {  	v10 =	vadd.f32 v15, v10;
	v15 =	vld [tilespmem:$0x1FBE0]  }
0x2eb: {  	v62 =	vmul.f32 v62, v6;
	v56 =	vld [tilespmem:$0x1630];
	[tilespmem:$0x1FF70] =	vst v13;
	v13 =	vmul.f32 v14, v7  }
0x2ec: {  	v47 =	vmul.f32 v47, v6;
	v41 =	vld [tilespmem:$0x16B0]  }
0x2ed: {  	v13 =	vadd.f32 $0.0e+00, v13;
	v9 =	vadd.f32 v62, v9;
	v62 =	vld [tilespmem:$0x1FBD0];
	v16 =	vmul.f32 v32, v36  }
0x2ee: {  	v32 =	vld [tilespmem:$0x1FC00];
	[tilespmem:$0x1FDD0] =	vst v28;
	v28 =	vmul.f32 v20, v36  }
0x2ef: {  	v13 =	vadd.f32 v47, v13;
	v10 =	vadd.f32 v16, v10;
	v47 =	vmul.f32 v15, v35;
	v15 =	vld [tilespmem:$0x1FC20]  }
0x2f0: {  	v12 =	vadd.f32 v28, v12;
	v28 =	vld [tilespmem:$0x1FBF0]  }
0x2f1: {  	v47 =	vadd.f32 v47, v10;
	v10 =	vld [tilespmem:$0x1FC10]  }
0x2f2: {  	v31 =	vld [tilespmem:$0x15B0]  }
0x2f3: {  	v58 =	vld [tilespmem:$0x1830];
	v14 =	vmul.f32 v48, v5  }
0x2f4: {  	v29 =	vld [tilespmem:$0x16D0];
	v3 =	vmul.f32 v62, v5  }
0x2f5: {  	v13 =	vadd.f32 v14, v13;
	v1 =	vmul.f32 v32, v35;
	v0 =	vmul.f32 v28, v33;
	v28 =	vld [tilespmem:$0x1FC30]  }
0x2f6: {  	v9 =	vadd.f32 v3, v9;
	v14 =	vmul.f32 v10, v34;
	v10 =	vmul.f32 v15, v34;
	v15 =	vld [tilespmem:$0x1FC40]  }
0x2f7: {  	v60 =	vmul.f32 v60, v33;
	[tilespmem:$0x1FF30] =	vst v39;
	v39 =	vld [tilespmem:$0x14C0];
	v1 =	vadd.f32 v1, v12  }
0x2f8: {  	v54 =	vld [tilespmem:$0x1540];
	[tilespmem:$0x1FD60] =	vst v58;
	v0 =	vadd.f32 v0, v9  }
0x2f9: {  	v58 =	vld [tilespmem:$0x1640];
	[tilespmem:$0x1FFA0] =	vst v1;
	v1 =	vadd.f32 v60, v13  }
0x2fa: {  	v8 =	vld [tilespmem:$0x14D0];
	v60 =	vmul.f32 v49, v7;
	v0 =	vadd.f32 v14, v0;
	v9 =	vmul.f32 v28, v37  }
0x2fb: {  	v59 =	vmul.f32 v59, v6;
	[tilespmem:$0x1FF50] =	vst v17;
	v17 =	vld [tilespmem:$0x1850];
	v1 =	vadd.f32 v10, v1;
	v10 =	vmul.f32 v15, v37  }
0x2fc: {  	v57 =	vld [tilespmem:$0x15C0];
	v28 =	vmul.f32 v22, v7;
	v2 =	vadd.f32 v9, v0;
	v9 =	vadd.f32 $0.0e+00, v60  }
0x2fd: {  	v25 =	vld [tilespmem:$0x1740];
	v3 =	vadd.f32 v10, v1  }
0x2fe: {  	v4 =	vmul.f32 v4, v6;
	v10 =	vadd.f32 $0.0e+00, v28;
	v9 =	vadd.f32 v59, v9;
	v59 =	vld [tilespmem:$0x1FC50]  }
0x2ff: {  	v21 =	vld [tilespmem:$0x1550]  }
0x300: {  	v10 =	vadd.f32 v4, v10;
	v4 =	vld [tilespmem:$0x1FC60]  }
0x301: {  	[tilespmem:$0x1FDB0] =	vst v17;
	v17 =	vld [tilespmem:$0x1FB80]  }
0x302: {  	[tilespmem:$0x1FD80] =	vst v25;
	v25 =	vld [tilespmem:$0x15D0]  }
0x303: {  	v61 =	vmul.f32 v61, v5;
	v27 =	vld [tilespmem:$0x1650];
	v12 =	vmul.f32 v59, v36  }
0x304: {  	v42 =	vld [tilespmem:$0x1750]  }
0x305: {  	v13 =	vmul.f32 v4, v36;
	v4 =	vadd.f32 v12, v2;
	v12 =	vadd.f32 v61, v9;
	v9 =	vld [tilespmem:$0x1FC70]  }
0x306: {  	v50 =	vld [tilespmem:$0x17D0]  }
0x307: {  	v15 =	vld [tilespmem:$0x1FC90]  }
0x308: {  	v30 =	vld [tilespmem:$0x1560]  }
0x309: {  	v24 =	vld [tilespmem:$0x14E0]  }
0x30a: {  	v51 =	vld [tilespmem:$0x16E0];
	v0 =	vmul.f32 v9, v33  }
0x30b: {  	v17 =	vmul.f32 v17, v35;
	v53 =	vld [tilespmem:$0x1760]  }
0x30c: {  	v3 =	vadd.f32 v13, v3;
	v2 =	vadd.f32 v0, v12;
	v0 =	vmul.f32 v15, v35;
	v12 =	vld [tilespmem:$0x1FCA0]  }
0x30d: {  	v48 =	vld [tilespmem:$0x1770];
	v18 =	vadd.f32 v17, v11;
	v1 =	vmul.f32 v40, v5  }
0x30e: {  	v11 =	vld [tilespmem:$0x14F0];
	v0 =	vadd.f32 v0, v3  }
0x30f: {  	v17 =	vld [tilespmem:$0x16F0];
	[tilespmem:$0x1FF80] =	vst v18;
	v1 =	vadd.f32 v1, v10;
	v13 =	vmul.f32 v43, v33  }
0x310: {  	v18 =	vld [tilespmem:$0x1570];
	[tilespmem:$0x1FFC0] =	vst v0;
	v0 =	vmul.f32 v19, v7  }
0x311: {  	v38 =	vld [tilespmem:$0x15E0];
	v1 =	vadd.f32 v13, v1;
	v13 =	vmul.f32 v12, v34  }
0x312: {  	v44 =	vld [tilespmem:$0x1660];
	v0 =	vadd.f32 $0.0e+00, v0  }
0x313: {  	v14 =	vld [tilespmem:$0x1FC80];
	v2 =	vadd.f32 v13, v2;
	v13 =	vmul.f32 v23, v7;
	v23 =	vmul.f32 v45, v6  }
0x314: {  	v16 =	vld [tilespmem:$0x1670]  }
0x315: {  	v46 =	vmul.f32 v46, v5;
	v62 =	vld [tilespmem:$0x17F0];
	v0 =	vadd.f32 v23, v0  }
0x316: {  	v20 =	vld [tilespmem:$0x15F0]  }
0x317: {  	v0 =	vadd.f32 v46, v0;
	v46 =	vld [tilespmem:$0x1FCD0]  }
0x318: {  	v32 =	vld [tilespmem:$0x1870];
	v43 =	vmul.f32 v14, v35  }
0x319: {  	v26 =	vmul.f32 v26, v6;
	[tilespmem:$0x1FF90] =	vst v47;
	v47 =	vld [tilespmem:$0x1880];
	v13 =	vadd.f32 $0.0e+00, v13  }
0x31a: {  	v4 =	vadd.f32 v43, v4;
	v43 =	vld [tilespmem:$0x1FCB0]  }
0x31b: {  	v45 =	vld [tilespmem:$0x1FCC0];
	v13 =	vadd.f32 v26, v13;
	v26 =	vmul.f32 v31, v5  }
0x31c: {  	v49 =	vld [tilespmem:$0x1900];
	v31 =	vmul.f32 v46, v36;
	v46 =	vmul.f32 v63, v33  }
0x31d: {  	v13 =	vadd.f32 v26, v13;
	v26 =	vld [tilespmem:$0x1FCE0]  }
0x31e: {  	v52 =	vmul.f32 v52, v34;
	v0 =	vadd.f32 v46, v0;
	v46 =	vld [tilespmem:$0x1FCF0]  }
0x31f: {  	v40 =	vld [tilespmem:$0x1B80];
	v19 =	vmul.f32 v43, v37  }
0x320: {  	v22 =	vld [tilespmem:$0x1980];
	[tilespmem:$0x1FFB0] =	vst v4;
	v1 =	vadd.f32 v52, v1;
	v4 =	vmul.f32 v45, v37  }
0x321: {  	v60 =	vld [tilespmem:$0x1A00];
	v2 =	vadd.f32 v19, v2  }
0x322: {  	v28 =	vld [tilespmem:$0x1A80];
	v1 =	vadd.f32 v4, v1;
	v63 =	vmul.f32 v56, v33;
	v26 =	vmul.f32 v26, v36  }
0x323: {  	v10 =	vld [tilespmem:$0x1910];
	v4 =	vadd.f32 v31, v2;
	v31 =	vmul.f32 v46, v34  }
0x324: {  	v59 =	vld [tilespmem:$0x1B00];
	v13 =	vadd.f32 v63, v13;
	v3 =	vadd.f32 v26, v1;
	v26 =	vmul.f32 v41, v34  }
0x325: {  	v2 =	vadd.f32 v31, v0;
	v31 =	vld [tilespmem:$0x1FD10]  }
0x326: {  	v13 =	vadd.f32 v26, v13;
	v26 =	vld [tilespmem:$0x1FD20]  }
0x327: {  	v61 =	vld [tilespmem:$0x1C00]  }
0x328: {  	v14 =	vld [tilespmem:$0x1A10]  }
0x329: {  	v9 =	vld [tilespmem:$0x1890]  }
0x32a: {  	v52 =	vld [tilespmem:$0x1B10];
	v0 =	vmul.f32 v31, v35  }
0x32b: {  	v15 =	vld [tilespmem:$0x1A90];
	v26 =	vmul.f32 v26, v37  }
0x32c: {  	v12 =	vld [tilespmem:$0x1990];
	v0 =	vadd.f32 v0, v3  }
0x32d: {  	v2 =	vadd.f32 v26, v2;
	v26 =	vmul.f32 v54, v6;
	v54 =	vld [tilespmem:$0x1FD40]  }
0x32e: {  	v9 =	vmul.f32 v9, v7;
	[tilespmem:$0x1FFE0] =	vst v0;
	v0 =	vmul.f32 v39, v7;
	v39 =	vld [tilespmem:$0x1FD30]  }
0x32f: {  	v43 =	vld [tilespmem:$0x1B90];
	v1 =	vmul.f32 v55, v37  }
0x330: {  	v10 =	vmul.f32 v10, v6;
	v9 =	vadd.f32 $0.0e+00, v9;
	v63 =	vld [tilespmem:$0x1FD00]  }
0x331: {  	v19 =	vld [tilespmem:$0x1C10];
	v3 =	vadd.f32 v1, v13;
	v1 =	vmul.f32 v8, v7  }
0x332: {  	v21 =	vmul.f32 v21, v6;
	v9 =	vadd.f32 v10, v9;
	v23 =	vld [tilespmem:$0x18A0];
	v10 =	vmul.f32 v12, v5  }
0x333: {  	v45 =	vld [tilespmem:$0x1920];
	v13 =	vmul.f32 v39, v36;
	v39 =	vmul.f32 v54, v36;
	v54 =	vadd.f32 $0.0e+00, v1  }
0x334: {  	v9 =	vadd.f32 v10, v9;
	v10 =	vmul.f32 v62, v36;
	v62 =	vld [tilespmem:$0x1AE0]  }
0x335: {  	v63 =	vmul.f32 v63, v35;
	v21 =	vadd.f32 v21, v54;
	v54 =	vld [tilespmem:$0x1FD50]  }
0x336: {  	v56 =	vld [tilespmem:$0x19A0];
	v0 =	vadd.f32 $0.0e+00, v0  }
0x337: {  	v41 =	vld [tilespmem:$0x1AA0];
	v4 =	vadd.f32 v63, v4  }
0x338: {  	v55 =	vld [tilespmem:$0x1BA0];
	v0 =	vadd.f32 v26, v0;
	v13 =	vadd.f32 v13, v2;
	v2 =	vmul.f32 v57, v5  }
0x339: {  	[tilespmem:$0x1FFD0] =	vst v4;
	v4 =	vld [tilespmem:$0x18B0]  }
0x33a: {  	v26 =	vadd.f32 v2, v0;
	v0 =	vmul.f32 v54, v35;
	v54 =	vmul.f32 v58, v33;
	v58 =	vld [tilespmem:$0x1FD60]  }
0x33b: {  	v8 =	vld [tilespmem:$0x1930]  }
0x33c: {  	v26 =	vadd.f32 v54, v26;
	v54 =	vld [tilespmem:$0x1FD70]  }
0x33d: {  	v46 =	vld [tilespmem:$0x1A20]  }
0x33e: {  	v4 =	vmul.f32 v4, v7;
	v1 =	vld [tilespmem:$0x19B0]  }
0x33f: {  	v63 =	vld [tilespmem:$0x1C20];
	v3 =	vadd.f32 v39, v3;
	v0 =	vadd.f32 v0, v13;
	v58 =	vmul.f32 v58, v35  }
0x340: {  	v31 =	vld [tilespmem:$0x1B20];
	v4 =	vadd.f32 $0.0e+00, v4  }
0x341: {  	v8 =	vmul.f32 v8, v6;
	[tilespmem:$0x1FFF0] =	vst v0;
	v0 =	vmul.f32 v54, v34;
	v54 =	vadd.f32 v58, v3;
	v58 =	vld [tilespmem:$0x1FD80]  }
0x342: {  	v25 =	vmul.f32 v25, v5;
	v57 =	vld [tilespmem:$0x1A30]  }
0x343: {  	v4 =	vadd.f32 v8, v4;
	v39 =	vld [tilespmem:$0x1AB0];
	v1 =	vmul.f32 v1, v5  }
0x344: {  	v2 =	vld [tilespmem:$0x1B30];
	v21 =	vadd.f32 v25, v21;
	v25 =	vmul.f32 v27, v33  }
0x345: {  	v24 =	vmul.f32 v24, v7;
	v27 =	vld [tilespmem:$0x1BB0];
	v1 =	vadd.f32 v1, v4;
	v4 =	vmul.f32 v19, v35  }
0x346: {  	v19 =	vld [tilespmem:$0x1C70];
	v3 =	vadd.f32 v25, v21;
	v0 =	vadd.f32 v0, v26;
	v25 =	vmul.f32 v58, v37  }
0x347: {  	v13 =	vld [tilespmem:$0x1C30];
	v21 =	vmul.f32 v29, v34  }
0x348: {  	v24 =	vadd.f32 $0.0e+00, v24;
	v29 =	vld [tilespmem:$0x18C0];
	v0 =	vadd.f32 v25, v0;
	v25 =	vmul.f32 v30, v6  }
0x349: {  	v11 =	vmul.f32 v11, v7;
	v3 =	vadd.f32 v21, v3;
	v21 =	vmul.f32 v42, v37;
	v42 =	vld [tilespmem:$0x19C0]  }
0x34a: {  	v24 =	vadd.f32 v25, v24;
	v25 =	vld [tilespmem:$0x1FD90]  }
0x34b: {  	v18 =	vmul.f32 v18, v6;
	v26 =	vadd.f32 $0.0e+00, v11;
	v11 =	vld [tilespmem:$0x1AC0]  }
0x34c: {  	v38 =	vmul.f32 v38, v5;
	v3 =	vadd.f32 v21, v3;
	v21 =	vld [tilespmem:$0x1B40]  }
0x34d: {  	v50 =	vmul.f32 v50, v36;
	v20 =	vmul.f32 v20, v5;
	v26 =	vadd.f32 v18, v26;
	v18 =	vld [tilespmem:$0x1BC0]  }
0x34e: {  	v16 =	vmul.f32 v16, v33;
	v58 =	vld [tilespmem:$0x1940];
	v24 =	vadd.f32 v38, v24  }
0x34f: {  	v38 =	vadd.f32 v50, v3;
	v3 =	vadd.f32 v20, v26;
	v50 =	vld [tilespmem:$0x1FDA0];
	v25 =	vmul.f32 v25, v36  }
0x350: {  	v17 =	vmul.f32 v17, v34;
	v30 =	vld [tilespmem:$0x1A40]  }
0x351: {  	v26 =	vld [tilespmem:$0x18D0];
	v16 =	vadd.f32 v16, v3;
	v0 =	vadd.f32 v25, v0;
	v25 =	vmul.f32 v44, v33  }
0x352: {  	v51 =	vmul.f32 v51, v34;
	v3 =	vld [tilespmem:$0x19D0]  }
0x353: {  	v48 =	vmul.f32 v48, v37;
	v17 =	vadd.f32 v17, v16;
	v16 =	vld [tilespmem:$0x1BD0];
	v20 =	vadd.f32 v25, v24  }
0x354: {  	v53 =	vmul.f32 v53, v37;
	v44 =	vld [tilespmem:$0x1C40];
	v24 =	vmul.f32 v50, v35  }
0x355: {  	v47 =	vmul.f32 v47, v7;
	v17 =	vadd.f32 v48, v17;
	v48 =	vld [tilespmem:$0x18E0];
	v20 =	vadd.f32 v51, v20  }
0x356: {  	v50 =	vld [tilespmem:$0x1FDB0];
	v0 =	vadd.f32 v24, v0  }
0x357: {  	v49 =	vmul.f32 v49, v6;
	v24 =	vadd.f32 $0.0e+00, v47;
	v20 =	vadd.f32 v53, v20;
	v53 =	vld [tilespmem:$0x1FDC0]  }
0x358: {  	v51 =	vld [tilespmem:$0x1AD0]  }
0x359: {  	v22 =	vmul.f32 v22, v5;
	v47 =	vld [tilespmem:$0x1B50];
	v49 =	vadd.f32 v49, v24  }
0x35a: {  	v24 =	vld [tilespmem:$0x1C50]  }
0x35b: {  	v25 =	vmul.f32 v50, v35;
	v50 =	vld [tilespmem:$0x1950];
	v12 =	vadd.f32 v22, v49;
	v49 =	vmul.f32 v60, v33  }
0x35c: {  	v60 =	vld [tilespmem:$0x19E0];
	v22 =	vmul.f32 v53, v36  }
0x35d: {  	v38 =	vadd.f32 v25, v38;
	v25 =	vld [tilespmem:$0x1A50];
	v12 =	vadd.f32 v49, v12  }
0x35e: {  	v49 =	vadd.f32 v10, v17;
	v17 =	vld [tilespmem:$0x1B60];
	v20 =	vadd.f32 v22, v20;
	v22 =	vmul.f32 v28, v34  }
0x35f: {  	v32 =	vmul.f32 v32, v35;
	v53 =	vld [tilespmem:$0x1960]  }
0x360: {  	v59 =	vmul.f32 v59, v37;
	v12 =	vadd.f32 v22, v12;
	v22 =	vld [tilespmem:$0x1FDD0]  }
0x361: {  	v14 =	vmul.f32 v14, v33;
	v32 =	vadd.f32 v32, v49;
	v49 =	vmul.f32 v23, v7;
	v23 =	vld [tilespmem:$0x18F0]  }
0x362: {  	v28 =	vld [tilespmem:$0x1A60];
	v12 =	vadd.f32 v59, v12;
	v59 =	vmul.f32 v40, v36  }
0x363: {  	v9 =	vadd.f32 v14, v9;
	[tilespmem:$0x2370] =	vst v32;
	v32 =	vld [tilespmem:$0x1EF0]  }
0x364: {  	v10 =	vmul.f32 v15, v34;
	v40 =	vld [tilespmem:$0x1A70];
	v12 =	vadd.f32 v59, v12;
	v59 =	vmul.f32 v56, v5  }
0x365: {  	v56 =	vmul.f32 v26, v7;
	v26 =	vld [tilespmem:$0x1D80];
	v14 =	vmul.f32 v22, v35  }
0x366: {  	v52 =	vmul.f32 v52, v37;
	v22 =	vadd.f32 v10, v9;
	v9 =	vld [tilespmem:$0x1BE0]  }
0x367: {  	v10 =	vadd.f32 v14, v20;
	v20 =	vld [tilespmem:$0x1C60]  }
0x368: {  	v15 =	vadd.f32 v52, v22;
	v14 =	vadd.f32 $0.0e+00, v49;
	v52 =	vmul.f32 v45, v6;
	v45 =	vld [tilespmem:$0x1970]  }
0x369: {  	v49 =	vld [tilespmem:$0x19F0]  }
0x36a: {  	v22 =	vmul.f32 v46, v33;
	v46 =	vld [tilespmem:$0x1B70];
	v14 =	vadd.f32 v52, v14  }
0x36b: {  	v43 =	vmul.f32 v43, v36;
	v52 =	vld [tilespmem:$0x1AF0]  }
0x36c: {  	v8 =	vadd.f32 v59, v14;
	v14 =	vmul.f32 v61, v35;
	v61 =	vmul.f32 v57, v33;
	v57 =	vld [tilespmem:$0x1BF0]  }
0x36d: {  	v43 =	vadd.f32 v43, v15;
	v59 =	vmul.f32 v41, v34;
	v41 =	vmul.f32 v31, v37;
	v31 =	vld [tilespmem:$0x1E00]  }
0x36e: {  	v15 =	vadd.f32 v14, v12;
	v1 =	vadd.f32 v61, v1;
	v61 =	vmul.f32 v39, v34;
	v39 =	vld [tilespmem:$0x1C80]  }
0x36f: {  	v8 =	vadd.f32 v22, v8;
	v14 =	vadd.f32 v4, v43;
	v43 =	vmul.f32 v29, v7;
	v29 =	vld [tilespmem:$0x1D00]  }
0x370: {  	v2 =	vmul.f32 v2, v37;
	v12 =	vld [tilespmem:$0x1F80]  }
0x371: {  	v42 =	vmul.f32 v42, v5;
	v4 =	vld [tilespmem:$0x1C90];
	v8 =	vadd.f32 v59, v8;
	v1 =	vadd.f32 v61, v1  }
0x372: {  	v59 =	vadd.f32 $0.0e+00, v43;
	v61 =	vmul.f32 v58, v6;
	v58 =	vmul.f32 v50, v6;
	v50 =	vld [tilespmem:$0x1F00]  }
0x373: {  	v30 =	vmul.f32 v30, v33;
	v3 =	vmul.f32 v3, v5;
	v56 =	vadd.f32 $0.0e+00, v56;
	v43 =	vld [tilespmem:$0x1D90]  }
0x374: {  	v8 =	vadd.f32 v41, v8;
	v41 =	vld [tilespmem:$0x1E80];
	v22 =	vadd.f32 v61, v59;
	v59 =	vmul.f32 v55, v36  }
0x375: {  	v1 =	vadd.f32 v2, v1;
	v2 =	vadd.f32 v58, v56;
	v61 =	vmul.f32 v27, v36;
	v27 =	vld [tilespmem:$0x1E10]  }
0x376: {  	v8 =	vadd.f32 v59, v8;
	v55 =	vadd.f32 v42, v22;
	v22 =	vld [tilespmem:$0x2000];
	v59 =	vmul.f32 v63, v35  }
0x377: {  	v63 =	vmul.f32 v51, v34;
	v51 =	vmul.f32 v23, v7;
	v23 =	vld [tilespmem:$0x1E90]  }
0x378: {  	v56 =	vmul.f32 v25, v33;
	v2 =	vadd.f32 v3, v2;
	v42 =	vld [tilespmem:$0x1F10]  }
0x379: {  	v13 =	vmul.f32 v13, v35;
	v58 =	vadd.f32 v30, v55;
	v30 =	vld [tilespmem:$0x1D10]  }
0x37a: {  	v48 =	vmul.f32 v48, v7;
	v2 =	vadd.f32 v56, v2;
	v56 =	vadd.f32 $0.0e+00, v51;
	v51 =	vld [tilespmem:$0x1F90]  }
0x37b: {  	v1 =	vadd.f32 v61, v1;
	v61 =	vmul.f32 v11, v34;
	v11 =	vadd.f32 v59, v8;
	v8 =	vld [tilespmem:$0x2010]  }
0x37c: {  	v55 =	vmul.f32 v53, v6;
	v53 =	vld [tilespmem:$0x1FDF0]  }
0x37d: {  	v13 =	vadd.f32 v13, v1;
	v1 =	vadd.f32 $0.0e+00, v48;
	v48 =	vld [tilespmem:$0x1FE80]  }
0x37e: {  	v45 =	vmul.f32 v45, v6;
	v3 =	vadd.f32 v61, v58;
	v61 =	vmul.f32 v28, v33;
	v28 =	vld [tilespmem:$0x1D20]  }
0x37f: {  	v2 =	vadd.f32 v63, v2;
	v63 =	vld [tilespmem:$0x1FDE0]  }
0x380: {  	v59 =	vadd.f32 v45, v56;
	v45 =	vld [tilespmem:$0x1DA0]  }
0x381: {  	v21 =	vmul.f32 v21, v37;
	v56 =	vld [tilespmem:$0x1FE00]  }
0x382: {  	v47 =	vmul.f32 v47, v37;
	v1 =	vadd.f32 v55, v1;
	v55 =	vmul.f32 v62, v34;
	v62 =	vld [tilespmem:$0x1FE20]  }
0x383: {  	v58 =	vmul.f32 v60, v5;
	v60 =	vmul.f32 v49, v5;
	v49 =	vld [tilespmem:$0x1FA0]  }
0x384: {  	v2 =	vadd.f32 v47, v2;
	v47 =	vld [tilespmem:$0x1CA0]  }
0x385: {  	v3 =	vadd.f32 v21, v3;
	v21 =	vld [tilespmem:$0x1E20]  }
0x386: {  	v25 =	vadd.f32 v60, v59;
	v60 =	vld [tilespmem:$0x1FE10]  }
0x387: {  	v40 =	vmul.f32 v40, v33;
	v59 =	vmul.f32 v52, v34;
	v52 =	vld [tilespmem:$0x1FE30]  }
0x388: {  	v4 =	vmul.f32 v4, v7;
	[tilespmem:$0x2120] =	vst v53;
	v53 =	vmul.f32 v39, v7;
	v39 =	vld [tilespmem:$0x1FB0]  }
0x389: {  	v1 =	vadd.f32 v58, v1;
	[tilespmem:$0x21B0] =	vst v48;
	v48 =	vld [tilespmem:$0x1FED0]  }
0x38a: {  	v18 =	vmul.f32 v18, v36;
	v4 =	vadd.f32 $0.0e+00, v4;
	v58 =	vadd.f32 v40, v25;
	v40 =	vld [tilespmem:$0x1EA0]  }
0x38b: {  	v30 =	vmul.f32 v30, v6;
	v1 =	vadd.f32 v61, v1;
	v61 =	vmul.f32 v44, v35;
	v44 =	vld [tilespmem:$0x1F20]  }
0x38c: {  	v16 =	vmul.f32 v16, v36;
	v3 =	vadd.f32 v18, v3;
	[tilespmem:$0x2150] =	vst v62;
	v62 =	vld [tilespmem:$0x1FE70]  }
0x38d: {  	v24 =	vmul.f32 v24, v35;
	v4 =	vadd.f32 v30, v4;
	v30 =	vld [tilespmem:$0x1EB0]  }
0x38e: {  	v2 =	vadd.f32 v16, v2;
	[tilespmem:$0x2110] =	vst v63;
	v63 =	vmul.f32 v17, v37;
	v17 =	vadd.f32 v61, v3;
	v3 =	vld [tilespmem:$0x2020]  }
0x38f: {  	v1 =	vadd.f32 v55, v1;
	v55 =	vld [tilespmem:$0x1FE40]  }
0x390: {  	v16 =	vadd.f32 v24, v2;
	v24 =	vld [tilespmem:$0x1CB0]  }
0x391: {  	v25 =	vadd.f32 v59, v58;
	v58 =	vld [tilespmem:$0x1FE50]  }
0x392: {  	v46 =	vmul.f32 v46, v37;
	v59 =	vmul.f32 v29, v6;
	v29 =	vld [tilespmem:$0x1D30]  }
0x393: {  	v61 =	vmul.f32 v57, v36;
	v57 =	vmul.f32 v31, v33;
	v31 =	vld [tilespmem:$0x1F30]  }
0x394: {  	[tilespmem:$0x2140] =	vst v60;
	v60 =	vld [tilespmem:$0x1FE60]  }
0x395: {  	[tilespmem:$0x2130] =	vst v56;
	v2 =	vadd.f32 $0.0e+00, v53;
	v56 =	vadd.f32 v46, v25;
	v46 =	vld [tilespmem:$0x1DB0]  }
0x396: {  	v53 =	vmul.f32 v43, v5;
	v25 =	vld [tilespmem:$0x1E30]  }
0x397: {  	v2 =	vadd.f32 v59, v2;
	v59 =	vld [tilespmem:$0x1FEB0]  }
0x398: {  	v4 =	vadd.f32 v53, v4;
	v53 =	vld [tilespmem:$0x1FEE0]  }
0x399: {  	v9 =	vmul.f32 v9, v36;
	v1 =	vadd.f32 v63, v1;
	[tilespmem:$0x2200] =	vst v48;
	v48 =	vld [tilespmem:$0x1FF20]  }
0x39a: {  	v63 =	vmul.f32 v26, v5;
	v26 =	vld [tilespmem:$0x1E70]  }
0x39b: {  	v1 =	vadd.f32 v9, v1;
	v9 =	vld [tilespmem:$0x2030]  }
0x39c: {  	v27 =	vmul.f32 v27, v33;
	[tilespmem:$0x21A0] =	vst v62;
	v62 =	vld [tilespmem:$0x1FEC0]  }
0x39d: {  	v2 =	vadd.f32 v63, v2;
	v63 =	vmul.f32 v23, v34;
	v23 =	vld [tilespmem:$0x1CC0]  }
0x39e: {  	v4 =	vadd.f32 v27, v4;
	v27 =	vld [tilespmem:$0x1D40]  }
0x39f: {  	[tilespmem:$0x2160] =	vst v52;
	v52 =	vadd.f32 v61, v56;
	v61 =	vmul.f32 v41, v34;
	v41 =	vld [tilespmem:$0x1DC0]  }
0x3a0: {  	v56 =	vmul.f32 v20, v35;
	[tilespmem:$0x2170] =	vst v55;
	v55 =	vld [tilespmem:$0x1FE90]  }
0x3a1: {  	[tilespmem:$0x2180] =	vst v58;
	v58 =	vld [tilespmem:$0x1FEA0]  }
0x3a2: {  	v18 =	vadd.f32 v56, v1;
	v56 =	vld [tilespmem:$0x1FEF0]  }
0x3a3: {  	v19 =	vmul.f32 v19, v35;
	[tilespmem:$0x2190] =	vst v60;
	v4 =	vadd.f32 v63, v4;
	v63 =	vmul.f32 v45, v5;
	v45 =	vld [tilespmem:$0x1FC0]  }
0x3a4: {  	v60 =	vadd.f32 v57, v2;
	[tilespmem:$0x21E0] =	vst v59;
	v59 =	vld [tilespmem:$0x1FF00]  }
0x3a5: {  	v20 =	vadd.f32 v19, v52;
	v52 =	vmul.f32 v47, v7;
	[tilespmem:$0x2250] =	vst v48;
	v48 =	vmul.f32 v31, v37;
	v31 =	vld [tilespmem:$0x1F50]  }
0x3a6: {  	v24 =	vmul.f32 v24, v7;
	v1 =	vadd.f32 v61, v60;
	v61 =	vmul.f32 v29, v6;
	v29 =	vld [tilespmem:$0x1EC0]  }
0x3a7: {  	v57 =	vadd.f32 $0.0e+00, v52;
	v52 =	vld [tilespmem:$0x1FF30]  }
0x3a8: {  	v60 =	vadd.f32 $0.0e+00, v24;
	v24 =	vld [tilespmem:$0x1ED0]  }
0x3a9: {  	[tilespmem:$0x21F0] =	vst v62;
	v62 =	vld [tilespmem:$0x1FF10]  }
0x3aa: {  	[tilespmem:$0x21D0] =	vst v58;
	v58 =	vmul.f32 v28, v6;
	v28 =	vld [tilespmem:$0x1E40]  }
0x3ab: {  	[tilespmem:$0x21C0] =	vst v55;
	v55 =	vmul.f32 v42, v37;
	v42 =	vld [tilespmem:$0x1F40]  }
0x3ac: {  	v50 =	vmul.f32 v50, v37;
	v19 =	vadd.f32 v61, v60;
	v60 =	vld [tilespmem:$0x1D50]  }
0x3ad: {  	v61 =	vld [tilespmem:$0x1FF60]  }
0x3ae: {  	v1 =	vadd.f32 v50, v1;
	v50 =	vmul.f32 v51, v36;
	v51 =	vmul.f32 v46, v5;
	v46 =	vld [tilespmem:$0x1FF80]  }
0x3af: {  	v4 =	vadd.f32 v55, v4;
	v55 =	vld [tilespmem:$0x1FF40]  }
0x3b0: {  	v2 =	vadd.f32 v58, v57;
	v57 =	vld [tilespmem:$0x1CD0]  }
0x3b1: {  	[tilespmem:$0x2330] =	vst v54;
	v58 =	vld [tilespmem:$0x1FF50]  }
0x3b2: {  	[tilespmem:$0x2340] =	vst v0;
	v19 =	vadd.f32 v51, v19;
	v51 =	vmul.f32 v49, v36;
	v49 =	vld [tilespmem:$0x1FFF0]  }
0x3b3: {  	v12 =	vmul.f32 v12, v36;
	[tilespmem:$0x2230] =	vst v59;
	v59 =	vmul.f32 v40, v34;
	v40 =	vld [tilespmem:$0x1F60]  }
0x3b4: {  	[tilespmem:$0x2260] =	vst v52;
	v52 =	vld [tilespmem:$0x1FFA0]  }
0x3b5: {  	v22 =	vmul.f32 v22, v35;
	v1 =	vadd.f32 v12, v1;
	[tilespmem:$0x2240] =	vst v62;
	v62 =	vmul.f32 v30, v34;
	v30 =	vld [tilespmem:$0x1DD0]  }
0x3b6: {  	[tilespmem:$0x2350] =	vst v38;
	v8 =	vmul.f32 v8, v35;
	v2 =	vadd.f32 v63, v2;
	v63 =	vld [tilespmem:$0x1FF70]  }
0x3b7: {  	v44 =	vmul.f32 v44, v37;
	[tilespmem:$0x2220] =	vst v56;
	v56 =	vmul.f32 v25, v33;
	v1 =	vadd.f32 v22, v1;
	v22 =	vld [tilespmem:$0x1E50]  }
0x3b8: {  	v3 =	vmul.f32 v3, v35;
	[tilespmem:$0x2210] =	vst v53;
	v53 =	vmul.f32 v21, v33;
	v4 =	vadd.f32 v50, v4;
	v50 =	vld [tilespmem:$0x1FF90]  }
0x3b9: {  	v43 =	vmul.f32 v26, v33;
	v23 =	vmul.f32 v23, v7;
	v19 =	vadd.f32 v56, v19;
	[tilespmem:$0x2290] =	vst v61;
	v61 =	vld [tilespmem:$0x1CE0]  }
0x3ba: {  	[tilespmem:$0x2360] =	vst v10;
	v9 =	vmul.f32 v9, v35;
	v2 =	vadd.f32 v53, v2;
	v53 =	vmul.f32 v39, v36;
	v39 =	vld [tilespmem:$0x1FD0]  }
0x3bb: {  	v45 =	vmul.f32 v45, v36;
	v38 =	vmul.f32 v31, v37;
	v47 =	vadd.f32 v62, v19;
	v62 =	vld [tilespmem:$0x1FFD0];
	[tilespmem:$0x2270] =	vst v55  }
0x3bc: {  	v56 =	vadd.f32 $0.0e+00, v23;
	v60 =	vmul.f32 v60, v6;
	[tilespmem:$0x2280] =	vst v58;
	v55 =	vld [tilespmem:$0x1FFB0];
	v2 =	vadd.f32 v59, v2  }
0x3bd: {  	v4 =	vadd.f32 v8, v4;
	v25 =	vmul.f32 v57, v7;
	v57 =	vmul.f32 v27, v6;
	v58 =	vld [tilespmem:$0x1FFC0];
	[tilespmem:$0x2320] =	vst v49  }
0x3be: {  	v49 =	vmul.f32 v32, v34;
	[tilespmem:$0x22D0] =	vst v52;
	v8 =	vadd.f32 v48, v47;
	v2 =	vadd.f32 v44, v2;
	v44 =	vld [tilespmem:$0x1CF0]  }
0x3bf: {  	v48 =	vld [tilespmem:$0x1D60];
	[tilespmem:$0x22A0] =	vst v63;
	v59 =	vadd.f32 $0.0e+00, v25;
	v63 =	vmul.f32 v41, v5;
	v47 =	vmul.f32 v30, v5  }
0x3c0: {  	v52 =	vld [tilespmem:$0x1D70];
	[tilespmem:$0x22C0] =	vst v50;
	v12 =	vadd.f32 v57, v56;
	v54 =	vmul.f32 v22, v33;
	v57 =	vmul.f32 v29, v34  }
0x3c1: {  	v29 =	vmul.f32 v42, v37;
	v8 =	vadd.f32 v53, v8;
	v19 =	vadd.f32 v60, v59;
	[tilespmem:$0x22E0] =	vst v55;
	v55 =	vld [tilespmem:$0x1DE0]  }
0x3c2: {  	v50 =	vadd.f32 v63, v12;
	v59 =	vld [tilespmem:$0x1DF0];
	v60 =	vmul.f32 v24, v34;
	[tilespmem:$0x22F0] =	vst v58;
	v58 =	vmul.f32 v61, v7  }
0x3c3: {  	[tilespmem:$0x22B0] =	vst v46;
	v2 =	vadd.f32 v51, v2;
	v51 =	vmul.f32 v28, v33;
	v61 =	vld [tilespmem:$0x1E60];
	v7 =	vmul.f32 v44, v7  }
0x3c4: {  	v46 =	vld [tilespmem:$0x1FFE0];
	[tilespmem:$0x2300] =	vst v62;
	v8 =	vadd.f32 v9, v8;
	v63 =	vmul.f32 v48, v6;
	v62 =	vadd.f32 $0.0e+00, v58  }
0x3c5: {  	[tilespmem:$0x2380] =	vst v15;
	v28 =	vld [tilespmem:$0x1EE0];
	v53 =	vadd.f32 v47, v19;
	v6 =	vmul.f32 v52, v6;
	v7 =	vadd.f32 $0.0e+00, v7  }
0x3c6: {  	[tilespmem:$0x2390] =	vst v14;
	v27 =	vld [tilespmem:$0x2050];
	v2 =	vadd.f32 v3, v2;
	v3 =	vadd.f32 v63, v62;
	v30 =	vmul.f32 v55, v5  }
0x3c7: {  	[tilespmem:$0x23A0] =	vst v11;
	v42 =	vld [tilespmem:$0x1F70];
	v48 =	vmul.f32 v39, v36;
	v5 =	vmul.f32 v59, v5;
	v6 =	vadd.f32 v6, v7  }
0x3c8: {  	[tilespmem:$0x23B0] =	vst v13;
	v21 =	vld [tilespmem:$0x2040];
	v56 =	vadd.f32 v51, v50;
	v41 =	vmul.f32 v61, v33;
	v3 =	vadd.f32 v30, v3  }
0x3c9: {  	[tilespmem:$0x23C0] =	vst v17;
	v51 =	vmul.f32 v40, v37;
	v9 =	vadd.f32 v54, v53;
	v44 =	vld [tilespmem:$0x1FE0];
	v5 =	vadd.f32 v5, v6  }
0x3ca: {  	[tilespmem:$0x2310] =	vst v46;
	v47 =	vld [tilespmem:$0x1FF0];
	v0 =	vadd.f32 v57, v56;
	v46 =	vmul.f32 v28, v34;
	v3 =	vadd.f32 v41, v3  }
0x3cb: {  	[tilespmem:$0x23D0] =	vst v16;
	v50 =	vld [tilespmem:$0x2060];
	v58 =	vmul.f32 v27, v35;
	v9 =	vadd.f32 v60, v9;
	v5 =	vadd.f32 v43, v5  }
0x3cc: {  	[tilespmem:$0x23E0] =	vst v18;
	v52 =	vld [tilespmem:$0x2070];
	v53 =	vmul.f32 v42, v37;
	v0 =	vadd.f32 v29, v0;
	v3 =	vadd.f32 v46, v3  }
0x3cd: {  	[tilespmem:$0x23F0] =	vst v20;
	v55 =	vmul.f32 v21, v35;
	v7 =	vadd.f32 v38, v9;
	v5 =	vadd.f32 v49, v5  }
0x3ce: {  	[tilespmem:$0x2400] =	vst v1;
	v0 =	vadd.f32 v45, v0;
	v9 =	vmul.f32 v44, v36;
	v54 =	vadd.f32 v51, v3  }
0x3cf: {  	[tilespmem:$0x2410] =	vst v4;
	v57 =	vmul.f32 v47, v36;
	v6 =	vadd.f32 v48, v7;
	v56 =	vadd.f32 v53, v5  }
0x3d0: {  	[tilespmem:$0x2430] =	vst v8;
	v59 =	vmul.f32 v50, v35;
	v0 =	vadd.f32 v55, v0;
	v1 =	vadd.f32 v9, v54  }
0x3d1: {  	[tilespmem:$0x2420] =	vst v2;
	v61 =	vmul.f32 v52, v35;
	v60 =	vadd.f32 v58, v6;
	v4 =	vadd.f32 v57, v56  }
0x3d2: {  	[tilespmem:$0x2440] =	vst v0;
	v62 =	vadd.f32 v59, v1  }
0x3d3: {  	s31 =	sld [smem:$0x7FD];
	[tilespmem:$0x2450] =	vst v60;
	v63 =	vadd.f32 v61, v4  }
0x3d4: {  	p0 =	sne.s32 s11, $0x1;
	[tilespmem:$0x2460] =	vst v62  }
.Ltmp0:
0x3d5: {  	s30 =	rddreg [dreg:$0x4];
	[tilespmem:$0x2470] =	vst v63;
	(pc) =	sbr.rel @p0 .LBB2_1-.Ltmp0, $4  }
0x3d6: {  	[hbm4b:s30+s13] =	stream.strided.scatter [tilespmem:s31], [sflag:$0x2], $0x400, s14, s13, $0x38;
	[tilespmem:$0x2480] =	vst v63  }
0x3d7: {  	_ =	swait.ge [sflag:s12], $0x400  }
0x3d8: {  	[sflag:s12] =	ssyncset.done $0x0  }
0x3d9: {  	s11 =	sadd.s32 $0xFFFFFFFF, s11;
	[sflag:s12] =	ssyncadd.s32 $0xFFFFFC00  }
0x3da: {  	_ =	sfence.sel $0x180000  }
0x3db: {  	[bflag:$0x0] =	sbarrier.arrive $0xFFFF  }
0x3dc: {  	p0 =	sne.s32 s0, $0x0;
	_ =	strace $0x9000004A  }
0x3dd: {  	s0 =	sadd.s32 @!p0 $0x100000, s1;
	[bflag:$0x2] =	sbarrier.arrive $0xFFFF  }
0x3de: {  	[sflag:s0] =	ssyncadd.tile.s32 @!p0 $0x1;
	_ =	shalt  }
.Lfunc_end2:
_tile_overlayer_lowered:
.L_overlay_start_2:
0x3df: {  	(tag) =	ssettag $0x2  }
0x3e0: {  	s0 =	rddreg [dreg:$0x0];
	s2 =	stileid.u32  }
0x3e1: {  	s1 =	rddreg [dreg:$0x1];
	p0 =	sne.s32 s2, $0x0  }
0x3e2: {  	s3 =	rddreg [dreg:$0x2];
	[bflag:$0x3] =	sbarrier.arrive $0xFFFF;
	s2 =	simm.s32 @!p0 $0x1C02  }
0x3e3: {  	[timem:s3], [sflag:s2] =	dma.local @!p0 [hbm:s0], s1  }
0x3e4: {  	s0 =	simm.s32 @!p0 $0x2  }
0x3e5: {  	_ =	swait.ge @!p0 [sflag:s0], s1  }
0x3e6: {  	s1 =	ssub.s32 @!p0 $0x0, s1;
	[sflag:s0] =	ssyncset.done @!p0 $0x0  }
0x3e7: {  	[sflag:s0] =	ssyncadd.s32 @!p0 s1  }
0x3e8: {  	[bflag:$0x3] =	sbarrier.arrive $0xFFFF  }
0x3e9: {  	_ =	shalt  }

</sc_bundles>
